<compile_context>
chip_gen: v7x
topology: tpu7x:2x2x1
jax: 0.10.2.dev20260603
libtpu: 0.0.44.dev20260713+nightly
codegen_flags: <defaults>
</compile_context>

<pallas_src>
import functools

import jax
import jax.numpy as jnp
from jax import lax
from jax.experimental import pallas as pl
from jax.experimental.pallas import tpu as pltpu
from jax.experimental.pallas import tpu_sc as plsc

SEQ = 8192
DIM = 64
NUM_CORES = 2
NUM_SUBCORES = 16
NUM_WORKERS = NUM_CORES * NUM_SUBCORES
BPW = SEQ // NUM_WORKERS
LANES = 16
VPD = DIM // LANES
CHUNK = 2
NSLOTS = 4
SUPER = 32
NCH = SUPER // CHUNK

_mesh = plsc.VectorSubcoreMesh(
    core_axis_name="c", subcore_axis_name="s", num_cores=NUM_CORES
)


@functools.partial(
    pl.kernel,
    out_type=jax.ShapeDtypeStruct((DIM, SEQ), jnp.float32),
    mesh=_mesh,
    compiler_params=pltpu.CompilerParams(needs_layout_passes=False),
    scratch_types=[
        pltpu.VMEM((BPW,), jnp.int32),
        pltpu.VMEM((NSLOTS, CHUNK, DIM, 128), jnp.float32),
        pltpu.VMEM((DIM, BPW), jnp.float32),
        pltpu.SemaphoreType.DMA,
        pltpu.SemaphoreType.DMA,
        pltpu.SemaphoreType.DMA,
        pltpu.SemaphoreType.DMA,
        pltpu.SemaphoreType.DMA,
    ],
)
def _seq_emb_kernel(idx_hbm, wT_hbm, posT_hbm, outT_hbm,
                    idx_v, tiles_v, acc_v, sem0, sem1, sem2, sem3, psem):
    wid = lax.axis_index("s") * NUM_CORES + lax.axis_index("c")
    base = wid * BPW
    sems = [sem0, sem1, sem2, sem3]

    pltpu.sync_copy(idx_hbm.at[pl.ds(base, BPW)], idx_v)

    pcopy = pltpu.async_copy(posT_hbm.at[:, pl.ds(base, BPW)], acc_v, psem)

    d_base = lax.iota(jnp.int32, LANES)

    def scal(vecs, k):
        return vecs[k // LANES][k % LANES]

    def fire(vecs, q):
        b = q % NSLOTS
        fetches = []
        for ci in range(CHUNK):
            v = scal(vecs, q * CHUNK + ci)
            c = pl.multiple_of((v >> 7) << 7, 128)
            fetches.append(pltpu.async_copy(
                wT_hbm.at[:, pl.ds(c, 128)],
                tiles_v.at[b, ci],
                sems[b],
            ))
        return fetches

    def extract(vecs, s, q, fetches):
        b = q % NSLOTS
        for f in fetches:
            f.wait()
        for ci in range(CHUNK):
            v = scal(vecs, q * CHUNK + ci)
            i = s * SUPER + q * CHUNK + ci
            lane = jnp.full((LANES,), v & 127, jnp.int32)
            i_vec = jnp.full((LANES,), i, jnp.int32)
            for j in range(VPD):
                d_vec = d_base + j * LANES
                col = plsc.load_gather(tiles_v.at[b, ci], [d_vec, lane])
                plsc.addupdate_scatter(acc_v, [d_vec, i_vec], col)

    def do_super(s, _):
        vecs = [idx_v[pl.ds(s * SUPER + k * LANES, LANES)]
                for k in range(SUPER // LANES)]
        fs = {}
        for q in range(NSLOTS):
            fs[q] = fire(vecs, q)
        for q in range(NCH):
            extract(vecs, s, q, fs.pop(q))
            if q + NSLOTS < NCH:
                fs[q + NSLOTS] = fire(vecs, q + NSLOTS)
        return _

    pcopy.wait()
    lax.fori_loop(0, BPW // SUPER, do_super, None, unroll=False)

    pltpu.sync_copy(acc_v, outT_hbm.at[:, pl.ds(base, BPW)])


def kernel(x, word_emb, pos_emb):
    idx = x.reshape(-1).astype(jnp.int32)
    outT = _seq_emb_kernel(idx, word_emb.T, pos_emb.T)
    return outT.T

# --- scband reference (transcript-rebuilt; emitter-appended) ---
"""Pipeline reference for scband-sequence-embedding-42932493091407 (READ-ONLY COPY).

The authoritative reference and input builder live on the scoring server;
editing this copy changes nothing except your own understanding.
"""

import jax, jax.numpy as jnp
import numpy as np

VOCAB = 1000000
MAX_LEN = 8192
DIM = 64
SEQ = 8192

def setup_inputs(seed: int = 0) -> dict:
    key = jax.random.key(seed)
    k1, k2, k3 = jax.random.split(key, 3)
    x = jax.random.randint(k1, (1, SEQ), 0, VOCAB, dtype=jnp.int64 if jax.config.read('jax_enable_x64') else jnp.int32)
    word_emb = jax.random.normal(k2, (VOCAB, DIM), dtype=jnp.float32)
    pos_emb = jax.random.normal(k3, (MAX_LEN, DIM), dtype=jnp.float32)
    return {"x": x, "word_emb": word_emb, "pos_emb": pos_emb}

def reference(x, word_emb, pos_emb):
    # word embedding lookup on the single batch row
    word_embeds = jnp.take(word_emb, x[0], axis=0)               # [SEQ, DIM]
    positions = jnp.arange(x.shape[1])[None, :]                  # [1, SEQ]
    pos_embeds = jnp.take(pos_emb, positions, axis=0)            # [1, SEQ, DIM]
    sequence_embedding = word_embeds + pos_embeds                # [1, SEQ, DIM] via broadcast
    return jnp.squeeze(sequence_embedding, axis=0)               # [SEQ, DIM]

if __name__ == "__main__":
    import jax
    _d = setup_inputs()
    print(jax.jit(kernel)(*tuple(_d.values())))

</pallas_src>

<mosaic_0001>
#map = affine_map<(d0, d1) -> (0)>
#map1 = affine_map<(d0, d1) -> (0, 0)>
module attributes {stable_mosaic.version = 14 : i64} {
  func.func @_seq_emb_kernel(%arg0: i32, %arg1: i32, %arg2: memref<8192xi32, #tpu.memory_space<hbm>>, %arg3: memref<64x1000000xf32, #tpu.memory_space<hbm>>, %arg4: memref<64x8192xf32, #tpu.memory_space<hbm>>, %arg5: memref<64x8192xf32, #tpu.memory_space<hbm>>, %arg6: memref<256xi32, #tpu.memory_space<vmem>>, %arg7: memref<4x2x64x128xf32, #tpu.memory_space<vmem>>, %arg8: memref<64x256xf32, #tpu.memory_space<vmem>>, %arg9: memref<!tpu.dma_semaphore, #tpu.memory_space<semaphore_mem>>, %arg10: memref<!tpu.dma_semaphore, #tpu.memory_space<semaphore_mem>>, %arg11: memref<!tpu.dma_semaphore, #tpu.memory_space<semaphore_mem>>, %arg12: memref<!tpu.dma_semaphore, #tpu.memory_space<semaphore_mem>>, %arg13: memref<!tpu.dma_semaphore, #tpu.memory_space<semaphore_mem>>) attributes {dimension_semantics = [#tpu.dimension_semantics<core_parallel>, #tpu.dimension_semantics<subcore_parallel>], iteration_bounds = array<i64: 2, 16>, scalar_prefetch = 0 : i64, scratch_operands = 8 : i64, tpu.core_type = #tpu.core_type<sc_vector_subcore>, window_params = [{transform_indices = #map}, {transform_indices = #map1}, {transform_indices = #map1}, {transform_indices = #map1}]} {
    %mul3A = arith.constant 2 : i32
    %mul3A_0 = arith.muli %arg1, %mul3A : i32
    %add3A = arith.addi %mul3A_0, %arg0 : i32
    %mul3A_1 = arith.constant 256 : i32
    %mul3A_2 = arith.muli %add3A, %mul3A_1 : i32
    "tpu.region"() ({
      %run_scoped3A = tpu.sem_alloc : memref<!tpu.dma_semaphore, #tpu.memory_space<semaphore_mem>>
      %dma_start3A_13 = tpu.memref_slice %arg2[%mul3A_2] : memref<8192xi32, #tpu.memory_space<hbm>> -> memref<256xi32, #tpu.memory_space<hbm>>
      %dma_start3A_14 = tpu.memref_slice %arg2[%mul3A_2] : memref<8192xi32, #tpu.memory_space<hbm>> -> memref<256xi32, #tpu.memory_space<hbm>>
      tpu.enqueue_dma source(%dma_start3A_14 : memref<256xi32, #tpu.memory_space<hbm>>) target(%arg6 : memref<256xi32, #tpu.memory_space<vmem>>) target_semaphore(%run_scoped3A : memref<!tpu.dma_semaphore, #tpu.memory_space<semaphore_mem>>)
      %dma_wait3A_15 = tpu.memref_slice %arg2[%mul3A_2] : memref<8192xi32, #tpu.memory_space<hbm>> -> memref<256xi32, #tpu.memory_space<hbm>>
      %dma_wait3A_16 = tpu.memref_slice %arg2[%mul3A_2] : memref<8192xi32, #tpu.memory_space<hbm>> -> memref<256xi32, #tpu.memory_space<hbm>>
      tpu.wait_dma2 semaphore(%run_scoped3A : memref<!tpu.dma_semaphore, #tpu.memory_space<semaphore_mem>>) src(%dma_wait3A_16 : memref<256xi32, #tpu.memory_space<hbm>>) dst(%arg6 : memref<256xi32, #tpu.memory_space<vmem>>)
      tpu.yield
    }) : () -> ()
    %dma_start3A = arith.constant 0 : i32
    %dma_start3A_3 = tpu.memref_slice %arg4[%dma_start3A, %mul3A_2] : memref<64x8192xf32, #tpu.memory_space<hbm>> -> memref<64x256xf32, #tpu.memory_space<hbm>>
    %dma_start3A_4 = arith.constant 0 : i32
    %dma_start3A_5 = tpu.memref_slice %arg4[%dma_start3A_4, %mul3A_2] : memref<64x8192xf32, #tpu.memory_space<hbm>> -> memref<64x256xf32, #tpu.memory_space<hbm>>
    tpu.enqueue_dma source(%dma_start3A_5 : memref<64x256xf32, #tpu.memory_space<hbm>>) target(%arg8 : memref<64x256xf32, #tpu.memory_space<vmem>>) target_semaphore(%arg13 : memref<!tpu.dma_semaphore, #tpu.memory_space<semaphore_mem>>)
    %iota3A = tpu.iota {dimensions = array<i32: 0>} : vector<16xi32>
    %dma_wait3A = arith.constant 0 : i32
    %dma_wait3A_6 = tpu.memref_slice %arg4[%dma_wait3A, %mul3A_2] : memref<64x8192xf32, #tpu.memory_space<hbm>> -> memref<64x256xf32, #tpu.memory_space<hbm>>
    %dma_wait3A_7 = arith.constant 0 : i32
    %dma_wait3A_8 = tpu.memref_slice %arg4[%dma_wait3A_7, %mul3A_2] : memref<64x8192xf32, #tpu.memory_space<hbm>> -> memref<64x256xf32, #tpu.memory_space<hbm>>
    tpu.wait_dma2 semaphore(%arg13 : memref<!tpu.dma_semaphore, #tpu.memory_space<semaphore_mem>>) src(%dma_wait3A_8 : memref<64x256xf32, #tpu.memory_space<hbm>>) dst(%arg8 : memref<64x256xf32, #tpu.memory_space<vmem>>)
    %scan3A = arith.constant 0 : i32
    %scan3A_9 = arith.constant 8 : i32
    %scan3A_10 = arith.addi %scan3A, %scan3A_9 : i32
    %scan3A_11 = arith.constant 1 : i32
    scf.for %scan3A_13 = %scan3A to %scan3A_10 step %scan3A_11  : i32 {
      %mul3A_14 = arith.constant 32 : i32
      %mul3A_15 = arith.muli %scan3A_13, %mul3A_14 : i32
      %add3A_16 = arith.constant 0 : i32
      %add3A_17 = arith.addi %mul3A_15, %add3A_16 : i32
      %get3A = arith.index_cast %add3A_17 : i32 to index
      %get3A_18 = tpu.vector_load %arg6[%get3A] {strides = array<i32>} : memref<256xi32, #tpu.memory_space<vmem>>, vector<16xi32>,
      %mul3A_19 = arith.constant 32 : i32
      %mul3A_20 = arith.muli %scan3A_13, %mul3A_19 : i32
      %add3A_21 = arith.constant 16 : i32
      %add3A_22 = arith.addi %mul3A_20, %add3A_21 : i32
      %get3A_23 = arith.index_cast %add3A_22 : i32 to index
      %get3A_24 = tpu.vector_load %arg6[%get3A_23] {strides = array<i32>} : memref<256xi32, #tpu.memory_space<vmem>>, vector<16xi32>,
      %slice3A = vector.extract_strided_slice %get3A_18 {offsets = [0], sizes = [1], strides = [1]} : vector<16xi32> to vector<1xi32>
      %squeeze3A = vector.extract %slice3A[0] : i32 from vector<1xi32>
      %shift_right_arithmetic3A = arith.constant 7 : i32
      %shift_right_arithmetic3A_25 = arith.shrsi %squeeze3A, %shift_right_arithmetic3A : i32
      %shift_left3A = arith.constant 7 : i32
      %shift_left3A_26 = arith.shli %shift_right_arithmetic3A_25, %shift_left3A : i32
      %multiple_of3A = tpu.assume_multiple %shift_left3A_26, 128 : i32
      %dma_start3A_27 = arith.constant 0 : i32
      %dma_start3A_28 = arith.constant 0 : i32
      %dma_start3A_29 = arith.constant 0 : i32
      %dma_start3A_30 = arith.constant 0 : i32
      %dma_start3A_31 = tpu.memref_slice %arg7[%dma_start3A_27, %dma_start3A_28, %dma_start3A_29, %dma_start3A_30] : memref<4x2x64x128xf32, #tpu.memory_space<vmem>> -> memref<1x1x64x128xf32, #tpu.memory_space<vmem>>
      %dma_start3A_32 = tpu.memref_squeeze %dma_start3A_31 : memref<1x1x64x128xf32, #tpu.memory_space<vmem>> -> memref<64x128xf32, #tpu.memory_space<vmem>>
      %dma_start3A_33 = arith.constant 0 : i32
      %dma_start3A_34 = tpu.memref_slice %arg3[%dma_start3A_33, %multiple_of3A] : memref<64x1000000xf32, #tpu.memory_space<hbm>> -> memref<64x128xf32, #tpu.memory_space<hbm>>
      %dma_start3A_35 = arith.constant 0 : i32
      %dma_start3A_36 = arith.constant 0 : i32
      %dma_start3A_37 = tpu.memref_slice %arg7[%dma_start3A_27, %dma_start3A_28, %dma_start3A_35, %dma_start3A_36] : memref<4x2x64x128xf32, #tpu.memory_space<vmem>> -> memref<1x1x64x128xf32, #tpu.memory_space<vmem>>
      %dma_start3A_38 = tpu.memref_squeeze %dma_start3A_37 : memref<1x1x64x128xf32, #tpu.memory_space<vmem>> -> memref<64x128xf32, #tpu.memory_space<vmem>>
      %dma_start3A_39 = arith.constant 0 : i32
      %dma_start3A_40 = tpu.memref_slice %arg3[%dma_start3A_39, %multiple_of3A] : memref<64x1000000xf32, #tpu.memory_space<hbm>> -> memref<64x128xf32, #tpu.memory_space<hbm>>
      tpu.enqueue_dma source(%dma_start3A_40 : memref<64x128xf32, #tpu.memory_space<hbm>>) target(%dma_start3A_38 : memref<64x128xf32, #tpu.memory_space<vmem>>) target_semaphore(%arg9 : memref<!tpu.dma_semaphore, #tpu.memory_space<semaphore_mem>>)
      %slice3A_41 = vector.extract_strided_slice %get3A_18 {offsets = [1], sizes = [1], strides = [1]} : vector<16xi32> to vector<1xi32>
      %squeeze3A_42 = vector.extract %slice3A_41[0] : i32 from vector<1xi32>
      %shift_right_arithmetic3A_43 = arith.constant 7 : i32
      %shift_right_arithmetic3A_44 = arith.shrsi %squeeze3A_42, %shift_right_arithmetic3A_43 : i32
      %shift_left3A_45 = arith.constant 7 : i32
      %shift_left3A_46 = arith.shli %shift_right_arithmetic3A_44, %shift_left3A_45 : i32
      %multiple_of3A_47 = tpu.assume_multiple %shift_left3A_46, 128 : i32
      %dma_start3A_48 = arith.constant 0 : i32
      %dma_start3A_49 = arith.constant 1 : i32
      %dma_start3A_50 = arith.constant 0 : i32
      %dma_start3A_51 = arith.constant 0 : i32
      %dma_start3A_52 = tpu.memref_slice %arg7[%dma_start3A_48, %dma_start3A_49, %dma_start3A_50, %dma_start3A_51] : memref<4x2x64x128xf32, #tpu.memory_space<vmem>> -> memref<1x1x64x128xf32, #tpu.memory_space<vmem>>
      %dma_start3A_53 = tpu.memref_squeeze %dma_start3A_52 : memref<1x1x64x128xf32, #tpu.memory_space<vmem>> -> memref<64x128xf32, #tpu.memory_space<vmem>>
      %dma_start3A_54 = arith.constant 0 : i32
      %dma_start3A_55 = tpu.memref_slice %arg3[%dma_start3A_54, %multiple_of3A_47] : memref<64x1000000xf32, #tpu.memory_space<hbm>> -> memref<64x128xf32, #tpu.memory_space<hbm>>
      %dma_start3A_56 = arith.constant 0 : i32
      %dma_start3A_57 = arith.constant 0 : i32
      %dma_start3A_58 = tpu.memref_slice %arg7[%dma_start3A_48, %dma_start3A_49, %dma_start3A_56, %dma_start3A_57] : memref<4x2x64x128xf32, #tpu.memory_space<vmem>> -> memref<1x1x64x128xf32, #tpu.memory_space<vmem>>
      %dma_start3A_59 = tpu.memref_squeeze %dma_start3A_58 : memref<1x1x64x128xf32, #tpu.memory_space<vmem>> -> memref<64x128xf32, #tpu.memory_space<vmem>>
      %dma_start3A_60 = arith.constant 0 : i32
      %dma_start3A_61 = tpu.memref_slice %arg3[%dma_start3A_60, %multiple_of3A_47] : memref<64x1000000xf32, #tpu.memory_space<hbm>> -> memref<64x128xf32, #tpu.memory_space<hbm>>
      tpu.enqueue_dma source(%dma_start3A_61 : memref<64x128xf32, #tpu.memory_space<hbm>>) target(%dma_start3A_59 : memref<64x128xf32, #tpu.memory_space<vmem>>) target_semaphore(%arg9 : memref<!tpu.dma_semaphore, #tpu.memory_space<semaphore_mem>>)
      %slice3A_62 = vector.extract_strided_slice %get3A_18 {offsets = [2], sizes = [1], strides = [1]} : vector<16xi32> to vector<1xi32>
      %squeeze3A_63 = vector.extract %slice3A_62[0] : i32 from vector<1xi32>
      %shift_right_arithmetic3A_64 = arith.constant 7 : i32
      %shift_right_arithmetic3A_65 = arith.shrsi %squeeze3A_63, %shift_right_arithmetic3A_64 : i32
      %shift_left3A_66 = arith.constant 7 : i32
      %shift_left3A_67 = arith.shli %shift_right_arithmetic3A_65, %shift_left3A_66 : i32
      %multiple_of3A_68 = tpu.assume_multiple %shift_left3A_67, 128 : i32
      %dma_start3A_69 = arith.constant 1 : i32
      %dma_start3A_70 = arith.constant 0 : i32
      %dma_start3A_71 = arith.constant 0 : i32
      %dma_start3A_72 = arith.constant 0 : i32
      %dma_start3A_73 = tpu.memref_slice %arg7[%dma_start3A_69, %dma_start3A_70, %dma_start3A_71, %dma_start3A_72] : memref<4x2x64x128xf32, #tpu.memory_space<vmem>> -> memref<1x1x64x128xf32, #tpu.memory_space<vmem>>
      %dma_start3A_74 = tpu.memref_squeeze %dma_start3A_73 : memref<1x1x64x128xf32, #tpu.memory_space<vmem>> -> memref<64x128xf32, #tpu.memory_space<vmem>>
      %dma_start3A_75 = arith.constant 0 : i32
      %dma_start3A_76 = tpu.memref_slice %arg3[%dma_start3A_75, %multiple_of3A_68] : memref<64x1000000xf32, #tpu.memory_space<hbm>> -> memref<64x128xf32, #tpu.memory_space<hbm>>
      %dma_start3A_77 = arith.constant 0 : i32
      %dma_start3A_78 = arith.constant 0 : i32
      %dma_start3A_79 = tpu.memref_slice %arg7[%dma_start3A_69, %dma_start3A_70, %dma_start3A_77, %dma_start3A_78] : memref<4x2x64x128xf32, #tpu.memory_space<vmem>> -> memref<1x1x64x128xf32, #tpu.memory_space<vmem>>
      %dma_start3A_80 = tpu.memref_squeeze %dma_start3A_79 : memref<1x1x64x128xf32, #tpu.memory_space<vmem>> -> memref<64x128xf32, #tpu.memory_space<vmem>>
      %dma_start3A_81 = arith.constant 0 : i32
      %dma_start3A_82 = tpu.memref_slice %arg3[%dma_start3A_81, %multiple_of3A_68] : memref<64x1000000xf32, #tpu.memory_space<hbm>> -> memref<64x128xf32, #tpu.memory_space<hbm>>
      tpu.enqueue_dma source(%dma_start3A_82 : memref<64x128xf32, #tpu.memory_space<hbm>>) target(%dma_start3A_80 : memref<64x128xf32, #tpu.memory_space<vmem>>) target_semaphore(%arg10 : memref<!tpu.dma_semaphore, #tpu.memory_space<semaphore_mem>>)
      %slice3A_83 = vector.extract_strided_slice %get3A_18 {offsets = [3], sizes = [1], strides = [1]} : vector<16xi32> to vector<1xi32>
      %squeeze3A_84 = vector.extract %slice3A_83[0] : i32 from vector<1xi32>
      %shift_right_arithmetic3A_85 = arith.constant 7 : i32
      %shift_right_arithmetic3A_86 = arith.shrsi %squeeze3A_84, %shift_right_arithmetic3A_85 : i32
      %shift_left3A_87 = arith.constant 7 : i32
      %shift_left3A_88 = arith.shli %shift_right_arithmetic3A_86, %shift_left3A_87 : i32
      %multiple_of3A_89 = tpu.assume_multiple %shift_left3A_88, 128 : i32
      %dma_start3A_90 = arith.constant 1 : i32
      %dma_start3A_91 = arith.constant 1 : i32
      %dma_start3A_92 = arith.constant 0 : i32
      %dma_start3A_93 = arith.constant 0 : i32
      %dma_start3A_94 = tpu.memref_slice %arg7[%dma_start3A_90, %dma_start3A_91, %dma_start3A_92, %dma_start3A_93] : memref<4x2x64x128xf32, #tpu.memory_space<vmem>> -> memref<1x1x64x128xf32, #tpu.memory_space<vmem>>
      %dma_start3A_95 = tpu.memref_squeeze %dma_start3A_94 : memref<1x1x64x128xf32, #tpu.memory_space<vmem>> -> memref<64x128xf32, #tpu.memory_space<vmem>>
      %dma_start3A_96 = arith.constant 0 : i32
      %dma_start3A_97 = tpu.memref_slice %arg3[%dma_start3A_96, %multiple_of3A_89] : memref<64x1000000xf32, #tpu.memory_space<hbm>> -> memref<64x128xf32, #tpu.memory_space<hbm>>
      %dma_start3A_98 = arith.constant 0 : i32
      %dma_start3A_99 = arith.constant 0 : i32
      %dma_start3A_100 = tpu.memref_slice %arg7[%dma_start3A_90, %dma_start3A_91, %dma_start3A_98, %dma_start3A_99] : memref<4x2x64x128xf32, #tpu.memory_space<vmem>> -> memref<1x1x64x128xf32, #tpu.memory_space<vmem>>
      %dma_start3A_101 = tpu.memref_squeeze %dma_start3A_100 : memref<1x1x64x128xf32, #tpu.memory_space<vmem>> -> memref<64x128xf32, #tpu.memory_space<vmem>>
      %dma_start3A_102 = arith.constant 0 : i32
      %dma_start3A_103 = tpu.memref_slice %arg3[%dma_start3A_102, %multiple_of3A_89] : memref<64x1000000xf32, #tpu.memory_space<hbm>> -> memref<64x128xf32, #tpu.memory_space<hbm>>
      tpu.enqueue_dma source(%dma_start3A_103 : memref<64x128xf32, #tpu.memory_space<hbm>>) target(%dma_start3A_101 : memref<64x128xf32, #tpu.memory_space<vmem>>) target_semaphore(%arg10 : memref<!tpu.dma_semaphore, #tpu.memory_space<semaphore_mem>>)
      %slice3A_104 = vector.extract_strided_slice %get3A_18 {offsets = [4], sizes = [1], strides = [1]} : vector<16xi32> to vector<1xi32>
      %squeeze3A_105 = vector.extract %slice3A_104[0] : i32 from vector<1xi32>
      %shift_right_arithmetic3A_106 = arith.constant 7 : i32
      %shift_right_arithmetic3A_107 = arith.shrsi %squeeze3A_105, %shift_right_arithmetic3A_106 : i32
      %shift_left3A_108 = arith.constant 7 : i32
      %shift_left3A_109 = arith.shli %shift_right_arithmetic3A_107, %shift_left3A_108 : i32
      %multiple_of3A_110 = tpu.assume_multiple %shift_left3A_109, 128 : i32
      %dma_start3A_111 = arith.constant 2 : i32
      %dma_start3A_112 = arith.constant 0 : i32
      %dma_start3A_113 = arith.constant 0 : i32
      %dma_start3A_114 = arith.constant 0 : i32
      %dma_start3A_115 = tpu.memref_slice %arg7[%dma_start3A_111, %dma_start3A_112, %dma_start3A_113, %dma_start3A_114] : memref<4x2x64x128xf32, #tpu.memory_space<vmem>> -> memref<1x1x64x128xf32, #tpu.memory_space<vmem>>
      %dma_start3A_116 = tpu.memref_squeeze %dma_start3A_115 : memref<1x1x64x128xf32, #tpu.memory_space<vmem>> -> memref<64x128xf32, #tpu.memory_space<vmem>>
      %dma_start3A_117 = arith.constant 0 : i32
      %dma_start3A_118 = tpu.memref_slice %arg3[%dma_start3A_117, %multiple_of3A_110] : memref<64x1000000xf32, #tpu.memory_space<hbm>> -> memref<64x128xf32, #tpu.memory_space<hbm>>
      %dma_start3A_119 = arith.constant 0 : i32
      %dma_start3A_120 = arith.constant 0 : i32
      %dma_start3A_121 = tpu.memref_slice %arg7[%dma_start3A_111, %dma_start3A_112, %dma_start3A_119, %dma_start3A_120] : memref<4x2x64x128xf32, #tpu.memory_space<vmem>> -> memref<1x1x64x128xf32, #tpu.memory_space<vmem>>
      %dma_start3A_122 = tpu.memref_squeeze %dma_start3A_121 : memref<1x1x64x128xf32, #tpu.memory_space<vmem>> -> memref<64x128xf32, #tpu.memory_space<vmem>>
      %dma_start3A_123 = arith.constant 0 : i32
      %dma_start3A_124 = tpu.memref_slice %arg3[%dma_start3A_123, %multiple_of3A_110] : memref<64x1000000xf32, #tpu.memory_space<hbm>> -> memref<64x128xf32, #tpu.memory_space<hbm>>
      tpu.enqueue_dma source(%dma_start3A_124 : memref<64x128xf32, #tpu.memory_space<hbm>>) target(%dma_start3A_122 : memref<64x128xf32, #tpu.memory_space<vmem>>) target_semaphore(%arg11 : memref<!tpu.dma_semaphore, #tpu.memory_space<semaphore_mem>>)
      %slice3A_125 = vector.extract_strided_slice %get3A_18 {offsets = [5], sizes = [1], strides = [1]} : vector<16xi32> to vector<1xi32>
      %squeeze3A_126 = vector.extract %slice3A_125[0] : i32 from vector<1xi32>
      %shift_right_arithmetic3A_127 = arith.constant 7 : i32
      %shift_right_arithmetic3A_128 = arith.shrsi %squeeze3A_126, %shift_right_arithmetic3A_127 : i32
      %shift_left3A_129 = arith.constant 7 : i32
      %shift_left3A_130 = arith.shli %shift_right_arithmetic3A_128, %shift_left3A_129 : i32
      %multiple_of3A_131 = tpu.assume_multiple %shift_left3A_130, 128 : i32
      %dma_start3A_132 = arith.constant 2 : i32
      %dma_start3A_133 = arith.constant 1 : i32
      %dma_start3A_134 = arith.constant 0 : i32
      %dma_start3A_135 = arith.constant 0 : i32
      %dma_start3A_136 = tpu.memref_slice %arg7[%dma_start3A_132, %dma_start3A_133, %dma_start3A_134, %dma_start3A_135] : memref<4x2x64x128xf32, #tpu.memory_space<vmem>> -> memref<1x1x64x128xf32, #tpu.memory_space<vmem>>
      %dma_start3A_137 = tpu.memref_squeeze %dma_start3A_136 : memref<1x1x64x128xf32, #tpu.memory_space<vmem>> -> memref<64x128xf32, #tpu.memory_space<vmem>>
      %dma_start3A_138 = arith.constant 0 : i32
      %dma_start3A_139 = tpu.memref_slice %arg3[%dma_start3A_138, %multiple_of3A_131] : memref<64x1000000xf32, #tpu.memory_space<hbm>> -> memref<64x128xf32, #tpu.memory_space<hbm>>
      %dma_start3A_140 = arith.constant 0 : i32
      %dma_start3A_141 = arith.constant 0 : i32
      %dma_start3A_142 = tpu.memref_slice %arg7[%dma_start3A_132, %dma_start3A_133, %dma_start3A_140, %dma_start3A_141] : memref<4x2x64x128xf32, #tpu.memory_space<vmem>> -> memref<1x1x64x128xf32, #tpu.memory_space<vmem>>
      %dma_start3A_143 = tpu.memref_squeeze %dma_start3A_142 : memref<1x1x64x128xf32, #tpu.memory_space<vmem>> -> memref<64x128xf32, #tpu.memory_space<vmem>>
      %dma_start3A_144 = arith.constant 0 : i32
      %dma_start3A_145 = tpu.memref_slice %arg3[%dma_start3A_144, %multiple_of3A_131] : memref<64x1000000xf32, #tpu.memory_space<hbm>> -> memref<64x128xf32, #tpu.memory_space<hbm>>
      tpu.enqueue_dma source(%dma_start3A_145 : memref<64x128xf32, #tpu.memory_space<hbm>>) target(%dma_start3A_143 : memref<64x128xf32, #tpu.memory_space<vmem>>) target_semaphore(%arg11 : memref<!tpu.dma_semaphore, #tpu.memory_space<semaphore_mem>>)
      %slice3A_146 = vector.extract_strided_slice %get3A_18 {offsets = [6], sizes = [1], strides = [1]} : vector<16xi32> to vector<1xi32>
      %squeeze3A_147 = vector.extract %slice3A_146[0] : i32 from vector<1xi32>
      %shift_right_arithmetic3A_148 = arith.constant 7 : i32
      %shift_right_arithmetic3A_149 = arith.shrsi %squeeze3A_147, %shift_right_arithmetic3A_148 : i32
      %shift_left3A_150 = arith.constant 7 : i32
      %shift_left3A_151 = arith.shli %shift_right_arithmetic3A_149, %shift_left3A_150 : i32
      %multiple_of3A_152 = tpu.assume_multiple %shift_left3A_151, 128 : i32
      %dma_start3A_153 = arith.constant 3 : i32
      %dma_start3A_154 = arith.constant 0 : i32
      %dma_start3A_155 = arith.constant 0 : i32
      %dma_start3A_156 = arith.constant 0 : i32
      %dma_start3A_157 = tpu.memref_slice %arg7[%dma_start3A_153, %dma_start3A_154, %dma_start3A_155, %dma_start3A_156] : memref<4x2x64x128xf32, #tpu.memory_space<vmem>> -> memref<1x1x64x128xf32, #tpu.memory_space<vmem>>
      %dma_start3A_158 = tpu.memref_squeeze %dma_start3A_157 : memref<1x1x64x128xf32, #tpu.memory_space<vmem>> -> memref<64x128xf32, #tpu.memory_space<vmem>>
      %dma_start3A_159 = arith.constant 0 : i32
      %dma_start3A_160 = tpu.memref_slice %arg3[%dma_start3A_159, %multiple_of3A_152] : memref<64x1000000xf32, #tpu.memory_space<hbm>> -> memref<64x128xf32, #tpu.memory_space<hbm>>
      %dma_start3A_161 = arith.constant 0 : i32
      %dma_start3A_162 = arith.constant 0 : i32
      %dma_start3A_163 = tpu.memref_slice %arg7[%dma_start3A_153, %dma_start3A_154, %dma_start3A_161, %dma_start3A_162] : memref<4x2x64x128xf32, #tpu.memory_space<vmem>> -> memref<1x1x64x128xf32, #tpu.memory_space<vmem>>
      %dma_start3A_164 = tpu.memref_squeeze %dma_start3A_163 : memref<1x1x64x128xf32, #tpu.memory_space<vmem>> -> memref<64x128xf32, #tpu.memory_space<vmem>>
      %dma_start3A_165 = arith.constant 0 : i32
      %dma_start3A_166 = tpu.memref_slice %arg3[%dma_start3A_165, %multiple_of3A_152] : memref<64x1000000xf32, #tpu.memory_space<hbm>> -> memref<64x128xf32, #tpu.memory_space<hbm>>
      tpu.enqueue_dma source(%dma_start3A_166 : memref<64x128xf32, #tpu.memory_space<hbm>>) target(%dma_start3A_164 : memref<64x128xf32, #tpu.memory_space<vmem>>) target_semaphore(%arg12 : memref<!tpu.dma_semaphore, #tpu.memory_space<semaphore_mem>>)
      %slice3A_167 = vector.extract_strided_slice %get3A_18 {offsets = [7], sizes = [1], strides = [1]} : vector<16xi32> to vector<1xi32>
      %squeeze3A_168 = vector.extract %slice3A_167[0] : i32 from vector<1xi32>
      %shift_right_arithmetic3A_169 = arith.constant 7 : i32
      %shift_right_arithmetic3A_170 = arith.shrsi %squeeze3A_168, %shift_right_arithmetic3A_169 : i32
      %shift_left3A_171 = arith.constant 7 : i32
      %shift_left3A_172 = arith.shli %shift_right_arithmetic3A_170, %shift_left3A_171 : i32
      %multiple_of3A_173 = tpu.assume_multiple %shift_left3A_172, 128 : i32
      %dma_start3A_174 = arith.constant 3 : i32
      %dma_start3A_175 = arith.constant 1 : i32
      %dma_start3A_176 = arith.constant 0 : i32
      %dma_start3A_177 = arith.constant 0 : i32
      %dma_start3A_178 = tpu.memref_slice %arg7[%dma_start3A_174, %dma_start3A_175, %dma_start3A_176, %dma_start3A_177] : memref<4x2x64x128xf32, #tpu.memory_space<vmem>> -> memref<1x1x64x128xf32, #tpu.memory_space<vmem>>
      %dma_start3A_179 = tpu.memref_squeeze %dma_start3A_178 : memref<1x1x64x128xf32, #tpu.memory_space<vmem>> -> memref<64x128xf32, #tpu.memory_space<vmem>>
      %dma_start3A_180 = arith.constant 0 : i32
      %dma_start3A_181 = tpu.memref_slice %arg3[%dma_start3A_180, %multiple_of3A_173] : memref<64x1000000xf32, #tpu.memory_space<hbm>> -> memref<64x128xf32, #tpu.memory_space<hbm>>
      %dma_start3A_182 = arith.constant 0 : i32
      %dma_start3A_183 = arith.constant 0 : i32
      %dma_start3A_184 = tpu.memref_slice %arg7[%dma_start3A_174, %dma_start3A_175, %dma_start3A_182, %dma_start3A_183] : memref<4x2x64x128xf32, #tpu.memory_space<vmem>> -> memref<1x1x64x128xf32, #tpu.memory_space<vmem>>
      %dma_start3A_185 = tpu.memref_squeeze %dma_start3A_184 : memref<1x1x64x128xf32, #tpu.memory_space<vmem>> -> memref<64x128xf32, #tpu.memory_space<vmem>>
      %dma_start3A_186 = arith.constant 0 : i32
      %dma_start3A_187 = tpu.memref_slice %arg3[%dma_start3A_186, %multiple_of3A_173] : memref<64x1000000xf32, #tpu.memory_space<hbm>> -> memref<64x128xf32, #tpu.memory_space<hbm>>
      tpu.enqueue_dma source(%dma_start3A_187 : memref<64x128xf32, #tpu.memory_space<hbm>>) target(%dma_start3A_185 : memref<64x128xf32, #tpu.memory_space<vmem>>) target_semaphore(%arg12 : memref<!tpu.dma_semaphore, #tpu.memory_space<semaphore_mem>>)
      %dma_wait3A_188 = arith.constant 0 : i32
      %dma_wait3A_189 = arith.constant 0 : i32
      %dma_wait3A_190 = arith.constant 0 : i32
      %dma_wait3A_191 = arith.constant 0 : i32
      %dma_wait3A_192 = tpu.memref_slice %arg7[%dma_wait3A_188, %dma_wait3A_189, %dma_wait3A_190, %dma_wait3A_191] : memref<4x2x64x128xf32, #tpu.memory_space<vmem>> -> memref<1x1x64x128xf32, #tpu.memory_space<vmem>>
      %dma_wait3A_193 = tpu.memref_squeeze %dma_wait3A_192 : memref<1x1x64x128xf32, #tpu.memory_space<vmem>> -> memref<64x128xf32, #tpu.memory_space<vmem>>
      %dma_wait3A_194 = arith.constant 0 : i32
      %dma_wait3A_195 = tpu.memref_slice %arg3[%dma_wait3A_194, %multiple_of3A] : memref<64x1000000xf32, #tpu.memory_space<hbm>> -> memref<64x128xf32, #tpu.memory_space<hbm>>
      %dma_wait3A_196 = arith.constant 0 : i32
      %dma_wait3A_197 = arith.constant 0 : i32
      %dma_wait3A_198 = tpu.memref_slice %arg7[%dma_wait3A_188, %dma_wait3A_189, %dma_wait3A_196, %dma_wait3A_197] : memref<4x2x64x128xf32, #tpu.memory_space<vmem>> -> memref<1x1x64x128xf32, #tpu.memory_space<vmem>>
      %dma_wait3A_199 = tpu.memref_squeeze %dma_wait3A_198 : memref<1x1x64x128xf32, #tpu.memory_space<vmem>> -> memref<64x128xf32, #tpu.memory_space<vmem>>
      %dma_wait3A_200 = arith.constant 0 : i32
      %dma_wait3A_201 = tpu.memref_slice %arg3[%dma_wait3A_200, %multiple_of3A] : memref<64x1000000xf32, #tpu.memory_space<hbm>> -> memref<64x128xf32, #tpu.memory_space<hbm>>
      tpu.wait_dma2 semaphore(%arg9 : memref<!tpu.dma_semaphore, #tpu.memory_space<semaphore_mem>>) src(%dma_wait3A_201 : memref<64x128xf32, #tpu.memory_space<hbm>>) dst(%dma_wait3A_199 : memref<64x128xf32, #tpu.memory_space<vmem>>)
      %dma_wait3A_202 = arith.constant 0 : i32
      %dma_wait3A_203 = arith.constant 1 : i32
      %dma_wait3A_204 = arith.constant 0 : i32
      %dma_wait3A_205 = arith.constant 0 : i32
      %dma_wait3A_206 = tpu.memref_slice %arg7[%dma_wait3A_202, %dma_wait3A_203, %dma_wait3A_204, %dma_wait3A_205] : memref<4x2x64x128xf32, #tpu.memory_space<vmem>> -> memref<1x1x64x128xf32, #tpu.memory_space<vmem>>
      %dma_wait3A_207 = tpu.memref_squeeze %dma_wait3A_206 : memref<1x1x64x128xf32, #tpu.memory_space<vmem>> -> memref<64x128xf32, #tpu.memory_space<vmem>>
      %dma_wait3A_208 = arith.constant 0 : i32
      %dma_wait3A_209 = tpu.memref_slice %arg3[%dma_wait3A_208, %multiple_of3A_47] : memref<64x1000000xf32, #tpu.memory_space<hbm>> -> memref<64x128xf32, #tpu.memory_space<hbm>>
      %dma_wait3A_210 = arith.constant 0 : i32
      %dma_wait3A_211 = arith.constant 0 : i32
      %dma_wait3A_212 = tpu.memref_slice %arg7[%dma_wait3A_202, %dma_wait3A_203, %dma_wait3A_210, %dma_wait3A_211] : memref<4x2x64x128xf32, #tpu.memory_space<vmem>> -> memref<1x1x64x128xf32, #tpu.memory_space<vmem>>
      %dma_wait3A_213 = tpu.memref_squeeze %dma_wait3A_212 : memref<1x1x64x128xf32, #tpu.memory_space<vmem>> -> memref<64x128xf32, #tpu.memory_space<vmem>>
      %dma_wait3A_214 = arith.constant 0 : i32
      %dma_wait3A_215 = tpu.memref_slice %arg3[%dma_wait3A_214, %multiple_of3A_47] : memref<64x1000000xf32, #tpu.memory_space<hbm>> -> memref<64x128xf32, #tpu.memory_space<hbm>>
      tpu.wait_dma2 semaphore(%arg9 : memref<!tpu.dma_semaphore, #tpu.memory_space<semaphore_mem>>) src(%dma_wait3A_215 : memref<64x128xf32, #tpu.memory_space<hbm>>) dst(%dma_wait3A_213 : memref<64x128xf32, #tpu.memory_space<vmem>>)
      %slice3A_216 = vector.extract_strided_slice %get3A_18 {offsets = [0], sizes = [1], strides = [1]} : vector<16xi32> to vector<1xi32>
      %squeeze3A_217 = vector.extract %slice3A_216[0] : i32 from vector<1xi32>
      %mul3A_218 = arith.constant 32 : i32
      %mul3A_219 = arith.muli %scan3A_13, %mul3A_218 : i32
      %add3A_220 = arith.constant 0 : i32
      %add3A_221 = arith.addi %mul3A_219, %add3A_220 : i32
      %add3A_222 = arith.constant 0 : i32
      %add3A_223 = arith.addi %add3A_221, %add3A_222 : i32
      %and3A = arith.constant 127 : i32
      %and3A_224 = arith.andi %squeeze3A_217, %and3A : i32
      %broadcast_in_dim3A = vector.broadcast %and3A_224 : i32 to vector<16xi32>
      %broadcast_in_dim3A_225 = vector.broadcast %add3A_223 : i32 to vector<16xi32>
      %add3A_226 = arith.constant 0 : i32
      %add3A_227 = vector.broadcast %add3A_226 : i32 to vector<16xi32>
      %add3A_228 = arith.addi %iota3A, %add3A_227 : vector<16xi32>
      %gather3A = arith.constant 0 : i32
      %gather3A_229 = arith.constant 0 : i32
      %gather3A_230 = arith.constant 0 : i32
      %gather3A_231 = arith.constant 0 : i32
      %gather3A_232 = tpu.memref_slice %arg7[%gather3A, %gather3A_229, %gather3A_230, %gather3A_231] : memref<4x2x64x128xf32, #tpu.memory_space<vmem>> -> memref<1x1x64x128xf32, #tpu.memory_space<vmem>>
      %gather3A_233 = tpu.memref_squeeze %gather3A_232 : memref<1x1x64x128xf32, #tpu.memory_space<vmem>> -> memref<64x128xf32, #tpu.memory_space<vmem>>
      %gather3A_234 = tpu.vector_load_idx %gather3A_233[%add3A_228, %broadcast_in_dim3A] : memref<64x128xf32, #tpu.memory_space<vmem>>[vector<16xi32>, vector<16xi32>], vector<16xf32>,
      tpu.vector_store_idx %arg8[%add3A_228, %broadcast_in_dim3A_225], %gather3A_234 {add = true} : memref<64x256xf32, #tpu.memory_space<vmem>>[vector<16xi32>, vector<16xi32>], vector<16xf32>,
      %add3A_235 = arith.constant 16 : i32
      %add3A_236 = vector.broadcast %add3A_235 : i32 to vector<16xi32>
      %add3A_237 = arith.addi %iota3A, %add3A_236 : vector<16xi32>
      %gather3A_238 = arith.constant 0 : i32
      %gather3A_239 = arith.constant 0 : i32
      %gather3A_240 = arith.constant 0 : i32
      %gather3A_241 = arith.constant 0 : i32
      %gather3A_242 = tpu.memref_slice %arg7[%gather3A_238, %gather3A_239, %gather3A_240, %gather3A_241] : memref<4x2x64x128xf32, #tpu.memory_space<vmem>> -> memref<1x1x64x128xf32, #tpu.memory_space<vmem>>
      %gather3A_243 = tpu.memref_squeeze %gather3A_242 : memref<1x1x64x128xf32, #tpu.memory_space<vmem>> -> memref<64x128xf32, #tpu.memory_space<vmem>>
      %gather3A_244 = tpu.vector_load_idx %gather3A_243[%add3A_237, %broadcast_in_dim3A] : memref<64x128xf32, #tpu.memory_space<vmem>>[vector<16xi32>, vector<16xi32>], vector<16xf32>,
      tpu.vector_store_idx %arg8[%add3A_237, %broadcast_in_dim3A_225], %gather3A_244 {add = true} : memref<64x256xf32, #tpu.memory_space<vmem>>[vector<16xi32>, vector<16xi32>], vector<16xf32>,
      %add3A_245 = arith.constant 32 : i32
      %add3A_246 = vector.broadcast %add3A_245 : i32 to vector<16xi32>
      %add3A_247 = arith.addi %iota3A, %add3A_246 : vector<16xi32>
      %gather3A_248 = arith.constant 0 : i32
      %gather3A_249 = arith.constant 0 : i32
      %gather3A_250 = arith.constant 0 : i32
      %gather3A_251 = arith.constant 0 : i32
      %gather3A_252 = tpu.memref_slice %arg7[%gather3A_248, %gather3A_249, %gather3A_250, %gather3A_251] : memref<4x2x64x128xf32, #tpu.memory_space<vmem>> -> memref<1x1x64x128xf32, #tpu.memory_space<vmem>>
      %gather3A_253 = tpu.memref_squeeze %gather3A_252 : memref<1x1x64x128xf32, #tpu.memory_space<vmem>> -> memref<64x128xf32, #tpu.memory_space<vmem>>
      %gather3A_254 = tpu.vector_load_idx %gather3A_253[%add3A_247, %broadcast_in_dim3A] : memref<64x128xf32, #tpu.memory_space<vmem>>[vector<16xi32>, vector<16xi32>], vector<16xf32>,
      tpu.vector_store_idx %arg8[%add3A_247, %broadcast_in_dim3A_225], %gather3A_254 {add = true} : memref<64x256xf32, #tpu.memory_space<vmem>>[vector<16xi32>, vector<16xi32>], vector<16xf32>,
      %add3A_255 = arith.constant 48 : i32
      %add3A_256 = vector.broadcast %add3A_255 : i32 to vector<16xi32>
      %add3A_257 = arith.addi %iota3A, %add3A_256 : vector<16xi32>
      %gather3A_258 = arith.constant 0 : i32
      %gather3A_259 = arith.constant 0 : i32
      %gather3A_260 = arith.constant 0 : i32
      %gather3A_261 = arith.constant 0 : i32
      %gather3A_262 = tpu.memref_slice %arg7[%gather3A_258, %gather3A_259, %gather3A_260, %gather3A_261] : memref<4x2x64x128xf32, #tpu.memory_space<vmem>> -> memref<1x1x64x128xf32, #tpu.memory_space<vmem>>
      %gather3A_263 = tpu.memref_squeeze %gather3A_262 : memref<1x1x64x128xf32, #tpu.memory_space<vmem>> -> memref<64x128xf32, #tpu.memory_space<vmem>>
      %gather3A_264 = tpu.vector_load_idx %gather3A_263[%add3A_257, %broadcast_in_dim3A] : memref<64x128xf32, #tpu.memory_space<vmem>>[vector<16xi32>, vector<16xi32>], vector<16xf32>,
      tpu.vector_store_idx %arg8[%add3A_257, %broadcast_in_dim3A_225], %gather3A_264 {add = true} : memref<64x256xf32, #tpu.memory_space<vmem>>[vector<16xi32>, vector<16xi32>], vector<16xf32>,
      %slice3A_265 = vector.extract_strided_slice %get3A_18 {offsets = [1], sizes = [1], strides = [1]} : vector<16xi32> to vector<1xi32>
      %squeeze3A_266 = vector.extract %slice3A_265[0] : i32 from vector<1xi32>
      %mul3A_267 = arith.constant 32 : i32
      %mul3A_268 = arith.muli %scan3A_13, %mul3A_267 : i32
      %add3A_269 = arith.constant 0 : i32
      %add3A_270 = arith.addi %mul3A_268, %add3A_269 : i32
      %add3A_271 = arith.constant 1 : i32
      %add3A_272 = arith.addi %add3A_270, %add3A_271 : i32
      %and3A_273 = arith.constant 127 : i32
      %and3A_274 = arith.andi %squeeze3A_266, %and3A_273 : i32
      %broadcast_in_dim3A_275 = vector.broadcast %and3A_274 : i32 to vector<16xi32>
      %broadcast_in_dim3A_276 = vector.broadcast %add3A_272 : i32 to vector<16xi32>
      %add3A_277 = arith.constant 0 : i32
      %add3A_278 = vector.broadcast %add3A_277 : i32 to vector<16xi32>
      %add3A_279 = arith.addi %iota3A, %add3A_278 : vector<16xi32>
      %gather3A_280 = arith.constant 0 : i32
      %gather3A_281 = arith.constant 1 : i32
      %gather3A_282 = arith.constant 0 : i32
      %gather3A_283 = arith.constant 0 : i32
      %gather3A_284 = tpu.memref_slice %arg7[%gather3A_280, %gather3A_281, %gather3A_282, %gather3A_283] : memref<4x2x64x128xf32, #tpu.memory_space<vmem>> -> memref<1x1x64x128xf32, #tpu.memory_space<vmem>>
      %gather3A_285 = tpu.memref_squeeze %gather3A_284 : memref<1x1x64x128xf32, #tpu.memory_space<vmem>> -> memref<64x128xf32, #tpu.memory_space<vmem>>
      %gather3A_286 = tpu.vector_load_idx %gather3A_285[%add3A_279, %broadcast_in_dim3A_275] : memref<64x128xf32, #tpu.memory_space<vmem>>[vector<16xi32>, vector<16xi32>], vector<16xf32>,
      tpu.vector_store_idx %arg8[%add3A_279, %broadcast_in_dim3A_276], %gather3A_286 {add = true} : memref<64x256xf32, #tpu.memory_space<vmem>>[vector<16xi32>, vector<16xi32>], vector<16xf32>,
      %add3A_287 = arith.constant 16 : i32
      %add3A_288 = vector.broadcast %add3A_287 : i32 to vector<16xi32>
      %add3A_289 = arith.addi %iota3A, %add3A_288 : vector<16xi32>
      %gather3A_290 = arith.constant 0 : i32
      %gather3A_291 = arith.constant 1 : i32
      %gather3A_292 = arith.constant 0 : i32
      %gather3A_293 = arith.constant 0 : i32
      %gather3A_294 = tpu.memref_slice %arg7[%gather3A_290, %gather3A_291, %gather3A_292, %gather3A_293] : memref<4x2x64x128xf32, #tpu.memory_space<vmem>> -> memref<1x1x64x128xf32, #tpu.memory_space<vmem>>
      %gather3A_295 = tpu.memref_squeeze %gather3A_294 : memref<1x1x64x128xf32, #tpu.memory_space<vmem>> -> memref<64x128xf32, #tpu.memory_space<vmem>>
      %gather3A_296 = tpu.vector_load_idx %gather3A_295[%add3A_289, %broadcast_in_dim3A_275] : memref<64x128xf32, #tpu.memory_space<vmem>>[vector<16xi32>, vector<16xi32>], vector<16xf32>,
      tpu.vector_store_idx %arg8[%add3A_289, %broadcast_in_dim3A_276], %gather3A_296 {add = true} : memref<64x256xf32, #tpu.memory_space<vmem>>[vector<16xi32>, vector<16xi32>], vector<16xf32>,
      %add3A_297 = arith.constant 32 : i32
      %add3A_298 = vector.broadcast %add3A_297 : i32 to vector<16xi32>
      %add3A_299 = arith.addi %iota3A, %add3A_298 : vector<16xi32>
      %gather3A_300 = arith.constant 0 : i32
      %gather3A_301 = arith.constant 1 : i32
      %gather3A_302 = arith.constant 0 : i32
      %gather3A_303 = arith.constant 0 : i32
      %gather3A_304 = tpu.memref_slice %arg7[%gather3A_300, %gather3A_301, %gather3A_302, %gather3A_303] : memref<4x2x64x128xf32, #tpu.memory_space<vmem>> -> memref<1x1x64x128xf32, #tpu.memory_space<vmem>>
      %gather3A_305 = tpu.memref_squeeze %gather3A_304 : memref<1x1x64x128xf32, #tpu.memory_space<vmem>> -> memref<64x128xf32, #tpu.memory_space<vmem>>
      %gather3A_306 = tpu.vector_load_idx %gather3A_305[%add3A_299, %broadcast_in_dim3A_275] : memref<64x128xf32, #tpu.memory_space<vmem>>[vector<16xi32>, vector<16xi32>], vector<16xf32>,
      tpu.vector_store_idx %arg8[%add3A_299, %broadcast_in_dim3A_276], %gather3A_306 {add = true} : memref<64x256xf32, #tpu.memory_space<vmem>>[vector<16xi32>, vector<16xi32>], vector<16xf32>,
      %add3A_307 = arith.constant 48 : i32
      %add3A_308 = vector.broadcast %add3A_307 : i32 to vector<16xi32>
      %add3A_309 = arith.addi %iota3A, %add3A_308 : vector<16xi32>
      %gather3A_310 = arith.constant 0 : i32
      %gather3A_311 = arith.constant 1 : i32
      %gather3A_312 = arith.constant 0 : i32
      %gather3A_313 = arith.constant 0 : i32
      %gather3A_314 = tpu.memref_slice %arg7[%gather3A_310, %gather3A_311, %gather3A_312, %gather3A_313] : memref<4x2x64x128xf32, #tpu.memory_space<vmem>> -> memref<1x1x64x128xf32, #tpu.memory_space<vmem>>
      %gather3A_315 = tpu.memref_squeeze %gather3A_314 : memref<1x1x64x128xf32, #tpu.memory_space<vmem>> -> memref<64x128xf32, #tpu.memory_space<vmem>>
      %gather3A_316 = tpu.vector_load_idx %gather3A_315[%add3A_309, %broadcast_in_dim3A_275] : memref<64x128xf32, #tpu.memory_space<vmem>>[vector<16xi32>, vector<16xi32>], vector<16xf32>,
      tpu.vector_store_idx %arg8[%add3A_309, %broadcast_in_dim3A_276], %gather3A_316 {add = true} : memref<64x256xf32, #tpu.memory_space<vmem>>[vector<16xi32>, vector<16xi32>], vector<16xf32>,
      %slice3A_317 = vector.extract_strided_slice %get3A_18 {offsets = [8], sizes = [1], strides = [1]} : vector<16xi32> to vector<1xi32>
      %squeeze3A_318 = vector.extract %slice3A_317[0] : i32 from vector<1xi32>
      %shift_right_arithmetic3A_319 = arith.constant 7 : i32
      %shift_right_arithmetic3A_320 = arith.shrsi %squeeze3A_318, %shift_right_arithmetic3A_319 : i32
      %shift_left3A_321 = arith.constant 7 : i32
      %shift_left3A_322 = arith.shli %shift_right_arithmetic3A_320, %shift_left3A_321 : i32
      %multiple_of3A_323 = tpu.assume_multiple %shift_left3A_322, 128 : i32
      %dma_start3A_324 = arith.constant 0 : i32
      %dma_start3A_325 = arith.constant 0 : i32
      %dma_start3A_326 = arith.constant 0 : i32
      %dma_start3A_327 = arith.constant 0 : i32
      %dma_start3A_328 = tpu.memref_slice %arg7[%dma_start3A_324, %dma_start3A_325, %dma_start3A_326, %dma_start3A_327] : memref<4x2x64x128xf32, #tpu.memory_space<vmem>> -> memref<1x1x64x128xf32, #tpu.memory_space<vmem>>
      %dma_start3A_329 = tpu.memref_squeeze %dma_start3A_328 : memref<1x1x64x128xf32, #tpu.memory_space<vmem>> -> memref<64x128xf32, #tpu.memory_space<vmem>>
      %dma_start3A_330 = arith.constant 0 : i32
      %dma_start3A_331 = tpu.memref_slice %arg3[%dma_start3A_330, %multiple_of3A_323] : memref<64x1000000xf32, #tpu.memory_space<hbm>> -> memref<64x128xf32, #tpu.memory_space<hbm>>
      %dma_start3A_332 = arith.constant 0 : i32
      %dma_start3A_333 = arith.constant 0 : i32
      %dma_start3A_334 = tpu.memref_slice %arg7[%dma_start3A_324, %dma_start3A_325, %dma_start3A_332, %dma_start3A_333] : memref<4x2x64x128xf32, #tpu.memory_space<vmem>> -> memref<1x1x64x128xf32, #tpu.memory_space<vmem>>
      %dma_start3A_335 = tpu.memref_squeeze %dma_start3A_334 : memref<1x1x64x128xf32, #tpu.memory_space<vmem>> -> memref<64x128xf32, #tpu.memory_space<vmem>>
      %dma_start3A_336 = arith.constant 0 : i32
      %dma_start3A_337 = tpu.memref_slice %arg3[%dma_start3A_336, %multiple_of3A_323] : memref<64x1000000xf32, #tpu.memory_space<hbm>> -> memref<64x128xf32, #tpu.memory_space<hbm>>
      tpu.enqueue_dma source(%dma_start3A_337 : memref<64x128xf32, #tpu.memory_space<hbm>>) target(%dma_start3A_335 : memref<64x128xf32, #tpu.memory_space<vmem>>) target_semaphore(%arg9 : memref<!tpu.dma_semaphore, #tpu.memory_space<semaphore_mem>>)
      %slice3A_338 = vector.extract_strided_slice %get3A_18 {offsets = [9], sizes = [1], strides = [1]} : vector<16xi32> to vector<1xi32>
      %squeeze3A_339 = vector.extract %slice3A_338[0] : i32 from vector<1xi32>
      %shift_right_arithmetic3A_340 = arith.constant 7 : i32
      %shift_right_arithmetic3A_341 = arith.shrsi %squeeze3A_339, %shift_right_arithmetic3A_340 : i32
      %shift_left3A_342 = arith.constant 7 : i32
      %shift_left3A_343 = arith.shli %shift_right_arithmetic3A_341, %shift_left3A_342 : i32
      %multiple_of3A_344 = tpu.assume_multiple %shift_left3A_343, 128 : i32
      %dma_start3A_345 = arith.constant 0 : i32
      %dma_start3A_346 = arith.constant 1 : i32
      %dma_start3A_347 = arith.constant 0 : i32
      %dma_start3A_348 = arith.constant 0 : i32
      %dma_start3A_349 = tpu.memref_slice %arg7[%dma_start3A_345, %dma_start3A_346, %dma_start3A_347, %dma_start3A_348] : memref<4x2x64x128xf32, #tpu.memory_space<vmem>> -> memref<1x1x64x128xf32, #tpu.memory_space<vmem>>
      %dma_start3A_350 = tpu.memref_squeeze %dma_start3A_349 : memref<1x1x64x128xf32, #tpu.memory_space<vmem>> -> memref<64x128xf32, #tpu.memory_space<vmem>>
      %dma_start3A_351 = arith.constant 0 : i32
      %dma_start3A_352 = tpu.memref_slice %arg3[%dma_start3A_351, %multiple_of3A_344] : memref<64x1000000xf32, #tpu.memory_space<hbm>> -> memref<64x128xf32, #tpu.memory_space<hbm>>
      %dma_start3A_353 = arith.constant 0 : i32
      %dma_start3A_354 = arith.constant 0 : i32
      %dma_start3A_355 = tpu.memref_slice %arg7[%dma_start3A_345, %dma_start3A_346, %dma_start3A_353, %dma_start3A_354] : memref<4x2x64x128xf32, #tpu.memory_space<vmem>> -> memref<1x1x64x128xf32, #tpu.memory_space<vmem>>
      %dma_start3A_356 = tpu.memref_squeeze %dma_start3A_355 : memref<1x1x64x128xf32, #tpu.memory_space<vmem>> -> memref<64x128xf32, #tpu.memory_space<vmem>>
      %dma_start3A_357 = arith.constant 0 : i32
      %dma_start3A_358 = tpu.memref_slice %arg3[%dma_start3A_357, %multiple_of3A_344] : memref<64x1000000xf32, #tpu.memory_space<hbm>> -> memref<64x128xf32, #tpu.memory_space<hbm>>
      tpu.enqueue_dma source(%dma_start3A_358 : memref<64x128xf32, #tpu.memory_space<hbm>>) target(%dma_start3A_356 : memref<64x128xf32, #tpu.memory_space<vmem>>) target_semaphore(%arg9 : memref<!tpu.dma_semaphore, #tpu.memory_space<semaphore_mem>>)
      %dma_wait3A_359 = arith.constant 1 : i32
      %dma_wait3A_360 = arith.constant 0 : i32
      %dma_wait3A_361 = arith.constant 0 : i32
      %dma_wait3A_362 = arith.constant 0 : i32
      %dma_wait3A_363 = tpu.memref_slice %arg7[%dma_wait3A_359, %dma_wait3A_360, %dma_wait3A_361, %dma_wait3A_362] : memref<4x2x64x128xf32, #tpu.memory_space<vmem>> -> memref<1x1x64x128xf32, #tpu.memory_space<vmem>>
      %dma_wait3A_364 = tpu.memref_squeeze %dma_wait3A_363 : memref<1x1x64x128xf32, #tpu.memory_space<vmem>> -> memref<64x128xf32, #tpu.memory_space<vmem>>
      %dma_wait3A_365 = arith.constant 0 : i32
      %dma_wait3A_366 = tpu.memref_slice %arg3[%dma_wait3A_365, %multiple_of3A_68] : memref<64x1000000xf32, #tpu.memory_space<hbm>> -> memref<64x128xf32, #tpu.memory_space<hbm>>
      %dma_wait3A_367 = arith.constant 0 : i32
      %dma_wait3A_368 = arith.constant 0 : i32
      %dma_wait3A_369 = tpu.memref_slice %arg7[%dma_wait3A_359, %dma_wait3A_360, %dma_wait3A_367, %dma_wait3A_368] : memref<4x2x64x128xf32, #tpu.memory_space<vmem>> -> memref<1x1x64x128xf32, #tpu.memory_space<vmem>>
      %dma_wait3A_370 = tpu.memref_squeeze %dma_wait3A_369 : memref<1x1x64x128xf32, #tpu.memory_space<vmem>> -> memref<64x128xf32, #tpu.memory_space<vmem>>
      %dma_wait3A_371 = arith.constant 0 : i32
      %dma_wait3A_372 = tpu.memref_slice %arg3[%dma_wait3A_371, %multiple_of3A_68] : memref<64x1000000xf32, #tpu.memory_space<hbm>> -> memref<64x128xf32, #tpu.memory_space<hbm>>
      tpu.wait_dma2 semaphore(%arg10 : memref<!tpu.dma_semaphore, #tpu.memory_space<semaphore_mem>>) src(%dma_wait3A_372 : memref<64x128xf32, #tpu.memory_space<hbm>>) dst(%dma_wait3A_370 : memref<64x128xf32, #tpu.memory_space<vmem>>)
      %dma_wait3A_373 = arith.constant 1 : i32
      %dma_wait3A_374 = arith.constant 1 : i32
      %dma_wait3A_375 = arith.constant 0 : i32
      %dma_wait3A_376 = arith.constant 0 : i32
      %dma_wait3A_377 = tpu.memref_slice %arg7[%dma_wait3A_373, %dma_wait3A_374, %dma_wait3A_375, %dma_wait3A_376] : memref<4x2x64x128xf32, #tpu.memory_space<vmem>> -> memref<1x1x64x128xf32, #tpu.memory_space<vmem>>
      %dma_wait3A_378 = tpu.memref_squeeze %dma_wait3A_377 : memref<1x1x64x128xf32, #tpu.memory_space<vmem>> -> memref<64x128xf32, #tpu.memory_space<vmem>>
      %dma_wait3A_379 = arith.constant 0 : i32
      %dma_wait3A_380 = tpu.memref_slice %arg3[%dma_wait3A_379, %multiple_of3A_89] : memref<64x1000000xf32, #tpu.memory_space<hbm>> -> memref<64x128xf32, #tpu.memory_space<hbm>>
      %dma_wait3A_381 = arith.constant 0 : i32
      %dma_wait3A_382 = arith.constant 0 : i32
      %dma_wait3A_383 = tpu.memref_slice %arg7[%dma_wait3A_373, %dma_wait3A_374, %dma_wait3A_381, %dma_wait3A_382] : memref<4x2x64x128xf32, #tpu.memory_space<vmem>> -> memref<1x1x64x128xf32, #tpu.memory_space<vmem>>
      %dma_wait3A_384 = tpu.memref_squeeze %dma_wait3A_383 : memref<1x1x64x128xf32, #tpu.memory_space<vmem>> -> memref<64x128xf32, #tpu.memory_space<vmem>>
      %dma_wait3A_385 = arith.constant 0 : i32
      %dma_wait3A_386 = tpu.memref_slice %arg3[%dma_wait3A_385, %multiple_of3A_89] : memref<64x1000000xf32, #tpu.memory_space<hbm>> -> memref<64x128xf32, #tpu.memory_space<hbm>>
      tpu.wait_dma2 semaphore(%arg10 : memref<!tpu.dma_semaphore, #tpu.memory_space<semaphore_mem>>) src(%dma_wait3A_386 : memref<64x128xf32, #tpu.memory_space<hbm>>) dst(%dma_wait3A_384 : memref<64x128xf32, #tpu.memory_space<vmem>>)
      %slice3A_387 = vector.extract_strided_slice %get3A_18 {offsets = [2], sizes = [1], strides = [1]} : vector<16xi32> to vector<1xi32>
      %squeeze3A_388 = vector.extract %slice3A_387[0] : i32 from vector<1xi32>
      %mul3A_389 = arith.constant 32 : i32
      %mul3A_390 = arith.muli %scan3A_13, %mul3A_389 : i32
      %add3A_391 = arith.constant 2 : i32
      %add3A_392 = arith.addi %mul3A_390, %add3A_391 : i32
      %add3A_393 = arith.constant 0 : i32
      %add3A_394 = arith.addi %add3A_392, %add3A_393 : i32
      %and3A_395 = arith.constant 127 : i32
      %and3A_396 = arith.andi %squeeze3A_388, %and3A_395 : i32
      %broadcast_in_dim3A_397 = vector.broadcast %and3A_396 : i32 to vector<16xi32>
      %broadcast_in_dim3A_398 = vector.broadcast %add3A_394 : i32 to vector<16xi32>
      %add3A_399 = arith.constant 0 : i32
      %add3A_400 = vector.broadcast %add3A_399 : i32 to vector<16xi32>
      %add3A_401 = arith.addi %iota3A, %add3A_400 : vector<16xi32>
      %gather3A_402 = arith.constant 1 : i32
      %gather3A_403 = arith.constant 0 : i32
      %gather3A_404 = arith.constant 0 : i32
      %gather3A_405 = arith.constant 0 : i32
      %gather3A_406 = tpu.memref_slice %arg7[%gather3A_402, %gather3A_403, %gather3A_404, %gather3A_405] : memref<4x2x64x128xf32, #tpu.memory_space<vmem>> -> memref<1x1x64x128xf32, #tpu.memory_space<vmem>>
      %gather3A_407 = tpu.memref_squeeze %gather3A_406 : memref<1x1x64x128xf32, #tpu.memory_space<vmem>> -> memref<64x128xf32, #tpu.memory_space<vmem>>
      %gather3A_408 = tpu.vector_load_idx %gather3A_407[%add3A_401, %broadcast_in_dim3A_397] : memref<64x128xf32, #tpu.memory_space<vmem>>[vector<16xi32>, vector<16xi32>], vector<16xf32>,
      tpu.vector_store_idx %arg8[%add3A_401, %broadcast_in_dim3A_398], %gather3A_408 {add = true} : memref<64x256xf32, #tpu.memory_space<vmem>>[vector<16xi32>, vector<16xi32>], vector<16xf32>,
      %add3A_409 = arith.constant 16 : i32
      %add3A_410 = vector.broadcast %add3A_409 : i32 to vector<16xi32>
      %add3A_411 = arith.addi %iota3A, %add3A_410 : vector<16xi32>
      %gather3A_412 = arith.constant 1 : i32
      %gather3A_413 = arith.constant 0 : i32
      %gather3A_414 = arith.constant 0 : i32
      %gather3A_415 = arith.constant 0 : i32
      %gather3A_416 = tpu.memref_slice %arg7[%gather3A_412, %gather3A_413, %gather3A_414, %gather3A_415] : memref<4x2x64x128xf32, #tpu.memory_space<vmem>> -> memref<1x1x64x128xf32, #tpu.memory_space<vmem>>
      %gather3A_417 = tpu.memref_squeeze %gather3A_416 : memref<1x1x64x128xf32, #tpu.memory_space<vmem>> -> memref<64x128xf32, #tpu.memory_space<vmem>>
      %gather3A_418 = tpu.vector_load_idx %gather3A_417[%add3A_411, %broadcast_in_dim3A_397] : memref<64x128xf32, #tpu.memory_space<vmem>>[vector<16xi32>, vector<16xi32>], vector<16xf32>,
      tpu.vector_store_idx %arg8[%add3A_411, %broadcast_in_dim3A_398], %gather3A_418 {add = true} : memref<64x256xf32, #tpu.memory_space<vmem>>[vector<16xi32>, vector<16xi32>], vector<16xf32>,
      %add3A_419 = arith.constant 32 : i32
      %add3A_420 = vector.broadcast %add3A_419 : i32 to vector<16xi32>
      %add3A_421 = arith.addi %iota3A, %add3A_420 : vector<16xi32>
      %gather3A_422 = arith.constant 1 : i32
      %gather3A_423 = arith.constant 0 : i32
      %gather3A_424 = arith.constant 0 : i32
      %gather3A_425 = arith.constant 0 : i32
      %gather3A_426 = tpu.memref_slice %arg7[%gather3A_422, %gather3A_423, %gather3A_424, %gather3A_425] : memref<4x2x64x128xf32, #tpu.memory_space<vmem>> -> memref<1x1x64x128xf32, #tpu.memory_space<vmem>>
      %gather3A_427 = tpu.memref_squeeze %gather3A_426 : memref<1x1x64x128xf32, #tpu.memory_space<vmem>> -> memref<64x128xf32, #tpu.memory_space<vmem>>
      %gather3A_428 = tpu.vector_load_idx %gather3A_427[%add3A_421, %broadcast_in_dim3A_397] : memref<64x128xf32, #tpu.memory_space<vmem>>[vector<16xi32>, vector<16xi32>], vector<16xf32>,
      tpu.vector_store_idx %arg8[%add3A_421, %broadcast_in_dim3A_398], %gather3A_428 {add = true} : memref<64x256xf32, #tpu.memory_space<vmem>>[vector<16xi32>, vector<16xi32>], vector<16xf32>,
      %add3A_429 = arith.constant 48 : i32
      %add3A_430 = vector.broadcast %add3A_429 : i32 to vector<16xi32>
      %add3A_431 = arith.addi %iota3A, %add3A_430 : vector<16xi32>
      %gather3A_432 = arith.constant 1 : i32
      %gather3A_433 = arith.constant 0 : i32
      %gather3A_434 = arith.constant 0 : i32
      %gather3A_435 = arith.constant 0 : i32
      %gather3A_436 = tpu.memref_slice %arg7[%gather3A_432, %gather3A_433, %gather3A_434, %gather3A_435] : memref<4x2x64x128xf32, #tpu.memory_space<vmem>> -> memref<1x1x64x128xf32, #tpu.memory_space<vmem>>
      %gather3A_437 = tpu.memref_squeeze %gather3A_436 : memref<1x1x64x128xf32, #tpu.memory_space<vmem>> -> memref<64x128xf32, #tpu.memory_space<vmem>>
      %gather3A_438 = tpu.vector_load_idx %gather3A_437[%add3A_431, %broadcast_in_dim3A_397] : memref<64x128xf32, #tpu.memory_space<vmem>>[vector<16xi32>, vector<16xi32>], vector<16xf32>,
      tpu.vector_store_idx %arg8[%add3A_431, %broadcast_in_dim3A_398], %gather3A_438 {add = true} : memref<64x256xf32, #tpu.memory_space<vmem>>[vector<16xi32>, vector<16xi32>], vector<16xf32>,
      %slice3A_439 = vector.extract_strided_slice %get3A_18 {offsets = [3], sizes = [1], strides = [1]} : vector<16xi32> to vector<1xi32>
      %squeeze3A_440 = vector.extract %slice3A_439[0] : i32 from vector<1xi32>
      %mul3A_441 = arith.constant 32 : i32
      %mul3A_442 = arith.muli %scan3A_13, %mul3A_441 : i32
      %add3A_443 = arith.constant 2 : i32
      %add3A_444 = arith.addi %mul3A_442, %add3A_443 : i32
      %add3A_445 = arith.constant 1 : i32
      %add3A_446 = arith.addi %add3A_444, %add3A_445 : i32
      %and3A_447 = arith.constant 127 : i32
      %and3A_448 = arith.andi %squeeze3A_440, %and3A_447 : i32
      %broadcast_in_dim3A_449 = vector.broadcast %and3A_448 : i32 to vector<16xi32>
      %broadcast_in_dim3A_450 = vector.broadcast %add3A_446 : i32 to vector<16xi32>
      %add3A_451 = arith.constant 0 : i32
      %add3A_452 = vector.broadcast %add3A_451 : i32 to vector<16xi32>
      %add3A_453 = arith.addi %iota3A, %add3A_452 : vector<16xi32>
      %gather3A_454 = arith.constant 1 : i32
      %gather3A_455 = arith.constant 1 : i32
      %gather3A_456 = arith.constant 0 : i32
      %gather3A_457 = arith.constant 0 : i32
      %gather3A_458 = tpu.memref_slice %arg7[%gather3A_454, %gather3A_455, %gather3A_456, %gather3A_457] : memref<4x2x64x128xf32, #tpu.memory_space<vmem>> -> memref<1x1x64x128xf32, #tpu.memory_space<vmem>>
      %gather3A_459 = tpu.memref_squeeze %gather3A_458 : memref<1x1x64x128xf32, #tpu.memory_space<vmem>> -> memref<64x128xf32, #tpu.memory_space<vmem>>
      %gather3A_460 = tpu.vector_load_idx %gather3A_459[%add3A_453, %broadcast_in_dim3A_449] : memref<64x128xf32, #tpu.memory_space<vmem>>[vector<16xi32>, vector<16xi32>], vector<16xf32>,
      tpu.vector_store_idx %arg8[%add3A_453, %broadcast_in_dim3A_450], %gather3A_460 {add = true} : memref<64x256xf32, #tpu.memory_space<vmem>>[vector<16xi32>, vector<16xi32>], vector<16xf32>,
      %add3A_461 = arith.constant 16 : i32
      %add3A_462 = vector.broadcast %add3A_461 : i32 to vector<16xi32>
      %add3A_463 = arith.addi %iota3A, %add3A_462 : vector<16xi32>
      %gather3A_464 = arith.constant 1 : i32
      %gather3A_465 = arith.constant 1 : i32
      %gather3A_466 = arith.constant 0 : i32
      %gather3A_467 = arith.constant 0 : i32
      %gather3A_468 = tpu.memref_slice %arg7[%gather3A_464, %gather3A_465, %gather3A_466, %gather3A_467] : memref<4x2x64x128xf32, #tpu.memory_space<vmem>> -> memref<1x1x64x128xf32, #tpu.memory_space<vmem>>
      %gather3A_469 = tpu.memref_squeeze %gather3A_468 : memref<1x1x64x128xf32, #tpu.memory_space<vmem>> -> memref<64x128xf32, #tpu.memory_space<vmem>>
      %gather3A_470 = tpu.vector_load_idx %gather3A_469[%add3A_463, %broadcast_in_dim3A_449] : memref<64x128xf32, #tpu.memory_space<vmem>>[vector<16xi32>, vector<16xi32>], vector<16xf32>,
      tpu.vector_store_idx %arg8[%add3A_463, %broadcast_in_dim3A_450], %gather3A_470 {add = true} : memref<64x256xf32, #tpu.memory_space<vmem>>[vector<16xi32>, vector<16xi32>], vector<16xf32>,
      %add3A_471 = arith.constant 32 : i32
      %add3A_472 = vector.broadcast %add3A_471 : i32 to vector<16xi32>
      %add3A_473 = arith.addi %iota3A, %add3A_472 : vector<16xi32>
      %gather3A_474 = arith.constant 1 : i32
      %gather3A_475 = arith.constant 1 : i32
      %gather3A_476 = arith.constant 0 : i32
      %gather3A_477 = arith.constant 0 : i32
      %gather3A_478 = tpu.memref_slice %arg7[%gather3A_474, %gather3A_475, %gather3A_476, %gather3A_477] : memref<4x2x64x128xf32, #tpu.memory_space<vmem>> -> memref<1x1x64x128xf32, #tpu.memory_space<vmem>>
      %gather3A_479 = tpu.memref_squeeze %gather3A_478 : memref<1x1x64x128xf32, #tpu.memory_space<vmem>> -> memref<64x128xf32, #tpu.memory_space<vmem>>
      %gather3A_480 = tpu.vector_load_idx %gather3A_479[%add3A_473, %broadcast_in_dim3A_449] : memref<64x128xf32, #tpu.memory_space<vmem>>[vector<16xi32>, vector<16xi32>], vector<16xf32>,
      tpu.vector_store_idx %arg8[%add3A_473, %broadcast_in_dim3A_450], %gather3A_480 {add = true} : memref<64x256xf32, #tpu.memory_space<vmem>>[vector<16xi32>, vector<16xi32>], vector<16xf32>,
      %add3A_481 = arith.constant 48 : i32
      %add3A_482 = vector.broadcast %add3A_481 : i32 to vector<16xi32>
      %add3A_483 = arith.addi %iota3A, %add3A_482 : vector<16xi32>
      %gather3A_484 = arith.constant 1 : i32
      %gather3A_485 = arith.constant 1 : i32
      %gather3A_486 = arith.constant 0 : i32
      %gather3A_487 = arith.constant 0 : i32
      %gather3A_488 = tpu.memref_slice %arg7[%gather3A_484, %gather3A_485, %gather3A_486, %gather3A_487] : memref<4x2x64x128xf32, #tpu.memory_space<vmem>> -> memref<1x1x64x128xf32, #tpu.memory_space<vmem>>
      %gather3A_489 = tpu.memref_squeeze %gather3A_488 : memref<1x1x64x128xf32, #tpu.memory_space<vmem>> -> memref<64x128xf32, #tpu.memory_space<vmem>>
      %gather3A_490 = tpu.vector_load_idx %gather3A_489[%add3A_483, %broadcast_in_dim3A_449] : memref<64x128xf32, #tpu.memory_space<vmem>>[vector<16xi32>, vector<16xi32>], vector<16xf32>,
      tpu.vector_store_idx %arg8[%add3A_483, %broadcast_in_dim3A_450], %gather3A_490 {add = true} : memref<64x256xf32, #tpu.memory_space<vmem>>[vector<16xi32>, vector<16xi32>], vector<16xf32>,
      %slice3A_491 = vector.extract_strided_slice %get3A_18 {offsets = [10], sizes = [1], strides = [1]} : vector<16xi32> to vector<1xi32>
      %squeeze3A_492 = vector.extract %slice3A_491[0] : i32 from vector<1xi32>
      %shift_right_arithmetic3A_493 = arith.constant 7 : i32
      %shift_right_arithmetic3A_494 = arith.shrsi %squeeze3A_492, %shift_right_arithmetic3A_493 : i32
      %shift_left3A_495 = arith.constant 7 : i32
      %shift_left3A_496 = arith.shli %shift_right_arithmetic3A_494, %shift_left3A_495 : i32
      %multiple_of3A_497 = tpu.assume_multiple %shift_left3A_496, 128 : i32
      %dma_start3A_498 = arith.constant 1 : i32
      %dma_start3A_499 = arith.constant 0 : i32
      %dma_start3A_500 = arith.constant 0 : i32
      %dma_start3A_501 = arith.constant 0 : i32
      %dma_start3A_502 = tpu.memref_slice %arg7[%dma_start3A_498, %dma_start3A_499, %dma_start3A_500, %dma_start3A_501] : memref<4x2x64x128xf32, #tpu.memory_space<vmem>> -> memref<1x1x64x128xf32, #tpu.memory_space<vmem>>
      %dma_start3A_503 = tpu.memref_squeeze %dma_start3A_502 : memref<1x1x64x128xf32, #tpu.memory_space<vmem>> -> memref<64x128xf32, #tpu.memory_space<vmem>>
      %dma_start3A_504 = arith.constant 0 : i32
      %dma_start3A_505 = tpu.memref_slice %arg3[%dma_start3A_504, %multiple_of3A_497] : memref<64x1000000xf32, #tpu.memory_space<hbm>> -> memref<64x128xf32, #tpu.memory_space<hbm>>
      %dma_start3A_506 = arith.constant 0 : i32
      %dma_start3A_507 = arith.constant 0 : i32
      %dma_start3A_508 = tpu.memref_slice %arg7[%dma_start3A_498, %dma_start3A_499, %dma_start3A_506, %dma_start3A_507] : memref<4x2x64x128xf32, #tpu.memory_space<vmem>> -> memref<1x1x64x128xf32, #tpu.memory_space<vmem>>
      %dma_start3A_509 = tpu.memref_squeeze %dma_start3A_508 : memref<1x1x64x128xf32, #tpu.memory_space<vmem>> -> memref<64x128xf32, #tpu.memory_space<vmem>>
      %dma_start3A_510 = arith.constant 0 : i32
      %dma_start3A_511 = tpu.memref_slice %arg3[%dma_start3A_510, %multiple_of3A_497] : memref<64x1000000xf32, #tpu.memory_space<hbm>> -> memref<64x128xf32, #tpu.memory_space<hbm>>
      tpu.enqueue_dma source(%dma_start3A_511 : memref<64x128xf32, #tpu.memory_space<hbm>>) target(%dma_start3A_509 : memref<64x128xf32, #tpu.memory_space<vmem>>) target_semaphore(%arg10 : memref<!tpu.dma_semaphore, #tpu.memory_space<semaphore_mem>>)
      %slice3A_512 = vector.extract_strided_slice %get3A_18 {offsets = [11], sizes = [1], strides = [1]} : vector<16xi32> to vector<1xi32>
      %squeeze3A_513 = vector.extract %slice3A_512[0] : i32 from vector<1xi32>
      %shift_right_arithmetic3A_514 = arith.constant 7 : i32
      %shift_right_arithmetic3A_515 = arith.shrsi %squeeze3A_513, %shift_right_arithmetic3A_514 : i32
      %shift_left3A_516 = arith.constant 7 : i32
      %shift_left3A_517 = arith.shli %shift_right_arithmetic3A_515, %shift_left3A_516 : i32
      %multiple_of3A_518 = tpu.assume_multiple %shift_left3A_517, 128 : i32
      %dma_start3A_519 = arith.constant 1 : i32
      %dma_start3A_520 = arith.constant 1 : i32
      %dma_start3A_521 = arith.constant 0 : i32
      %dma_start3A_522 = arith.constant 0 : i32
      %dma_start3A_523 = tpu.memref_slice %arg7[%dma_start3A_519, %dma_start3A_520, %dma_start3A_521, %dma_start3A_522] : memref<4x2x64x128xf32, #tpu.memory_space<vmem>> -> memref<1x1x64x128xf32, #tpu.memory_space<vmem>>
      %dma_start3A_524 = tpu.memref_squeeze %dma_start3A_523 : memref<1x1x64x128xf32, #tpu.memory_space<vmem>> -> memref<64x128xf32, #tpu.memory_space<vmem>>
      %dma_start3A_525 = arith.constant 0 : i32
      %dma_start3A_526 = tpu.memref_slice %arg3[%dma_start3A_525, %multiple_of3A_518] : memref<64x1000000xf32, #tpu.memory_space<hbm>> -> memref<64x128xf32, #tpu.memory_space<hbm>>
      %dma_start3A_527 = arith.constant 0 : i32
      %dma_start3A_528 = arith.constant 0 : i32
      %dma_start3A_529 = tpu.memref_slice %arg7[%dma_start3A_519, %dma_start3A_520, %dma_start3A_527, %dma_start3A_528] : memref<4x2x64x128xf32, #tpu.memory_space<vmem>> -> memref<1x1x64x128xf32, #tpu.memory_space<vmem>>
      %dma_start3A_530 = tpu.memref_squeeze %dma_start3A_529 : memref<1x1x64x128xf32, #tpu.memory_space<vmem>> -> memref<64x128xf32, #tpu.memory_space<vmem>>
      %dma_start3A_531 = arith.constant 0 : i32
      %dma_start3A_532 = tpu.memref_slice %arg3[%dma_start3A_531, %multiple_of3A_518] : memref<64x1000000xf32, #tpu.memory_space<hbm>> -> memref<64x128xf32, #tpu.memory_space<hbm>>
      tpu.enqueue_dma source(%dma_start3A_532 : memref<64x128xf32, #tpu.memory_space<hbm>>) target(%dma_start3A_530 : memref<64x128xf32, #tpu.memory_space<vmem>>) target_semaphore(%arg10 : memref<!tpu.dma_semaphore, #tpu.memory_space<semaphore_mem>>)
      %dma_wait3A_533 = arith.constant 2 : i32
      %dma_wait3A_534 = arith.constant 0 : i32
      %dma_wait3A_535 = arith.constant 0 : i32
      %dma_wait3A_536 = arith.constant 0 : i32
      %dma_wait3A_537 = tpu.memref_slice %arg7[%dma_wait3A_533, %dma_wait3A_534, %dma_wait3A_535, %dma_wait3A_536] : memref<4x2x64x128xf32, #tpu.memory_space<vmem>> -> memref<1x1x64x128xf32, #tpu.memory_space<vmem>>
      %dma_wait3A_538 = tpu.memref_squeeze %dma_wait3A_537 : memref<1x1x64x128xf32, #tpu.memory_space<vmem>> -> memref<64x128xf32, #tpu.memory_space<vmem>>
      %dma_wait3A_539 = arith.constant 0 : i32
      %dma_wait3A_540 = tpu.memref_slice %arg3[%dma_wait3A_539, %multiple_of3A_110] : memref<64x1000000xf32, #tpu.memory_space<hbm>> -> memref<64x128xf32, #tpu.memory_space<hbm>>
      %dma_wait3A_541 = arith.constant 0 : i32
      %dma_wait3A_542 = arith.constant 0 : i32
      %dma_wait3A_543 = tpu.memref_slice %arg7[%dma_wait3A_533, %dma_wait3A_534, %dma_wait3A_541, %dma_wait3A_542] : memref<4x2x64x128xf32, #tpu.memory_space<vmem>> -> memref<1x1x64x128xf32, #tpu.memory_space<vmem>>
      %dma_wait3A_544 = tpu.memref_squeeze %dma_wait3A_543 : memref<1x1x64x128xf32, #tpu.memory_space<vmem>> -> memref<64x128xf32, #tpu.memory_space<vmem>>
      %dma_wait3A_545 = arith.constant 0 : i32
      %dma_wait3A_546 = tpu.memref_slice %arg3[%dma_wait3A_545, %multiple_of3A_110] : memref<64x1000000xf32, #tpu.memory_space<hbm>> -> memref<64x128xf32, #tpu.memory_space<hbm>>
      tpu.wait_dma2 semaphore(%arg11 : memref<!tpu.dma_semaphore, #tpu.memory_space<semaphore_mem>>) src(%dma_wait3A_546 : memref<64x128xf32, #tpu.memory_space<hbm>>) dst(%dma_wait3A_544 : memref<64x128xf32, #tpu.memory_space<vmem>>)
      %dma_wait3A_547 = arith.constant 2 : i32
      %dma_wait3A_548 = arith.constant 1 : i32
      %dma_wait3A_549 = arith.constant 0 : i32
      %dma_wait3A_550 = arith.constant 0 : i32
      %dma_wait3A_551 = tpu.memref_slice %arg7[%dma_wait3A_547, %dma_wait3A_548, %dma_wait3A_549, %dma_wait3A_550] : memref<4x2x64x128xf32, #tpu.memory_space<vmem>> -> memref<1x1x64x128xf32, #tpu.memory_space<vmem>>
      %dma_wait3A_552 = tpu.memref_squeeze %dma_wait3A_551 : memref<1x1x64x128xf32, #tpu.memory_space<vmem>> -> memref<64x128xf32, #tpu.memory_space<vmem>>
      %dma_wait3A_553 = arith.constant 0 : i32
      %dma_wait3A_554 = tpu.memref_slice %arg3[%dma_wait3A_553, %multiple_of3A_131] : memref<64x1000000xf32, #tpu.memory_space<hbm>> -> memref<64x128xf32, #tpu.memory_space<hbm>>
      %dma_wait3A_555 = arith.constant 0 : i32
      %dma_wait3A_556 = arith.constant 0 : i32
      %dma_wait3A_557 = tpu.memref_slice %arg7[%dma_wait3A_547, %dma_wait3A_548, %dma_wait3A_555, %dma_wait3A_556] : memref<4x2x64x128xf32, #tpu.memory_space<vmem>> -> memref<1x1x64x128xf32, #tpu.memory_space<vmem>>
      %dma_wait3A_558 = tpu.memref_squeeze %dma_wait3A_557 : memref<1x1x64x128xf32, #tpu.memory_space<vmem>> -> memref<64x128xf32, #tpu.memory_space<vmem>>
      %dma_wait3A_559 = arith.constant 0 : i32
      %dma_wait3A_560 = tpu.memref_slice %arg3[%dma_wait3A_559, %multiple_of3A_131] : memref<64x1000000xf32, #tpu.memory_space<hbm>> -> memref<64x128xf32, #tpu.memory_space<hbm>>
      tpu.wait_dma2 semaphore(%arg11 : memref<!tpu.dma_semaphore, #tpu.memory_space<semaphore_mem>>) src(%dma_wait3A_560 : memref<64x128xf32, #tpu.memory_space<hbm>>) dst(%dma_wait3A_558 : memref<64x128xf32, #tpu.memory_space<vmem>>)
      %slice3A_561 = vector.extract_strided_slice %get3A_18 {offsets = [4], sizes = [1], strides = [1]} : vector<16xi32> to vector<1xi32>
      %squeeze3A_562 = vector.extract %slice3A_561[0] : i32 from vector<1xi32>
      %mul3A_563 = arith.constant 32 : i32
      %mul3A_564 = arith.muli %scan3A_13, %mul3A_563 : i32
      %add3A_565 = arith.constant 4 : i32
      %add3A_566 = arith.addi %mul3A_564, %add3A_565 : i32
      %add3A_567 = arith.constant 0 : i32
      %add3A_568 = arith.addi %add3A_566, %add3A_567 : i32
      %and3A_569 = arith.constant 127 : i32
      %and3A_570 = arith.andi %squeeze3A_562, %and3A_569 : i32
      %broadcast_in_dim3A_571 = vector.broadcast %and3A_570 : i32 to vector<16xi32>
      %broadcast_in_dim3A_572 = vector.broadcast %add3A_568 : i32 to vector<16xi32>
      %add3A_573 = arith.constant 0 : i32
      %add3A_574 = vector.broadcast %add3A_573 : i32 to vector<16xi32>
      %add3A_575 = arith.addi %iota3A, %add3A_574 : vector<16xi32>
      %gather3A_576 = arith.constant 2 : i32
      %gather3A_577 = arith.constant 0 : i32
      %gather3A_578 = arith.constant 0 : i32
      %gather3A_579 = arith.constant 0 : i32
      %gather3A_580 = tpu.memref_slice %arg7[%gather3A_576, %gather3A_577, %gather3A_578, %gather3A_579] : memref<4x2x64x128xf32, #tpu.memory_space<vmem>> -> memref<1x1x64x128xf32, #tpu.memory_space<vmem>>
      %gather3A_581 = tpu.memref_squeeze %gather3A_580 : memref<1x1x64x128xf32, #tpu.memory_space<vmem>> -> memref<64x128xf32, #tpu.memory_space<vmem>>
      %gather3A_582 = tpu.vector_load_idx %gather3A_581[%add3A_575, %broadcast_in_dim3A_571] : memref<64x128xf32, #tpu.memory_space<vmem>>[vector<16xi32>, vector<16xi32>], vector<16xf32>,
      tpu.vector_store_idx %arg8[%add3A_575, %broadcast_in_dim3A_572], %gather3A_582 {add = true} : memref<64x256xf32, #tpu.memory_space<vmem>>[vector<16xi32>, vector<16xi32>], vector<16xf32>,
      %add3A_583 = arith.constant 16 : i32
      %add3A_584 = vector.broadcast %add3A_583 : i32 to vector<16xi32>
      %add3A_585 = arith.addi %iota3A, %add3A_584 : vector<16xi32>
      %gather3A_586 = arith.constant 2 : i32
      %gather3A_587 = arith.constant 0 : i32
      %gather3A_588 = arith.constant 0 : i32
      %gather3A_589 = arith.constant 0 : i32
      %gather3A_590 = tpu.memref_slice %arg7[%gather3A_586, %gather3A_587, %gather3A_588, %gather3A_589] : memref<4x2x64x128xf32, #tpu.memory_space<vmem>> -> memref<1x1x64x128xf32, #tpu.memory_space<vmem>>
      %gather3A_591 = tpu.memref_squeeze %gather3A_590 : memref<1x1x64x128xf32, #tpu.memory_space<vmem>> -> memref<64x128xf32, #tpu.memory_space<vmem>>
      %gather3A_592 = tpu.vector_load_idx %gather3A_591[%add3A_585, %broadcast_in_dim3A_571] : memref<64x128xf32, #tpu.memory_space<vmem>>[vector<16xi32>, vector<16xi32>], vector<16xf32>,
      tpu.vector_store_idx %arg8[%add3A_585, %broadcast_in_dim3A_572], %gather3A_592 {add = true} : memref<64x256xf32, #tpu.memory_space<vmem>>[vector<16xi32>, vector<16xi32>], vector<16xf32>,
      %add3A_593 = arith.constant 32 : i32
      %add3A_594 = vector.broadcast %add3A_593 : i32 to vector<16xi32>
      %add3A_595 = arith.addi %iota3A, %add3A_594 : vector<16xi32>
      %gather3A_596 = arith.constant 2 : i32
      %gather3A_597 = arith.constant 0 : i32
      %gather3A_598 = arith.constant 0 : i32
      %gather3A_599 = arith.constant 0 : i32
      %gather3A_600 = tpu.memref_slice %arg7[%gather3A_596, %gather3A_597, %gather3A_598, %gather3A_599] : memref<4x2x64x128xf32, #tpu.memory_space<vmem>> -> memref<1x1x64x128xf32, #tpu.memory_space<vmem>>
      %gather3A_601 = tpu.memref_squeeze %gather3A_600 : memref<1x1x64x128xf32, #tpu.memory_space<vmem>> -> memref<64x128xf32, #tpu.memory_space<vmem>>
      %gather3A_602 = tpu.vector_load_idx %gather3A_601[%add3A_595, %broadcast_in_dim3A_571] : memref<64x128xf32, #tpu.memory_space<vmem>>[vector<16xi32>, vector<16xi32>], vector<16xf32>,
      tpu.vector_store_idx %arg8[%add3A_595, %broadcast_in_dim3A_572], %gather3A_602 {add = true} : memref<64x256xf32, #tpu.memory_space<vmem>>[vector<16xi32>, vector<16xi32>], vector<16xf32>,
      %add3A_603 = arith.constant 48 : i32
      %add3A_604 = vector.broadcast %add3A_603 : i32 to vector<16xi32>
      %add3A_605 = arith.addi %iota3A, %add3A_604 : vector<16xi32>
      %gather3A_606 = arith.constant 2 : i32
      %gather3A_607 = arith.constant 0 : i32
      %gather3A_608 = arith.constant 0 : i32
      %gather3A_609 = arith.constant 0 : i32
      %gather3A_610 = tpu.memref_slice %arg7[%gather3A_606, %gather3A_607, %gather3A_608, %gather3A_609] : memref<4x2x64x128xf32, #tpu.memory_space<vmem>> -> memref<1x1x64x128xf32, #tpu.memory_space<vmem>>
      %gather3A_611 = tpu.memref_squeeze %gather3A_610 : memref<1x1x64x128xf32, #tpu.memory_space<vmem>> -> memref<64x128xf32, #tpu.memory_space<vmem>>
      %gather3A_612 = tpu.vector_load_idx %gather3A_611[%add3A_605, %broadcast_in_dim3A_571] : memref<64x128xf32, #tpu.memory_space<vmem>>[vector<16xi32>, vector<16xi32>], vector<16xf32>,
      tpu.vector_store_idx %arg8[%add3A_605, %broadcast_in_dim3A_572], %gather3A_612 {add = true} : memref<64x256xf32, #tpu.memory_space<vmem>>[vector<16xi32>, vector<16xi32>], vector<16xf32>,
      %slice3A_613 = vector.extract_strided_slice %get3A_18 {offsets = [5], sizes = [1], strides = [1]} : vector<16xi32> to vector<1xi32>
      %squeeze3A_614 = vector.extract %slice3A_613[0] : i32 from vector<1xi32>
      %mul3A_615 = arith.constant 32 : i32
      %mul3A_616 = arith.muli %scan3A_13, %mul3A_615 : i32
      %add3A_617 = arith.constant 4 : i32
      %add3A_618 = arith.addi %mul3A_616, %add3A_617 : i32
      %add3A_619 = arith.constant 1 : i32
      %add3A_620 = arith.addi %add3A_618, %add3A_619 : i32
      %and3A_621 = arith.constant 127 : i32
      %and3A_622 = arith.andi %squeeze3A_614, %and3A_621 : i32
      %broadcast_in_dim3A_623 = vector.broadcast %and3A_622 : i32 to vector<16xi32>
      %broadcast_in_dim3A_624 = vector.broadcast %add3A_620 : i32 to vector<16xi32>
      %add3A_625 = arith.constant 0 : i32
      %add3A_626 = vector.broadcast %add3A_625 : i32 to vector<16xi32>
      %add3A_627 = arith.addi %iota3A, %add3A_626 : vector<16xi32>
      %gather3A_628 = arith.constant 2 : i32
      %gather3A_629 = arith.constant 1 : i32
      %gather3A_630 = arith.constant 0 : i32
      %gather3A_631 = arith.constant 0 : i32
      %gather3A_632 = tpu.memref_slice %arg7[%gather3A_628, %gather3A_629, %gather3A_630, %gather3A_631] : memref<4x2x64x128xf32, #tpu.memory_space<vmem>> -> memref<1x1x64x128xf32, #tpu.memory_space<vmem>>
      %gather3A_633 = tpu.memref_squeeze %gather3A_632 : memref<1x1x64x128xf32, #tpu.memory_space<vmem>> -> memref<64x128xf32, #tpu.memory_space<vmem>>
      %gather3A_634 = tpu.vector_load_idx %gather3A_633[%add3A_627, %broadcast_in_dim3A_623] : memref<64x128xf32, #tpu.memory_space<vmem>>[vector<16xi32>, vector<16xi32>], vector<16xf32>,
      tpu.vector_store_idx %arg8[%add3A_627, %broadcast_in_dim3A_624], %gather3A_634 {add = true} : memref<64x256xf32, #tpu.memory_space<vmem>>[vector<16xi32>, vector<16xi32>], vector<16xf32>,
      %add3A_635 = arith.constant 16 : i32
      %add3A_636 = vector.broadcast %add3A_635 : i32 to vector<16xi32>
      %add3A_637 = arith.addi %iota3A, %add3A_636 : vector<16xi32>
      %gather3A_638 = arith.constant 2 : i32
      %gather3A_639 = arith.constant 1 : i32
      %gather3A_640 = arith.constant 0 : i32
      %gather3A_641 = arith.constant 0 : i32
      %gather3A_642 = tpu.memref_slice %arg7[%gather3A_638, %gather3A_639, %gather3A_640, %gather3A_641] : memref<4x2x64x128xf32, #tpu.memory_space<vmem>> -> memref<1x1x64x128xf32, #tpu.memory_space<vmem>>
      %gather3A_643 = tpu.memref_squeeze %gather3A_642 : memref<1x1x64x128xf32, #tpu.memory_space<vmem>> -> memref<64x128xf32, #tpu.memory_space<vmem>>
      %gather3A_644 = tpu.vector_load_idx %gather3A_643[%add3A_637, %broadcast_in_dim3A_623] : memref<64x128xf32, #tpu.memory_space<vmem>>[vector<16xi32>, vector<16xi32>], vector<16xf32>,
      tpu.vector_store_idx %arg8[%add3A_637, %broadcast_in_dim3A_624], %gather3A_644 {add = true} : memref<64x256xf32, #tpu.memory_space<vmem>>[vector<16xi32>, vector<16xi32>], vector<16xf32>,
      %add3A_645 = arith.constant 32 : i32
      %add3A_646 = vector.broadcast %add3A_645 : i32 to vector<16xi32>
      %add3A_647 = arith.addi %iota3A, %add3A_646 : vector<16xi32>
      %gather3A_648 = arith.constant 2 : i32
      %gather3A_649 = arith.constant 1 : i32
      %gather3A_650 = arith.constant 0 : i32
      %gather3A_651 = arith.constant 0 : i32
      %gather3A_652 = tpu.memref_slice %arg7[%gather3A_648, %gather3A_649, %gather3A_650, %gather3A_651] : memref<4x2x64x128xf32, #tpu.memory_space<vmem>> -> memref<1x1x64x128xf32, #tpu.memory_space<vmem>>
      %gather3A_653 = tpu.memref_squeeze %gather3A_652 : memref<1x1x64x128xf32, #tpu.memory_space<vmem>> -> memref<64x128xf32, #tpu.memory_space<vmem>>
      %gather3A_654 = tpu.vector_load_idx %gather3A_653[%add3A_647, %broadcast_in_dim3A_623] : memref<64x128xf32, #tpu.memory_space<vmem>>[vector<16xi32>, vector<16xi32>], vector<16xf32>,
      tpu.vector_store_idx %arg8[%add3A_647, %broadcast_in_dim3A_624], %gather3A_654 {add = true} : memref<64x256xf32, #tpu.memory_space<vmem>>[vector<16xi32>, vector<16xi32>], vector<16xf32>,
      %add3A_655 = arith.constant 48 : i32
      %add3A_656 = vector.broadcast %add3A_655 : i32 to vector<16xi32>
      %add3A_657 = arith.addi %iota3A, %add3A_656 : vector<16xi32>
      %gather3A_658 = arith.constant 2 : i32
      %gather3A_659 = arith.constant 1 : i32
      %gather3A_660 = arith.constant 0 : i32
      %gather3A_661 = arith.constant 0 : i32
      %gather3A_662 = tpu.memref_slice %arg7[%gather3A_658, %gather3A_659, %gather3A_660, %gather3A_661] : memref<4x2x64x128xf32, #tpu.memory_space<vmem>> -> memref<1x1x64x128xf32, #tpu.memory_space<vmem>>
      %gather3A_663 = tpu.memref_squeeze %gather3A_662 : memref<1x1x64x128xf32, #tpu.memory_space<vmem>> -> memref<64x128xf32, #tpu.memory_space<vmem>>
      %gather3A_664 = tpu.vector_load_idx %gather3A_663[%add3A_657, %broadcast_in_dim3A_623] : memref<64x128xf32, #tpu.memory_space<vmem>>[vector<16xi32>, vector<16xi32>], vector<16xf32>,
      tpu.vector_store_idx %arg8[%add3A_657, %broadcast_in_dim3A_624], %gather3A_664 {add = true} : memref<64x256xf32, #tpu.memory_space<vmem>>[vector<16xi32>, vector<16xi32>], vector<16xf32>,
      %slice3A_665 = vector.extract_strided_slice %get3A_18 {offsets = [12], sizes = [1], strides = [1]} : vector<16xi32> to vector<1xi32>
      %squeeze3A_666 = vector.extract %slice3A_665[0] : i32 from vector<1xi32>
      %shift_right_arithmetic3A_667 = arith.constant 7 : i32
      %shift_right_arithmetic3A_668 = arith.shrsi %squeeze3A_666, %shift_right_arithmetic3A_667 : i32
      %shift_left3A_669 = arith.constant 7 : i32
      %shift_left3A_670 = arith.shli %shift_right_arithmetic3A_668, %shift_left3A_669 : i32
      %multiple_of3A_671 = tpu.assume_multiple %shift_left3A_670, 128 : i32
      %dma_start3A_672 = arith.constant 2 : i32
      %dma_start3A_673 = arith.constant 0 : i32
      %dma_start3A_674 = arith.constant 0 : i32
      %dma_start3A_675 = arith.constant 0 : i32
      %dma_start3A_676 = tpu.memref_slice %arg7[%dma_start3A_672, %dma_start3A_673, %dma_start3A_674, %dma_start3A_675] : memref<4x2x64x128xf32, #tpu.memory_space<vmem>> -> memref<1x1x64x128xf32, #tpu.memory_space<vmem>>
      %dma_start3A_677 = tpu.memref_squeeze %dma_start3A_676 : memref<1x1x64x128xf32, #tpu.memory_space<vmem>> -> memref<64x128xf32, #tpu.memory_space<vmem>>
      %dma_start3A_678 = arith.constant 0 : i32
      %dma_start3A_679 = tpu.memref_slice %arg3[%dma_start3A_678, %multiple_of3A_671] : memref<64x1000000xf32, #tpu.memory_space<hbm>> -> memref<64x128xf32, #tpu.memory_space<hbm>>
      %dma_start3A_680 = arith.constant 0 : i32
      %dma_start3A_681 = arith.constant 0 : i32
      %dma_start3A_682 = tpu.memref_slice %arg7[%dma_start3A_672, %dma_start3A_673, %dma_start3A_680, %dma_start3A_681] : memref<4x2x64x128xf32, #tpu.memory_space<vmem>> -> memref<1x1x64x128xf32, #tpu.memory_space<vmem>>
      %dma_start3A_683 = tpu.memref_squeeze %dma_start3A_682 : memref<1x1x64x128xf32, #tpu.memory_space<vmem>> -> memref<64x128xf32, #tpu.memory_space<vmem>>
      %dma_start3A_684 = arith.constant 0 : i32
      %dma_start3A_685 = tpu.memref_slice %arg3[%dma_start3A_684, %multiple_of3A_671] : memref<64x1000000xf32, #tpu.memory_space<hbm>> -> memref<64x128xf32, #tpu.memory_space<hbm>>
      tpu.enqueue_dma source(%dma_start3A_685 : memref<64x128xf32, #tpu.memory_space<hbm>>) target(%dma_start3A_683 : memref<64x128xf32, #tpu.memory_space<vmem>>) target_semaphore(%arg11 : memref<!tpu.dma_semaphore, #tpu.memory_space<semaphore_mem>>)
      %slice3A_686 = vector.extract_strided_slice %get3A_18 {offsets = [13], sizes = [1], strides = [1]} : vector<16xi32> to vector<1xi32>
      %squeeze3A_687 = vector.extract %slice3A_686[0] : i32 from vector<1xi32>
      %shift_right_arithmetic3A_688 = arith.constant 7 : i32
      %shift_right_arithmetic3A_689 = arith.shrsi %squeeze3A_687, %shift_right_arithmetic3A_688 : i32
      %shift_left3A_690 = arith.constant 7 : i32
      %shift_left3A_691 = arith.shli %shift_right_arithmetic3A_689, %shift_left3A_690 : i32
      %multiple_of3A_692 = tpu.assume_multiple %shift_left3A_691, 128 : i32
      %dma_start3A_693 = arith.constant 2 : i32
      %dma_start3A_694 = arith.constant 1 : i32
      %dma_start3A_695 = arith.constant 0 : i32
      %dma_start3A_696 = arith.constant 0 : i32
      %dma_start3A_697 = tpu.memref_slice %arg7[%dma_start3A_693, %dma_start3A_694, %dma_start3A_695, %dma_start3A_696] : memref<4x2x64x128xf32, #tpu.memory_space<vmem>> -> memref<1x1x64x128xf32, #tpu.memory_space<vmem>>
      %dma_start3A_698 = tpu.memref_squeeze %dma_start3A_697 : memref<1x1x64x128xf32, #tpu.memory_space<vmem>> -> memref<64x128xf32, #tpu.memory_space<vmem>>
      %dma_start3A_699 = arith.constant 0 : i32
      %dma_start3A_700 = tpu.memref_slice %arg3[%dma_start3A_699, %multiple_of3A_692] : memref<64x1000000xf32, #tpu.memory_space<hbm>> -> memref<64x128xf32, #tpu.memory_space<hbm>>
      %dma_start3A_701 = arith.constant 0 : i32
      %dma_start3A_702 = arith.constant 0 : i32
      %dma_start3A_703 = tpu.memref_slice %arg7[%dma_start3A_693, %dma_start3A_694, %dma_start3A_701, %dma_start3A_702] : memref<4x2x64x128xf32, #tpu.memory_space<vmem>> -> memref<1x1x64x128xf32, #tpu.memory_space<vmem>>
      %dma_start3A_704 = tpu.memref_squeeze %dma_start3A_703 : memref<1x1x64x128xf32, #tpu.memory_space<vmem>> -> memref<64x128xf32, #tpu.memory_space<vmem>>
      %dma_start3A_705 = arith.constant 0 : i32
      %dma_start3A_706 = tpu.memref_slice %arg3[%dma_start3A_705, %multiple_of3A_692] : memref<64x1000000xf32, #tpu.memory_space<hbm>> -> memref<64x128xf32, #tpu.memory_space<hbm>>
      tpu.enqueue_dma source(%dma_start3A_706 : memref<64x128xf32, #tpu.memory_space<hbm>>) target(%dma_start3A_704 : memref<64x128xf32, #tpu.memory_space<vmem>>) target_semaphore(%arg11 : memref<!tpu.dma_semaphore, #tpu.memory_space<semaphore_mem>>)
      %dma_wait3A_707 = arith.constant 3 : i32
      %dma_wait3A_708 = arith.constant 0 : i32
      %dma_wait3A_709 = arith.constant 0 : i32
      %dma_wait3A_710 = arith.constant 0 : i32
      %dma_wait3A_711 = tpu.memref_slice %arg7[%dma_wait3A_707, %dma_wait3A_708, %dma_wait3A_709, %dma_wait3A_710] : memref<4x2x64x128xf32, #tpu.memory_space<vmem>> -> memref<1x1x64x128xf32, #tpu.memory_space<vmem>>
      %dma_wait3A_712 = tpu.memref_squeeze %dma_wait3A_711 : memref<1x1x64x128xf32, #tpu.memory_space<vmem>> -> memref<64x128xf32, #tpu.memory_space<vmem>>
      %dma_wait3A_713 = arith.constant 0 : i32
      %dma_wait3A_714 = tpu.memref_slice %arg3[%dma_wait3A_713, %multiple_of3A_152] : memref<64x1000000xf32, #tpu.memory_space<hbm>> -> memref<64x128xf32, #tpu.memory_space<hbm>>
      %dma_wait3A_715 = arith.constant 0 : i32
      %dma_wait3A_716 = arith.constant 0 : i32
      %dma_wait3A_717 = tpu.memref_slice %arg7[%dma_wait3A_707, %dma_wait3A_708, %dma_wait3A_715, %dma_wait3A_716] : memref<4x2x64x128xf32, #tpu.memory_space<vmem>> -> memref<1x1x64x128xf32, #tpu.memory_space<vmem>>
      %dma_wait3A_718 = tpu.memref_squeeze %dma_wait3A_717 : memref<1x1x64x128xf32, #tpu.memory_space<vmem>> -> memref<64x128xf32, #tpu.memory_space<vmem>>
      %dma_wait3A_719 = arith.constant 0 : i32
      %dma_wait3A_720 = tpu.memref_slice %arg3[%dma_wait3A_719, %multiple_of3A_152] : memref<64x1000000xf32, #tpu.memory_space<hbm>> -> memref<64x128xf32, #tpu.memory_space<hbm>>
      tpu.wait_dma2 semaphore(%arg12 : memref<!tpu.dma_semaphore, #tpu.memory_space<semaphore_mem>>) src(%dma_wait3A_720 : memref<64x128xf32, #tpu.memory_space<hbm>>) dst(%dma_wait3A_718 : memref<64x128xf32, #tpu.memory_space<vmem>>)
      %dma_wait3A_721 = arith.constant 3 : i32
      %dma_wait3A_722 = arith.constant 1 : i32
      %dma_wait3A_723 = arith.constant 0 : i32
      %dma_wait3A_724 = arith.constant 0 : i32
      %dma_wait3A_725 = tpu.memref_slice %arg7[%dma_wait3A_721, %dma_wait3A_722, %dma_wait3A_723, %dma_wait3A_724] : memref<4x2x64x128xf32, #tpu.memory_space<vmem>> -> memref<1x1x64x128xf32, #tpu.memory_space<vmem>>
      %dma_wait3A_726 = tpu.memref_squeeze %dma_wait3A_725 : memref<1x1x64x128xf32, #tpu.memory_space<vmem>> -> memref<64x128xf32, #tpu.memory_space<vmem>>
      %dma_wait3A_727 = arith.constant 0 : i32
      %dma_wait3A_728 = tpu.memref_slice %arg3[%dma_wait3A_727, %multiple_of3A_173] : memref<64x1000000xf32, #tpu.memory_space<hbm>> -> memref<64x128xf32, #tpu.memory_space<hbm>>
      %dma_wait3A_729 = arith.constant 0 : i32
      %dma_wait3A_730 = arith.constant 0 : i32
      %dma_wait3A_731 = tpu.memref_slice %arg7[%dma_wait3A_721, %dma_wait3A_722, %dma_wait3A_729, %dma_wait3A_730] : memref<4x2x64x128xf32, #tpu.memory_space<vmem>> -> memref<1x1x64x128xf32, #tpu.memory_space<vmem>>
      %dma_wait3A_732 = tpu.memref_squeeze %dma_wait3A_731 : memref<1x1x64x128xf32, #tpu.memory_space<vmem>> -> memref<64x128xf32, #tpu.memory_space<vmem>>
      %dma_wait3A_733 = arith.constant 0 : i32
      %dma_wait3A_734 = tpu.memref_slice %arg3[%dma_wait3A_733, %multiple_of3A_173] : memref<64x1000000xf32, #tpu.memory_space<hbm>> -> memref<64x128xf32, #tpu.memory_space<hbm>>
      tpu.wait_dma2 semaphore(%arg12 : memref<!tpu.dma_semaphore, #tpu.memory_space<semaphore_mem>>) src(%dma_wait3A_734 : memref<64x128xf32, #tpu.memory_space<hbm>>) dst(%dma_wait3A_732 : memref<64x128xf32, #tpu.memory_space<vmem>>)
      %slice3A_735 = vector.extract_strided_slice %get3A_18 {offsets = [6], sizes = [1], strides = [1]} : vector<16xi32> to vector<1xi32>
      %squeeze3A_736 = vector.extract %slice3A_735[0] : i32 from vector<1xi32>
      %mul3A_737 = arith.constant 32 : i32
      %mul3A_738 = arith.muli %scan3A_13, %mul3A_737 : i32
      %add3A_739 = arith.constant 6 : i32
      %add3A_740 = arith.addi %mul3A_738, %add3A_739 : i32
      %add3A_741 = arith.constant 0 : i32
      %add3A_742 = arith.addi %add3A_740, %add3A_741 : i32
      %and3A_743 = arith.constant 127 : i32
      %and3A_744 = arith.andi %squeeze3A_736, %and3A_743 : i32
      %broadcast_in_dim3A_745 = vector.broadcast %and3A_744 : i32 to vector<16xi32>
      %broadcast_in_dim3A_746 = vector.broadcast %add3A_742 : i32 to vector<16xi32>
      %add3A_747 = arith.constant 0 : i32
      %add3A_748 = vector.broadcast %add3A_747 : i32 to vector<16xi32>
      %add3A_749 = arith.addi %iota3A, %add3A_748 : vector<16xi32>
      %gather3A_750 = arith.constant 3 : i32
      %gather3A_751 = arith.constant 0 : i32
      %gather3A_752 = arith.constant 0 : i32
      %gather3A_753 = arith.constant 0 : i32
      %gather3A_754 = tpu.memref_slice %arg7[%gather3A_750, %gather3A_751, %gather3A_752, %gather3A_753] : memref<4x2x64x128xf32, #tpu.memory_space<vmem>> -> memref<1x1x64x128xf32, #tpu.memory_space<vmem>>
      %gather3A_755 = tpu.memref_squeeze %gather3A_754 : memref<1x1x64x128xf32, #tpu.memory_space<vmem>> -> memref<64x128xf32, #tpu.memory_space<vmem>>
      %gather3A_756 = tpu.vector_load_idx %gather3A_755[%add3A_749, %broadcast_in_dim3A_745] : memref<64x128xf32, #tpu.memory_space<vmem>>[vector<16xi32>, vector<16xi32>], vector<16xf32>,
      tpu.vector_store_idx %arg8[%add3A_749, %broadcast_in_dim3A_746], %gather3A_756 {add = true} : memref<64x256xf32, #tpu.memory_space<vmem>>[vector<16xi32>, vector<16xi32>], vector<16xf32>,
      %add3A_757 = arith.constant 16 : i32
      %add3A_758 = vector.broadcast %add3A_757 : i32 to vector<16xi32>
      %add3A_759 = arith.addi %iota3A, %add3A_758 : vector<16xi32>
      %gather3A_760 = arith.constant 3 : i32
      %gather3A_761 = arith.constant 0 : i32
      %gather3A_762 = arith.constant 0 : i32
      %gather3A_763 = arith.constant 0 : i32
      %gather3A_764 = tpu.memref_slice %arg7[%gather3A_760, %gather3A_761, %gather3A_762, %gather3A_763] : memref<4x2x64x128xf32, #tpu.memory_space<vmem>> -> memref<1x1x64x128xf32, #tpu.memory_space<vmem>>
      %gather3A_765 = tpu.memref_squeeze %gather3A_764 : memref<1x1x64x128xf32, #tpu.memory_space<vmem>> -> memref<64x128xf32, #tpu.memory_space<vmem>>
      %gather3A_766 = tpu.vector_load_idx %gather3A_765[%add3A_759, %broadcast_in_dim3A_745] : memref<64x128xf32, #tpu.memory_space<vmem>>[vector<16xi32>, vector<16xi32>], vector<16xf32>,
      tpu.vector_store_idx %arg8[%add3A_759, %broadcast_in_dim3A_746], %gather3A_766 {add = true} : memref<64x256xf32, #tpu.memory_space<vmem>>[vector<16xi32>, vector<16xi32>], vector<16xf32>,
      %add3A_767 = arith.constant 32 : i32
      %add3A_768 = vector.broadcast %add3A_767 : i32 to vector<16xi32>
      %add3A_769 = arith.addi %iota3A, %add3A_768 : vector<16xi32>
      %gather3A_770 = arith.constant 3 : i32
      %gather3A_771 = arith.constant 0 : i32
      %gather3A_772 = arith.constant 0 : i32
      %gather3A_773 = arith.constant 0 : i32
      %gather3A_774 = tpu.memref_slice %arg7[%gather3A_770, %gather3A_771, %gather3A_772, %gather3A_773] : memref<4x2x64x128xf32, #tpu.memory_space<vmem>> -> memref<1x1x64x128xf32, #tpu.memory_space<vmem>>
      %gather3A_775 = tpu.memref_squeeze %gather3A_774 : memref<1x1x64x128xf32, #tpu.memory_space<vmem>> -> memref<64x128xf32, #tpu.memory_space<vmem>>
      %gather3A_776 = tpu.vector_load_idx %gather3A_775[%add3A_769, %broadcast_in_dim3A_745] : memref<64x128xf32, #tpu.memory_space<vmem>>[vector<16xi32>, vector<16xi32>], vector<16xf32>,
      tpu.vector_store_idx %arg8[%add3A_769, %broadcast_in_dim3A_746], %gather3A_776 {add = true} : memref<64x256xf32, #tpu.memory_space<vmem>>[vector<16xi32>, vector<16xi32>], vector<16xf32>,
      %add3A_777 = arith.constant 48 : i32
      %add3A_778 = vector.broadcast %add3A_777 : i32 to vector<16xi32>
      %add3A_779 = arith.addi %iota3A, %add3A_778 : vector<16xi32>
      %gather3A_780 = arith.constant 3 : i32
      %gather3A_781 = arith.constant 0 : i32
      %gather3A_782 = arith.constant 0 : i32
      %gather3A_783 = arith.constant 0 : i32
      %gather3A_784 = tpu.memref_slice %arg7[%gather3A_780, %gather3A_781, %gather3A_782, %gather3A_783] : memref<4x2x64x128xf32, #tpu.memory_space<vmem>> -> memref<1x1x64x128xf32, #tpu.memory_space<vmem>>
      %gather3A_785 = tpu.memref_squeeze %gather3A_784 : memref<1x1x64x128xf32, #tpu.memory_space<vmem>> -> memref<64x128xf32, #tpu.memory_space<vmem>>
      %gather3A_786 = tpu.vector_load_idx %gather3A_785[%add3A_779, %broadcast_in_dim3A_745] : memref<64x128xf32, #tpu.memory_space<vmem>>[vector<16xi32>, vector<16xi32>], vector<16xf32>,
      tpu.vector_store_idx %arg8[%add3A_779, %broadcast_in_dim3A_746], %gather3A_786 {add = true} : memref<64x256xf32, #tpu.memory_space<vmem>>[vector<16xi32>, vector<16xi32>], vector<16xf32>,
      %slice3A_787 = vector.extract_strided_slice %get3A_18 {offsets = [7], sizes = [1], strides = [1]} : vector<16xi32> to vector<1xi32>
      %squeeze3A_788 = vector.extract %slice3A_787[0] : i32 from vector<1xi32>
      %mul3A_789 = arith.constant 32 : i32
      %mul3A_790 = arith.muli %scan3A_13, %mul3A_789 : i32
      %add3A_791 = arith.constant 6 : i32
      %add3A_792 = arith.addi %mul3A_790, %add3A_791 : i32
      %add3A_793 = arith.constant 1 : i32
      %add3A_794 = arith.addi %add3A_792, %add3A_793 : i32
      %and3A_795 = arith.constant 127 : i32
      %and3A_796 = arith.andi %squeeze3A_788, %and3A_795 : i32
      %broadcast_in_dim3A_797 = vector.broadcast %and3A_796 : i32 to vector<16xi32>
      %broadcast_in_dim3A_798 = vector.broadcast %add3A_794 : i32 to vector<16xi32>
      %add3A_799 = arith.constant 0 : i32
      %add3A_800 = vector.broadcast %add3A_799 : i32 to vector<16xi32>
      %add3A_801 = arith.addi %iota3A, %add3A_800 : vector<16xi32>
      %gather3A_802 = arith.constant 3 : i32
      %gather3A_803 = arith.constant 1 : i32
      %gather3A_804 = arith.constant 0 : i32
      %gather3A_805 = arith.constant 0 : i32
      %gather3A_806 = tpu.memref_slice %arg7[%gather3A_802, %gather3A_803, %gather3A_804, %gather3A_805] : memref<4x2x64x128xf32, #tpu.memory_space<vmem>> -> memref<1x1x64x128xf32, #tpu.memory_space<vmem>>
      %gather3A_807 = tpu.memref_squeeze %gather3A_806 : memref<1x1x64x128xf32, #tpu.memory_space<vmem>> -> memref<64x128xf32, #tpu.memory_space<vmem>>
      %gather3A_808 = tpu.vector_load_idx %gather3A_807[%add3A_801, %broadcast_in_dim3A_797] : memref<64x128xf32, #tpu.memory_space<vmem>>[vector<16xi32>, vector<16xi32>], vector<16xf32>,
      tpu.vector_store_idx %arg8[%add3A_801, %broadcast_in_dim3A_798], %gather3A_808 {add = true} : memref<64x256xf32, #tpu.memory_space<vmem>>[vector<16xi32>, vector<16xi32>], vector<16xf32>,
      %add3A_809 = arith.constant 16 : i32
      %add3A_810 = vector.broadcast %add3A_809 : i32 to vector<16xi32>
      %add3A_811 = arith.addi %iota3A, %add3A_810 : vector<16xi32>
      %gather3A_812 = arith.constant 3 : i32
      %gather3A_813 = arith.constant 1 : i32
      %gather3A_814 = arith.constant 0 : i32
      %gather3A_815 = arith.constant 0 : i32
      %gather3A_816 = tpu.memref_slice %arg7[%gather3A_812, %gather3A_813, %gather3A_814, %gather3A_815] : memref<4x2x64x128xf32, #tpu.memory_space<vmem>> -> memref<1x1x64x128xf32, #tpu.memory_space<vmem>>
      %gather3A_817 = tpu.memref_squeeze %gather3A_816 : memref<1x1x64x128xf32, #tpu.memory_space<vmem>> -> memref<64x128xf32, #tpu.memory_space<vmem>>
      %gather3A_818 = tpu.vector_load_idx %gather3A_817[%add3A_811, %broadcast_in_dim3A_797] : memref<64x128xf32, #tpu.memory_space<vmem>>[vector<16xi32>, vector<16xi32>], vector<16xf32>,
      tpu.vector_store_idx %arg8[%add3A_811, %broadcast_in_dim3A_798], %gather3A_818 {add = true} : memref<64x256xf32, #tpu.memory_space<vmem>>[vector<16xi32>, vector<16xi32>], vector<16xf32>,
      %add3A_819 = arith.constant 32 : i32
      %add3A_820 = vector.broadcast %add3A_819 : i32 to vector<16xi32>
      %add3A_821 = arith.addi %iota3A, %add3A_820 : vector<16xi32>
      %gather3A_822 = arith.constant 3 : i32
      %gather3A_823 = arith.constant 1 : i32
      %gather3A_824 = arith.constant 0 : i32
      %gather3A_825 = arith.constant 0 : i32
      %gather3A_826 = tpu.memref_slice %arg7[%gather3A_822, %gather3A_823, %gather3A_824, %gather3A_825] : memref<4x2x64x128xf32, #tpu.memory_space<vmem>> -> memref<1x1x64x128xf32, #tpu.memory_space<vmem>>
      %gather3A_827 = tpu.memref_squeeze %gather3A_826 : memref<1x1x64x128xf32, #tpu.memory_space<vmem>> -> memref<64x128xf32, #tpu.memory_space<vmem>>
      %gather3A_828 = tpu.vector_load_idx %gather3A_827[%add3A_821, %broadcast_in_dim3A_797] : memref<64x128xf32, #tpu.memory_space<vmem>>[vector<16xi32>, vector<16xi32>], vector<16xf32>,
      tpu.vector_store_idx %arg8[%add3A_821, %broadcast_in_dim3A_798], %gather3A_828 {add = true} : memref<64x256xf32, #tpu.memory_space<vmem>>[vector<16xi32>, vector<16xi32>], vector<16xf32>,
      %add3A_829 = arith.constant 48 : i32
      %add3A_830 = vector.broadcast %add3A_829 : i32 to vector<16xi32>
      %add3A_831 = arith.addi %iota3A, %add3A_830 : vector<16xi32>
      %gather3A_832 = arith.constant 3 : i32
      %gather3A_833 = arith.constant 1 : i32
      %gather3A_834 = arith.constant 0 : i32
      %gather3A_835 = arith.constant 0 : i32
      %gather3A_836 = tpu.memref_slice %arg7[%gather3A_832, %gather3A_833, %gather3A_834, %gather3A_835] : memref<4x2x64x128xf32, #tpu.memory_space<vmem>> -> memref<1x1x64x128xf32, #tpu.memory_space<vmem>>
      %gather3A_837 = tpu.memref_squeeze %gather3A_836 : memref<1x1x64x128xf32, #tpu.memory_space<vmem>> -> memref<64x128xf32, #tpu.memory_space<vmem>>
      %gather3A_838 = tpu.vector_load_idx %gather3A_837[%add3A_831, %broadcast_in_dim3A_797] : memref<64x128xf32, #tpu.memory_space<vmem>>[vector<16xi32>, vector<16xi32>], vector<16xf32>,
      tpu.vector_store_idx %arg8[%add3A_831, %broadcast_in_dim3A_798], %gather3A_838 {add = true} : memref<64x256xf32, #tpu.memory_space<vmem>>[vector<16xi32>, vector<16xi32>], vector<16xf32>,
      %slice3A_839 = vector.extract_strided_slice %get3A_18 {offsets = [14], sizes = [1], strides = [1]} : vector<16xi32> to vector<1xi32>
      %squeeze3A_840 = vector.extract %slice3A_839[0] : i32 from vector<1xi32>
      %shift_right_arithmetic3A_841 = arith.constant 7 : i32
      %shift_right_arithmetic3A_842 = arith.shrsi %squeeze3A_840, %shift_right_arithmetic3A_841 : i32
      %shift_left3A_843 = arith.constant 7 : i32
      %shift_left3A_844 = arith.shli %shift_right_arithmetic3A_842, %shift_left3A_843 : i32
      %multiple_of3A_845 = tpu.assume_multiple %shift_left3A_844, 128 : i32
      %dma_start3A_846 = arith.constant 3 : i32
      %dma_start3A_847 = arith.constant 0 : i32
      %dma_start3A_848 = arith.constant 0 : i32
      %dma_start3A_849 = arith.constant 0 : i32
      %dma_start3A_850 = tpu.memref_slice %arg7[%dma_start3A_846, %dma_start3A_847, %dma_start3A_848, %dma_start3A_849] : memref<4x2x64x128xf32, #tpu.memory_space<vmem>> -> memref<1x1x64x128xf32, #tpu.memory_space<vmem>>
      %dma_start3A_851 = tpu.memref_squeeze %dma_start3A_850 : memref<1x1x64x128xf32, #tpu.memory_space<vmem>> -> memref<64x128xf32, #tpu.memory_space<vmem>>
      %dma_start3A_852 = arith.constant 0 : i32
      %dma_start3A_853 = tpu.memref_slice %arg3[%dma_start3A_852, %multiple_of3A_845] : memref<64x1000000xf32, #tpu.memory_space<hbm>> -> memref<64x128xf32, #tpu.memory_space<hbm>>
      %dma_start3A_854 = arith.constant 0 : i32
      %dma_start3A_855 = arith.constant 0 : i32
      %dma_start3A_856 = tpu.memref_slice %arg7[%dma_start3A_846, %dma_start3A_847, %dma_start3A_854, %dma_start3A_855] : memref<4x2x64x128xf32, #tpu.memory_space<vmem>> -> memref<1x1x64x128xf32, #tpu.memory_space<vmem>>
      %dma_start3A_857 = tpu.memref_squeeze %dma_start3A_856 : memref<1x1x64x128xf32, #tpu.memory_space<vmem>> -> memref<64x128xf32, #tpu.memory_space<vmem>>
      %dma_start3A_858 = arith.constant 0 : i32
      %dma_start3A_859 = tpu.memref_slice %arg3[%dma_start3A_858, %multiple_of3A_845] : memref<64x1000000xf32, #tpu.memory_space<hbm>> -> memref<64x128xf32, #tpu.memory_space<hbm>>
      tpu.enqueue_dma source(%dma_start3A_859 : memref<64x128xf32, #tpu.memory_space<hbm>>) target(%dma_start3A_857 : memref<64x128xf32, #tpu.memory_space<vmem>>) target_semaphore(%arg12 : memref<!tpu.dma_semaphore, #tpu.memory_space<semaphore_mem>>)
      %slice3A_860 = vector.extract_strided_slice %get3A_18 {offsets = [15], sizes = [1], strides = [1]} : vector<16xi32> to vector<1xi32>
      %squeeze3A_861 = vector.extract %slice3A_860[0] : i32 from vector<1xi32>
      %shift_right_arithmetic3A_862 = arith.constant 7 : i32
      %shift_right_arithmetic3A_863 = arith.shrsi %squeeze3A_861, %shift_right_arithmetic3A_862 : i32
      %shift_left3A_864 = arith.constant 7 : i32
      %shift_left3A_865 = arith.shli %shift_right_arithmetic3A_863, %shift_left3A_864 : i32
      %multiple_of3A_866 = tpu.assume_multiple %shift_left3A_865, 128 : i32
      %dma_start3A_867 = arith.constant 3 : i32
      %dma_start3A_868 = arith.constant 1 : i32
      %dma_start3A_869 = arith.constant 0 : i32
      %dma_start3A_870 = arith.constant 0 : i32
      %dma_start3A_871 = tpu.memref_slice %arg7[%dma_start3A_867, %dma_start3A_868, %dma_start3A_869, %dma_start3A_870] : memref<4x2x64x128xf32, #tpu.memory_space<vmem>> -> memref<1x1x64x128xf32, #tpu.memory_space<vmem>>
      %dma_start3A_872 = tpu.memref_squeeze %dma_start3A_871 : memref<1x1x64x128xf32, #tpu.memory_space<vmem>> -> memref<64x128xf32, #tpu.memory_space<vmem>>
      %dma_start3A_873 = arith.constant 0 : i32
      %dma_start3A_874 = tpu.memref_slice %arg3[%dma_start3A_873, %multiple_of3A_866] : memref<64x1000000xf32, #tpu.memory_space<hbm>> -> memref<64x128xf32, #tpu.memory_space<hbm>>
      %dma_start3A_875 = arith.constant 0 : i32
      %dma_start3A_876 = arith.constant 0 : i32
      %dma_start3A_877 = tpu.memref_slice %arg7[%dma_start3A_867, %dma_start3A_868, %dma_start3A_875, %dma_start3A_876] : memref<4x2x64x128xf32, #tpu.memory_space<vmem>> -> memref<1x1x64x128xf32, #tpu.memory_space<vmem>>
      %dma_start3A_878 = tpu.memref_squeeze %dma_start3A_877 : memref<1x1x64x128xf32, #tpu.memory_space<vmem>> -> memref<64x128xf32, #tpu.memory_space<vmem>>
      %dma_start3A_879 = arith.constant 0 : i32
      %dma_start3A_880 = tpu.memref_slice %arg3[%dma_start3A_879, %multiple_of3A_866] : memref<64x1000000xf32, #tpu.memory_space<hbm>> -> memref<64x128xf32, #tpu.memory_space<hbm>>
      tpu.enqueue_dma source(%dma_start3A_880 : memref<64x128xf32, #tpu.memory_space<hbm>>) target(%dma_start3A_878 : memref<64x128xf32, #tpu.memory_space<vmem>>) target_semaphore(%arg12 : memref<!tpu.dma_semaphore, #tpu.memory_space<semaphore_mem>>)
      %dma_wait3A_881 = arith.constant 0 : i32
      %dma_wait3A_882 = arith.constant 0 : i32
      %dma_wait3A_883 = arith.constant 0 : i32
      %dma_wait3A_884 = arith.constant 0 : i32
      %dma_wait3A_885 = tpu.memref_slice %arg7[%dma_wait3A_881, %dma_wait3A_882, %dma_wait3A_883, %dma_wait3A_884] : memref<4x2x64x128xf32, #tpu.memory_space<vmem>> -> memref<1x1x64x128xf32, #tpu.memory_space<vmem>>
      %dma_wait3A_886 = tpu.memref_squeeze %dma_wait3A_885 : memref<1x1x64x128xf32, #tpu.memory_space<vmem>> -> memref<64x128xf32, #tpu.memory_space<vmem>>
      %dma_wait3A_887 = arith.constant 0 : i32
      %dma_wait3A_888 = tpu.memref_slice %arg3[%dma_wait3A_887, %multiple_of3A_323] : memref<64x1000000xf32, #tpu.memory_space<hbm>> -> memref<64x128xf32, #tpu.memory_space<hbm>>
      %dma_wait3A_889 = arith.constant 0 : i32
      %dma_wait3A_890 = arith.constant 0 : i32
      %dma_wait3A_891 = tpu.memref_slice %arg7[%dma_wait3A_881, %dma_wait3A_882, %dma_wait3A_889, %dma_wait3A_890] : memref<4x2x64x128xf32, #tpu.memory_space<vmem>> -> memref<1x1x64x128xf32, #tpu.memory_space<vmem>>
      %dma_wait3A_892 = tpu.memref_squeeze %dma_wait3A_891 : memref<1x1x64x128xf32, #tpu.memory_space<vmem>> -> memref<64x128xf32, #tpu.memory_space<vmem>>
      %dma_wait3A_893 = arith.constant 0 : i32
      %dma_wait3A_894 = tpu.memref_slice %arg3[%dma_wait3A_893, %multiple_of3A_323] : memref<64x1000000xf32, #tpu.memory_space<hbm>> -> memref<64x128xf32, #tpu.memory_space<hbm>>
      tpu.wait_dma2 semaphore(%arg9 : memref<!tpu.dma_semaphore, #tpu.memory_space<semaphore_mem>>) src(%dma_wait3A_894 : memref<64x128xf32, #tpu.memory_space<hbm>>) dst(%dma_wait3A_892 : memref<64x128xf32, #tpu.memory_space<vmem>>)
      %dma_wait3A_895 = arith.constant 0 : i32
      %dma_wait3A_896 = arith.constant 1 : i32
      %dma_wait3A_897 = arith.constant 0 : i32
      %dma_wait3A_898 = arith.constant 0 : i32
      %dma_wait3A_899 = tpu.memref_slice %arg7[%dma_wait3A_895, %dma_wait3A_896, %dma_wait3A_897, %dma_wait3A_898] : memref<4x2x64x128xf32, #tpu.memory_space<vmem>> -> memref<1x1x64x128xf32, #tpu.memory_space<vmem>>
      %dma_wait3A_900 = tpu.memref_squeeze %dma_wait3A_899 : memref<1x1x64x128xf32, #tpu.memory_space<vmem>> -> memref<64x128xf32, #tpu.memory_space<vmem>>
      %dma_wait3A_901 = arith.constant 0 : i32
      %dma_wait3A_902 = tpu.memref_slice %arg3[%dma_wait3A_901, %multiple_of3A_344] : memref<64x1000000xf32, #tpu.memory_space<hbm>> -> memref<64x128xf32, #tpu.memory_space<hbm>>
      %dma_wait3A_903 = arith.constant 0 : i32
      %dma_wait3A_904 = arith.constant 0 : i32
      %dma_wait3A_905 = tpu.memref_slice %arg7[%dma_wait3A_895, %dma_wait3A_896, %dma_wait3A_903, %dma_wait3A_904] : memref<4x2x64x128xf32, #tpu.memory_space<vmem>> -> memref<1x1x64x128xf32, #tpu.memory_space<vmem>>
      %dma_wait3A_906 = tpu.memref_squeeze %dma_wait3A_905 : memref<1x1x64x128xf32, #tpu.memory_space<vmem>> -> memref<64x128xf32, #tpu.memory_space<vmem>>
      %dma_wait3A_907 = arith.constant 0 : i32
      %dma_wait3A_908 = tpu.memref_slice %arg3[%dma_wait3A_907, %multiple_of3A_344] : memref<64x1000000xf32, #tpu.memory_space<hbm>> -> memref<64x128xf32, #tpu.memory_space<hbm>>
      tpu.wait_dma2 semaphore(%arg9 : memref<!tpu.dma_semaphore, #tpu.memory_space<semaphore_mem>>) src(%dma_wait3A_908 : memref<64x128xf32, #tpu.memory_space<hbm>>) dst(%dma_wait3A_906 : memref<64x128xf32, #tpu.memory_space<vmem>>)
      %slice3A_909 = vector.extract_strided_slice %get3A_18 {offsets = [8], sizes = [1], strides = [1]} : vector<16xi32> to vector<1xi32>
      %squeeze3A_910 = vector.extract %slice3A_909[0] : i32 from vector<1xi32>
      %mul3A_911 = arith.constant 32 : i32
      %mul3A_912 = arith.muli %scan3A_13, %mul3A_911 : i32
      %add3A_913 = arith.constant 8 : i32
      %add3A_914 = arith.addi %mul3A_912, %add3A_913 : i32
      %add3A_915 = arith.constant 0 : i32
      %add3A_916 = arith.addi %add3A_914, %add3A_915 : i32
      %and3A_917 = arith.constant 127 : i32
      %and3A_918 = arith.andi %squeeze3A_910, %and3A_917 : i32
      %broadcast_in_dim3A_919 = vector.broadcast %and3A_918 : i32 to vector<16xi32>
      %broadcast_in_dim3A_920 = vector.broadcast %add3A_916 : i32 to vector<16xi32>
      %add3A_921 = arith.constant 0 : i32
      %add3A_922 = vector.broadcast %add3A_921 : i32 to vector<16xi32>
      %add3A_923 = arith.addi %iota3A, %add3A_922 : vector<16xi32>
      %gather3A_924 = arith.constant 0 : i32
      %gather3A_925 = arith.constant 0 : i32
      %gather3A_926 = arith.constant 0 : i32
      %gather3A_927 = arith.constant 0 : i32
      %gather3A_928 = tpu.memref_slice %arg7[%gather3A_924, %gather3A_925, %gather3A_926, %gather3A_927] : memref<4x2x64x128xf32, #tpu.memory_space<vmem>> -> memref<1x1x64x128xf32, #tpu.memory_space<vmem>>
      %gather3A_929 = tpu.memref_squeeze %gather3A_928 : memref<1x1x64x128xf32, #tpu.memory_space<vmem>> -> memref<64x128xf32, #tpu.memory_space<vmem>>
      %gather3A_930 = tpu.vector_load_idx %gather3A_929[%add3A_923, %broadcast_in_dim3A_919] : memref<64x128xf32, #tpu.memory_space<vmem>>[vector<16xi32>, vector<16xi32>], vector<16xf32>,
      tpu.vector_store_idx %arg8[%add3A_923, %broadcast_in_dim3A_920], %gather3A_930 {add = true} : memref<64x256xf32, #tpu.memory_space<vmem>>[vector<16xi32>, vector<16xi32>], vector<16xf32>,
      %add3A_931 = arith.constant 16 : i32
      %add3A_932 = vector.broadcast %add3A_931 : i32 to vector<16xi32>
      %add3A_933 = arith.addi %iota3A, %add3A_932 : vector<16xi32>
      %gather3A_934 = arith.constant 0 : i32
      %gather3A_935 = arith.constant 0 : i32
      %gather3A_936 = arith.constant 0 : i32
      %gather3A_937 = arith.constant 0 : i32
      %gather3A_938 = tpu.memref_slice %arg7[%gather3A_934, %gather3A_935, %gather3A_936, %gather3A_937] : memref<4x2x64x128xf32, #tpu.memory_space<vmem>> -> memref<1x1x64x128xf32, #tpu.memory_space<vmem>>
      %gather3A_939 = tpu.memref_squeeze %gather3A_938 : memref<1x1x64x128xf32, #tpu.memory_space<vmem>> -> memref<64x128xf32, #tpu.memory_space<vmem>>
      %gather3A_940 = tpu.vector_load_idx %gather3A_939[%add3A_933, %broadcast_in_dim3A_919] : memref<64x128xf32, #tpu.memory_space<vmem>>[vector<16xi32>, vector<16xi32>], vector<16xf32>,
      tpu.vector_store_idx %arg8[%add3A_933, %broadcast_in_dim3A_920], %gather3A_940 {add = true} : memref<64x256xf32, #tpu.memory_space<vmem>>[vector<16xi32>, vector<16xi32>], vector<16xf32>,
      %add3A_941 = arith.constant 32 : i32
      %add3A_942 = vector.broadcast %add3A_941 : i32 to vector<16xi32>
      %add3A_943 = arith.addi %iota3A, %add3A_942 : vector<16xi32>
      %gather3A_944 = arith.constant 0 : i32
      %gather3A_945 = arith.constant 0 : i32
      %gather3A_946 = arith.constant 0 : i32
      %gather3A_947 = arith.constant 0 : i32
      %gather3A_948 = tpu.memref_slice %arg7[%gather3A_944, %gather3A_945, %gather3A_946, %gather3A_947] : memref<4x2x64x128xf32, #tpu.memory_space<vmem>> -> memref<1x1x64x128xf32, #tpu.memory_space<vmem>>
      %gather3A_949 = tpu.memref_squeeze %gather3A_948 : memref<1x1x64x128xf32, #tpu.memory_space<vmem>> -> memref<64x128xf32, #tpu.memory_space<vmem>>
      %gather3A_950 = tpu.vector_load_idx %gather3A_949[%add3A_943, %broadcast_in_dim3A_919] : memref<64x128xf32, #tpu.memory_space<vmem>>[vector<16xi32>, vector<16xi32>], vector<16xf32>,
      tpu.vector_store_idx %arg8[%add3A_943, %broadcast_in_dim3A_920], %gather3A_950 {add = true} : memref<64x256xf32, #tpu.memory_space<vmem>>[vector<16xi32>, vector<16xi32>], vector<16xf32>,
      %add3A_951 = arith.constant 48 : i32
      %add3A_952 = vector.broadcast %add3A_951 : i32 to vector<16xi32>
      %add3A_953 = arith.addi %iota3A, %add3A_952 : vector<16xi32>
      %gather3A_954 = arith.constant 0 : i32
      %gather3A_955 = arith.constant 0 : i32
      %gather3A_956 = arith.constant 0 : i32
      %gather3A_957 = arith.constant 0 : i32
      %gather3A_958 = tpu.memref_slice %arg7[%gather3A_954, %gather3A_955, %gather3A_956, %gather3A_957] : memref<4x2x64x128xf32, #tpu.memory_space<vmem>> -> memref<1x1x64x128xf32, #tpu.memory_space<vmem>>
      %gather3A_959 = tpu.memref_squeeze %gather3A_958 : memref<1x1x64x128xf32, #tpu.memory_space<vmem>> -> memref<64x128xf32, #tpu.memory_space<vmem>>
      %gather3A_960 = tpu.vector_load_idx %gather3A_959[%add3A_953, %broadcast_in_dim3A_919] : memref<64x128xf32, #tpu.memory_space<vmem>>[vector<16xi32>, vector<16xi32>], vector<16xf32>,
      tpu.vector_store_idx %arg8[%add3A_953, %broadcast_in_dim3A_920], %gather3A_960 {add = true} : memref<64x256xf32, #tpu.memory_space<vmem>>[vector<16xi32>, vector<16xi32>], vector<16xf32>,
      %slice3A_961 = vector.extract_strided_slice %get3A_18 {offsets = [9], sizes = [1], strides = [1]} : vector<16xi32> to vector<1xi32>
      %squeeze3A_962 = vector.extract %slice3A_961[0] : i32 from vector<1xi32>
      %mul3A_963 = arith.constant 32 : i32
      %mul3A_964 = arith.muli %scan3A_13, %mul3A_963 : i32
      %add3A_965 = arith.constant 8 : i32
      %add3A_966 = arith.addi %mul3A_964, %add3A_965 : i32
      %add3A_967 = arith.constant 1 : i32
      %add3A_968 = arith.addi %add3A_966, %add3A_967 : i32
      %and3A_969 = arith.constant 127 : i32
      %and3A_970 = arith.andi %squeeze3A_962, %and3A_969 : i32
      %broadcast_in_dim3A_971 = vector.broadcast %and3A_970 : i32 to vector<16xi32>
      %broadcast_in_dim3A_972 = vector.broadcast %add3A_968 : i32 to vector<16xi32>
      %add3A_973 = arith.constant 0 : i32
      %add3A_974 = vector.broadcast %add3A_973 : i32 to vector<16xi32>
      %add3A_975 = arith.addi %iota3A, %add3A_974 : vector<16xi32>
      %gather3A_976 = arith.constant 0 : i32
      %gather3A_977 = arith.constant 1 : i32
      %gather3A_978 = arith.constant 0 : i32
      %gather3A_979 = arith.constant 0 : i32
      %gather3A_980 = tpu.memref_slice %arg7[%gather3A_976, %gather3A_977, %gather3A_978, %gather3A_979] : memref<4x2x64x128xf32, #tpu.memory_space<vmem>> -> memref<1x1x64x128xf32, #tpu.memory_space<vmem>>
      %gather3A_981 = tpu.memref_squeeze %gather3A_980 : memref<1x1x64x128xf32, #tpu.memory_space<vmem>> -> memref<64x128xf32, #tpu.memory_space<vmem>>
      %gather3A_982 = tpu.vector_load_idx %gather3A_981[%add3A_975, %broadcast_in_dim3A_971] : memref<64x128xf32, #tpu.memory_space<vmem>>[vector<16xi32>, vector<16xi32>], vector<16xf32>,
      tpu.vector_store_idx %arg8[%add3A_975, %broadcast_in_dim3A_972], %gather3A_982 {add = true} : memref<64x256xf32, #tpu.memory_space<vmem>>[vector<16xi32>, vector<16xi32>], vector<16xf32>,
      %add3A_983 = arith.constant 16 : i32
      %add3A_984 = vector.broadcast %add3A_983 : i32 to vector<16xi32>
      %add3A_985 = arith.addi %iota3A, %add3A_984 : vector<16xi32>
      %gather3A_986 = arith.constant 0 : i32
      %gather3A_987 = arith.constant 1 : i32
      %gather3A_988 = arith.constant 0 : i32
      %gather3A_989 = arith.constant 0 : i32
      %gather3A_990 = tpu.memref_slice %arg7[%gather3A_986, %gather3A_987, %gather3A_988, %gather3A_989] : memref<4x2x64x128xf32, #tpu.memory_space<vmem>> -> memref<1x1x64x128xf32, #tpu.memory_space<vmem>>
      %gather3A_991 = tpu.memref_squeeze %gather3A_990 : memref<1x1x64x128xf32, #tpu.memory_space<vmem>> -> memref<64x128xf32, #tpu.memory_space<vmem>>
      %gather3A_992 = tpu.vector_load_idx %gather3A_991[%add3A_985, %broadcast_in_dim3A_971] : memref<64x128xf32, #tpu.memory_space<vmem>>[vector<16xi32>, vector<16xi32>], vector<16xf32>,
      tpu.vector_store_idx %arg8[%add3A_985, %broadcast_in_dim3A_972], %gather3A_992 {add = true} : memref<64x256xf32, #tpu.memory_space<vmem>>[vector<16xi32>, vector<16xi32>], vector<16xf32>,
      %add3A_993 = arith.constant 32 : i32
      %add3A_994 = vector.broadcast %add3A_993 : i32 to vector<16xi32>
      %add3A_995 = arith.addi %iota3A, %add3A_994 : vector<16xi32>
      %gather3A_996 = arith.constant 0 : i32
      %gather3A_997 = arith.constant 1 : i32
      %gather3A_998 = arith.constant 0 : i32
      %gather3A_999 = arith.constant 0 : i32
      %gather3A_1000 = tpu.memref_slice %arg7[%gather3A_996, %gather3A_997, %gather3A_998, %gather3A_999] : memref<4x2x64x128xf32, #tpu.memory_space<vmem>> -> memref<1x1x64x128xf32, #tpu.memory_space<vmem>>
      %gather3A_1001 = tpu.memref_squeeze %gather3A_1000 : memref<1x1x64x128xf32, #tpu.memory_space<vmem>> -> memref<64x128xf32, #tpu.memory_space<vmem>>
      %gather3A_1002 = tpu.vector_load_idx %gather3A_1001[%add3A_995, %broadcast_in_dim3A_971] : memref<64x128xf32, #tpu.memory_space<vmem>>[vector<16xi32>, vector<16xi32>], vector<16xf32>,
      tpu.vector_store_idx %arg8[%add3A_995, %broadcast_in_dim3A_972], %gather3A_1002 {add = true} : memref<64x256xf32, #tpu.memory_space<vmem>>[vector<16xi32>, vector<16xi32>], vector<16xf32>,
      %add3A_1003 = arith.constant 48 : i32
      %add3A_1004 = vector.broadcast %add3A_1003 : i32 to vector<16xi32>
      %add3A_1005 = arith.addi %iota3A, %add3A_1004 : vector<16xi32>
      %gather3A_1006 = arith.constant 0 : i32
      %gather3A_1007 = arith.constant 1 : i32
      %gather3A_1008 = arith.constant 0 : i32
      %gather3A_1009 = arith.constant 0 : i32
      %gather3A_1010 = tpu.memref_slice %arg7[%gather3A_1006, %gather3A_1007, %gather3A_1008, %gather3A_1009] : memref<4x2x64x128xf32, #tpu.memory_space<vmem>> -> memref<1x1x64x128xf32, #tpu.memory_space<vmem>>
      %gather3A_1011 = tpu.memref_squeeze %gather3A_1010 : memref<1x1x64x128xf32, #tpu.memory_space<vmem>> -> memref<64x128xf32, #tpu.memory_space<vmem>>
      %gather3A_1012 = tpu.vector_load_idx %gather3A_1011[%add3A_1005, %broadcast_in_dim3A_971] : memref<64x128xf32, #tpu.memory_space<vmem>>[vector<16xi32>, vector<16xi32>], vector<16xf32>,
      tpu.vector_store_idx %arg8[%add3A_1005, %broadcast_in_dim3A_972], %gather3A_1012 {add = true} : memref<64x256xf32, #tpu.memory_space<vmem>>[vector<16xi32>, vector<16xi32>], vector<16xf32>,
      %slice3A_1013 = vector.extract_strided_slice %get3A_24 {offsets = [0], sizes = [1], strides = [1]} : vector<16xi32> to vector<1xi32>
      %squeeze3A_1014 = vector.extract %slice3A_1013[0] : i32 from vector<1xi32>
      %shift_right_arithmetic3A_1015 = arith.constant 7 : i32
      %shift_right_arithmetic3A_1016 = arith.shrsi %squeeze3A_1014, %shift_right_arithmetic3A_1015 : i32
      %shift_left3A_1017 = arith.constant 7 : i32
      %shift_left3A_1018 = arith.shli %shift_right_arithmetic3A_1016, %shift_left3A_1017 : i32
      %multiple_of3A_1019 = tpu.assume_multiple %shift_left3A_1018, 128 : i32
      %dma_start3A_1020 = arith.constant 0 : i32
      %dma_start3A_1021 = arith.constant 0 : i32
      %dma_start3A_1022 = arith.constant 0 : i32
      %dma_start3A_1023 = arith.constant 0 : i32
      %dma_start3A_1024 = tpu.memref_slice %arg7[%dma_start3A_1020, %dma_start3A_1021, %dma_start3A_1022, %dma_start3A_1023] : memref<4x2x64x128xf32, #tpu.memory_space<vmem>> -> memref<1x1x64x128xf32, #tpu.memory_space<vmem>>
      %dma_start3A_1025 = tpu.memref_squeeze %dma_start3A_1024 : memref<1x1x64x128xf32, #tpu.memory_space<vmem>> -> memref<64x128xf32, #tpu.memory_space<vmem>>
      %dma_start3A_1026 = arith.constant 0 : i32
      %dma_start3A_1027 = tpu.memref_slice %arg3[%dma_start3A_1026, %multiple_of3A_1019] : memref<64x1000000xf32, #tpu.memory_space<hbm>> -> memref<64x128xf32, #tpu.memory_space<hbm>>
      %dma_start3A_1028 = arith.constant 0 : i32
      %dma_start3A_1029 = arith.constant 0 : i32
      %dma_start3A_1030 = tpu.memref_slice %arg7[%dma_start3A_1020, %dma_start3A_1021, %dma_start3A_1028, %dma_start3A_1029] : memref<4x2x64x128xf32, #tpu.memory_space<vmem>> -> memref<1x1x64x128xf32, #tpu.memory_space<vmem>>
      %dma_start3A_1031 = tpu.memref_squeeze %dma_start3A_1030 : memref<1x1x64x128xf32, #tpu.memory_space<vmem>> -> memref<64x128xf32, #tpu.memory_space<vmem>>
      %dma_start3A_1032 = arith.constant 0 : i32
      %dma_start3A_1033 = tpu.memref_slice %arg3[%dma_start3A_1032, %multiple_of3A_1019] : memref<64x1000000xf32, #tpu.memory_space<hbm>> -> memref<64x128xf32, #tpu.memory_space<hbm>>
      tpu.enqueue_dma source(%dma_start3A_1033 : memref<64x128xf32, #tpu.memory_space<hbm>>) target(%dma_start3A_1031 : memref<64x128xf32, #tpu.memory_space<vmem>>) target_semaphore(%arg9 : memref<!tpu.dma_semaphore, #tpu.memory_space<semaphore_mem>>)
      %slice3A_1034 = vector.extract_strided_slice %get3A_24 {offsets = [1], sizes = [1], strides = [1]} : vector<16xi32> to vector<1xi32>
      %squeeze3A_1035 = vector.extract %slice3A_1034[0] : i32 from vector<1xi32>
      %shift_right_arithmetic3A_1036 = arith.constant 7 : i32
      %shift_right_arithmetic3A_1037 = arith.shrsi %squeeze3A_1035, %shift_right_arithmetic3A_1036 : i32
      %shift_left3A_1038 = arith.constant 7 : i32
      %shift_left3A_1039 = arith.shli %shift_right_arithmetic3A_1037, %shift_left3A_1038 : i32
      %multiple_of3A_1040 = tpu.assume_multiple %shift_left3A_1039, 128 : i32
      %dma_start3A_1041 = arith.constant 0 : i32
      %dma_start3A_1042 = arith.constant 1 : i32
      %dma_start3A_1043 = arith.constant 0 : i32
      %dma_start3A_1044 = arith.constant 0 : i32
      %dma_start3A_1045 = tpu.memref_slice %arg7[%dma_start3A_1041, %dma_start3A_1042, %dma_start3A_1043, %dma_start3A_1044] : memref<4x2x64x128xf32, #tpu.memory_space<vmem>> -> memref<1x1x64x128xf32, #tpu.memory_space<vmem>>
      %dma_start3A_1046 = tpu.memref_squeeze %dma_start3A_1045 : memref<1x1x64x128xf32, #tpu.memory_space<vmem>> -> memref<64x128xf32, #tpu.memory_space<vmem>>
      %dma_start3A_1047 = arith.constant 0 : i32
      %dma_start3A_1048 = tpu.memref_slice %arg3[%dma_start3A_1047, %multiple_of3A_1040] : memref<64x1000000xf32, #tpu.memory_space<hbm>> -> memref<64x128xf32, #tpu.memory_space<hbm>>
      %dma_start3A_1049 = arith.constant 0 : i32
      %dma_start3A_1050 = arith.constant 0 : i32
      %dma_start3A_1051 = tpu.memref_slice %arg7[%dma_start3A_1041, %dma_start3A_1042, %dma_start3A_1049, %dma_start3A_1050] : memref<4x2x64x128xf32, #tpu.memory_space<vmem>> -> memref<1x1x64x128xf32, #tpu.memory_space<vmem>>
      %dma_start3A_1052 = tpu.memref_squeeze %dma_start3A_1051 : memref<1x1x64x128xf32, #tpu.memory_space<vmem>> -> memref<64x128xf32, #tpu.memory_space<vmem>>
      %dma_start3A_1053 = arith.constant 0 : i32
      %dma_start3A_1054 = tpu.memref_slice %arg3[%dma_start3A_1053, %multiple_of3A_1040] : memref<64x1000000xf32, #tpu.memory_space<hbm>> -> memref<64x128xf32, #tpu.memory_space<hbm>>
      tpu.enqueue_dma source(%dma_start3A_1054 : memref<64x128xf32, #tpu.memory_space<hbm>>) target(%dma_start3A_1052 : memref<64x128xf32, #tpu.memory_space<vmem>>) target_semaphore(%arg9 : memref<!tpu.dma_semaphore, #tpu.memory_space<semaphore_mem>>)
      %dma_wait3A_1055 = arith.constant 1 : i32
      %dma_wait3A_1056 = arith.constant 0 : i32
      %dma_wait3A_1057 = arith.constant 0 : i32
      %dma_wait3A_1058 = arith.constant 0 : i32
      %dma_wait3A_1059 = tpu.memref_slice %arg7[%dma_wait3A_1055, %dma_wait3A_1056, %dma_wait3A_1057, %dma_wait3A_1058] : memref<4x2x64x128xf32, #tpu.memory_space<vmem>> -> memref<1x1x64x128xf32, #tpu.memory_space<vmem>>
      %dma_wait3A_1060 = tpu.memref_squeeze %dma_wait3A_1059 : memref<1x1x64x128xf32, #tpu.memory_space<vmem>> -> memref<64x128xf32, #tpu.memory_space<vmem>>
      %dma_wait3A_1061 = arith.constant 0 : i32
      %dma_wait3A_1062 = tpu.memref_slice %arg3[%dma_wait3A_1061, %multiple_of3A_497] : memref<64x1000000xf32, #tpu.memory_space<hbm>> -> memref<64x128xf32, #tpu.memory_space<hbm>>
      %dma_wait3A_1063 = arith.constant 0 : i32
      %dma_wait3A_1064 = arith.constant 0 : i32
      %dma_wait3A_1065 = tpu.memref_slice %arg7[%dma_wait3A_1055, %dma_wait3A_1056, %dma_wait3A_1063, %dma_wait3A_1064] : memref<4x2x64x128xf32, #tpu.memory_space<vmem>> -> memref<1x1x64x128xf32, #tpu.memory_space<vmem>>
      %dma_wait3A_1066 = tpu.memref_squeeze %dma_wait3A_1065 : memref<1x1x64x128xf32, #tpu.memory_space<vmem>> -> memref<64x128xf32, #tpu.memory_space<vmem>>
      %dma_wait3A_1067 = arith.constant 0 : i32
      %dma_wait3A_1068 = tpu.memref_slice %arg3[%dma_wait3A_1067, %multiple_of3A_497] : memref<64x1000000xf32, #tpu.memory_space<hbm>> -> memref<64x128xf32, #tpu.memory_space<hbm>>
      tpu.wait_dma2 semaphore(%arg10 : memref<!tpu.dma_semaphore, #tpu.memory_space<semaphore_mem>>) src(%dma_wait3A_1068 : memref<64x128xf32, #tpu.memory_space<hbm>>) dst(%dma_wait3A_1066 : memref<64x128xf32, #tpu.memory_space<vmem>>)
      %dma_wait3A_1069 = arith.constant 1 : i32
      %dma_wait3A_1070 = arith.constant 1 : i32
      %dma_wait3A_1071 = arith.constant 0 : i32
      %dma_wait3A_1072 = arith.constant 0 : i32
      %dma_wait3A_1073 = tpu.memref_slice %arg7[%dma_wait3A_1069, %dma_wait3A_1070, %dma_wait3A_1071, %dma_wait3A_1072] : memref<4x2x64x128xf32, #tpu.memory_space<vmem>> -> memref<1x1x64x128xf32, #tpu.memory_space<vmem>>
      %dma_wait3A_1074 = tpu.memref_squeeze %dma_wait3A_1073 : memref<1x1x64x128xf32, #tpu.memory_space<vmem>> -> memref<64x128xf32, #tpu.memory_space<vmem>>
      %dma_wait3A_1075 = arith.constant 0 : i32
      %dma_wait3A_1076 = tpu.memref_slice %arg3[%dma_wait3A_1075, %multiple_of3A_518] : memref<64x1000000xf32, #tpu.memory_space<hbm>> -> memref<64x128xf32, #tpu.memory_space<hbm>>
      %dma_wait3A_1077 = arith.constant 0 : i32
      %dma_wait3A_1078 = arith.constant 0 : i32
      %dma_wait3A_1079 = tpu.memref_slice %arg7[%dma_wait3A_1069, %dma_wait3A_1070, %dma_wait3A_1077, %dma_wait3A_1078] : memref<4x2x64x128xf32, #tpu.memory_space<vmem>> -> memref<1x1x64x128xf32, #tpu.memory_space<vmem>>
      %dma_wait3A_1080 = tpu.memref_squeeze %dma_wait3A_1079 : memref<1x1x64x128xf32, #tpu.memory_space<vmem>> -> memref<64x128xf32, #tpu.memory_space<vmem>>
      %dma_wait3A_1081 = arith.constant 0 : i32
      %dma_wait3A_1082 = tpu.memref_slice %arg3[%dma_wait3A_1081, %multiple_of3A_518] : memref<64x1000000xf32, #tpu.memory_space<hbm>> -> memref<64x128xf32, #tpu.memory_space<hbm>>
      tpu.wait_dma2 semaphore(%arg10 : memref<!tpu.dma_semaphore, #tpu.memory_space<semaphore_mem>>) src(%dma_wait3A_1082 : memref<64x128xf32, #tpu.memory_space<hbm>>) dst(%dma_wait3A_1080 : memref<64x128xf32, #tpu.memory_space<vmem>>)
      %slice3A_1083 = vector.extract_strided_slice %get3A_18 {offsets = [10], sizes = [1], strides = [1]} : vector<16xi32> to vector<1xi32>
      %squeeze3A_1084 = vector.extract %slice3A_1083[0] : i32 from vector<1xi32>
      %mul3A_1085 = arith.constant 32 : i32
      %mul3A_1086 = arith.muli %scan3A_13, %mul3A_1085 : i32
      %add3A_1087 = arith.constant 10 : i32
      %add3A_1088 = arith.addi %mul3A_1086, %add3A_1087 : i32
      %add3A_1089 = arith.constant 0 : i32
      %add3A_1090 = arith.addi %add3A_1088, %add3A_1089 : i32
      %and3A_1091 = arith.constant 127 : i32
      %and3A_1092 = arith.andi %squeeze3A_1084, %and3A_1091 : i32
      %broadcast_in_dim3A_1093 = vector.broadcast %and3A_1092 : i32 to vector<16xi32>
      %broadcast_in_dim3A_1094 = vector.broadcast %add3A_1090 : i32 to vector<16xi32>
      %add3A_1095 = arith.constant 0 : i32
      %add3A_1096 = vector.broadcast %add3A_1095 : i32 to vector<16xi32>
      %add3A_1097 = arith.addi %iota3A, %add3A_1096 : vector<16xi32>
      %gather3A_1098 = arith.constant 1 : i32
      %gather3A_1099 = arith.constant 0 : i32
      %gather3A_1100 = arith.constant 0 : i32
      %gather3A_1101 = arith.constant 0 : i32
      %gather3A_1102 = tpu.memref_slice %arg7[%gather3A_1098, %gather3A_1099, %gather3A_1100, %gather3A_1101] : memref<4x2x64x128xf32, #tpu.memory_space<vmem>> -> memref<1x1x64x128xf32, #tpu.memory_space<vmem>>
      %gather3A_1103 = tpu.memref_squeeze %gather3A_1102 : memref<1x1x64x128xf32, #tpu.memory_space<vmem>> -> memref<64x128xf32, #tpu.memory_space<vmem>>
      %gather3A_1104 = tpu.vector_load_idx %gather3A_1103[%add3A_1097, %broadcast_in_dim3A_1093] : memref<64x128xf32, #tpu.memory_space<vmem>>[vector<16xi32>, vector<16xi32>], vector<16xf32>,
      tpu.vector_store_idx %arg8[%add3A_1097, %broadcast_in_dim3A_1094], %gather3A_1104 {add = true} : memref<64x256xf32, #tpu.memory_space<vmem>>[vector<16xi32>, vector<16xi32>], vector<16xf32>,
      %add3A_1105 = arith.constant 16 : i32
      %add3A_1106 = vector.broadcast %add3A_1105 : i32 to vector<16xi32>
      %add3A_1107 = arith.addi %iota3A, %add3A_1106 : vector<16xi32>
      %gather3A_1108 = arith.constant 1 : i32
      %gather3A_1109 = arith.constant 0 : i32
      %gather3A_1110 = arith.constant 0 : i32
      %gather3A_1111 = arith.constant 0 : i32
      %gather3A_1112 = tpu.memref_slice %arg7[%gather3A_1108, %gather3A_1109, %gather3A_1110, %gather3A_1111] : memref<4x2x64x128xf32, #tpu.memory_space<vmem>> -> memref<1x1x64x128xf32, #tpu.memory_space<vmem>>
      %gather3A_1113 = tpu.memref_squeeze %gather3A_1112 : memref<1x1x64x128xf32, #tpu.memory_space<vmem>> -> memref<64x128xf32, #tpu.memory_space<vmem>>
      %gather3A_1114 = tpu.vector_load_idx %gather3A_1113[%add3A_1107, %broadcast_in_dim3A_1093] : memref<64x128xf32, #tpu.memory_space<vmem>>[vector<16xi32>, vector<16xi32>], vector<16xf32>,
      tpu.vector_store_idx %arg8[%add3A_1107, %broadcast_in_dim3A_1094], %gather3A_1114 {add = true} : memref<64x256xf32, #tpu.memory_space<vmem>>[vector<16xi32>, vector<16xi32>], vector<16xf32>,
      %add3A_1115 = arith.constant 32 : i32
      %add3A_1116 = vector.broadcast %add3A_1115 : i32 to vector<16xi32>
      %add3A_1117 = arith.addi %iota3A, %add3A_1116 : vector<16xi32>
      %gather3A_1118 = arith.constant 1 : i32
      %gather3A_1119 = arith.constant 0 : i32
      %gather3A_1120 = arith.constant 0 : i32
      %gather3A_1121 = arith.constant 0 : i32
      %gather3A_1122 = tpu.memref_slice %arg7[%gather3A_1118, %gather3A_1119, %gather3A_1120, %gather3A_1121] : memref<4x2x64x128xf32, #tpu.memory_space<vmem>> -> memref<1x1x64x128xf32, #tpu.memory_space<vmem>>
      %gather3A_1123 = tpu.memref_squeeze %gather3A_1122 : memref<1x1x64x128xf32, #tpu.memory_space<vmem>> -> memref<64x128xf32, #tpu.memory_space<vmem>>
      %gather3A_1124 = tpu.vector_load_idx %gather3A_1123[%add3A_1117, %broadcast_in_dim3A_1093] : memref<64x128xf32, #tpu.memory_space<vmem>>[vector<16xi32>, vector<16xi32>], vector<16xf32>,
      tpu.vector_store_idx %arg8[%add3A_1117, %broadcast_in_dim3A_1094], %gather3A_1124 {add = true} : memref<64x256xf32, #tpu.memory_space<vmem>>[vector<16xi32>, vector<16xi32>], vector<16xf32>,
      %add3A_1125 = arith.constant 48 : i32
      %add3A_1126 = vector.broadcast %add3A_1125 : i32 to vector<16xi32>
      %add3A_1127 = arith.addi %iota3A, %add3A_1126 : vector<16xi32>
      %gather3A_1128 = arith.constant 1 : i32
      %gather3A_1129 = arith.constant 0 : i32
      %gather3A_1130 = arith.constant 0 : i32
      %gather3A_1131 = arith.constant 0 : i32
      %gather3A_1132 = tpu.memref_slice %arg7[%gather3A_1128, %gather3A_1129, %gather3A_1130, %gather3A_1131] : memref<4x2x64x128xf32, #tpu.memory_space<vmem>> -> memref<1x1x64x128xf32, #tpu.memory_space<vmem>>
      %gather3A_1133 = tpu.memref_squeeze %gather3A_1132 : memref<1x1x64x128xf32, #tpu.memory_space<vmem>> -> memref<64x128xf32, #tpu.memory_space<vmem>>
      %gather3A_1134 = tpu.vector_load_idx %gather3A_1133[%add3A_1127, %broadcast_in_dim3A_1093] : memref<64x128xf32, #tpu.memory_space<vmem>>[vector<16xi32>, vector<16xi32>], vector<16xf32>,
      tpu.vector_store_idx %arg8[%add3A_1127, %broadcast_in_dim3A_1094], %gather3A_1134 {add = true} : memref<64x256xf32, #tpu.memory_space<vmem>>[vector<16xi32>, vector<16xi32>], vector<16xf32>,
      %slice3A_1135 = vector.extract_strided_slice %get3A_18 {offsets = [11], sizes = [1], strides = [1]} : vector<16xi32> to vector<1xi32>
      %squeeze3A_1136 = vector.extract %slice3A_1135[0] : i32 from vector<1xi32>
      %mul3A_1137 = arith.constant 32 : i32
      %mul3A_1138 = arith.muli %scan3A_13, %mul3A_1137 : i32
      %add3A_1139 = arith.constant 10 : i32
      %add3A_1140 = arith.addi %mul3A_1138, %add3A_1139 : i32
      %add3A_1141 = arith.constant 1 : i32
      %add3A_1142 = arith.addi %add3A_1140, %add3A_1141 : i32
      %and3A_1143 = arith.constant 127 : i32
      %and3A_1144 = arith.andi %squeeze3A_1136, %and3A_1143 : i32
      %broadcast_in_dim3A_1145 = vector.broadcast %and3A_1144 : i32 to vector<16xi32>
      %broadcast_in_dim3A_1146 = vector.broadcast %add3A_1142 : i32 to vector<16xi32>
      %add3A_1147 = arith.constant 0 : i32
      %add3A_1148 = vector.broadcast %add3A_1147 : i32 to vector<16xi32>
      %add3A_1149 = arith.addi %iota3A, %add3A_1148 : vector<16xi32>
      %gather3A_1150 = arith.constant 1 : i32
      %gather3A_1151 = arith.constant 1 : i32
      %gather3A_1152 = arith.constant 0 : i32
      %gather3A_1153 = arith.constant 0 : i32
      %gather3A_1154 = tpu.memref_slice %arg7[%gather3A_1150, %gather3A_1151, %gather3A_1152, %gather3A_1153] : memref<4x2x64x128xf32, #tpu.memory_space<vmem>> -> memref<1x1x64x128xf32, #tpu.memory_space<vmem>>
      %gather3A_1155 = tpu.memref_squeeze %gather3A_1154 : memref<1x1x64x128xf32, #tpu.memory_space<vmem>> -> memref<64x128xf32, #tpu.memory_space<vmem>>
      %gather3A_1156 = tpu.vector_load_idx %gather3A_1155[%add3A_1149, %broadcast_in_dim3A_1145] : memref<64x128xf32, #tpu.memory_space<vmem>>[vector<16xi32>, vector<16xi32>], vector<16xf32>,
      tpu.vector_store_idx %arg8[%add3A_1149, %broadcast_in_dim3A_1146], %gather3A_1156 {add = true} : memref<64x256xf32, #tpu.memory_space<vmem>>[vector<16xi32>, vector<16xi32>], vector<16xf32>,
      %add3A_1157 = arith.constant 16 : i32
      %add3A_1158 = vector.broadcast %add3A_1157 : i32 to vector<16xi32>
      %add3A_1159 = arith.addi %iota3A, %add3A_1158 : vector<16xi32>
      %gather3A_1160 = arith.constant 1 : i32
      %gather3A_1161 = arith.constant 1 : i32
      %gather3A_1162 = arith.constant 0 : i32
      %gather3A_1163 = arith.constant 0 : i32
      %gather3A_1164 = tpu.memref_slice %arg7[%gather3A_1160, %gather3A_1161, %gather3A_1162, %gather3A_1163] : memref<4x2x64x128xf32, #tpu.memory_space<vmem>> -> memref<1x1x64x128xf32, #tpu.memory_space<vmem>>
      %gather3A_1165 = tpu.memref_squeeze %gather3A_1164 : memref<1x1x64x128xf32, #tpu.memory_space<vmem>> -> memref<64x128xf32, #tpu.memory_space<vmem>>
      %gather3A_1166 = tpu.vector_load_idx %gather3A_1165[%add3A_1159, %broadcast_in_dim3A_1145] : memref<64x128xf32, #tpu.memory_space<vmem>>[vector<16xi32>, vector<16xi32>], vector<16xf32>,
      tpu.vector_store_idx %arg8[%add3A_1159, %broadcast_in_dim3A_1146], %gather3A_1166 {add = true} : memref<64x256xf32, #tpu.memory_space<vmem>>[vector<16xi32>, vector<16xi32>], vector<16xf32>,
      %add3A_1167 = arith.constant 32 : i32
      %add3A_1168 = vector.broadcast %add3A_1167 : i32 to vector<16xi32>
      %add3A_1169 = arith.addi %iota3A, %add3A_1168 : vector<16xi32>
      %gather3A_1170 = arith.constant 1 : i32
      %gather3A_1171 = arith.constant 1 : i32
      %gather3A_1172 = arith.constant 0 : i32
      %gather3A_1173 = arith.constant 0 : i32
      %gather3A_1174 = tpu.memref_slice %arg7[%gather3A_1170, %gather3A_1171, %gather3A_1172, %gather3A_1173] : memref<4x2x64x128xf32, #tpu.memory_space<vmem>> -> memref<1x1x64x128xf32, #tpu.memory_space<vmem>>
      %gather3A_1175 = tpu.memref_squeeze %gather3A_1174 : memref<1x1x64x128xf32, #tpu.memory_space<vmem>> -> memref<64x128xf32, #tpu.memory_space<vmem>>
      %gather3A_1176 = tpu.vector_load_idx %gather3A_1175[%add3A_1169, %broadcast_in_dim3A_1145] : memref<64x128xf32, #tpu.memory_space<vmem>>[vector<16xi32>, vector<16xi32>], vector<16xf32>,
      tpu.vector_store_idx %arg8[%add3A_1169, %broadcast_in_dim3A_1146], %gather3A_1176 {add = true} : memref<64x256xf32, #tpu.memory_space<vmem>>[vector<16xi32>, vector<16xi32>], vector<16xf32>,
      %add3A_1177 = arith.constant 48 : i32
      %add3A_1178 = vector.broadcast %add3A_1177 : i32 to vector<16xi32>
      %add3A_1179 = arith.addi %iota3A, %add3A_1178 : vector<16xi32>
      %gather3A_1180 = arith.constant 1 : i32
      %gather3A_1181 = arith.constant 1 : i32
      %gather3A_1182 = arith.constant 0 : i32
      %gather3A_1183 = arith.constant 0 : i32
      %gather3A_1184 = tpu.memref_slice %arg7[%gather3A_1180, %gather3A_1181, %gather3A_1182, %gather3A_1183] : memref<4x2x64x128xf32, #tpu.memory_space<vmem>> -> memref<1x1x64x128xf32, #tpu.memory_space<vmem>>
      %gather3A_1185 = tpu.memref_squeeze %gather3A_1184 : memref<1x1x64x128xf32, #tpu.memory_space<vmem>> -> memref<64x128xf32, #tpu.memory_space<vmem>>
      %gather3A_1186 = tpu.vector_load_idx %gather3A_1185[%add3A_1179, %broadcast_in_dim3A_1145] : memref<64x128xf32, #tpu.memory_space<vmem>>[vector<16xi32>, vector<16xi32>], vector<16xf32>,
      tpu.vector_store_idx %arg8[%add3A_1179, %broadcast_in_dim3A_1146], %gather3A_1186 {add = true} : memref<64x256xf32, #tpu.memory_space<vmem>>[vector<16xi32>, vector<16xi32>], vector<16xf32>,
      %slice3A_1187 = vector.extract_strided_slice %get3A_24 {offsets = [2], sizes = [1], strides = [1]} : vector<16xi32> to vector<1xi32>
      %squeeze3A_1188 = vector.extract %slice3A_1187[0] : i32 from vector<1xi32>
      %shift_right_arithmetic3A_1189 = arith.constant 7 : i32
      %shift_right_arithmetic3A_1190 = arith.shrsi %squeeze3A_1188, %shift_right_arithmetic3A_1189 : i32
      %shift_left3A_1191 = arith.constant 7 : i32
      %shift_left3A_1192 = arith.shli %shift_right_arithmetic3A_1190, %shift_left3A_1191 : i32
      %multiple_of3A_1193 = tpu.assume_multiple %shift_left3A_1192, 128 : i32
      %dma_start3A_1194 = arith.constant 1 : i32
      %dma_start3A_1195 = arith.constant 0 : i32
      %dma_start3A_1196 = arith.constant 0 : i32
      %dma_start3A_1197 = arith.constant 0 : i32
      %dma_start3A_1198 = tpu.memref_slice %arg7[%dma_start3A_1194, %dma_start3A_1195, %dma_start3A_1196, %dma_start3A_1197] : memref<4x2x64x128xf32, #tpu.memory_space<vmem>> -> memref<1x1x64x128xf32, #tpu.memory_space<vmem>>
      %dma_start3A_1199 = tpu.memref_squeeze %dma_start3A_1198 : memref<1x1x64x128xf32, #tpu.memory_space<vmem>> -> memref<64x128xf32, #tpu.memory_space<vmem>>
      %dma_start3A_1200 = arith.constant 0 : i32
      %dma_start3A_1201 = tpu.memref_slice %arg3[%dma_start3A_1200, %multiple_of3A_1193] : memref<64x1000000xf32, #tpu.memory_space<hbm>> -> memref<64x128xf32, #tpu.memory_space<hbm>>
      %dma_start3A_1202 = arith.constant 0 : i32
      %dma_start3A_1203 = arith.constant 0 : i32
      %dma_start3A_1204 = tpu.memref_slice %arg7[%dma_start3A_1194, %dma_start3A_1195, %dma_start3A_1202, %dma_start3A_1203] : memref<4x2x64x128xf32, #tpu.memory_space<vmem>> -> memref<1x1x64x128xf32, #tpu.memory_space<vmem>>
      %dma_start3A_1205 = tpu.memref_squeeze %dma_start3A_1204 : memref<1x1x64x128xf32, #tpu.memory_space<vmem>> -> memref<64x128xf32, #tpu.memory_space<vmem>>
      %dma_start3A_1206 = arith.constant 0 : i32
      %dma_start3A_1207 = tpu.memref_slice %arg3[%dma_start3A_1206, %multiple_of3A_1193] : memref<64x1000000xf32, #tpu.memory_space<hbm>> -> memref<64x128xf32, #tpu.memory_space<hbm>>
      tpu.enqueue_dma source(%dma_start3A_1207 : memref<64x128xf32, #tpu.memory_space<hbm>>) target(%dma_start3A_1205 : memref<64x128xf32, #tpu.memory_space<vmem>>) target_semaphore(%arg10 : memref<!tpu.dma_semaphore, #tpu.memory_space<semaphore_mem>>)
      %slice3A_1208 = vector.extract_strided_slice %get3A_24 {offsets = [3], sizes = [1], strides = [1]} : vector<16xi32> to vector<1xi32>
      %squeeze3A_1209 = vector.extract %slice3A_1208[0] : i32 from vector<1xi32>
      %shift_right_arithmetic3A_1210 = arith.constant 7 : i32
      %shift_right_arithmetic3A_1211 = arith.shrsi %squeeze3A_1209, %shift_right_arithmetic3A_1210 : i32
      %shift_left3A_1212 = arith.constant 7 : i32
      %shift_left3A_1213 = arith.shli %shift_right_arithmetic3A_1211, %shift_left3A_1212 : i32
      %multiple_of3A_1214 = tpu.assume_multiple %shift_left3A_1213, 128 : i32
      %dma_start3A_1215 = arith.constant 1 : i32
      %dma_start3A_1216 = arith.constant 1 : i32
      %dma_start3A_1217 = arith.constant 0 : i32
      %dma_start3A_1218 = arith.constant 0 : i32
      %dma_start3A_1219 = tpu.memref_slice %arg7[%dma_start3A_1215, %dma_start3A_1216, %dma_start3A_1217, %dma_start3A_1218] : memref<4x2x64x128xf32, #tpu.memory_space<vmem>> -> memref<1x1x64x128xf32, #tpu.memory_space<vmem>>
      %dma_start3A_1220 = tpu.memref_squeeze %dma_start3A_1219 : memref<1x1x64x128xf32, #tpu.memory_space<vmem>> -> memref<64x128xf32, #tpu.memory_space<vmem>>
      %dma_start3A_1221 = arith.constant 0 : i32
      %dma_start3A_1222 = tpu.memref_slice %arg3[%dma_start3A_1221, %multiple_of3A_1214] : memref<64x1000000xf32, #tpu.memory_space<hbm>> -> memref<64x128xf32, #tpu.memory_space<hbm>>
      %dma_start3A_1223 = arith.constant 0 : i32
      %dma_start3A_1224 = arith.constant 0 : i32
      %dma_start3A_1225 = tpu.memref_slice %arg7[%dma_start3A_1215, %dma_start3A_1216, %dma_start3A_1223, %dma_start3A_1224] : memref<4x2x64x128xf32, #tpu.memory_space<vmem>> -> memref<1x1x64x128xf32, #tpu.memory_space<vmem>>
      %dma_start3A_1226 = tpu.memref_squeeze %dma_start3A_1225 : memref<1x1x64x128xf32, #tpu.memory_space<vmem>> -> memref<64x128xf32, #tpu.memory_space<vmem>>
      %dma_start3A_1227 = arith.constant 0 : i32
      %dma_start3A_1228 = tpu.memref_slice %arg3[%dma_start3A_1227, %multiple_of3A_1214] : memref<64x1000000xf32, #tpu.memory_space<hbm>> -> memref<64x128xf32, #tpu.memory_space<hbm>>
      tpu.enqueue_dma source(%dma_start3A_1228 : memref<64x128xf32, #tpu.memory_space<hbm>>) target(%dma_start3A_1226 : memref<64x128xf32, #tpu.memory_space<vmem>>) target_semaphore(%arg10 : memref<!tpu.dma_semaphore, #tpu.memory_space<semaphore_mem>>)
      %dma_wait3A_1229 = arith.constant 2 : i32
      %dma_wait3A_1230 = arith.constant 0 : i32
      %dma_wait3A_1231 = arith.constant 0 : i32
      %dma_wait3A_1232 = arith.constant 0 : i32
      %dma_wait3A_1233 = tpu.memref_slice %arg7[%dma_wait3A_1229, %dma_wait3A_1230, %dma_wait3A_1231, %dma_wait3A_1232] : memref<4x2x64x128xf32, #tpu.memory_space<vmem>> -> memref<1x1x64x128xf32, #tpu.memory_space<vmem>>
      %dma_wait3A_1234 = tpu.memref_squeeze %dma_wait3A_1233 : memref<1x1x64x128xf32, #tpu.memory_space<vmem>> -> memref<64x128xf32, #tpu.memory_space<vmem>>
      %dma_wait3A_1235 = arith.constant 0 : i32
      %dma_wait3A_1236 = tpu.memref_slice %arg3[%dma_wait3A_1235, %multiple_of3A_671] : memref<64x1000000xf32, #tpu.memory_space<hbm>> -> memref<64x128xf32, #tpu.memory_space<hbm>>
      %dma_wait3A_1237 = arith.constant 0 : i32
      %dma_wait3A_1238 = arith.constant 0 : i32
      %dma_wait3A_1239 = tpu.memref_slice %arg7[%dma_wait3A_1229, %dma_wait3A_1230, %dma_wait3A_1237, %dma_wait3A_1238] : memref<4x2x64x128xf32, #tpu.memory_space<vmem>> -> memref<1x1x64x128xf32, #tpu.memory_space<vmem>>
      %dma_wait3A_1240 = tpu.memref_squeeze %dma_wait3A_1239 : memref<1x1x64x128xf32, #tpu.memory_space<vmem>> -> memref<64x128xf32, #tpu.memory_space<vmem>>
      %dma_wait3A_1241 = arith.constant 0 : i32
      %dma_wait3A_1242 = tpu.memref_slice %arg3[%dma_wait3A_1241, %multiple_of3A_671] : memref<64x1000000xf32, #tpu.memory_space<hbm>> -> memref<64x128xf32, #tpu.memory_space<hbm>>
      tpu.wait_dma2 semaphore(%arg11 : memref<!tpu.dma_semaphore, #tpu.memory_space<semaphore_mem>>) src(%dma_wait3A_1242 : memref<64x128xf32, #tpu.memory_space<hbm>>) dst(%dma_wait3A_1240 : memref<64x128xf32, #tpu.memory_space<vmem>>)
      %dma_wait3A_1243 = arith.constant 2 : i32
      %dma_wait3A_1244 = arith.constant 1 : i32
      %dma_wait3A_1245 = arith.constant 0 : i32
      %dma_wait3A_1246 = arith.constant 0 : i32
      %dma_wait3A_1247 = tpu.memref_slice %arg7[%dma_wait3A_1243, %dma_wait3A_1244, %dma_wait3A_1245, %dma_wait3A_1246] : memref<4x2x64x128xf32, #tpu.memory_space<vmem>> -> memref<1x1x64x128xf32, #tpu.memory_space<vmem>>
      %dma_wait3A_1248 = tpu.memref_squeeze %dma_wait3A_1247 : memref<1x1x64x128xf32, #tpu.memory_space<vmem>> -> memref<64x128xf32, #tpu.memory_space<vmem>>
      %dma_wait3A_1249 = arith.constant 0 : i32
      %dma_wait3A_1250 = tpu.memref_slice %arg3[%dma_wait3A_1249, %multiple_of3A_692] : memref<64x1000000xf32, #tpu.memory_space<hbm>> -> memref<64x128xf32, #tpu.memory_space<hbm>>
      %dma_wait3A_1251 = arith.constant 0 : i32
      %dma_wait3A_1252 = arith.constant 0 : i32
      %dma_wait3A_1253 = tpu.memref_slice %arg7[%dma_wait3A_1243, %dma_wait3A_1244, %dma_wait3A_1251, %dma_wait3A_1252] : memref<4x2x64x128xf32, #tpu.memory_space<vmem>> -> memref<1x1x64x128xf32, #tpu.memory_space<vmem>>
      %dma_wait3A_1254 = tpu.memref_squeeze %dma_wait3A_1253 : memref<1x1x64x128xf32, #tpu.memory_space<vmem>> -> memref<64x128xf32, #tpu.memory_space<vmem>>
      %dma_wait3A_1255 = arith.constant 0 : i32
      %dma_wait3A_1256 = tpu.memref_slice %arg3[%dma_wait3A_1255, %multiple_of3A_692] : memref<64x1000000xf32, #tpu.memory_space<hbm>> -> memref<64x128xf32, #tpu.memory_space<hbm>>
      tpu.wait_dma2 semaphore(%arg11 : memref<!tpu.dma_semaphore, #tpu.memory_space<semaphore_mem>>) src(%dma_wait3A_1256 : memref<64x128xf32, #tpu.memory_space<hbm>>) dst(%dma_wait3A_1254 : memref<64x128xf32, #tpu.memory_space<vmem>>)
      %slice3A_1257 = vector.extract_strided_slice %get3A_18 {offsets = [12], sizes = [1], strides = [1]} : vector<16xi32> to vector<1xi32>
      %squeeze3A_1258 = vector.extract %slice3A_1257[0] : i32 from vector<1xi32>
      %mul3A_1259 = arith.constant 32 : i32
      %mul3A_1260 = arith.muli %scan3A_13, %mul3A_1259 : i32
      %add3A_1261 = arith.constant 12 : i32
      %add3A_1262 = arith.addi %mul3A_1260, %add3A_1261 : i32
      %add3A_1263 = arith.constant 0 : i32
      %add3A_1264 = arith.addi %add3A_1262, %add3A_1263 : i32
      %and3A_1265 = arith.constant 127 : i32
      %and3A_1266 = arith.andi %squeeze3A_1258, %and3A_1265 : i32
      %broadcast_in_dim3A_1267 = vector.broadcast %and3A_1266 : i32 to vector<16xi32>
      %broadcast_in_dim3A_1268 = vector.broadcast %add3A_1264 : i32 to vector<16xi32>
      %add3A_1269 = arith.constant 0 : i32
      %add3A_1270 = vector.broadcast %add3A_1269 : i32 to vector<16xi32>
      %add3A_1271 = arith.addi %iota3A, %add3A_1270 : vector<16xi32>
      %gather3A_1272 = arith.constant 2 : i32
      %gather3A_1273 = arith.constant 0 : i32
      %gather3A_1274 = arith.constant 0 : i32
      %gather3A_1275 = arith.constant 0 : i32
      %gather3A_1276 = tpu.memref_slice %arg7[%gather3A_1272, %gather3A_1273, %gather3A_1274, %gather3A_1275] : memref<4x2x64x128xf32, #tpu.memory_space<vmem>> -> memref<1x1x64x128xf32, #tpu.memory_space<vmem>>
      %gather3A_1277 = tpu.memref_squeeze %gather3A_1276 : memref<1x1x64x128xf32, #tpu.memory_space<vmem>> -> memref<64x128xf32, #tpu.memory_space<vmem>>
      %gather3A_1278 = tpu.vector_load_idx %gather3A_1277[%add3A_1271, %broadcast_in_dim3A_1267] : memref<64x128xf32, #tpu.memory_space<vmem>>[vector<16xi32>, vector<16xi32>], vector<16xf32>,
      tpu.vector_store_idx %arg8[%add3A_1271, %broadcast_in_dim3A_1268], %gather3A_1278 {add = true} : memref<64x256xf32, #tpu.memory_space<vmem>>[vector<16xi32>, vector<16xi32>], vector<16xf32>,
      %add3A_1279 = arith.constant 16 : i32
      %add3A_1280 = vector.broadcast %add3A_1279 : i32 to vector<16xi32>
      %add3A_1281 = arith.addi %iota3A, %add3A_1280 : vector<16xi32>
      %gather3A_1282 = arith.constant 2 : i32
      %gather3A_1283 = arith.constant 0 : i32
      %gather3A_1284 = arith.constant 0 : i32
      %gather3A_1285 = arith.constant 0 : i32
      %gather3A_1286 = tpu.memref_slice %arg7[%gather3A_1282, %gather3A_1283, %gather3A_1284, %gather3A_1285] : memref<4x2x64x128xf32, #tpu.memory_space<vmem>> -> memref<1x1x64x128xf32, #tpu.memory_space<vmem>>
      %gather3A_1287 = tpu.memref_squeeze %gather3A_1286 : memref<1x1x64x128xf32, #tpu.memory_space<vmem>> -> memref<64x128xf32, #tpu.memory_space<vmem>>
      %gather3A_1288 = tpu.vector_load_idx %gather3A_1287[%add3A_1281, %broadcast_in_dim3A_1267] : memref<64x128xf32, #tpu.memory_space<vmem>>[vector<16xi32>, vector<16xi32>], vector<16xf32>,
      tpu.vector_store_idx %arg8[%add3A_1281, %broadcast_in_dim3A_1268], %gather3A_1288 {add = true} : memref<64x256xf32, #tpu.memory_space<vmem>>[vector<16xi32>, vector<16xi32>], vector<16xf32>,
      %add3A_1289 = arith.constant 32 : i32
      %add3A_1290 = vector.broadcast %add3A_1289 : i32 to vector<16xi32>
      %add3A_1291 = arith.addi %iota3A, %add3A_1290 : vector<16xi32>
      %gather3A_1292 = arith.constant 2 : i32
      %gather3A_1293 = arith.constant 0 : i32
      %gather3A_1294 = arith.constant 0 : i32
      %gather3A_1295 = arith.constant 0 : i32
      %gather3A_1296 = tpu.memref_slice %arg7[%gather3A_1292, %gather3A_1293, %gather3A_1294, %gather3A_1295] : memref<4x2x64x128xf32, #tpu.memory_space<vmem>> -> memref<1x1x64x128xf32, #tpu.memory_space<vmem>>
      %gather3A_1297 = tpu.memref_squeeze %gather3A_1296 : memref<1x1x64x128xf32, #tpu.memory_space<vmem>> -> memref<64x128xf32, #tpu.memory_space<vmem>>
      %gather3A_1298 = tpu.vector_load_idx %gather3A_1297[%add3A_1291, %broadcast_in_dim3A_1267] : memref<64x128xf32, #tpu.memory_space<vmem>>[vector<16xi32>, vector<16xi32>], vector<16xf32>,
      tpu.vector_store_idx %arg8[%add3A_1291, %broadcast_in_dim3A_1268], %gather3A_1298 {add = true} : memref<64x256xf32, #tpu.memory_space<vmem>>[vector<16xi32>, vector<16xi32>], vector<16xf32>,
      %add3A_1299 = arith.constant 48 : i32
      %add3A_1300 = vector.broadcast %add3A_1299 : i32 to vector<16xi32>
      %add3A_1301 = arith.addi %iota3A, %add3A_1300 : vector<16xi32>
      %gather3A_1302 = arith.constant 2 : i32
      %gather3A_1303 = arith.constant 0 : i32
      %gather3A_1304 = arith.constant 0 : i32
      %gather3A_1305 = arith.constant 0 : i32
      %gather3A_1306 = tpu.memref_slice %arg7[%gather3A_1302, %gather3A_1303, %gather3A_1304, %gather3A_1305] : memref<4x2x64x128xf32, #tpu.memory_space<vmem>> -> memref<1x1x64x128xf32, #tpu.memory_space<vmem>>
      %gather3A_1307 = tpu.memref_squeeze %gather3A_1306 : memref<1x1x64x128xf32, #tpu.memory_space<vmem>> -> memref<64x128xf32, #tpu.memory_space<vmem>>
      %gather3A_1308 = tpu.vector_load_idx %gather3A_1307[%add3A_1301, %broadcast_in_dim3A_1267] : memref<64x128xf32, #tpu.memory_space<vmem>>[vector<16xi32>, vector<16xi32>], vector<16xf32>,
      tpu.vector_store_idx %arg8[%add3A_1301, %broadcast_in_dim3A_1268], %gather3A_1308 {add = true} : memref<64x256xf32, #tpu.memory_space<vmem>>[vector<16xi32>, vector<16xi32>], vector<16xf32>,
      %slice3A_1309 = vector.extract_strided_slice %get3A_18 {offsets = [13], sizes = [1], strides = [1]} : vector<16xi32> to vector<1xi32>
      %squeeze3A_1310 = vector.extract %slice3A_1309[0] : i32 from vector<1xi32>
      %mul3A_1311 = arith.constant 32 : i32
      %mul3A_1312 = arith.muli %scan3A_13, %mul3A_1311 : i32
      %add3A_1313 = arith.constant 12 : i32
      %add3A_1314 = arith.addi %mul3A_1312, %add3A_1313 : i32
      %add3A_1315 = arith.constant 1 : i32
      %add3A_1316 = arith.addi %add3A_1314, %add3A_1315 : i32
      %and3A_1317 = arith.constant 127 : i32
      %and3A_1318 = arith.andi %squeeze3A_1310, %and3A_1317 : i32
      %broadcast_in_dim3A_1319 = vector.broadcast %and3A_1318 : i32 to vector<16xi32>
      %broadcast_in_dim3A_1320 = vector.broadcast %add3A_1316 : i32 to vector<16xi32>
      %add3A_1321 = arith.constant 0 : i32
      %add3A_1322 = vector.broadcast %add3A_1321 : i32 to vector<16xi32>
      %add3A_1323 = arith.addi %iota3A, %add3A_1322 : vector<16xi32>
      %gather3A_1324 = arith.constant 2 : i32
      %gather3A_1325 = arith.constant 1 : i32
      %gather3A_1326 = arith.constant 0 : i32
      %gather3A_1327 = arith.constant 0 : i32
      %gather3A_1328 = tpu.memref_slice %arg7[%gather3A_1324, %gather3A_1325, %gather3A_1326, %gather3A_1327] : memref<4x2x64x128xf32, #tpu.memory_space<vmem>> -> memref<1x1x64x128xf32, #tpu.memory_space<vmem>>
      %gather3A_1329 = tpu.memref_squeeze %gather3A_1328 : memref<1x1x64x128xf32, #tpu.memory_space<vmem>> -> memref<64x128xf32, #tpu.memory_space<vmem>>
      %gather3A_1330 = tpu.vector_load_idx %gather3A_1329[%add3A_1323, %broadcast_in_dim3A_1319] : memref<64x128xf32, #tpu.memory_space<vmem>>[vector<16xi32>, vector<16xi32>], vector<16xf32>,
      tpu.vector_store_idx %arg8[%add3A_1323, %broadcast_in_dim3A_1320], %gather3A_1330 {add = true} : memref<64x256xf32, #tpu.memory_space<vmem>>[vector<16xi32>, vector<16xi32>], vector<16xf32>,
      %add3A_1331 = arith.constant 16 : i32
      %add3A_1332 = vector.broadcast %add3A_1331 : i32 to vector<16xi32>
      %add3A_1333 = arith.addi %iota3A, %add3A_1332 : vector<16xi32>
      %gather3A_1334 = arith.constant 2 : i32
      %gather3A_1335 = arith.constant 1 : i32
      %gather3A_1336 = arith.constant 0 : i32
      %gather3A_1337 = arith.constant 0 : i32
      %gather3A_1338 = tpu.memref_slice %arg7[%gather3A_1334, %gather3A_1335, %gather3A_1336, %gather3A_1337] : memref<4x2x64x128xf32, #tpu.memory_space<vmem>> -> memref<1x1x64x128xf32, #tpu.memory_space<vmem>>
      %gather3A_1339 = tpu.memref_squeeze %gather3A_1338 : memref<1x1x64x128xf32, #tpu.memory_space<vmem>> -> memref<64x128xf32, #tpu.memory_space<vmem>>
      %gather3A_1340 = tpu.vector_load_idx %gather3A_1339[%add3A_1333, %broadcast_in_dim3A_1319] : memref<64x128xf32, #tpu.memory_space<vmem>>[vector<16xi32>, vector<16xi32>], vector<16xf32>,
      tpu.vector_store_idx %arg8[%add3A_1333, %broadcast_in_dim3A_1320], %gather3A_1340 {add = true} : memref<64x256xf32, #tpu.memory_space<vmem>>[vector<16xi32>, vector<16xi32>], vector<16xf32>,
      %add3A_1341 = arith.constant 32 : i32
      %add3A_1342 = vector.broadcast %add3A_1341 : i32 to vector<16xi32>
      %add3A_1343 = arith.addi %iota3A, %add3A_1342 : vector<16xi32>
      %gather3A_1344 = arith.constant 2 : i32
      %gather3A_1345 = arith.constant 1 : i32
      %gather3A_1346 = arith.constant 0 : i32
      %gather3A_1347 = arith.constant 0 : i32
      %gather3A_1348 = tpu.memref_slice %arg7[%gather3A_1344, %gather3A_1345, %gather3A_1346, %gather3A_1347] : memref<4x2x64x128xf32, #tpu.memory_space<vmem>> -> memref<1x1x64x128xf32, #tpu.memory_space<vmem>>
      %gather3A_1349 = tpu.memref_squeeze %gather3A_1348 : memref<1x1x64x128xf32, #tpu.memory_space<vmem>> -> memref<64x128xf32, #tpu.memory_space<vmem>>
      %gather3A_1350 = tpu.vector_load_idx %gather3A_1349[%add3A_1343, %broadcast_in_dim3A_1319] : memref<64x128xf32, #tpu.memory_space<vmem>>[vector<16xi32>, vector<16xi32>], vector<16xf32>,
      tpu.vector_store_idx %arg8[%add3A_1343, %broadcast_in_dim3A_1320], %gather3A_1350 {add = true} : memref<64x256xf32, #tpu.memory_space<vmem>>[vector<16xi32>, vector<16xi32>], vector<16xf32>,
      %add3A_1351 = arith.constant 48 : i32
      %add3A_1352 = vector.broadcast %add3A_1351 : i32 to vector<16xi32>
      %add3A_1353 = arith.addi %iota3A, %add3A_1352 : vector<16xi32>
      %gather3A_1354 = arith.constant 2 : i32
      %gather3A_1355 = arith.constant 1 : i32
      %gather3A_1356 = arith.constant 0 : i32
      %gather3A_1357 = arith.constant 0 : i32
      %gather3A_1358 = tpu.memref_slice %arg7[%gather3A_1354, %gather3A_1355, %gather3A_1356, %gather3A_1357] : memref<4x2x64x128xf32, #tpu.memory_space<vmem>> -> memref<1x1x64x128xf32, #tpu.memory_space<vmem>>
      %gather3A_1359 = tpu.memref_squeeze %gather3A_1358 : memref<1x1x64x128xf32, #tpu.memory_space<vmem>> -> memref<64x128xf32, #tpu.memory_space<vmem>>
      %gather3A_1360 = tpu.vector_load_idx %gather3A_1359[%add3A_1353, %broadcast_in_dim3A_1319] : memref<64x128xf32, #tpu.memory_space<vmem>>[vector<16xi32>, vector<16xi32>], vector<16xf32>,
      tpu.vector_store_idx %arg8[%add3A_1353, %broadcast_in_dim3A_1320], %gather3A_1360 {add = true} : memref<64x256xf32, #tpu.memory_space<vmem>>[vector<16xi32>, vector<16xi32>], vector<16xf32>,
      %slice3A_1361 = vector.extract_strided_slice %get3A_24 {offsets = [4], sizes = [1], strides = [1]} : vector<16xi32> to vector<1xi32>
      %squeeze3A_1362 = vector.extract %slice3A_1361[0] : i32 from vector<1xi32>
      %shift_right_arithmetic3A_1363 = arith.constant 7 : i32
      %shift_right_arithmetic3A_1364 = arith.shrsi %squeeze3A_1362, %shift_right_arithmetic3A_1363 : i32
      %shift_left3A_1365 = arith.constant 7 : i32
      %shift_left3A_1366 = arith.shli %shift_right_arithmetic3A_1364, %shift_left3A_1365 : i32
      %multiple_of3A_1367 = tpu.assume_multiple %shift_left3A_1366, 128 : i32
      %dma_start3A_1368 = arith.constant 2 : i32
      %dma_start3A_1369 = arith.constant 0 : i32
      %dma_start3A_1370 = arith.constant 0 : i32
      %dma_start3A_1371 = arith.constant 0 : i32
      %dma_start3A_1372 = tpu.memref_slice %arg7[%dma_start3A_1368, %dma_start3A_1369, %dma_start3A_1370, %dma_start3A_1371] : memref<4x2x64x128xf32, #tpu.memory_space<vmem>> -> memref<1x1x64x128xf32, #tpu.memory_space<vmem>>
      %dma_start3A_1373 = tpu.memref_squeeze %dma_start3A_1372 : memref<1x1x64x128xf32, #tpu.memory_space<vmem>> -> memref<64x128xf32, #tpu.memory_space<vmem>>
      %dma_start3A_1374 = arith.constant 0 : i32
      %dma_start3A_1375 = tpu.memref_slice %arg3[%dma_start3A_1374, %multiple_of3A_1367] : memref<64x1000000xf32, #tpu.memory_space<hbm>> -> memref<64x128xf32, #tpu.memory_space<hbm>>
      %dma_start3A_1376 = arith.constant 0 : i32
      %dma_start3A_1377 = arith.constant 0 : i32
      %dma_start3A_1378 = tpu.memref_slice %arg7[%dma_start3A_1368, %dma_start3A_1369, %dma_start3A_1376, %dma_start3A_1377] : memref<4x2x64x128xf32, #tpu.memory_space<vmem>> -> memref<1x1x64x128xf32, #tpu.memory_space<vmem>>
      %dma_start3A_1379 = tpu.memref_squeeze %dma_start3A_1378 : memref<1x1x64x128xf32, #tpu.memory_space<vmem>> -> memref<64x128xf32, #tpu.memory_space<vmem>>
      %dma_start3A_1380 = arith.constant 0 : i32
      %dma_start3A_1381 = tpu.memref_slice %arg3[%dma_start3A_1380, %multiple_of3A_1367] : memref<64x1000000xf32, #tpu.memory_space<hbm>> -> memref<64x128xf32, #tpu.memory_space<hbm>>
      tpu.enqueue_dma source(%dma_start3A_1381 : memref<64x128xf32, #tpu.memory_space<hbm>>) target(%dma_start3A_1379 : memref<64x128xf32, #tpu.memory_space<vmem>>) target_semaphore(%arg11 : memref<!tpu.dma_semaphore, #tpu.memory_space<semaphore_mem>>)
      %slice3A_1382 = vector.extract_strided_slice %get3A_24 {offsets = [5], sizes = [1], strides = [1]} : vector<16xi32> to vector<1xi32>
      %squeeze3A_1383 = vector.extract %slice3A_1382[0] : i32 from vector<1xi32>
      %shift_right_arithmetic3A_1384 = arith.constant 7 : i32
      %shift_right_arithmetic3A_1385 = arith.shrsi %squeeze3A_1383, %shift_right_arithmetic3A_1384 : i32
      %shift_left3A_1386 = arith.constant 7 : i32
      %shift_left3A_1387 = arith.shli %shift_right_arithmetic3A_1385, %shift_left3A_1386 : i32
      %multiple_of3A_1388 = tpu.assume_multiple %shift_left3A_1387, 128 : i32
      %dma_start3A_1389 = arith.constant 2 : i32
      %dma_start3A_1390 = arith.constant 1 : i32
      %dma_start3A_1391 = arith.constant 0 : i32
      %dma_start3A_1392 = arith.constant 0 : i32
      %dma_start3A_1393 = tpu.memref_slice %arg7[%dma_start3A_1389, %dma_start3A_1390, %dma_start3A_1391, %dma_start3A_1392] : memref<4x2x64x128xf32, #tpu.memory_space<vmem>> -> memref<1x1x64x128xf32, #tpu.memory_space<vmem>>
      %dma_start3A_1394 = tpu.memref_squeeze %dma_start3A_1393 : memref<1x1x64x128xf32, #tpu.memory_space<vmem>> -> memref<64x128xf32, #tpu.memory_space<vmem>>
      %dma_start3A_1395 = arith.constant 0 : i32
      %dma_start3A_1396 = tpu.memref_slice %arg3[%dma_start3A_1395, %multiple_of3A_1388] : memref<64x1000000xf32, #tpu.memory_space<hbm>> -> memref<64x128xf32, #tpu.memory_space<hbm>>
      %dma_start3A_1397 = arith.constant 0 : i32
      %dma_start3A_1398 = arith.constant 0 : i32
      %dma_start3A_1399 = tpu.memref_slice %arg7[%dma_start3A_1389, %dma_start3A_1390, %dma_start3A_1397, %dma_start3A_1398] : memref<4x2x64x128xf32, #tpu.memory_space<vmem>> -> memref<1x1x64x128xf32, #tpu.memory_space<vmem>>
      %dma_start3A_1400 = tpu.memref_squeeze %dma_start3A_1399 : memref<1x1x64x128xf32, #tpu.memory_space<vmem>> -> memref<64x128xf32, #tpu.memory_space<vmem>>
      %dma_start3A_1401 = arith.constant 0 : i32
      %dma_start3A_1402 = tpu.memref_slice %arg3[%dma_start3A_1401, %multiple_of3A_1388] : memref<64x1000000xf32, #tpu.memory_space<hbm>> -> memref<64x128xf32, #tpu.memory_space<hbm>>
      tpu.enqueue_dma source(%dma_start3A_1402 : memref<64x128xf32, #tpu.memory_space<hbm>>) target(%dma_start3A_1400 : memref<64x128xf32, #tpu.memory_space<vmem>>) target_semaphore(%arg11 : memref<!tpu.dma_semaphore, #tpu.memory_space<semaphore_mem>>)
      %dma_wait3A_1403 = arith.constant 3 : i32
      %dma_wait3A_1404 = arith.constant 0 : i32
      %dma_wait3A_1405 = arith.constant 0 : i32
      %dma_wait3A_1406 = arith.constant 0 : i32
      %dma_wait3A_1407 = tpu.memref_slice %arg7[%dma_wait3A_1403, %dma_wait3A_1404, %dma_wait3A_1405, %dma_wait3A_1406] : memref<4x2x64x128xf32, #tpu.memory_space<vmem>> -> memref<1x1x64x128xf32, #tpu.memory_space<vmem>>
      %dma_wait3A_1408 = tpu.memref_squeeze %dma_wait3A_1407 : memref<1x1x64x128xf32, #tpu.memory_space<vmem>> -> memref<64x128xf32, #tpu.memory_space<vmem>>
      %dma_wait3A_1409 = arith.constant 0 : i32
      %dma_wait3A_1410 = tpu.memref_slice %arg3[%dma_wait3A_1409, %multiple_of3A_845] : memref<64x1000000xf32, #tpu.memory_space<hbm>> -> memref<64x128xf32, #tpu.memory_space<hbm>>
      %dma_wait3A_1411 = arith.constant 0 : i32
      %dma_wait3A_1412 = arith.constant 0 : i32
      %dma_wait3A_1413 = tpu.memref_slice %arg7[%dma_wait3A_1403, %dma_wait3A_1404, %dma_wait3A_1411, %dma_wait3A_1412] : memref<4x2x64x128xf32, #tpu.memory_space<vmem>> -> memref<1x1x64x128xf32, #tpu.memory_space<vmem>>
      %dma_wait3A_1414 = tpu.memref_squeeze %dma_wait3A_1413 : memref<1x1x64x128xf32, #tpu.memory_space<vmem>> -> memref<64x128xf32, #tpu.memory_space<vmem>>
      %dma_wait3A_1415 = arith.constant 0 : i32
      %dma_wait3A_1416 = tpu.memref_slice %arg3[%dma_wait3A_1415, %multiple_of3A_845] : memref<64x1000000xf32, #tpu.memory_space<hbm>> -> memref<64x128xf32, #tpu.memory_space<hbm>>
      tpu.wait_dma2 semaphore(%arg12 : memref<!tpu.dma_semaphore, #tpu.memory_space<semaphore_mem>>) src(%dma_wait3A_1416 : memref<64x128xf32, #tpu.memory_space<hbm>>) dst(%dma_wait3A_1414 : memref<64x128xf32, #tpu.memory_space<vmem>>)
      %dma_wait3A_1417 = arith.constant 3 : i32
      %dma_wait3A_1418 = arith.constant 1 : i32
      %dma_wait3A_1419 = arith.constant 0 : i32
      %dma_wait3A_1420 = arith.constant 0 : i32
      %dma_wait3A_1421 = tpu.memref_slice %arg7[%dma_wait3A_1417, %dma_wait3A_1418, %dma_wait3A_1419, %dma_wait3A_1420] : memref<4x2x64x128xf32, #tpu.memory_space<vmem>> -> memref<1x1x64x128xf32, #tpu.memory_space<vmem>>
      %dma_wait3A_1422 = tpu.memref_squeeze %dma_wait3A_1421 : memref<1x1x64x128xf32, #tpu.memory_space<vmem>> -> memref<64x128xf32, #tpu.memory_space<vmem>>
      %dma_wait3A_1423 = arith.constant 0 : i32
      %dma_wait3A_1424 = tpu.memref_slice %arg3[%dma_wait3A_1423, %multiple_of3A_866] : memref<64x1000000xf32, #tpu.memory_space<hbm>> -> memref<64x128xf32, #tpu.memory_space<hbm>>
      %dma_wait3A_1425 = arith.constant 0 : i32
      %dma_wait3A_1426 = arith.constant 0 : i32
      %dma_wait3A_1427 = tpu.memref_slice %arg7[%dma_wait3A_1417, %dma_wait3A_1418, %dma_wait3A_1425, %dma_wait3A_1426] : memref<4x2x64x128xf32, #tpu.memory_space<vmem>> -> memref<1x1x64x128xf32, #tpu.memory_space<vmem>>
      %dma_wait3A_1428 = tpu.memref_squeeze %dma_wait3A_1427 : memref<1x1x64x128xf32, #tpu.memory_space<vmem>> -> memref<64x128xf32, #tpu.memory_space<vmem>>
      %dma_wait3A_1429 = arith.constant 0 : i32
      %dma_wait3A_1430 = tpu.memref_slice %arg3[%dma_wait3A_1429, %multiple_of3A_866] : memref<64x1000000xf32, #tpu.memory_space<hbm>> -> memref<64x128xf32, #tpu.memory_space<hbm>>
      tpu.wait_dma2 semaphore(%arg12 : memref<!tpu.dma_semaphore, #tpu.memory_space<semaphore_mem>>) src(%dma_wait3A_1430 : memref<64x128xf32, #tpu.memory_space<hbm>>) dst(%dma_wait3A_1428 : memref<64x128xf32, #tpu.memory_space<vmem>>)
      %slice3A_1431 = vector.extract_strided_slice %get3A_18 {offsets = [14], sizes = [1], strides = [1]} : vector<16xi32> to vector<1xi32>
      %squeeze3A_1432 = vector.extract %slice3A_1431[0] : i32 from vector<1xi32>
      %mul3A_1433 = arith.constant 32 : i32
      %mul3A_1434 = arith.muli %scan3A_13, %mul3A_1433 : i32
      %add3A_1435 = arith.constant 14 : i32
      %add3A_1436 = arith.addi %mul3A_1434, %add3A_1435 : i32
      %add3A_1437 = arith.constant 0 : i32
      %add3A_1438 = arith.addi %add3A_1436, %add3A_1437 : i32
      %and3A_1439 = arith.constant 127 : i32
      %and3A_1440 = arith.andi %squeeze3A_1432, %and3A_1439 : i32
      %broadcast_in_dim3A_1441 = vector.broadcast %and3A_1440 : i32 to vector<16xi32>
      %broadcast_in_dim3A_1442 = vector.broadcast %add3A_1438 : i32 to vector<16xi32>
      %add3A_1443 = arith.constant 0 : i32
      %add3A_1444 = vector.broadcast %add3A_1443 : i32 to vector<16xi32>
      %add3A_1445 = arith.addi %iota3A, %add3A_1444 : vector<16xi32>
      %gather3A_1446 = arith.constant 3 : i32
      %gather3A_1447 = arith.constant 0 : i32
      %gather3A_1448 = arith.constant 0 : i32
      %gather3A_1449 = arith.constant 0 : i32
      %gather3A_1450 = tpu.memref_slice %arg7[%gather3A_1446, %gather3A_1447, %gather3A_1448, %gather3A_1449] : memref<4x2x64x128xf32, #tpu.memory_space<vmem>> -> memref<1x1x64x128xf32, #tpu.memory_space<vmem>>
      %gather3A_1451 = tpu.memref_squeeze %gather3A_1450 : memref<1x1x64x128xf32, #tpu.memory_space<vmem>> -> memref<64x128xf32, #tpu.memory_space<vmem>>
      %gather3A_1452 = tpu.vector_load_idx %gather3A_1451[%add3A_1445, %broadcast_in_dim3A_1441] : memref<64x128xf32, #tpu.memory_space<vmem>>[vector<16xi32>, vector<16xi32>], vector<16xf32>,
      tpu.vector_store_idx %arg8[%add3A_1445, %broadcast_in_dim3A_1442], %gather3A_1452 {add = true} : memref<64x256xf32, #tpu.memory_space<vmem>>[vector<16xi32>, vector<16xi32>], vector<16xf32>,
      %add3A_1453 = arith.constant 16 : i32
      %add3A_1454 = vector.broadcast %add3A_1453 : i32 to vector<16xi32>
      %add3A_1455 = arith.addi %iota3A, %add3A_1454 : vector<16xi32>
      %gather3A_1456 = arith.constant 3 : i32
      %gather3A_1457 = arith.constant 0 : i32
      %gather3A_1458 = arith.constant 0 : i32
      %gather3A_1459 = arith.constant 0 : i32
      %gather3A_1460 = tpu.memref_slice %arg7[%gather3A_1456, %gather3A_1457, %gather3A_1458, %gather3A_1459] : memref<4x2x64x128xf32, #tpu.memory_space<vmem>> -> memref<1x1x64x128xf32, #tpu.memory_space<vmem>>
      %gather3A_1461 = tpu.memref_squeeze %gather3A_1460 : memref<1x1x64x128xf32, #tpu.memory_space<vmem>> -> memref<64x128xf32, #tpu.memory_space<vmem>>
      %gather3A_1462 = tpu.vector_load_idx %gather3A_1461[%add3A_1455, %broadcast_in_dim3A_1441] : memref<64x128xf32, #tpu.memory_space<vmem>>[vector<16xi32>, vector<16xi32>], vector<16xf32>,
      tpu.vector_store_idx %arg8[%add3A_1455, %broadcast_in_dim3A_1442], %gather3A_1462 {add = true} : memref<64x256xf32, #tpu.memory_space<vmem>>[vector<16xi32>, vector<16xi32>], vector<16xf32>,
      %add3A_1463 = arith.constant 32 : i32
      %add3A_1464 = vector.broadcast %add3A_1463 : i32 to vector<16xi32>
      %add3A_1465 = arith.addi %iota3A, %add3A_1464 : vector<16xi32>
      %gather3A_1466 = arith.constant 3 : i32
      %gather3A_1467 = arith.constant 0 : i32
      %gather3A_1468 = arith.constant 0 : i32
      %gather3A_1469 = arith.constant 0 : i32
      %gather3A_1470 = tpu.memref_slice %arg7[%gather3A_1466, %gather3A_1467, %gather3A_1468, %gather3A_1469] : memref<4x2x64x128xf32, #tpu.memory_space<vmem>> -> memref<1x1x64x128xf32, #tpu.memory_space<vmem>>
      %gather3A_1471 = tpu.memref_squeeze %gather3A_1470 : memref<1x1x64x128xf32, #tpu.memory_space<vmem>> -> memref<64x128xf32, #tpu.memory_space<vmem>>
      %gather3A_1472 = tpu.vector_load_idx %gather3A_1471[%add3A_1465, %broadcast_in_dim3A_1441] : memref<64x128xf32, #tpu.memory_space<vmem>>[vector<16xi32>, vector<16xi32>], vector<16xf32>,
      tpu.vector_store_idx %arg8[%add3A_1465, %broadcast_in_dim3A_1442], %gather3A_1472 {add = true} : memref<64x256xf32, #tpu.memory_space<vmem>>[vector<16xi32>, vector<16xi32>], vector<16xf32>,
      %add3A_1473 = arith.constant 48 : i32
      %add3A_1474 = vector.broadcast %add3A_1473 : i32 to vector<16xi32>
      %add3A_1475 = arith.addi %iota3A, %add3A_1474 : vector<16xi32>
      %gather3A_1476 = arith.constant 3 : i32
      %gather3A_1477 = arith.constant 0 : i32
      %gather3A_1478 = arith.constant 0 : i32
      %gather3A_1479 = arith.constant 0 : i32
      %gather3A_1480 = tpu.memref_slice %arg7[%gather3A_1476, %gather3A_1477, %gather3A_1478, %gather3A_1479] : memref<4x2x64x128xf32, #tpu.memory_space<vmem>> -> memref<1x1x64x128xf32, #tpu.memory_space<vmem>>
      %gather3A_1481 = tpu.memref_squeeze %gather3A_1480 : memref<1x1x64x128xf32, #tpu.memory_space<vmem>> -> memref<64x128xf32, #tpu.memory_space<vmem>>
      %gather3A_1482 = tpu.vector_load_idx %gather3A_1481[%add3A_1475, %broadcast_in_dim3A_1441] : memref<64x128xf32, #tpu.memory_space<vmem>>[vector<16xi32>, vector<16xi32>], vector<16xf32>,
      tpu.vector_store_idx %arg8[%add3A_1475, %broadcast_in_dim3A_1442], %gather3A_1482 {add = true} : memref<64x256xf32, #tpu.memory_space<vmem>>[vector<16xi32>, vector<16xi32>], vector<16xf32>,
      %slice3A_1483 = vector.extract_strided_slice %get3A_18 {offsets = [15], sizes = [1], strides = [1]} : vector<16xi32> to vector<1xi32>
      %squeeze3A_1484 = vector.extract %slice3A_1483[0] : i32 from vector<1xi32>
      %mul3A_1485 = arith.constant 32 : i32
      %mul3A_1486 = arith.muli %scan3A_13, %mul3A_1485 : i32
      %add3A_1487 = arith.constant 14 : i32
      %add3A_1488 = arith.addi %mul3A_1486, %add3A_1487 : i32
      %add3A_1489 = arith.constant 1 : i32
      %add3A_1490 = arith.addi %add3A_1488, %add3A_1489 : i32
      %and3A_1491 = arith.constant 127 : i32
      %and3A_1492 = arith.andi %squeeze3A_1484, %and3A_1491 : i32
      %broadcast_in_dim3A_1493 = vector.broadcast %and3A_1492 : i32 to vector<16xi32>
      %broadcast_in_dim3A_1494 = vector.broadcast %add3A_1490 : i32 to vector<16xi32>
      %add3A_1495 = arith.constant 0 : i32
      %add3A_1496 = vector.broadcast %add3A_1495 : i32 to vector<16xi32>
      %add3A_1497 = arith.addi %iota3A, %add3A_1496 : vector<16xi32>
      %gather3A_1498 = arith.constant 3 : i32
      %gather3A_1499 = arith.constant 1 : i32
      %gather3A_1500 = arith.constant 0 : i32
      %gather3A_1501 = arith.constant 0 : i32
      %gather3A_1502 = tpu.memref_slice %arg7[%gather3A_1498, %gather3A_1499, %gather3A_1500, %gather3A_1501] : memref<4x2x64x128xf32, #tpu.memory_space<vmem>> -> memref<1x1x64x128xf32, #tpu.memory_space<vmem>>
      %gather3A_1503 = tpu.memref_squeeze %gather3A_1502 : memref<1x1x64x128xf32, #tpu.memory_space<vmem>> -> memref<64x128xf32, #tpu.memory_space<vmem>>
      %gather3A_1504 = tpu.vector_load_idx %gather3A_1503[%add3A_1497, %broadcast_in_dim3A_1493] : memref<64x128xf32, #tpu.memory_space<vmem>>[vector<16xi32>, vector<16xi32>], vector<16xf32>,
      tpu.vector_store_idx %arg8[%add3A_1497, %broadcast_in_dim3A_1494], %gather3A_1504 {add = true} : memref<64x256xf32, #tpu.memory_space<vmem>>[vector<16xi32>, vector<16xi32>], vector<16xf32>,
      %add3A_1505 = arith.constant 16 : i32
      %add3A_1506 = vector.broadcast %add3A_1505 : i32 to vector<16xi32>
      %add3A_1507 = arith.addi %iota3A, %add3A_1506 : vector<16xi32>
      %gather3A_1508 = arith.constant 3 : i32
      %gather3A_1509 = arith.constant 1 : i32
      %gather3A_1510 = arith.constant 0 : i32
      %gather3A_1511 = arith.constant 0 : i32
      %gather3A_1512 = tpu.memref_slice %arg7[%gather3A_1508, %gather3A_1509, %gather3A_1510, %gather3A_1511] : memref<4x2x64x128xf32, #tpu.memory_space<vmem>> -> memref<1x1x64x128xf32, #tpu.memory_space<vmem>>
      %gather3A_1513 = tpu.memref_squeeze %gather3A_1512 : memref<1x1x64x128xf32, #tpu.memory_space<vmem>> -> memref<64x128xf32, #tpu.memory_space<vmem>>
      %gather3A_1514 = tpu.vector_load_idx %gather3A_1513[%add3A_1507, %broadcast_in_dim3A_1493] : memref<64x128xf32, #tpu.memory_space<vmem>>[vector<16xi32>, vector<16xi32>], vector<16xf32>,
      tpu.vector_store_idx %arg8[%add3A_1507, %broadcast_in_dim3A_1494], %gather3A_1514 {add = true} : memref<64x256xf32, #tpu.memory_space<vmem>>[vector<16xi32>, vector<16xi32>], vector<16xf32>,
      %add3A_1515 = arith.constant 32 : i32
      %add3A_1516 = vector.broadcast %add3A_1515 : i32 to vector<16xi32>
      %add3A_1517 = arith.addi %iota3A, %add3A_1516 : vector<16xi32>
      %gather3A_1518 = arith.constant 3 : i32
      %gather3A_1519 = arith.constant 1 : i32
      %gather3A_1520 = arith.constant 0 : i32
      %gather3A_1521 = arith.constant 0 : i32
      %gather3A_1522 = tpu.memref_slice %arg7[%gather3A_1518, %gather3A_1519, %gather3A_1520, %gather3A_1521] : memref<4x2x64x128xf32, #tpu.memory_space<vmem>> -> memref<1x1x64x128xf32, #tpu.memory_space<vmem>>
      %gather3A_1523 = tpu.memref_squeeze %gather3A_1522 : memref<1x1x64x128xf32, #tpu.memory_space<vmem>> -> memref<64x128xf32, #tpu.memory_space<vmem>>
      %gather3A_1524 = tpu.vector_load_idx %gather3A_1523[%add3A_1517, %broadcast_in_dim3A_1493] : memref<64x128xf32, #tpu.memory_space<vmem>>[vector<16xi32>, vector<16xi32>], vector<16xf32>,
      tpu.vector_store_idx %arg8[%add3A_1517, %broadcast_in_dim3A_1494], %gather3A_1524 {add = true} : memref<64x256xf32, #tpu.memory_space<vmem>>[vector<16xi32>, vector<16xi32>], vector<16xf32>,
      %add3A_1525 = arith.constant 48 : i32
      %add3A_1526 = vector.broadcast %add3A_1525 : i32 to vector<16xi32>
      %add3A_1527 = arith.addi %iota3A, %add3A_1526 : vector<16xi32>
      %gather3A_1528 = arith.constant 3 : i32
      %gather3A_1529 = arith.constant 1 : i32
      %gather3A_1530 = arith.constant 0 : i32
      %gather3A_1531 = arith.constant 0 : i32
      %gather3A_1532 = tpu.memref_slice %arg7[%gather3A_1528, %gather3A_1529, %gather3A_1530, %gather3A_1531] : memref<4x2x64x128xf32, #tpu.memory_space<vmem>> -> memref<1x1x64x128xf32, #tpu.memory_space<vmem>>
      %gather3A_1533 = tpu.memref_squeeze %gather3A_1532 : memref<1x1x64x128xf32, #tpu.memory_space<vmem>> -> memref<64x128xf32, #tpu.memory_space<vmem>>
      %gather3A_1534 = tpu.vector_load_idx %gather3A_1533[%add3A_1527, %broadcast_in_dim3A_1493] : memref<64x128xf32, #tpu.memory_space<vmem>>[vector<16xi32>, vector<16xi32>], vector<16xf32>,
      tpu.vector_store_idx %arg8[%add3A_1527, %broadcast_in_dim3A_1494], %gather3A_1534 {add = true} : memref<64x256xf32, #tpu.memory_space<vmem>>[vector<16xi32>, vector<16xi32>], vector<16xf32>,
      %slice3A_1535 = vector.extract_strided_slice %get3A_24 {offsets = [6], sizes = [1], strides = [1]} : vector<16xi32> to vector<1xi32>
      %squeeze3A_1536 = vector.extract %slice3A_1535[0] : i32 from vector<1xi32>
      %shift_right_arithmetic3A_1537 = arith.constant 7 : i32
      %shift_right_arithmetic3A_1538 = arith.shrsi %squeeze3A_1536, %shift_right_arithmetic3A_1537 : i32
      %shift_left3A_1539 = arith.constant 7 : i32
      %shift_left3A_1540 = arith.shli %shift_right_arithmetic3A_1538, %shift_left3A_1539 : i32
      %multiple_of3A_1541 = tpu.assume_multiple %shift_left3A_1540, 128 : i32
      %dma_start3A_1542 = arith.constant 3 : i32
      %dma_start3A_1543 = arith.constant 0 : i32
      %dma_start3A_1544 = arith.constant 0 : i32
      %dma_start3A_1545 = arith.constant 0 : i32
      %dma_start3A_1546 = tpu.memref_slice %arg7[%dma_start3A_1542, %dma_start3A_1543, %dma_start3A_1544, %dma_start3A_1545] : memref<4x2x64x128xf32, #tpu.memory_space<vmem>> -> memref<1x1x64x128xf32, #tpu.memory_space<vmem>>
      %dma_start3A_1547 = tpu.memref_squeeze %dma_start3A_1546 : memref<1x1x64x128xf32, #tpu.memory_space<vmem>> -> memref<64x128xf32, #tpu.memory_space<vmem>>
      %dma_start3A_1548 = arith.constant 0 : i32
      %dma_start3A_1549 = tpu.memref_slice %arg3[%dma_start3A_1548, %multiple_of3A_1541] : memref<64x1000000xf32, #tpu.memory_space<hbm>> -> memref<64x128xf32, #tpu.memory_space<hbm>>
      %dma_start3A_1550 = arith.constant 0 : i32
      %dma_start3A_1551 = arith.constant 0 : i32
      %dma_start3A_1552 = tpu.memref_slice %arg7[%dma_start3A_1542, %dma_start3A_1543, %dma_start3A_1550, %dma_start3A_1551] : memref<4x2x64x128xf32, #tpu.memory_space<vmem>> -> memref<1x1x64x128xf32, #tpu.memory_space<vmem>>
      %dma_start3A_1553 = tpu.memref_squeeze %dma_start3A_1552 : memref<1x1x64x128xf32, #tpu.memory_space<vmem>> -> memref<64x128xf32, #tpu.memory_space<vmem>>
      %dma_start3A_1554 = arith.constant 0 : i32
      %dma_start3A_1555 = tpu.memref_slice %arg3[%dma_start3A_1554, %multiple_of3A_1541] : memref<64x1000000xf32, #tpu.memory_space<hbm>> -> memref<64x128xf32, #tpu.memory_space<hbm>>
      tpu.enqueue_dma source(%dma_start3A_1555 : memref<64x128xf32, #tpu.memory_space<hbm>>) target(%dma_start3A_1553 : memref<64x128xf32, #tpu.memory_space<vmem>>) target_semaphore(%arg12 : memref<!tpu.dma_semaphore, #tpu.memory_space<semaphore_mem>>)
      %slice3A_1556 = vector.extract_strided_slice %get3A_24 {offsets = [7], sizes = [1], strides = [1]} : vector<16xi32> to vector<1xi32>
      %squeeze3A_1557 = vector.extract %slice3A_1556[0] : i32 from vector<1xi32>
      %shift_right_arithmetic3A_1558 = arith.constant 7 : i32
      %shift_right_arithmetic3A_1559 = arith.shrsi %squeeze3A_1557, %shift_right_arithmetic3A_1558 : i32
      %shift_left3A_1560 = arith.constant 7 : i32
      %shift_left3A_1561 = arith.shli %shift_right_arithmetic3A_1559, %shift_left3A_1560 : i32
      %multiple_of3A_1562 = tpu.assume_multiple %shift_left3A_1561, 128 : i32
      %dma_start3A_1563 = arith.constant 3 : i32
      %dma_start3A_1564 = arith.constant 1 : i32
      %dma_start3A_1565 = arith.constant 0 : i32
      %dma_start3A_1566 = arith.constant 0 : i32
      %dma_start3A_1567 = tpu.memref_slice %arg7[%dma_start3A_1563, %dma_start3A_1564, %dma_start3A_1565, %dma_start3A_1566] : memref<4x2x64x128xf32, #tpu.memory_space<vmem>> -> memref<1x1x64x128xf32, #tpu.memory_space<vmem>>
      %dma_start3A_1568 = tpu.memref_squeeze %dma_start3A_1567 : memref<1x1x64x128xf32, #tpu.memory_space<vmem>> -> memref<64x128xf32, #tpu.memory_space<vmem>>
      %dma_start3A_1569 = arith.constant 0 : i32
      %dma_start3A_1570 = tpu.memref_slice %arg3[%dma_start3A_1569, %multiple_of3A_1562] : memref<64x1000000xf32, #tpu.memory_space<hbm>> -> memref<64x128xf32, #tpu.memory_space<hbm>>
      %dma_start3A_1571 = arith.constant 0 : i32
      %dma_start3A_1572 = arith.constant 0 : i32
      %dma_start3A_1573 = tpu.memref_slice %arg7[%dma_start3A_1563, %dma_start3A_1564, %dma_start3A_1571, %dma_start3A_1572] : memref<4x2x64x128xf32, #tpu.memory_space<vmem>> -> memref<1x1x64x128xf32, #tpu.memory_space<vmem>>
      %dma_start3A_1574 = tpu.memref_squeeze %dma_start3A_1573 : memref<1x1x64x128xf32, #tpu.memory_space<vmem>> -> memref<64x128xf32, #tpu.memory_space<vmem>>
      %dma_start3A_1575 = arith.constant 0 : i32
      %dma_start3A_1576 = tpu.memref_slice %arg3[%dma_start3A_1575, %multiple_of3A_1562] : memref<64x1000000xf32, #tpu.memory_space<hbm>> -> memref<64x128xf32, #tpu.memory_space<hbm>>
      tpu.enqueue_dma source(%dma_start3A_1576 : memref<64x128xf32, #tpu.memory_space<hbm>>) target(%dma_start3A_1574 : memref<64x128xf32, #tpu.memory_space<vmem>>) target_semaphore(%arg12 : memref<!tpu.dma_semaphore, #tpu.memory_space<semaphore_mem>>)
      %dma_wait3A_1577 = arith.constant 0 : i32
      %dma_wait3A_1578 = arith.constant 0 : i32
      %dma_wait3A_1579 = arith.constant 0 : i32
      %dma_wait3A_1580 = arith.constant 0 : i32
      %dma_wait3A_1581 = tpu.memref_slice %arg7[%dma_wait3A_1577, %dma_wait3A_1578, %dma_wait3A_1579, %dma_wait3A_1580] : memref<4x2x64x128xf32, #tpu.memory_space<vmem>> -> memref<1x1x64x128xf32, #tpu.memory_space<vmem>>
      %dma_wait3A_1582 = tpu.memref_squeeze %dma_wait3A_1581 : memref<1x1x64x128xf32, #tpu.memory_space<vmem>> -> memref<64x128xf32, #tpu.memory_space<vmem>>
      %dma_wait3A_1583 = arith.constant 0 : i32
      %dma_wait3A_1584 = tpu.memref_slice %arg3[%dma_wait3A_1583, %multiple_of3A_1019] : memref<64x1000000xf32, #tpu.memory_space<hbm>> -> memref<64x128xf32, #tpu.memory_space<hbm>>
      %dma_wait3A_1585 = arith.constant 0 : i32
      %dma_wait3A_1586 = arith.constant 0 : i32
      %dma_wait3A_1587 = tpu.memref_slice %arg7[%dma_wait3A_1577, %dma_wait3A_1578, %dma_wait3A_1585, %dma_wait3A_1586] : memref<4x2x64x128xf32, #tpu.memory_space<vmem>> -> memref<1x1x64x128xf32, #tpu.memory_space<vmem>>
      %dma_wait3A_1588 = tpu.memref_squeeze %dma_wait3A_1587 : memref<1x1x64x128xf32, #tpu.memory_space<vmem>> -> memref<64x128xf32, #tpu.memory_space<vmem>>
      %dma_wait3A_1589 = arith.constant 0 : i32
      %dma_wait3A_1590 = tpu.memref_slice %arg3[%dma_wait3A_1589, %multiple_of3A_1019] : memref<64x1000000xf32, #tpu.memory_space<hbm>> -> memref<64x128xf32, #tpu.memory_space<hbm>>
      tpu.wait_dma2 semaphore(%arg9 : memref<!tpu.dma_semaphore, #tpu.memory_space<semaphore_mem>>) src(%dma_wait3A_1590 : memref<64x128xf32, #tpu.memory_space<hbm>>) dst(%dma_wait3A_1588 : memref<64x128xf32, #tpu.memory_space<vmem>>)
      %dma_wait3A_1591 = arith.constant 0 : i32
      %dma_wait3A_1592 = arith.constant 1 : i32
      %dma_wait3A_1593 = arith.constant 0 : i32
      %dma_wait3A_1594 = arith.constant 0 : i32
      %dma_wait3A_1595 = tpu.memref_slice %arg7[%dma_wait3A_1591, %dma_wait3A_1592, %dma_wait3A_1593, %dma_wait3A_1594] : memref<4x2x64x128xf32, #tpu.memory_space<vmem>> -> memref<1x1x64x128xf32, #tpu.memory_space<vmem>>
      %dma_wait3A_1596 = tpu.memref_squeeze %dma_wait3A_1595 : memref<1x1x64x128xf32, #tpu.memory_space<vmem>> -> memref<64x128xf32, #tpu.memory_space<vmem>>
      %dma_wait3A_1597 = arith.constant 0 : i32
      %dma_wait3A_1598 = tpu.memref_slice %arg3[%dma_wait3A_1597, %multiple_of3A_1040] : memref<64x1000000xf32, #tpu.memory_space<hbm>> -> memref<64x128xf32, #tpu.memory_space<hbm>>
      %dma_wait3A_1599 = arith.constant 0 : i32
      %dma_wait3A_1600 = arith.constant 0 : i32
      %dma_wait3A_1601 = tpu.memref_slice %arg7[%dma_wait3A_1591, %dma_wait3A_1592, %dma_wait3A_1599, %dma_wait3A_1600] : memref<4x2x64x128xf32, #tpu.memory_space<vmem>> -> memref<1x1x64x128xf32, #tpu.memory_space<vmem>>
      %dma_wait3A_1602 = tpu.memref_squeeze %dma_wait3A_1601 : memref<1x1x64x128xf32, #tpu.memory_space<vmem>> -> memref<64x128xf32, #tpu.memory_space<vmem>>
      %dma_wait3A_1603 = arith.constant 0 : i32
      %dma_wait3A_1604 = tpu.memref_slice %arg3[%dma_wait3A_1603, %multiple_of3A_1040] : memref<64x1000000xf32, #tpu.memory_space<hbm>> -> memref<64x128xf32, #tpu.memory_space<hbm>>
      tpu.wait_dma2 semaphore(%arg9 : memref<!tpu.dma_semaphore, #tpu.memory_space<semaphore_mem>>) src(%dma_wait3A_1604 : memref<64x128xf32, #tpu.memory_space<hbm>>) dst(%dma_wait3A_1602 : memref<64x128xf32, #tpu.memory_space<vmem>>)
      %slice3A_1605 = vector.extract_strided_slice %get3A_24 {offsets = [0], sizes = [1], strides = [1]} : vector<16xi32> to vector<1xi32>
      %squeeze3A_1606 = vector.extract %slice3A_1605[0] : i32 from vector<1xi32>
      %mul3A_1607 = arith.constant 32 : i32
      %mul3A_1608 = arith.muli %scan3A_13, %mul3A_1607 : i32
      %add3A_1609 = arith.constant 16 : i32
      %add3A_1610 = arith.addi %mul3A_1608, %add3A_1609 : i32
      %add3A_1611 = arith.constant 0 : i32
      %add3A_1612 = arith.addi %add3A_1610, %add3A_1611 : i32
      %and3A_1613 = arith.constant 127 : i32
      %and3A_1614 = arith.andi %squeeze3A_1606, %and3A_1613 : i32
      %broadcast_in_dim3A_1615 = vector.broadcast %and3A_1614 : i32 to vector<16xi32>
      %broadcast_in_dim3A_1616 = vector.broadcast %add3A_1612 : i32 to vector<16xi32>
      %add3A_1617 = arith.constant 0 : i32
      %add3A_1618 = vector.broadcast %add3A_1617 : i32 to vector<16xi32>
      %add3A_1619 = arith.addi %iota3A, %add3A_1618 : vector<16xi32>
      %gather3A_1620 = arith.constant 0 : i32
      %gather3A_1621 = arith.constant 0 : i32
      %gather3A_1622 = arith.constant 0 : i32
      %gather3A_1623 = arith.constant 0 : i32
      %gather3A_1624 = tpu.memref_slice %arg7[%gather3A_1620, %gather3A_1621, %gather3A_1622, %gather3A_1623] : memref<4x2x64x128xf32, #tpu.memory_space<vmem>> -> memref<1x1x64x128xf32, #tpu.memory_space<vmem>>
      %gather3A_1625 = tpu.memref_squeeze %gather3A_1624 : memref<1x1x64x128xf32, #tpu.memory_space<vmem>> -> memref<64x128xf32, #tpu.memory_space<vmem>>
      %gather3A_1626 = tpu.vector_load_idx %gather3A_1625[%add3A_1619, %broadcast_in_dim3A_1615] : memref<64x128xf32, #tpu.memory_space<vmem>>[vector<16xi32>, vector<16xi32>], vector<16xf32>,
      tpu.vector_store_idx %arg8[%add3A_1619, %broadcast_in_dim3A_1616], %gather3A_1626 {add = true} : memref<64x256xf32, #tpu.memory_space<vmem>>[vector<16xi32>, vector<16xi32>], vector<16xf32>,
      %add3A_1627 = arith.constant 16 : i32
      %add3A_1628 = vector.broadcast %add3A_1627 : i32 to vector<16xi32>
      %add3A_1629 = arith.addi %iota3A, %add3A_1628 : vector<16xi32>
      %gather3A_1630 = arith.constant 0 : i32
      %gather3A_1631 = arith.constant 0 : i32
      %gather3A_1632 = arith.constant 0 : i32
      %gather3A_1633 = arith.constant 0 : i32
      %gather3A_1634 = tpu.memref_slice %arg7[%gather3A_1630, %gather3A_1631, %gather3A_1632, %gather3A_1633] : memref<4x2x64x128xf32, #tpu.memory_space<vmem>> -> memref<1x1x64x128xf32, #tpu.memory_space<vmem>>
      %gather3A_1635 = tpu.memref_squeeze %gather3A_1634 : memref<1x1x64x128xf32, #tpu.memory_space<vmem>> -> memref<64x128xf32, #tpu.memory_space<vmem>>
      %gather3A_1636 = tpu.vector_load_idx %gather3A_1635[%add3A_1629, %broadcast_in_dim3A_1615] : memref<64x128xf32, #tpu.memory_space<vmem>>[vector<16xi32>, vector<16xi32>], vector<16xf32>,
      tpu.vector_store_idx %arg8[%add3A_1629, %broadcast_in_dim3A_1616], %gather3A_1636 {add = true} : memref<64x256xf32, #tpu.memory_space<vmem>>[vector<16xi32>, vector<16xi32>], vector<16xf32>,
      %add3A_1637 = arith.constant 32 : i32
      %add3A_1638 = vector.broadcast %add3A_1637 : i32 to vector<16xi32>
      %add3A_1639 = arith.addi %iota3A, %add3A_1638 : vector<16xi32>
      %gather3A_1640 = arith.constant 0 : i32
      %gather3A_1641 = arith.constant 0 : i32
      %gather3A_1642 = arith.constant 0 : i32
      %gather3A_1643 = arith.constant 0 : i32
      %gather3A_1644 = tpu.memref_slice %arg7[%gather3A_1640, %gather3A_1641, %gather3A_1642, %gather3A_1643] : memref<4x2x64x128xf32, #tpu.memory_space<vmem>> -> memref<1x1x64x128xf32, #tpu.memory_space<vmem>>
      %gather3A_1645 = tpu.memref_squeeze %gather3A_1644 : memref<1x1x64x128xf32, #tpu.memory_space<vmem>> -> memref<64x128xf32, #tpu.memory_space<vmem>>
      %gather3A_1646 = tpu.vector_load_idx %gather3A_1645[%add3A_1639, %broadcast_in_dim3A_1615] : memref<64x128xf32, #tpu.memory_space<vmem>>[vector<16xi32>, vector<16xi32>], vector<16xf32>,
      tpu.vector_store_idx %arg8[%add3A_1639, %broadcast_in_dim3A_1616], %gather3A_1646 {add = true} : memref<64x256xf32, #tpu.memory_space<vmem>>[vector<16xi32>, vector<16xi32>], vector<16xf32>,
      %add3A_1647 = arith.constant 48 : i32
      %add3A_1648 = vector.broadcast %add3A_1647 : i32 to vector<16xi32>
      %add3A_1649 = arith.addi %iota3A, %add3A_1648 : vector<16xi32>
      %gather3A_1650 = arith.constant 0 : i32
      %gather3A_1651 = arith.constant 0 : i32
      %gather3A_1652 = arith.constant 0 : i32
      %gather3A_1653 = arith.constant 0 : i32
      %gather3A_1654 = tpu.memref_slice %arg7[%gather3A_1650, %gather3A_1651, %gather3A_1652, %gather3A_1653] : memref<4x2x64x128xf32, #tpu.memory_space<vmem>> -> memref<1x1x64x128xf32, #tpu.memory_space<vmem>>
      %gather3A_1655 = tpu.memref_squeeze %gather3A_1654 : memref<1x1x64x128xf32, #tpu.memory_space<vmem>> -> memref<64x128xf32, #tpu.memory_space<vmem>>
      %gather3A_1656 = tpu.vector_load_idx %gather3A_1655[%add3A_1649, %broadcast_in_dim3A_1615] : memref<64x128xf32, #tpu.memory_space<vmem>>[vector<16xi32>, vector<16xi32>], vector<16xf32>,
      tpu.vector_store_idx %arg8[%add3A_1649, %broadcast_in_dim3A_1616], %gather3A_1656 {add = true} : memref<64x256xf32, #tpu.memory_space<vmem>>[vector<16xi32>, vector<16xi32>], vector<16xf32>,
      %slice3A_1657 = vector.extract_strided_slice %get3A_24 {offsets = [1], sizes = [1], strides = [1]} : vector<16xi32> to vector<1xi32>
      %squeeze3A_1658 = vector.extract %slice3A_1657[0] : i32 from vector<1xi32>
      %mul3A_1659 = arith.constant 32 : i32
      %mul3A_1660 = arith.muli %scan3A_13, %mul3A_1659 : i32
      %add3A_1661 = arith.constant 16 : i32
      %add3A_1662 = arith.addi %mul3A_1660, %add3A_1661 : i32
      %add3A_1663 = arith.constant 1 : i32
      %add3A_1664 = arith.addi %add3A_1662, %add3A_1663 : i32
      %and3A_1665 = arith.constant 127 : i32
      %and3A_1666 = arith.andi %squeeze3A_1658, %and3A_1665 : i32
      %broadcast_in_dim3A_1667 = vector.broadcast %and3A_1666 : i32 to vector<16xi32>
      %broadcast_in_dim3A_1668 = vector.broadcast %add3A_1664 : i32 to vector<16xi32>
      %add3A_1669 = arith.constant 0 : i32
      %add3A_1670 = vector.broadcast %add3A_1669 : i32 to vector<16xi32>
      %add3A_1671 = arith.addi %iota3A, %add3A_1670 : vector<16xi32>
      %gather3A_1672 = arith.constant 0 : i32
      %gather3A_1673 = arith.constant 1 : i32
      %gather3A_1674 = arith.constant 0 : i32
      %gather3A_1675 = arith.constant 0 : i32
      %gather3A_1676 = tpu.memref_slice %arg7[%gather3A_1672, %gather3A_1673, %gather3A_1674, %gather3A_1675] : memref<4x2x64x128xf32, #tpu.memory_space<vmem>> -> memref<1x1x64x128xf32, #tpu.memory_space<vmem>>
      %gather3A_1677 = tpu.memref_squeeze %gather3A_1676 : memref<1x1x64x128xf32, #tpu.memory_space<vmem>> -> memref<64x128xf32, #tpu.memory_space<vmem>>
      %gather3A_1678 = tpu.vector_load_idx %gather3A_1677[%add3A_1671, %broadcast_in_dim3A_1667] : memref<64x128xf32, #tpu.memory_space<vmem>>[vector<16xi32>, vector<16xi32>], vector<16xf32>,
      tpu.vector_store_idx %arg8[%add3A_1671, %broadcast_in_dim3A_1668], %gather3A_1678 {add = true} : memref<64x256xf32, #tpu.memory_space<vmem>>[vector<16xi32>, vector<16xi32>], vector<16xf32>,
      %add3A_1679 = arith.constant 16 : i32
      %add3A_1680 = vector.broadcast %add3A_1679 : i32 to vector<16xi32>
      %add3A_1681 = arith.addi %iota3A, %add3A_1680 : vector<16xi32>
      %gather3A_1682 = arith.constant 0 : i32
      %gather3A_1683 = arith.constant 1 : i32
      %gather3A_1684 = arith.constant 0 : i32
      %gather3A_1685 = arith.constant 0 : i32
      %gather3A_1686 = tpu.memref_slice %arg7[%gather3A_1682, %gather3A_1683, %gather3A_1684, %gather3A_1685] : memref<4x2x64x128xf32, #tpu.memory_space<vmem>> -> memref<1x1x64x128xf32, #tpu.memory_space<vmem>>
      %gather3A_1687 = tpu.memref_squeeze %gather3A_1686 : memref<1x1x64x128xf32, #tpu.memory_space<vmem>> -> memref<64x128xf32, #tpu.memory_space<vmem>>
      %gather3A_1688 = tpu.vector_load_idx %gather3A_1687[%add3A_1681, %broadcast_in_dim3A_1667] : memref<64x128xf32, #tpu.memory_space<vmem>>[vector<16xi32>, vector<16xi32>], vector<16xf32>,
      tpu.vector_store_idx %arg8[%add3A_1681, %broadcast_in_dim3A_1668], %gather3A_1688 {add = true} : memref<64x256xf32, #tpu.memory_space<vmem>>[vector<16xi32>, vector<16xi32>], vector<16xf32>,
      %add3A_1689 = arith.constant 32 : i32
      %add3A_1690 = vector.broadcast %add3A_1689 : i32 to vector<16xi32>
      %add3A_1691 = arith.addi %iota3A, %add3A_1690 : vector<16xi32>
      %gather3A_1692 = arith.constant 0 : i32
      %gather3A_1693 = arith.constant 1 : i32
      %gather3A_1694 = arith.constant 0 : i32
      %gather3A_1695 = arith.constant 0 : i32
      %gather3A_1696 = tpu.memref_slice %arg7[%gather3A_1692, %gather3A_1693, %gather3A_1694, %gather3A_1695] : memref<4x2x64x128xf32, #tpu.memory_space<vmem>> -> memref<1x1x64x128xf32, #tpu.memory_space<vmem>>
      %gather3A_1697 = tpu.memref_squeeze %gather3A_1696 : memref<1x1x64x128xf32, #tpu.memory_space<vmem>> -> memref<64x128xf32, #tpu.memory_space<vmem>>
      %gather3A_1698 = tpu.vector_load_idx %gather3A_1697[%add3A_1691, %broadcast_in_dim3A_1667] : memref<64x128xf32, #tpu.memory_space<vmem>>[vector<16xi32>, vector<16xi32>], vector<16xf32>,
      tpu.vector_store_idx %arg8[%add3A_1691, %broadcast_in_dim3A_1668], %gather3A_1698 {add = true} : memref<64x256xf32, #tpu.memory_space<vmem>>[vector<16xi32>, vector<16xi32>], vector<16xf32>,
      %add3A_1699 = arith.constant 48 : i32
      %add3A_1700 = vector.broadcast %add3A_1699 : i32 to vector<16xi32>
      %add3A_1701 = arith.addi %iota3A, %add3A_1700 : vector<16xi32>
      %gather3A_1702 = arith.constant 0 : i32
      %gather3A_1703 = arith.constant 1 : i32
      %gather3A_1704 = arith.constant 0 : i32
      %gather3A_1705 = arith.constant 0 : i32
      %gather3A_1706 = tpu.memref_slice %arg7[%gather3A_1702, %gather3A_1703, %gather3A_1704, %gather3A_1705] : memref<4x2x64x128xf32, #tpu.memory_space<vmem>> -> memref<1x1x64x128xf32, #tpu.memory_space<vmem>>
      %gather3A_1707 = tpu.memref_squeeze %gather3A_1706 : memref<1x1x64x128xf32, #tpu.memory_space<vmem>> -> memref<64x128xf32, #tpu.memory_space<vmem>>
      %gather3A_1708 = tpu.vector_load_idx %gather3A_1707[%add3A_1701, %broadcast_in_dim3A_1667] : memref<64x128xf32, #tpu.memory_space<vmem>>[vector<16xi32>, vector<16xi32>], vector<16xf32>,
      tpu.vector_store_idx %arg8[%add3A_1701, %broadcast_in_dim3A_1668], %gather3A_1708 {add = true} : memref<64x256xf32, #tpu.memory_space<vmem>>[vector<16xi32>, vector<16xi32>], vector<16xf32>,
      %slice3A_1709 = vector.extract_strided_slice %get3A_24 {offsets = [8], sizes = [1], strides = [1]} : vector<16xi32> to vector<1xi32>
      %squeeze3A_1710 = vector.extract %slice3A_1709[0] : i32 from vector<1xi32>
      %shift_right_arithmetic3A_1711 = arith.constant 7 : i32
      %shift_right_arithmetic3A_1712 = arith.shrsi %squeeze3A_1710, %shift_right_arithmetic3A_1711 : i32
      %shift_left3A_1713 = arith.constant 7 : i32
      %shift_left3A_1714 = arith.shli %shift_right_arithmetic3A_1712, %shift_left3A_1713 : i32
      %multiple_of3A_1715 = tpu.assume_multiple %shift_left3A_1714, 128 : i32
      %dma_start3A_1716 = arith.constant 0 : i32
      %dma_start3A_1717 = arith.constant 0 : i32
      %dma_start3A_1718 = arith.constant 0 : i32
      %dma_start3A_1719 = arith.constant 0 : i32
      %dma_start3A_1720 = tpu.memref_slice %arg7[%dma_start3A_1716, %dma_start3A_1717, %dma_start3A_1718, %dma_start3A_1719] : memref<4x2x64x128xf32, #tpu.memory_space<vmem>> -> memref<1x1x64x128xf32, #tpu.memory_space<vmem>>
      %dma_start3A_1721 = tpu.memref_squeeze %dma_start3A_1720 : memref<1x1x64x128xf32, #tpu.memory_space<vmem>> -> memref<64x128xf32, #tpu.memory_space<vmem>>
      %dma_start3A_1722 = arith.constant 0 : i32
      %dma_start3A_1723 = tpu.memref_slice %arg3[%dma_start3A_1722, %multiple_of3A_1715] : memref<64x1000000xf32, #tpu.memory_space<hbm>> -> memref<64x128xf32, #tpu.memory_space<hbm>>
      %dma_start3A_1724 = arith.constant 0 : i32
      %dma_start3A_1725 = arith.constant 0 : i32
      %dma_start3A_1726 = tpu.memref_slice %arg7[%dma_start3A_1716, %dma_start3A_1717, %dma_start3A_1724, %dma_start3A_1725] : memref<4x2x64x128xf32, #tpu.memory_space<vmem>> -> memref<1x1x64x128xf32, #tpu.memory_space<vmem>>
      %dma_start3A_1727 = tpu.memref_squeeze %dma_start3A_1726 : memref<1x1x64x128xf32, #tpu.memory_space<vmem>> -> memref<64x128xf32, #tpu.memory_space<vmem>>
      %dma_start3A_1728 = arith.constant 0 : i32
      %dma_start3A_1729 = tpu.memref_slice %arg3[%dma_start3A_1728, %multiple_of3A_1715] : memref<64x1000000xf32, #tpu.memory_space<hbm>> -> memref<64x128xf32, #tpu.memory_space<hbm>>
      tpu.enqueue_dma source(%dma_start3A_1729 : memref<64x128xf32, #tpu.memory_space<hbm>>) target(%dma_start3A_1727 : memref<64x128xf32, #tpu.memory_space<vmem>>) target_semaphore(%arg9 : memref<!tpu.dma_semaphore, #tpu.memory_space<semaphore_mem>>)
      %slice3A_1730 = vector.extract_strided_slice %get3A_24 {offsets = [9], sizes = [1], strides = [1]} : vector<16xi32> to vector<1xi32>
      %squeeze3A_1731 = vector.extract %slice3A_1730[0] : i32 from vector<1xi32>
      %shift_right_arithmetic3A_1732 = arith.constant 7 : i32
      %shift_right_arithmetic3A_1733 = arith.shrsi %squeeze3A_1731, %shift_right_arithmetic3A_1732 : i32
      %shift_left3A_1734 = arith.constant 7 : i32
      %shift_left3A_1735 = arith.shli %shift_right_arithmetic3A_1733, %shift_left3A_1734 : i32
      %multiple_of3A_1736 = tpu.assume_multiple %shift_left3A_1735, 128 : i32
      %dma_start3A_1737 = arith.constant 0 : i32
      %dma_start3A_1738 = arith.constant 1 : i32
      %dma_start3A_1739 = arith.constant 0 : i32
      %dma_start3A_1740 = arith.constant 0 : i32
      %dma_start3A_1741 = tpu.memref_slice %arg7[%dma_start3A_1737, %dma_start3A_1738, %dma_start3A_1739, %dma_start3A_1740] : memref<4x2x64x128xf32, #tpu.memory_space<vmem>> -> memref<1x1x64x128xf32, #tpu.memory_space<vmem>>
      %dma_start3A_1742 = tpu.memref_squeeze %dma_start3A_1741 : memref<1x1x64x128xf32, #tpu.memory_space<vmem>> -> memref<64x128xf32, #tpu.memory_space<vmem>>
      %dma_start3A_1743 = arith.constant 0 : i32
      %dma_start3A_1744 = tpu.memref_slice %arg3[%dma_start3A_1743, %multiple_of3A_1736] : memref<64x1000000xf32, #tpu.memory_space<hbm>> -> memref<64x128xf32, #tpu.memory_space<hbm>>
      %dma_start3A_1745 = arith.constant 0 : i32
      %dma_start3A_1746 = arith.constant 0 : i32
      %dma_start3A_1747 = tpu.memref_slice %arg7[%dma_start3A_1737, %dma_start3A_1738, %dma_start3A_1745, %dma_start3A_1746] : memref<4x2x64x128xf32, #tpu.memory_space<vmem>> -> memref<1x1x64x128xf32, #tpu.memory_space<vmem>>
      %dma_start3A_1748 = tpu.memref_squeeze %dma_start3A_1747 : memref<1x1x64x128xf32, #tpu.memory_space<vmem>> -> memref<64x128xf32, #tpu.memory_space<vmem>>
      %dma_start3A_1749 = arith.constant 0 : i32
      %dma_start3A_1750 = tpu.memref_slice %arg3[%dma_start3A_1749, %multiple_of3A_1736] : memref<64x1000000xf32, #tpu.memory_space<hbm>> -> memref<64x128xf32, #tpu.memory_space<hbm>>
      tpu.enqueue_dma source(%dma_start3A_1750 : memref<64x128xf32, #tpu.memory_space<hbm>>) target(%dma_start3A_1748 : memref<64x128xf32, #tpu.memory_space<vmem>>) target_semaphore(%arg9 : memref<!tpu.dma_semaphore, #tpu.memory_space<semaphore_mem>>)
      %dma_wait3A_1751 = arith.constant 1 : i32
      %dma_wait3A_1752 = arith.constant 0 : i32
      %dma_wait3A_1753 = arith.constant 0 : i32
      %dma_wait3A_1754 = arith.constant 0 : i32
      %dma_wait3A_1755 = tpu.memref_slice %arg7[%dma_wait3A_1751, %dma_wait3A_1752, %dma_wait3A_1753, %dma_wait3A_1754] : memref<4x2x64x128xf32, #tpu.memory_space<vmem>> -> memref<1x1x64x128xf32, #tpu.memory_space<vmem>>
      %dma_wait3A_1756 = tpu.memref_squeeze %dma_wait3A_1755 : memref<1x1x64x128xf32, #tpu.memory_space<vmem>> -> memref<64x128xf32, #tpu.memory_space<vmem>>
      %dma_wait3A_1757 = arith.constant 0 : i32
      %dma_wait3A_1758 = tpu.memref_slice %arg3[%dma_wait3A_1757, %multiple_of3A_1193] : memref<64x1000000xf32, #tpu.memory_space<hbm>> -> memref<64x128xf32, #tpu.memory_space<hbm>>
      %dma_wait3A_1759 = arith.constant 0 : i32
      %dma_wait3A_1760 = arith.constant 0 : i32
      %dma_wait3A_1761 = tpu.memref_slice %arg7[%dma_wait3A_1751, %dma_wait3A_1752, %dma_wait3A_1759, %dma_wait3A_1760] : memref<4x2x64x128xf32, #tpu.memory_space<vmem>> -> memref<1x1x64x128xf32, #tpu.memory_space<vmem>>
      %dma_wait3A_1762 = tpu.memref_squeeze %dma_wait3A_1761 : memref<1x1x64x128xf32, #tpu.memory_space<vmem>> -> memref<64x128xf32, #tpu.memory_space<vmem>>
      %dma_wait3A_1763 = arith.constant 0 : i32
      %dma_wait3A_1764 = tpu.memref_slice %arg3[%dma_wait3A_1763, %multiple_of3A_1193] : memref<64x1000000xf32, #tpu.memory_space<hbm>> -> memref<64x128xf32, #tpu.memory_space<hbm>>
      tpu.wait_dma2 semaphore(%arg10 : memref<!tpu.dma_semaphore, #tpu.memory_space<semaphore_mem>>) src(%dma_wait3A_1764 : memref<64x128xf32, #tpu.memory_space<hbm>>) dst(%dma_wait3A_1762 : memref<64x128xf32, #tpu.memory_space<vmem>>)
      %dma_wait3A_1765 = arith.constant 1 : i32
      %dma_wait3A_1766 = arith.constant 1 : i32
      %dma_wait3A_1767 = arith.constant 0 : i32
      %dma_wait3A_1768 = arith.constant 0 : i32
      %dma_wait3A_1769 = tpu.memref_slice %arg7[%dma_wait3A_1765, %dma_wait3A_1766, %dma_wait3A_1767, %dma_wait3A_1768] : memref<4x2x64x128xf32, #tpu.memory_space<vmem>> -> memref<1x1x64x128xf32, #tpu.memory_space<vmem>>
      %dma_wait3A_1770 = tpu.memref_squeeze %dma_wait3A_1769 : memref<1x1x64x128xf32, #tpu.memory_space<vmem>> -> memref<64x128xf32, #tpu.memory_space<vmem>>
      %dma_wait3A_1771 = arith.constant 0 : i32
      %dma_wait3A_1772 = tpu.memref_slice %arg3[%dma_wait3A_1771, %multiple_of3A_1214] : memref<64x1000000xf32, #tpu.memory_space<hbm>> -> memref<64x128xf32, #tpu.memory_space<hbm>>
      %dma_wait3A_1773 = arith.constant 0 : i32
      %dma_wait3A_1774 = arith.constant 0 : i32
      %dma_wait3A_1775 = tpu.memref_slice %arg7[%dma_wait3A_1765, %dma_wait3A_1766, %dma_wait3A_1773, %dma_wait3A_1774] : memref<4x2x64x128xf32, #tpu.memory_space<vmem>> -> memref<1x1x64x128xf32, #tpu.memory_space<vmem>>
      %dma_wait3A_1776 = tpu.memref_squeeze %dma_wait3A_1775 : memref<1x1x64x128xf32, #tpu.memory_space<vmem>> -> memref<64x128xf32, #tpu.memory_space<vmem>>
      %dma_wait3A_1777 = arith.constant 0 : i32
      %dma_wait3A_1778 = tpu.memref_slice %arg3[%dma_wait3A_1777, %multiple_of3A_1214] : memref<64x1000000xf32, #tpu.memory_space<hbm>> -> memref<64x128xf32, #tpu.memory_space<hbm>>
      tpu.wait_dma2 semaphore(%arg10 : memref<!tpu.dma_semaphore, #tpu.memory_space<semaphore_mem>>) src(%dma_wait3A_1778 : memref<64x128xf32, #tpu.memory_space<hbm>>) dst(%dma_wait3A_1776 : memref<64x128xf32, #tpu.memory_space<vmem>>)
      %slice3A_1779 = vector.extract_strided_slice %get3A_24 {offsets = [2], sizes = [1], strides = [1]} : vector<16xi32> to vector<1xi32>
      %squeeze3A_1780 = vector.extract %slice3A_1779[0] : i32 from vector<1xi32>
      %mul3A_1781 = arith.constant 32 : i32
      %mul3A_1782 = arith.muli %scan3A_13, %mul3A_1781 : i32
      %add3A_1783 = arith.constant 18 : i32
      %add3A_1784 = arith.addi %mul3A_1782, %add3A_1783 : i32
      %add3A_1785 = arith.constant 0 : i32
      %add3A_1786 = arith.addi %add3A_1784, %add3A_1785 : i32
      %and3A_1787 = arith.constant 127 : i32
      %and3A_1788 = arith.andi %squeeze3A_1780, %and3A_1787 : i32
      %broadcast_in_dim3A_1789 = vector.broadcast %and3A_1788 : i32 to vector<16xi32>
      %broadcast_in_dim3A_1790 = vector.broadcast %add3A_1786 : i32 to vector<16xi32>
      %add3A_1791 = arith.constant 0 : i32
      %add3A_1792 = vector.broadcast %add3A_1791 : i32 to vector<16xi32>
      %add3A_1793 = arith.addi %iota3A, %add3A_1792 : vector<16xi32>
      %gather3A_1794 = arith.constant 1 : i32
      %gather3A_1795 = arith.constant 0 : i32
      %gather3A_1796 = arith.constant 0 : i32
      %gather3A_1797 = arith.constant 0 : i32
      %gather3A_1798 = tpu.memref_slice %arg7[%gather3A_1794, %gather3A_1795, %gather3A_1796, %gather3A_1797] : memref<4x2x64x128xf32, #tpu.memory_space<vmem>> -> memref<1x1x64x128xf32, #tpu.memory_space<vmem>>
      %gather3A_1799 = tpu.memref_squeeze %gather3A_1798 : memref<1x1x64x128xf32, #tpu.memory_space<vmem>> -> memref<64x128xf32, #tpu.memory_space<vmem>>
      %gather3A_1800 = tpu.vector_load_idx %gather3A_1799[%add3A_1793, %broadcast_in_dim3A_1789] : memref<64x128xf32, #tpu.memory_space<vmem>>[vector<16xi32>, vector<16xi32>], vector<16xf32>,
      tpu.vector_store_idx %arg8[%add3A_1793, %broadcast_in_dim3A_1790], %gather3A_1800 {add = true} : memref<64x256xf32, #tpu.memory_space<vmem>>[vector<16xi32>, vector<16xi32>], vector<16xf32>,
      %add3A_1801 = arith.constant 16 : i32
      %add3A_1802 = vector.broadcast %add3A_1801 : i32 to vector<16xi32>
      %add3A_1803 = arith.addi %iota3A, %add3A_1802 : vector<16xi32>
      %gather3A_1804 = arith.constant 1 : i32
      %gather3A_1805 = arith.constant 0 : i32
      %gather3A_1806 = arith.constant 0 : i32
      %gather3A_1807 = arith.constant 0 : i32
      %gather3A_1808 = tpu.memref_slice %arg7[%gather3A_1804, %gather3A_1805, %gather3A_1806, %gather3A_1807] : memref<4x2x64x128xf32, #tpu.memory_space<vmem>> -> memref<1x1x64x128xf32, #tpu.memory_space<vmem>>
      %gather3A_1809 = tpu.memref_squeeze %gather3A_1808 : memref<1x1x64x128xf32, #tpu.memory_space<vmem>> -> memref<64x128xf32, #tpu.memory_space<vmem>>
      %gather3A_1810 = tpu.vector_load_idx %gather3A_1809[%add3A_1803, %broadcast_in_dim3A_1789] : memref<64x128xf32, #tpu.memory_space<vmem>>[vector<16xi32>, vector<16xi32>], vector<16xf32>,
      tpu.vector_store_idx %arg8[%add3A_1803, %broadcast_in_dim3A_1790], %gather3A_1810 {add = true} : memref<64x256xf32, #tpu.memory_space<vmem>>[vector<16xi32>, vector<16xi32>], vector<16xf32>,
      %add3A_1811 = arith.constant 32 : i32
      %add3A_1812 = vector.broadcast %add3A_1811 : i32 to vector<16xi32>
      %add3A_1813 = arith.addi %iota3A, %add3A_1812 : vector<16xi32>
      %gather3A_1814 = arith.constant 1 : i32
      %gather3A_1815 = arith.constant 0 : i32
      %gather3A_1816 = arith.constant 0 : i32
      %gather3A_1817 = arith.constant 0 : i32
      %gather3A_1818 = tpu.memref_slice %arg7[%gather3A_1814, %gather3A_1815, %gather3A_1816, %gather3A_1817] : memref<4x2x64x128xf32, #tpu.memory_space<vmem>> -> memref<1x1x64x128xf32, #tpu.memory_space<vmem>>
      %gather3A_1819 = tpu.memref_squeeze %gather3A_1818 : memref<1x1x64x128xf32, #tpu.memory_space<vmem>> -> memref<64x128xf32, #tpu.memory_space<vmem>>
      %gather3A_1820 = tpu.vector_load_idx %gather3A_1819[%add3A_1813, %broadcast_in_dim3A_1789] : memref<64x128xf32, #tpu.memory_space<vmem>>[vector<16xi32>, vector<16xi32>], vector<16xf32>,
      tpu.vector_store_idx %arg8[%add3A_1813, %broadcast_in_dim3A_1790], %gather3A_1820 {add = true} : memref<64x256xf32, #tpu.memory_space<vmem>>[vector<16xi32>, vector<16xi32>], vector<16xf32>,
      %add3A_1821 = arith.constant 48 : i32
      %add3A_1822 = vector.broadcast %add3A_1821 : i32 to vector<16xi32>
      %add3A_1823 = arith.addi %iota3A, %add3A_1822 : vector<16xi32>
      %gather3A_1824 = arith.constant 1 : i32
      %gather3A_1825 = arith.constant 0 : i32
      %gather3A_1826 = arith.constant 0 : i32
      %gather3A_1827 = arith.constant 0 : i32
      %gather3A_1828 = tpu.memref_slice %arg7[%gather3A_1824, %gather3A_1825, %gather3A_1826, %gather3A_1827] : memref<4x2x64x128xf32, #tpu.memory_space<vmem>> -> memref<1x1x64x128xf32, #tpu.memory_space<vmem>>
      %gather3A_1829 = tpu.memref_squeeze %gather3A_1828 : memref<1x1x64x128xf32, #tpu.memory_space<vmem>> -> memref<64x128xf32, #tpu.memory_space<vmem>>
      %gather3A_1830 = tpu.vector_load_idx %gather3A_1829[%add3A_1823, %broadcast_in_dim3A_1789] : memref<64x128xf32, #tpu.memory_space<vmem>>[vector<16xi32>, vector<16xi32>], vector<16xf32>,
      tpu.vector_store_idx %arg8[%add3A_1823, %broadcast_in_dim3A_1790], %gather3A_1830 {add = true} : memref<64x256xf32, #tpu.memory_space<vmem>>[vector<16xi32>, vector<16xi32>], vector<16xf32>,
      %slice3A_1831 = vector.extract_strided_slice %get3A_24 {offsets = [3], sizes = [1], strides = [1]} : vector<16xi32> to vector<1xi32>
      %squeeze3A_1832 = vector.extract %slice3A_1831[0] : i32 from vector<1xi32>
      %mul3A_1833 = arith.constant 32 : i32
      %mul3A_1834 = arith.muli %scan3A_13, %mul3A_1833 : i32
      %add3A_1835 = arith.constant 18 : i32
      %add3A_1836 = arith.addi %mul3A_1834, %add3A_1835 : i32
      %add3A_1837 = arith.constant 1 : i32
      %add3A_1838 = arith.addi %add3A_1836, %add3A_1837 : i32
      %and3A_1839 = arith.constant 127 : i32
      %and3A_1840 = arith.andi %squeeze3A_1832, %and3A_1839 : i32
      %broadcast_in_dim3A_1841 = vector.broadcast %and3A_1840 : i32 to vector<16xi32>
      %broadcast_in_dim3A_1842 = vector.broadcast %add3A_1838 : i32 to vector<16xi32>
      %add3A_1843 = arith.constant 0 : i32
      %add3A_1844 = vector.broadcast %add3A_1843 : i32 to vector<16xi32>
      %add3A_1845 = arith.addi %iota3A, %add3A_1844 : vector<16xi32>
      %gather3A_1846 = arith.constant 1 : i32
      %gather3A_1847 = arith.constant 1 : i32
      %gather3A_1848 = arith.constant 0 : i32
      %gather3A_1849 = arith.constant 0 : i32
      %gather3A_1850 = tpu.memref_slice %arg7[%gather3A_1846, %gather3A_1847, %gather3A_1848, %gather3A_1849] : memref<4x2x64x128xf32, #tpu.memory_space<vmem>> -> memref<1x1x64x128xf32, #tpu.memory_space<vmem>>
      %gather3A_1851 = tpu.memref_squeeze %gather3A_1850 : memref<1x1x64x128xf32, #tpu.memory_space<vmem>> -> memref<64x128xf32, #tpu.memory_space<vmem>>
      %gather3A_1852 = tpu.vector_load_idx %gather3A_1851[%add3A_1845, %broadcast_in_dim3A_1841] : memref<64x128xf32, #tpu.memory_space<vmem>>[vector<16xi32>, vector<16xi32>], vector<16xf32>,
      tpu.vector_store_idx %arg8[%add3A_1845, %broadcast_in_dim3A_1842], %gather3A_1852 {add = true} : memref<64x256xf32, #tpu.memory_space<vmem>>[vector<16xi32>, vector<16xi32>], vector<16xf32>,
      %add3A_1853 = arith.constant 16 : i32
      %add3A_1854 = vector.broadcast %add3A_1853 : i32 to vector<16xi32>
      %add3A_1855 = arith.addi %iota3A, %add3A_1854 : vector<16xi32>
      %gather3A_1856 = arith.constant 1 : i32
      %gather3A_1857 = arith.constant 1 : i32
      %gather3A_1858 = arith.constant 0 : i32
      %gather3A_1859 = arith.constant 0 : i32
      %gather3A_1860 = tpu.memref_slice %arg7[%gather3A_1856, %gather3A_1857, %gather3A_1858, %gather3A_1859] : memref<4x2x64x128xf32, #tpu.memory_space<vmem>> -> memref<1x1x64x128xf32, #tpu.memory_space<vmem>>
      %gather3A_1861 = tpu.memref_squeeze %gather3A_1860 : memref<1x1x64x128xf32, #tpu.memory_space<vmem>> -> memref<64x128xf32, #tpu.memory_space<vmem>>
      %gather3A_1862 = tpu.vector_load_idx %gather3A_1861[%add3A_1855, %broadcast_in_dim3A_1841] : memref<64x128xf32, #tpu.memory_space<vmem>>[vector<16xi32>, vector<16xi32>], vector<16xf32>,
      tpu.vector_store_idx %arg8[%add3A_1855, %broadcast_in_dim3A_1842], %gather3A_1862 {add = true} : memref<64x256xf32, #tpu.memory_space<vmem>>[vector<16xi32>, vector<16xi32>], vector<16xf32>,
      %add3A_1863 = arith.constant 32 : i32
      %add3A_1864 = vector.broadcast %add3A_1863 : i32 to vector<16xi32>
      %add3A_1865 = arith.addi %iota3A, %add3A_1864 : vector<16xi32>
      %gather3A_1866 = arith.constant 1 : i32
      %gather3A_1867 = arith.constant 1 : i32
      %gather3A_1868 = arith.constant 0 : i32
      %gather3A_1869 = arith.constant 0 : i32
      %gather3A_1870 = tpu.memref_slice %arg7[%gather3A_1866, %gather3A_1867, %gather3A_1868, %gather3A_1869] : memref<4x2x64x128xf32, #tpu.memory_space<vmem>> -> memref<1x1x64x128xf32, #tpu.memory_space<vmem>>
      %gather3A_1871 = tpu.memref_squeeze %gather3A_1870 : memref<1x1x64x128xf32, #tpu.memory_space<vmem>> -> memref<64x128xf32, #tpu.memory_space<vmem>>
      %gather3A_1872 = tpu.vector_load_idx %gather3A_1871[%add3A_1865, %broadcast_in_dim3A_1841] : memref<64x128xf32, #tpu.memory_space<vmem>>[vector<16xi32>, vector<16xi32>], vector<16xf32>,
      tpu.vector_store_idx %arg8[%add3A_1865, %broadcast_in_dim3A_1842], %gather3A_1872 {add = true} : memref<64x256xf32, #tpu.memory_space<vmem>>[vector<16xi32>, vector<16xi32>], vector<16xf32>,
      %add3A_1873 = arith.constant 48 : i32
      %add3A_1874 = vector.broadcast %add3A_1873 : i32 to vector<16xi32>
      %add3A_1875 = arith.addi %iota3A, %add3A_1874 : vector<16xi32>
      %gather3A_1876 = arith.constant 1 : i32
      %gather3A_1877 = arith.constant 1 : i32
      %gather3A_1878 = arith.constant 0 : i32
      %gather3A_1879 = arith.constant 0 : i32
      %gather3A_1880 = tpu.memref_slice %arg7[%gather3A_1876, %gather3A_1877, %gather3A_1878, %gather3A_1879] : memref<4x2x64x128xf32, #tpu.memory_space<vmem>> -> memref<1x1x64x128xf32, #tpu.memory_space<vmem>>
      %gather3A_1881 = tpu.memref_squeeze %gather3A_1880 : memref<1x1x64x128xf32, #tpu.memory_space<vmem>> -> memref<64x128xf32, #tpu.memory_space<vmem>>
      %gather3A_1882 = tpu.vector_load_idx %gather3A_1881[%add3A_1875, %broadcast_in_dim3A_1841] : memref<64x128xf32, #tpu.memory_space<vmem>>[vector<16xi32>, vector<16xi32>], vector<16xf32>,
      tpu.vector_store_idx %arg8[%add3A_1875, %broadcast_in_dim3A_1842], %gather3A_1882 {add = true} : memref<64x256xf32, #tpu.memory_space<vmem>>[vector<16xi32>, vector<16xi32>], vector<16xf32>,
      %slice3A_1883 = vector.extract_strided_slice %get3A_24 {offsets = [10], sizes = [1], strides = [1]} : vector<16xi32> to vector<1xi32>
      %squeeze3A_1884 = vector.extract %slice3A_1883[0] : i32 from vector<1xi32>
      %shift_right_arithmetic3A_1885 = arith.constant 7 : i32
      %shift_right_arithmetic3A_1886 = arith.shrsi %squeeze3A_1884, %shift_right_arithmetic3A_1885 : i32
      %shift_left3A_1887 = arith.constant 7 : i32
      %shift_left3A_1888 = arith.shli %shift_right_arithmetic3A_1886, %shift_left3A_1887 : i32
      %multiple_of3A_1889 = tpu.assume_multiple %shift_left3A_1888, 128 : i32
      %dma_start3A_1890 = arith.constant 1 : i32
      %dma_start3A_1891 = arith.constant 0 : i32
      %dma_start3A_1892 = arith.constant 0 : i32
      %dma_start3A_1893 = arith.constant 0 : i32
      %dma_start3A_1894 = tpu.memref_slice %arg7[%dma_start3A_1890, %dma_start3A_1891, %dma_start3A_1892, %dma_start3A_1893] : memref<4x2x64x128xf32, #tpu.memory_space<vmem>> -> memref<1x1x64x128xf32, #tpu.memory_space<vmem>>
      %dma_start3A_1895 = tpu.memref_squeeze %dma_start3A_1894 : memref<1x1x64x128xf32, #tpu.memory_space<vmem>> -> memref<64x128xf32, #tpu.memory_space<vmem>>
      %dma_start3A_1896 = arith.constant 0 : i32
      %dma_start3A_1897 = tpu.memref_slice %arg3[%dma_start3A_1896, %multiple_of3A_1889] : memref<64x1000000xf32, #tpu.memory_space<hbm>> -> memref<64x128xf32, #tpu.memory_space<hbm>>
      %dma_start3A_1898 = arith.constant 0 : i32
      %dma_start3A_1899 = arith.constant 0 : i32
      %dma_start3A_1900 = tpu.memref_slice %arg7[%dma_start3A_1890, %dma_start3A_1891, %dma_start3A_1898, %dma_start3A_1899] : memref<4x2x64x128xf32, #tpu.memory_space<vmem>> -> memref<1x1x64x128xf32, #tpu.memory_space<vmem>>
      %dma_start3A_1901 = tpu.memref_squeeze %dma_start3A_1900 : memref<1x1x64x128xf32, #tpu.memory_space<vmem>> -> memref<64x128xf32, #tpu.memory_space<vmem>>
      %dma_start3A_1902 = arith.constant 0 : i32
      %dma_start3A_1903 = tpu.memref_slice %arg3[%dma_start3A_1902, %multiple_of3A_1889] : memref<64x1000000xf32, #tpu.memory_space<hbm>> -> memref<64x128xf32, #tpu.memory_space<hbm>>
      tpu.enqueue_dma source(%dma_start3A_1903 : memref<64x128xf32, #tpu.memory_space<hbm>>) target(%dma_start3A_1901 : memref<64x128xf32, #tpu.memory_space<vmem>>) target_semaphore(%arg10 : memref<!tpu.dma_semaphore, #tpu.memory_space<semaphore_mem>>)
      %slice3A_1904 = vector.extract_strided_slice %get3A_24 {offsets = [11], sizes = [1], strides = [1]} : vector<16xi32> to vector<1xi32>
      %squeeze3A_1905 = vector.extract %slice3A_1904[0] : i32 from vector<1xi32>
      %shift_right_arithmetic3A_1906 = arith.constant 7 : i32
      %shift_right_arithmetic3A_1907 = arith.shrsi %squeeze3A_1905, %shift_right_arithmetic3A_1906 : i32
      %shift_left3A_1908 = arith.constant 7 : i32
      %shift_left3A_1909 = arith.shli %shift_right_arithmetic3A_1907, %shift_left3A_1908 : i32
      %multiple_of3A_1910 = tpu.assume_multiple %shift_left3A_1909, 128 : i32
      %dma_start3A_1911 = arith.constant 1 : i32
      %dma_start3A_1912 = arith.constant 1 : i32
      %dma_start3A_1913 = arith.constant 0 : i32
      %dma_start3A_1914 = arith.constant 0 : i32
      %dma_start3A_1915 = tpu.memref_slice %arg7[%dma_start3A_1911, %dma_start3A_1912, %dma_start3A_1913, %dma_start3A_1914] : memref<4x2x64x128xf32, #tpu.memory_space<vmem>> -> memref<1x1x64x128xf32, #tpu.memory_space<vmem>>
      %dma_start3A_1916 = tpu.memref_squeeze %dma_start3A_1915 : memref<1x1x64x128xf32, #tpu.memory_space<vmem>> -> memref<64x128xf32, #tpu.memory_space<vmem>>
      %dma_start3A_1917 = arith.constant 0 : i32
      %dma_start3A_1918 = tpu.memref_slice %arg3[%dma_start3A_1917, %multiple_of3A_1910] : memref<64x1000000xf32, #tpu.memory_space<hbm>> -> memref<64x128xf32, #tpu.memory_space<hbm>>
      %dma_start3A_1919 = arith.constant 0 : i32
      %dma_start3A_1920 = arith.constant 0 : i32
      %dma_start3A_1921 = tpu.memref_slice %arg7[%dma_start3A_1911, %dma_start3A_1912, %dma_start3A_1919, %dma_start3A_1920] : memref<4x2x64x128xf32, #tpu.memory_space<vmem>> -> memref<1x1x64x128xf32, #tpu.memory_space<vmem>>
      %dma_start3A_1922 = tpu.memref_squeeze %dma_start3A_1921 : memref<1x1x64x128xf32, #tpu.memory_space<vmem>> -> memref<64x128xf32, #tpu.memory_space<vmem>>
      %dma_start3A_1923 = arith.constant 0 : i32
      %dma_start3A_1924 = tpu.memref_slice %arg3[%dma_start3A_1923, %multiple_of3A_1910] : memref<64x1000000xf32, #tpu.memory_space<hbm>> -> memref<64x128xf32, #tpu.memory_space<hbm>>
      tpu.enqueue_dma source(%dma_start3A_1924 : memref<64x128xf32, #tpu.memory_space<hbm>>) target(%dma_start3A_1922 : memref<64x128xf32, #tpu.memory_space<vmem>>) target_semaphore(%arg10 : memref<!tpu.dma_semaphore, #tpu.memory_space<semaphore_mem>>)
      %dma_wait3A_1925 = arith.constant 2 : i32
      %dma_wait3A_1926 = arith.constant 0 : i32
      %dma_wait3A_1927 = arith.constant 0 : i32
      %dma_wait3A_1928 = arith.constant 0 : i32
      %dma_wait3A_1929 = tpu.memref_slice %arg7[%dma_wait3A_1925, %dma_wait3A_1926, %dma_wait3A_1927, %dma_wait3A_1928] : memref<4x2x64x128xf32, #tpu.memory_space<vmem>> -> memref<1x1x64x128xf32, #tpu.memory_space<vmem>>
      %dma_wait3A_1930 = tpu.memref_squeeze %dma_wait3A_1929 : memref<1x1x64x128xf32, #tpu.memory_space<vmem>> -> memref<64x128xf32, #tpu.memory_space<vmem>>
      %dma_wait3A_1931 = arith.constant 0 : i32
      %dma_wait3A_1932 = tpu.memref_slice %arg3[%dma_wait3A_1931, %multiple_of3A_1367] : memref<64x1000000xf32, #tpu.memory_space<hbm>> -> memref<64x128xf32, #tpu.memory_space<hbm>>
      %dma_wait3A_1933 = arith.constant 0 : i32
      %dma_wait3A_1934 = arith.constant 0 : i32
      %dma_wait3A_1935 = tpu.memref_slice %arg7[%dma_wait3A_1925, %dma_wait3A_1926, %dma_wait3A_1933, %dma_wait3A_1934] : memref<4x2x64x128xf32, #tpu.memory_space<vmem>> -> memref<1x1x64x128xf32, #tpu.memory_space<vmem>>
      %dma_wait3A_1936 = tpu.memref_squeeze %dma_wait3A_1935 : memref<1x1x64x128xf32, #tpu.memory_space<vmem>> -> memref<64x128xf32, #tpu.memory_space<vmem>>
      %dma_wait3A_1937 = arith.constant 0 : i32
      %dma_wait3A_1938 = tpu.memref_slice %arg3[%dma_wait3A_1937, %multiple_of3A_1367] : memref<64x1000000xf32, #tpu.memory_space<hbm>> -> memref<64x128xf32, #tpu.memory_space<hbm>>
      tpu.wait_dma2 semaphore(%arg11 : memref<!tpu.dma_semaphore, #tpu.memory_space<semaphore_mem>>) src(%dma_wait3A_1938 : memref<64x128xf32, #tpu.memory_space<hbm>>) dst(%dma_wait3A_1936 : memref<64x128xf32, #tpu.memory_space<vmem>>)
      %dma_wait3A_1939 = arith.constant 2 : i32
      %dma_wait3A_1940 = arith.constant 1 : i32
      %dma_wait3A_1941 = arith.constant 0 : i32
      %dma_wait3A_1942 = arith.constant 0 : i32
      %dma_wait3A_1943 = tpu.memref_slice %arg7[%dma_wait3A_1939, %dma_wait3A_1940, %dma_wait3A_1941, %dma_wait3A_1942] : memref<4x2x64x128xf32, #tpu.memory_space<vmem>> -> memref<1x1x64x128xf32, #tpu.memory_space<vmem>>
      %dma_wait3A_1944 = tpu.memref_squeeze %dma_wait3A_1943 : memref<1x1x64x128xf32, #tpu.memory_space<vmem>> -> memref<64x128xf32, #tpu.memory_space<vmem>>
      %dma_wait3A_1945 = arith.constant 0 : i32
      %dma_wait3A_1946 = tpu.memref_slice %arg3[%dma_wait3A_1945, %multiple_of3A_1388] : memref<64x1000000xf32, #tpu.memory_space<hbm>> -> memref<64x128xf32, #tpu.memory_space<hbm>>
      %dma_wait3A_1947 = arith.constant 0 : i32
      %dma_wait3A_1948 = arith.constant 0 : i32
      %dma_wait3A_1949 = tpu.memref_slice %arg7[%dma_wait3A_1939, %dma_wait3A_1940, %dma_wait3A_1947, %dma_wait3A_1948] : memref<4x2x64x128xf32, #tpu.memory_space<vmem>> -> memref<1x1x64x128xf32, #tpu.memory_space<vmem>>
      %dma_wait3A_1950 = tpu.memref_squeeze %dma_wait3A_1949 : memref<1x1x64x128xf32, #tpu.memory_space<vmem>> -> memref<64x128xf32, #tpu.memory_space<vmem>>
      %dma_wait3A_1951 = arith.constant 0 : i32
      %dma_wait3A_1952 = tpu.memref_slice %arg3[%dma_wait3A_1951, %multiple_of3A_1388] : memref<64x1000000xf32, #tpu.memory_space<hbm>> -> memref<64x128xf32, #tpu.memory_space<hbm>>
      tpu.wait_dma2 semaphore(%arg11 : memref<!tpu.dma_semaphore, #tpu.memory_space<semaphore_mem>>) src(%dma_wait3A_1952 : memref<64x128xf32, #tpu.memory_space<hbm>>) dst(%dma_wait3A_1950 : memref<64x128xf32, #tpu.memory_space<vmem>>)
      %slice3A_1953 = vector.extract_strided_slice %get3A_24 {offsets = [4], sizes = [1], strides = [1]} : vector<16xi32> to vector<1xi32>
      %squeeze3A_1954 = vector.extract %slice3A_1953[0] : i32 from vector<1xi32>
      %mul3A_1955 = arith.constant 32 : i32
      %mul3A_1956 = arith.muli %scan3A_13, %mul3A_1955 : i32
      %add3A_1957 = arith.constant 20 : i32
      %add3A_1958 = arith.addi %mul3A_1956, %add3A_1957 : i32
      %add3A_1959 = arith.constant 0 : i32
      %add3A_1960 = arith.addi %add3A_1958, %add3A_1959 : i32
      %and3A_1961 = arith.constant 127 : i32
      %and3A_1962 = arith.andi %squeeze3A_1954, %and3A_1961 : i32
      %broadcast_in_dim3A_1963 = vector.broadcast %and3A_1962 : i32 to vector<16xi32>
      %broadcast_in_dim3A_1964 = vector.broadcast %add3A_1960 : i32 to vector<16xi32>
      %add3A_1965 = arith.constant 0 : i32
      %add3A_1966 = vector.broadcast %add3A_1965 : i32 to vector<16xi32>
      %add3A_1967 = arith.addi %iota3A, %add3A_1966 : vector<16xi32>
      %gather3A_1968 = arith.constant 2 : i32
      %gather3A_1969 = arith.constant 0 : i32
      %gather3A_1970 = arith.constant 0 : i32
      %gather3A_1971 = arith.constant 0 : i32
      %gather3A_1972 = tpu.memref_slice %arg7[%gather3A_1968, %gather3A_1969, %gather3A_1970, %gather3A_1971] : memref<4x2x64x128xf32, #tpu.memory_space<vmem>> -> memref<1x1x64x128xf32, #tpu.memory_space<vmem>>
      %gather3A_1973 = tpu.memref_squeeze %gather3A_1972 : memref<1x1x64x128xf32, #tpu.memory_space<vmem>> -> memref<64x128xf32, #tpu.memory_space<vmem>>
      %gather3A_1974 = tpu.vector_load_idx %gather3A_1973[%add3A_1967, %broadcast_in_dim3A_1963] : memref<64x128xf32, #tpu.memory_space<vmem>>[vector<16xi32>, vector<16xi32>], vector<16xf32>,
      tpu.vector_store_idx %arg8[%add3A_1967, %broadcast_in_dim3A_1964], %gather3A_1974 {add = true} : memref<64x256xf32, #tpu.memory_space<vmem>>[vector<16xi32>, vector<16xi32>], vector<16xf32>,
      %add3A_1975 = arith.constant 16 : i32
      %add3A_1976 = vector.broadcast %add3A_1975 : i32 to vector<16xi32>
      %add3A_1977 = arith.addi %iota3A, %add3A_1976 : vector<16xi32>
      %gather3A_1978 = arith.constant 2 : i32
      %gather3A_1979 = arith.constant 0 : i32
      %gather3A_1980 = arith.constant 0 : i32
      %gather3A_1981 = arith.constant 0 : i32
      %gather3A_1982 = tpu.memref_slice %arg7[%gather3A_1978, %gather3A_1979, %gather3A_1980, %gather3A_1981] : memref<4x2x64x128xf32, #tpu.memory_space<vmem>> -> memref<1x1x64x128xf32, #tpu.memory_space<vmem>>
      %gather3A_1983 = tpu.memref_squeeze %gather3A_1982 : memref<1x1x64x128xf32, #tpu.memory_space<vmem>> -> memref<64x128xf32, #tpu.memory_space<vmem>>
      %gather3A_1984 = tpu.vector_load_idx %gather3A_1983[%add3A_1977, %broadcast_in_dim3A_1963] : memref<64x128xf32, #tpu.memory_space<vmem>>[vector<16xi32>, vector<16xi32>], vector<16xf32>,
      tpu.vector_store_idx %arg8[%add3A_1977, %broadcast_in_dim3A_1964], %gather3A_1984 {add = true} : memref<64x256xf32, #tpu.memory_space<vmem>>[vector<16xi32>, vector<16xi32>], vector<16xf32>,
      %add3A_1985 = arith.constant 32 : i32
      %add3A_1986 = vector.broadcast %add3A_1985 : i32 to vector<16xi32>
      %add3A_1987 = arith.addi %iota3A, %add3A_1986 : vector<16xi32>
      %gather3A_1988 = arith.constant 2 : i32
      %gather3A_1989 = arith.constant 0 : i32
      %gather3A_1990 = arith.constant 0 : i32
      %gather3A_1991 = arith.constant 0 : i32
      %gather3A_1992 = tpu.memref_slice %arg7[%gather3A_1988, %gather3A_1989, %gather3A_1990, %gather3A_1991] : memref<4x2x64x128xf32, #tpu.memory_space<vmem>> -> memref<1x1x64x128xf32, #tpu.memory_space<vmem>>
      %gather3A_1993 = tpu.memref_squeeze %gather3A_1992 : memref<1x1x64x128xf32, #tpu.memory_space<vmem>> -> memref<64x128xf32, #tpu.memory_space<vmem>>
      %gather3A_1994 = tpu.vector_load_idx %gather3A_1993[%add3A_1987, %broadcast_in_dim3A_1963] : memref<64x128xf32, #tpu.memory_space<vmem>>[vector<16xi32>, vector<16xi32>], vector<16xf32>,
      tpu.vector_store_idx %arg8[%add3A_1987, %broadcast_in_dim3A_1964], %gather3A_1994 {add = true} : memref<64x256xf32, #tpu.memory_space<vmem>>[vector<16xi32>, vector<16xi32>], vector<16xf32>,
      %add3A_1995 = arith.constant 48 : i32
      %add3A_1996 = vector.broadcast %add3A_1995 : i32 to vector<16xi32>
      %add3A_1997 = arith.addi %iota3A, %add3A_1996 : vector<16xi32>
      %gather3A_1998 = arith.constant 2 : i32
      %gather3A_1999 = arith.constant 0 : i32
      %gather3A_2000 = arith.constant 0 : i32
      %gather3A_2001 = arith.constant 0 : i32
      %gather3A_2002 = tpu.memref_slice %arg7[%gather3A_1998, %gather3A_1999, %gather3A_2000, %gather3A_2001] : memref<4x2x64x128xf32, #tpu.memory_space<vmem>> -> memref<1x1x64x128xf32, #tpu.memory_space<vmem>>
      %gather3A_2003 = tpu.memref_squeeze %gather3A_2002 : memref<1x1x64x128xf32, #tpu.memory_space<vmem>> -> memref<64x128xf32, #tpu.memory_space<vmem>>
      %gather3A_2004 = tpu.vector_load_idx %gather3A_2003[%add3A_1997, %broadcast_in_dim3A_1963] : memref<64x128xf32, #tpu.memory_space<vmem>>[vector<16xi32>, vector<16xi32>], vector<16xf32>,
      tpu.vector_store_idx %arg8[%add3A_1997, %broadcast_in_dim3A_1964], %gather3A_2004 {add = true} : memref<64x256xf32, #tpu.memory_space<vmem>>[vector<16xi32>, vector<16xi32>], vector<16xf32>,
      %slice3A_2005 = vector.extract_strided_slice %get3A_24 {offsets = [5], sizes = [1], strides = [1]} : vector<16xi32> to vector<1xi32>
      %squeeze3A_2006 = vector.extract %slice3A_2005[0] : i32 from vector<1xi32>
      %mul3A_2007 = arith.constant 32 : i32
      %mul3A_2008 = arith.muli %scan3A_13, %mul3A_2007 : i32
      %add3A_2009 = arith.constant 20 : i32
      %add3A_2010 = arith.addi %mul3A_2008, %add3A_2009 : i32
      %add3A_2011 = arith.constant 1 : i32
      %add3A_2012 = arith.addi %add3A_2010, %add3A_2011 : i32
      %and3A_2013 = arith.constant 127 : i32
      %and3A_2014 = arith.andi %squeeze3A_2006, %and3A_2013 : i32
      %broadcast_in_dim3A_2015 = vector.broadcast %and3A_2014 : i32 to vector<16xi32>
      %broadcast_in_dim3A_2016 = vector.broadcast %add3A_2012 : i32 to vector<16xi32>
      %add3A_2017 = arith.constant 0 : i32
      %add3A_2018 = vector.broadcast %add3A_2017 : i32 to vector<16xi32>
      %add3A_2019 = arith.addi %iota3A, %add3A_2018 : vector<16xi32>
      %gather3A_2020 = arith.constant 2 : i32
      %gather3A_2021 = arith.constant 1 : i32
      %gather3A_2022 = arith.constant 0 : i32
      %gather3A_2023 = arith.constant 0 : i32
      %gather3A_2024 = tpu.memref_slice %arg7[%gather3A_2020, %gather3A_2021, %gather3A_2022, %gather3A_2023] : memref<4x2x64x128xf32, #tpu.memory_space<vmem>> -> memref<1x1x64x128xf32, #tpu.memory_space<vmem>>
      %gather3A_2025 = tpu.memref_squeeze %gather3A_2024 : memref<1x1x64x128xf32, #tpu.memory_space<vmem>> -> memref<64x128xf32, #tpu.memory_space<vmem>>
      %gather3A_2026 = tpu.vector_load_idx %gather3A_2025[%add3A_2019, %broadcast_in_dim3A_2015] : memref<64x128xf32, #tpu.memory_space<vmem>>[vector<16xi32>, vector<16xi32>], vector<16xf32>,
      tpu.vector_store_idx %arg8[%add3A_2019, %broadcast_in_dim3A_2016], %gather3A_2026 {add = true} : memref<64x256xf32, #tpu.memory_space<vmem>>[vector<16xi32>, vector<16xi32>], vector<16xf32>,
      %add3A_2027 = arith.constant 16 : i32
      %add3A_2028 = vector.broadcast %add3A_2027 : i32 to vector<16xi32>
      %add3A_2029 = arith.addi %iota3A, %add3A_2028 : vector<16xi32>
      %gather3A_2030 = arith.constant 2 : i32
      %gather3A_2031 = arith.constant 1 : i32
      %gather3A_2032 = arith.constant 0 : i32
      %gather3A_2033 = arith.constant 0 : i32
      %gather3A_2034 = tpu.memref_slice %arg7[%gather3A_2030, %gather3A_2031, %gather3A_2032, %gather3A_2033] : memref<4x2x64x128xf32, #tpu.memory_space<vmem>> -> memref<1x1x64x128xf32, #tpu.memory_space<vmem>>
      %gather3A_2035 = tpu.memref_squeeze %gather3A_2034 : memref<1x1x64x128xf32, #tpu.memory_space<vmem>> -> memref<64x128xf32, #tpu.memory_space<vmem>>
      %gather3A_2036 = tpu.vector_load_idx %gather3A_2035[%add3A_2029, %broadcast_in_dim3A_2015] : memref<64x128xf32, #tpu.memory_space<vmem>>[vector<16xi32>, vector<16xi32>], vector<16xf32>,
      tpu.vector_store_idx %arg8[%add3A_2029, %broadcast_in_dim3A_2016], %gather3A_2036 {add = true} : memref<64x256xf32, #tpu.memory_space<vmem>>[vector<16xi32>, vector<16xi32>], vector<16xf32>,
      %add3A_2037 = arith.constant 32 : i32
      %add3A_2038 = vector.broadcast %add3A_2037 : i32 to vector<16xi32>
      %add3A_2039 = arith.addi %iota3A, %add3A_2038 : vector<16xi32>
      %gather3A_2040 = arith.constant 2 : i32
      %gather3A_2041 = arith.constant 1 : i32
      %gather3A_2042 = arith.constant 0 : i32
      %gather3A_2043 = arith.constant 0 : i32
      %gather3A_2044 = tpu.memref_slice %arg7[%gather3A_2040, %gather3A_2041, %gather3A_2042, %gather3A_2043] : memref<4x2x64x128xf32, #tpu.memory_space<vmem>> -> memref<1x1x64x128xf32, #tpu.memory_space<vmem>>
      %gather3A_2045 = tpu.memref_squeeze %gather3A_2044 : memref<1x1x64x128xf32, #tpu.memory_space<vmem>> -> memref<64x128xf32, #tpu.memory_space<vmem>>
      %gather3A_2046 = tpu.vector_load_idx %gather3A_2045[%add3A_2039, %broadcast_in_dim3A_2015] : memref<64x128xf32, #tpu.memory_space<vmem>>[vector<16xi32>, vector<16xi32>], vector<16xf32>,
      tpu.vector_store_idx %arg8[%add3A_2039, %broadcast_in_dim3A_2016], %gather3A_2046 {add = true} : memref<64x256xf32, #tpu.memory_space<vmem>>[vector<16xi32>, vector<16xi32>], vector<16xf32>,
      %add3A_2047 = arith.constant 48 : i32
      %add3A_2048 = vector.broadcast %add3A_2047 : i32 to vector<16xi32>
      %add3A_2049 = arith.addi %iota3A, %add3A_2048 : vector<16xi32>
      %gather3A_2050 = arith.constant 2 : i32
      %gather3A_2051 = arith.constant 1 : i32
      %gather3A_2052 = arith.constant 0 : i32
      %gather3A_2053 = arith.constant 0 : i32
      %gather3A_2054 = tpu.memref_slice %arg7[%gather3A_2050, %gather3A_2051, %gather3A_2052, %gather3A_2053] : memref<4x2x64x128xf32, #tpu.memory_space<vmem>> -> memref<1x1x64x128xf32, #tpu.memory_space<vmem>>
      %gather3A_2055 = tpu.memref_squeeze %gather3A_2054 : memref<1x1x64x128xf32, #tpu.memory_space<vmem>> -> memref<64x128xf32, #tpu.memory_space<vmem>>
      %gather3A_2056 = tpu.vector_load_idx %gather3A_2055[%add3A_2049, %broadcast_in_dim3A_2015] : memref<64x128xf32, #tpu.memory_space<vmem>>[vector<16xi32>, vector<16xi32>], vector<16xf32>,
      tpu.vector_store_idx %arg8[%add3A_2049, %broadcast_in_dim3A_2016], %gather3A_2056 {add = true} : memref<64x256xf32, #tpu.memory_space<vmem>>[vector<16xi32>, vector<16xi32>], vector<16xf32>,
      %slice3A_2057 = vector.extract_strided_slice %get3A_24 {offsets = [12], sizes = [1], strides = [1]} : vector<16xi32> to vector<1xi32>
      %squeeze3A_2058 = vector.extract %slice3A_2057[0] : i32 from vector<1xi32>
      %shift_right_arithmetic3A_2059 = arith.constant 7 : i32
      %shift_right_arithmetic3A_2060 = arith.shrsi %squeeze3A_2058, %shift_right_arithmetic3A_2059 : i32
      %shift_left3A_2061 = arith.constant 7 : i32
      %shift_left3A_2062 = arith.shli %shift_right_arithmetic3A_2060, %shift_left3A_2061 : i32
      %multiple_of3A_2063 = tpu.assume_multiple %shift_left3A_2062, 128 : i32
      %dma_start3A_2064 = arith.constant 2 : i32
      %dma_start3A_2065 = arith.constant 0 : i32
      %dma_start3A_2066 = arith.constant 0 : i32
      %dma_start3A_2067 = arith.constant 0 : i32
      %dma_start3A_2068 = tpu.memref_slice %arg7[%dma_start3A_2064, %dma_start3A_2065, %dma_start3A_2066, %dma_start3A_2067] : memref<4x2x64x128xf32, #tpu.memory_space<vmem>> -> memref<1x1x64x128xf32, #tpu.memory_space<vmem>>
      %dma_start3A_2069 = tpu.memref_squeeze %dma_start3A_2068 : memref<1x1x64x128xf32, #tpu.memory_space<vmem>> -> memref<64x128xf32, #tpu.memory_space<vmem>>
      %dma_start3A_2070 = arith.constant 0 : i32
      %dma_start3A_2071 = tpu.memref_slice %arg3[%dma_start3A_2070, %multiple_of3A_2063] : memref<64x1000000xf32, #tpu.memory_space<hbm>> -> memref<64x128xf32, #tpu.memory_space<hbm>>
      %dma_start3A_2072 = arith.constant 0 : i32
      %dma_start3A_2073 = arith.constant 0 : i32
      %dma_start3A_2074 = tpu.memref_slice %arg7[%dma_start3A_2064, %dma_start3A_2065, %dma_start3A_2072, %dma_start3A_2073] : memref<4x2x64x128xf32, #tpu.memory_space<vmem>> -> memref<1x1x64x128xf32, #tpu.memory_space<vmem>>
      %dma_start3A_2075 = tpu.memref_squeeze %dma_start3A_2074 : memref<1x1x64x128xf32, #tpu.memory_space<vmem>> -> memref<64x128xf32, #tpu.memory_space<vmem>>
      %dma_start3A_2076 = arith.constant 0 : i32
      %dma_start3A_2077 = tpu.memref_slice %arg3[%dma_start3A_2076, %multiple_of3A_2063] : memref<64x1000000xf32, #tpu.memory_space<hbm>> -> memref<64x128xf32, #tpu.memory_space<hbm>>
      tpu.enqueue_dma source(%dma_start3A_2077 : memref<64x128xf32, #tpu.memory_space<hbm>>) target(%dma_start3A_2075 : memref<64x128xf32, #tpu.memory_space<vmem>>) target_semaphore(%arg11 : memref<!tpu.dma_semaphore, #tpu.memory_space<semaphore_mem>>)
      %slice3A_2078 = vector.extract_strided_slice %get3A_24 {offsets = [13], sizes = [1], strides = [1]} : vector<16xi32> to vector<1xi32>
      %squeeze3A_2079 = vector.extract %slice3A_2078[0] : i32 from vector<1xi32>
      %shift_right_arithmetic3A_2080 = arith.constant 7 : i32
      %shift_right_arithmetic3A_2081 = arith.shrsi %squeeze3A_2079, %shift_right_arithmetic3A_2080 : i32
      %shift_left3A_2082 = arith.constant 7 : i32
      %shift_left3A_2083 = arith.shli %shift_right_arithmetic3A_2081, %shift_left3A_2082 : i32
      %multiple_of3A_2084 = tpu.assume_multiple %shift_left3A_2083, 128 : i32
      %dma_start3A_2085 = arith.constant 2 : i32
      %dma_start3A_2086 = arith.constant 1 : i32
      %dma_start3A_2087 = arith.constant 0 : i32
      %dma_start3A_2088 = arith.constant 0 : i32
      %dma_start3A_2089 = tpu.memref_slice %arg7[%dma_start3A_2085, %dma_start3A_2086, %dma_start3A_2087, %dma_start3A_2088] : memref<4x2x64x128xf32, #tpu.memory_space<vmem>> -> memref<1x1x64x128xf32, #tpu.memory_space<vmem>>
      %dma_start3A_2090 = tpu.memref_squeeze %dma_start3A_2089 : memref<1x1x64x128xf32, #tpu.memory_space<vmem>> -> memref<64x128xf32, #tpu.memory_space<vmem>>
      %dma_start3A_2091 = arith.constant 0 : i32
      %dma_start3A_2092 = tpu.memref_slice %arg3[%dma_start3A_2091, %multiple_of3A_2084] : memref<64x1000000xf32, #tpu.memory_space<hbm>> -> memref<64x128xf32, #tpu.memory_space<hbm>>
      %dma_start3A_2093 = arith.constant 0 : i32
      %dma_start3A_2094 = arith.constant 0 : i32
      %dma_start3A_2095 = tpu.memref_slice %arg7[%dma_start3A_2085, %dma_start3A_2086, %dma_start3A_2093, %dma_start3A_2094] : memref<4x2x64x128xf32, #tpu.memory_space<vmem>> -> memref<1x1x64x128xf32, #tpu.memory_space<vmem>>
      %dma_start3A_2096 = tpu.memref_squeeze %dma_start3A_2095 : memref<1x1x64x128xf32, #tpu.memory_space<vmem>> -> memref<64x128xf32, #tpu.memory_space<vmem>>
      %dma_start3A_2097 = arith.constant 0 : i32
      %dma_start3A_2098 = tpu.memref_slice %arg3[%dma_start3A_2097, %multiple_of3A_2084] : memref<64x1000000xf32, #tpu.memory_space<hbm>> -> memref<64x128xf32, #tpu.memory_space<hbm>>
      tpu.enqueue_dma source(%dma_start3A_2098 : memref<64x128xf32, #tpu.memory_space<hbm>>) target(%dma_start3A_2096 : memref<64x128xf32, #tpu.memory_space<vmem>>) target_semaphore(%arg11 : memref<!tpu.dma_semaphore, #tpu.memory_space<semaphore_mem>>)
      %dma_wait3A_2099 = arith.constant 3 : i32
      %dma_wait3A_2100 = arith.constant 0 : i32
      %dma_wait3A_2101 = arith.constant 0 : i32
      %dma_wait3A_2102 = arith.constant 0 : i32
      %dma_wait3A_2103 = tpu.memref_slice %arg7[%dma_wait3A_2099, %dma_wait3A_2100, %dma_wait3A_2101, %dma_wait3A_2102] : memref<4x2x64x128xf32, #tpu.memory_space<vmem>> -> memref<1x1x64x128xf32, #tpu.memory_space<vmem>>
      %dma_wait3A_2104 = tpu.memref_squeeze %dma_wait3A_2103 : memref<1x1x64x128xf32, #tpu.memory_space<vmem>> -> memref<64x128xf32, #tpu.memory_space<vmem>>
      %dma_wait3A_2105 = arith.constant 0 : i32
      %dma_wait3A_2106 = tpu.memref_slice %arg3[%dma_wait3A_2105, %multiple_of3A_1541] : memref<64x1000000xf32, #tpu.memory_space<hbm>> -> memref<64x128xf32, #tpu.memory_space<hbm>>
      %dma_wait3A_2107 = arith.constant 0 : i32
      %dma_wait3A_2108 = arith.constant 0 : i32
      %dma_wait3A_2109 = tpu.memref_slice %arg7[%dma_wait3A_2099, %dma_wait3A_2100, %dma_wait3A_2107, %dma_wait3A_2108] : memref<4x2x64x128xf32, #tpu.memory_space<vmem>> -> memref<1x1x64x128xf32, #tpu.memory_space<vmem>>
      %dma_wait3A_2110 = tpu.memref_squeeze %dma_wait3A_2109 : memref<1x1x64x128xf32, #tpu.memory_space<vmem>> -> memref<64x128xf32, #tpu.memory_space<vmem>>
      %dma_wait3A_2111 = arith.constant 0 : i32
      %dma_wait3A_2112 = tpu.memref_slice %arg3[%dma_wait3A_2111, %multiple_of3A_1541] : memref<64x1000000xf32, #tpu.memory_space<hbm>> -> memref<64x128xf32, #tpu.memory_space<hbm>>
      tpu.wait_dma2 semaphore(%arg12 : memref<!tpu.dma_semaphore, #tpu.memory_space<semaphore_mem>>) src(%dma_wait3A_2112 : memref<64x128xf32, #tpu.memory_space<hbm>>) dst(%dma_wait3A_2110 : memref<64x128xf32, #tpu.memory_space<vmem>>)
      %dma_wait3A_2113 = arith.constant 3 : i32
      %dma_wait3A_2114 = arith.constant 1 : i32
      %dma_wait3A_2115 = arith.constant 0 : i32
      %dma_wait3A_2116 = arith.constant 0 : i32
      %dma_wait3A_2117 = tpu.memref_slice %arg7[%dma_wait3A_2113, %dma_wait3A_2114, %dma_wait3A_2115, %dma_wait3A_2116] : memref<4x2x64x128xf32, #tpu.memory_space<vmem>> -> memref<1x1x64x128xf32, #tpu.memory_space<vmem>>
      %dma_wait3A_2118 = tpu.memref_squeeze %dma_wait3A_2117 : memref<1x1x64x128xf32, #tpu.memory_space<vmem>> -> memref<64x128xf32, #tpu.memory_space<vmem>>
      %dma_wait3A_2119 = arith.constant 0 : i32
      %dma_wait3A_2120 = tpu.memref_slice %arg3[%dma_wait3A_2119, %multiple_of3A_1562] : memref<64x1000000xf32, #tpu.memory_space<hbm>> -> memref<64x128xf32, #tpu.memory_space<hbm>>
      %dma_wait3A_2121 = arith.constant 0 : i32
      %dma_wait3A_2122 = arith.constant 0 : i32
      %dma_wait3A_2123 = tpu.memref_slice %arg7[%dma_wait3A_2113, %dma_wait3A_2114, %dma_wait3A_2121, %dma_wait3A_2122] : memref<4x2x64x128xf32, #tpu.memory_space<vmem>> -> memref<1x1x64x128xf32, #tpu.memory_space<vmem>>
      %dma_wait3A_2124 = tpu.memref_squeeze %dma_wait3A_2123 : memref<1x1x64x128xf32, #tpu.memory_space<vmem>> -> memref<64x128xf32, #tpu.memory_space<vmem>>
      %dma_wait3A_2125 = arith.constant 0 : i32
      %dma_wait3A_2126 = tpu.memref_slice %arg3[%dma_wait3A_2125, %multiple_of3A_1562] : memref<64x1000000xf32, #tpu.memory_space<hbm>> -> memref<64x128xf32, #tpu.memory_space<hbm>>
      tpu.wait_dma2 semaphore(%arg12 : memref<!tpu.dma_semaphore, #tpu.memory_space<semaphore_mem>>) src(%dma_wait3A_2126 : memref<64x128xf32, #tpu.memory_space<hbm>>) dst(%dma_wait3A_2124 : memref<64x128xf32, #tpu.memory_space<vmem>>)
      %slice3A_2127 = vector.extract_strided_slice %get3A_24 {offsets = [6], sizes = [1], strides = [1]} : vector<16xi32> to vector<1xi32>
      %squeeze3A_2128 = vector.extract %slice3A_2127[0] : i32 from vector<1xi32>
      %mul3A_2129 = arith.constant 32 : i32
      %mul3A_2130 = arith.muli %scan3A_13, %mul3A_2129 : i32
      %add3A_2131 = arith.constant 22 : i32
      %add3A_2132 = arith.addi %mul3A_2130, %add3A_2131 : i32
      %add3A_2133 = arith.constant 0 : i32
      %add3A_2134 = arith.addi %add3A_2132, %add3A_2133 : i32
      %and3A_2135 = arith.constant 127 : i32
      %and3A_2136 = arith.andi %squeeze3A_2128, %and3A_2135 : i32
      %broadcast_in_dim3A_2137 = vector.broadcast %and3A_2136 : i32 to vector<16xi32>
      %broadcast_in_dim3A_2138 = vector.broadcast %add3A_2134 : i32 to vector<16xi32>
      %add3A_2139 = arith.constant 0 : i32
      %add3A_2140 = vector.broadcast %add3A_2139 : i32 to vector<16xi32>
      %add3A_2141 = arith.addi %iota3A, %add3A_2140 : vector<16xi32>
      %gather3A_2142 = arith.constant 3 : i32
      %gather3A_2143 = arith.constant 0 : i32
      %gather3A_2144 = arith.constant 0 : i32
      %gather3A_2145 = arith.constant 0 : i32
      %gather3A_2146 = tpu.memref_slice %arg7[%gather3A_2142, %gather3A_2143, %gather3A_2144, %gather3A_2145] : memref<4x2x64x128xf32, #tpu.memory_space<vmem>> -> memref<1x1x64x128xf32, #tpu.memory_space<vmem>>
      %gather3A_2147 = tpu.memref_squeeze %gather3A_2146 : memref<1x1x64x128xf32, #tpu.memory_space<vmem>> -> memref<64x128xf32, #tpu.memory_space<vmem>>
      %gather3A_2148 = tpu.vector_load_idx %gather3A_2147[%add3A_2141, %broadcast_in_dim3A_2137] : memref<64x128xf32, #tpu.memory_space<vmem>>[vector<16xi32>, vector<16xi32>], vector<16xf32>,
      tpu.vector_store_idx %arg8[%add3A_2141, %broadcast_in_dim3A_2138], %gather3A_2148 {add = true} : memref<64x256xf32, #tpu.memory_space<vmem>>[vector<16xi32>, vector<16xi32>], vector<16xf32>,
      %add3A_2149 = arith.constant 16 : i32
      %add3A_2150 = vector.broadcast %add3A_2149 : i32 to vector<16xi32>
      %add3A_2151 = arith.addi %iota3A, %add3A_2150 : vector<16xi32>
      %gather3A_2152 = arith.constant 3 : i32
      %gather3A_2153 = arith.constant 0 : i32
      %gather3A_2154 = arith.constant 0 : i32
      %gather3A_2155 = arith.constant 0 : i32
      %gather3A_2156 = tpu.memref_slice %arg7[%gather3A_2152, %gather3A_2153, %gather3A_2154, %gather3A_2155] : memref<4x2x64x128xf32, #tpu.memory_space<vmem>> -> memref<1x1x64x128xf32, #tpu.memory_space<vmem>>
      %gather3A_2157 = tpu.memref_squeeze %gather3A_2156 : memref<1x1x64x128xf32, #tpu.memory_space<vmem>> -> memref<64x128xf32, #tpu.memory_space<vmem>>
      %gather3A_2158 = tpu.vector_load_idx %gather3A_2157[%add3A_2151, %broadcast_in_dim3A_2137] : memref<64x128xf32, #tpu.memory_space<vmem>>[vector<16xi32>, vector<16xi32>], vector<16xf32>,
      tpu.vector_store_idx %arg8[%add3A_2151, %broadcast_in_dim3A_2138], %gather3A_2158 {add = true} : memref<64x256xf32, #tpu.memory_space<vmem>>[vector<16xi32>, vector<16xi32>], vector<16xf32>,
      %add3A_2159 = arith.constant 32 : i32
      %add3A_2160 = vector.broadcast %add3A_2159 : i32 to vector<16xi32>
      %add3A_2161 = arith.addi %iota3A, %add3A_2160 : vector<16xi32>
      %gather3A_2162 = arith.constant 3 : i32
      %gather3A_2163 = arith.constant 0 : i32
      %gather3A_2164 = arith.constant 0 : i32
      %gather3A_2165 = arith.constant 0 : i32
      %gather3A_2166 = tpu.memref_slice %arg7[%gather3A_2162, %gather3A_2163, %gather3A_2164, %gather3A_2165] : memref<4x2x64x128xf32, #tpu.memory_space<vmem>> -> memref<1x1x64x128xf32, #tpu.memory_space<vmem>>
      %gather3A_2167 = tpu.memref_squeeze %gather3A_2166 : memref<1x1x64x128xf32, #tpu.memory_space<vmem>> -> memref<64x128xf32, #tpu.memory_space<vmem>>
      %gather3A_2168 = tpu.vector_load_idx %gather3A_2167[%add3A_2161, %broadcast_in_dim3A_2137] : memref<64x128xf32, #tpu.memory_space<vmem>>[vector<16xi32>, vector<16xi32>], vector<16xf32>,
      tpu.vector_store_idx %arg8[%add3A_2161, %broadcast_in_dim3A_2138], %gather3A_2168 {add = true} : memref<64x256xf32, #tpu.memory_space<vmem>>[vector<16xi32>, vector<16xi32>], vector<16xf32>,
      %add3A_2169 = arith.constant 48 : i32
      %add3A_2170 = vector.broadcast %add3A_2169 : i32 to vector<16xi32>
      %add3A_2171 = arith.addi %iota3A, %add3A_2170 : vector<16xi32>
      %gather3A_2172 = arith.constant 3 : i32
      %gather3A_2173 = arith.constant 0 : i32
      %gather3A_2174 = arith.constant 0 : i32
      %gather3A_2175 = arith.constant 0 : i32
      %gather3A_2176 = tpu.memref_slice %arg7[%gather3A_2172, %gather3A_2173, %gather3A_2174, %gather3A_2175] : memref<4x2x64x128xf32, #tpu.memory_space<vmem>> -> memref<1x1x64x128xf32, #tpu.memory_space<vmem>>
      %gather3A_2177 = tpu.memref_squeeze %gather3A_2176 : memref<1x1x64x128xf32, #tpu.memory_space<vmem>> -> memref<64x128xf32, #tpu.memory_space<vmem>>
      %gather3A_2178 = tpu.vector_load_idx %gather3A_2177[%add3A_2171, %broadcast_in_dim3A_2137] : memref<64x128xf32, #tpu.memory_space<vmem>>[vector<16xi32>, vector<16xi32>], vector<16xf32>,
      tpu.vector_store_idx %arg8[%add3A_2171, %broadcast_in_dim3A_2138], %gather3A_2178 {add = true} : memref<64x256xf32, #tpu.memory_space<vmem>>[vector<16xi32>, vector<16xi32>], vector<16xf32>,
      %slice3A_2179 = vector.extract_strided_slice %get3A_24 {offsets = [7], sizes = [1], strides = [1]} : vector<16xi32> to vector<1xi32>
      %squeeze3A_2180 = vector.extract %slice3A_2179[0] : i32 from vector<1xi32>
      %mul3A_2181 = arith.constant 32 : i32
      %mul3A_2182 = arith.muli %scan3A_13, %mul3A_2181 : i32
      %add3A_2183 = arith.constant 22 : i32
      %add3A_2184 = arith.addi %mul3A_2182, %add3A_2183 : i32
      %add3A_2185 = arith.constant 1 : i32
      %add3A_2186 = arith.addi %add3A_2184, %add3A_2185 : i32
      %and3A_2187 = arith.constant 127 : i32
      %and3A_2188 = arith.andi %squeeze3A_2180, %and3A_2187 : i32
      %broadcast_in_dim3A_2189 = vector.broadcast %and3A_2188 : i32 to vector<16xi32>
      %broadcast_in_dim3A_2190 = vector.broadcast %add3A_2186 : i32 to vector<16xi32>
      %add3A_2191 = arith.constant 0 : i32
      %add3A_2192 = vector.broadcast %add3A_2191 : i32 to vector<16xi32>
      %add3A_2193 = arith.addi %iota3A, %add3A_2192 : vector<16xi32>
      %gather3A_2194 = arith.constant 3 : i32
      %gather3A_2195 = arith.constant 1 : i32
      %gather3A_2196 = arith.constant 0 : i32
      %gather3A_2197 = arith.constant 0 : i32
      %gather3A_2198 = tpu.memref_slice %arg7[%gather3A_2194, %gather3A_2195, %gather3A_2196, %gather3A_2197] : memref<4x2x64x128xf32, #tpu.memory_space<vmem>> -> memref<1x1x64x128xf32, #tpu.memory_space<vmem>>
      %gather3A_2199 = tpu.memref_squeeze %gather3A_2198 : memref<1x1x64x128xf32, #tpu.memory_space<vmem>> -> memref<64x128xf32, #tpu.memory_space<vmem>>
      %gather3A_2200 = tpu.vector_load_idx %gather3A_2199[%add3A_2193, %broadcast_in_dim3A_2189] : memref<64x128xf32, #tpu.memory_space<vmem>>[vector<16xi32>, vector<16xi32>], vector<16xf32>,
      tpu.vector_store_idx %arg8[%add3A_2193, %broadcast_in_dim3A_2190], %gather3A_2200 {add = true} : memref<64x256xf32, #tpu.memory_space<vmem>>[vector<16xi32>, vector<16xi32>], vector<16xf32>,
      %add3A_2201 = arith.constant 16 : i32
      %add3A_2202 = vector.broadcast %add3A_2201 : i32 to vector<16xi32>
      %add3A_2203 = arith.addi %iota3A, %add3A_2202 : vector<16xi32>
      %gather3A_2204 = arith.constant 3 : i32
      %gather3A_2205 = arith.constant 1 : i32
      %gather3A_2206 = arith.constant 0 : i32
      %gather3A_2207 = arith.constant 0 : i32
      %gather3A_2208 = tpu.memref_slice %arg7[%gather3A_2204, %gather3A_2205, %gather3A_2206, %gather3A_2207] : memref<4x2x64x128xf32, #tpu.memory_space<vmem>> -> memref<1x1x64x128xf32, #tpu.memory_space<vmem>>
      %gather3A_2209 = tpu.memref_squeeze %gather3A_2208 : memref<1x1x64x128xf32, #tpu.memory_space<vmem>> -> memref<64x128xf32, #tpu.memory_space<vmem>>
      %gather3A_2210 = tpu.vector_load_idx %gather3A_2209[%add3A_2203, %broadcast_in_dim3A_2189] : memref<64x128xf32, #tpu.memory_space<vmem>>[vector<16xi32>, vector<16xi32>], vector<16xf32>,
      tpu.vector_store_idx %arg8[%add3A_2203, %broadcast_in_dim3A_2190], %gather3A_2210 {add = true} : memref<64x256xf32, #tpu.memory_space<vmem>>[vector<16xi32>, vector<16xi32>], vector<16xf32>,
      %add3A_2211 = arith.constant 32 : i32
      %add3A_2212 = vector.broadcast %add3A_2211 : i32 to vector<16xi32>
      %add3A_2213 = arith.addi %iota3A, %add3A_2212 : vector<16xi32>
      %gather3A_2214 = arith.constant 3 : i32
      %gather3A_2215 = arith.constant 1 : i32
      %gather3A_2216 = arith.constant 0 : i32
      %gather3A_2217 = arith.constant 0 : i32
      %gather3A_2218 = tpu.memref_slice %arg7[%gather3A_2214, %gather3A_2215, %gather3A_2216, %gather3A_2217] : memref<4x2x64x128xf32, #tpu.memory_space<vmem>> -> memref<1x1x64x128xf32, #tpu.memory_space<vmem>>
      %gather3A_2219 = tpu.memref_squeeze %gather3A_2218 : memref<1x1x64x128xf32, #tpu.memory_space<vmem>> -> memref<64x128xf32, #tpu.memory_space<vmem>>
      %gather3A_2220 = tpu.vector_load_idx %gather3A_2219[%add3A_2213, %broadcast_in_dim3A_2189] : memref<64x128xf32, #tpu.memory_space<vmem>>[vector<16xi32>, vector<16xi32>], vector<16xf32>,
      tpu.vector_store_idx %arg8[%add3A_2213, %broadcast_in_dim3A_2190], %gather3A_2220 {add = true} : memref<64x256xf32, #tpu.memory_space<vmem>>[vector<16xi32>, vector<16xi32>], vector<16xf32>,
      %add3A_2221 = arith.constant 48 : i32
      %add3A_2222 = vector.broadcast %add3A_2221 : i32 to vector<16xi32>
      %add3A_2223 = arith.addi %iota3A, %add3A_2222 : vector<16xi32>
      %gather3A_2224 = arith.constant 3 : i32
      %gather3A_2225 = arith.constant 1 : i32
      %gather3A_2226 = arith.constant 0 : i32
      %gather3A_2227 = arith.constant 0 : i32
      %gather3A_2228 = tpu.memref_slice %arg7[%gather3A_2224, %gather3A_2225, %gather3A_2226, %gather3A_2227] : memref<4x2x64x128xf32, #tpu.memory_space<vmem>> -> memref<1x1x64x128xf32, #tpu.memory_space<vmem>>
      %gather3A_2229 = tpu.memref_squeeze %gather3A_2228 : memref<1x1x64x128xf32, #tpu.memory_space<vmem>> -> memref<64x128xf32, #tpu.memory_space<vmem>>
      %gather3A_2230 = tpu.vector_load_idx %gather3A_2229[%add3A_2223, %broadcast_in_dim3A_2189] : memref<64x128xf32, #tpu.memory_space<vmem>>[vector<16xi32>, vector<16xi32>], vector<16xf32>,
      tpu.vector_store_idx %arg8[%add3A_2223, %broadcast_in_dim3A_2190], %gather3A_2230 {add = true} : memref<64x256xf32, #tpu.memory_space<vmem>>[vector<16xi32>, vector<16xi32>], vector<16xf32>,
      %slice3A_2231 = vector.extract_strided_slice %get3A_24 {offsets = [14], sizes = [1], strides = [1]} : vector<16xi32> to vector<1xi32>
      %squeeze3A_2232 = vector.extract %slice3A_2231[0] : i32 from vector<1xi32>
      %shift_right_arithmetic3A_2233 = arith.constant 7 : i32
      %shift_right_arithmetic3A_2234 = arith.shrsi %squeeze3A_2232, %shift_right_arithmetic3A_2233 : i32
      %shift_left3A_2235 = arith.constant 7 : i32
      %shift_left3A_2236 = arith.shli %shift_right_arithmetic3A_2234, %shift_left3A_2235 : i32
      %multiple_of3A_2237 = tpu.assume_multiple %shift_left3A_2236, 128 : i32
      %dma_start3A_2238 = arith.constant 3 : i32
      %dma_start3A_2239 = arith.constant 0 : i32
      %dma_start3A_2240 = arith.constant 0 : i32
      %dma_start3A_2241 = arith.constant 0 : i32
      %dma_start3A_2242 = tpu.memref_slice %arg7[%dma_start3A_2238, %dma_start3A_2239, %dma_start3A_2240, %dma_start3A_2241] : memref<4x2x64x128xf32, #tpu.memory_space<vmem>> -> memref<1x1x64x128xf32, #tpu.memory_space<vmem>>
      %dma_start3A_2243 = tpu.memref_squeeze %dma_start3A_2242 : memref<1x1x64x128xf32, #tpu.memory_space<vmem>> -> memref<64x128xf32, #tpu.memory_space<vmem>>
      %dma_start3A_2244 = arith.constant 0 : i32
      %dma_start3A_2245 = tpu.memref_slice %arg3[%dma_start3A_2244, %multiple_of3A_2237] : memref<64x1000000xf32, #tpu.memory_space<hbm>> -> memref<64x128xf32, #tpu.memory_space<hbm>>
      %dma_start3A_2246 = arith.constant 0 : i32
      %dma_start3A_2247 = arith.constant 0 : i32
      %dma_start3A_2248 = tpu.memref_slice %arg7[%dma_start3A_2238, %dma_start3A_2239, %dma_start3A_2246, %dma_start3A_2247] : memref<4x2x64x128xf32, #tpu.memory_space<vmem>> -> memref<1x1x64x128xf32, #tpu.memory_space<vmem>>
      %dma_start3A_2249 = tpu.memref_squeeze %dma_start3A_2248 : memref<1x1x64x128xf32, #tpu.memory_space<vmem>> -> memref<64x128xf32, #tpu.memory_space<vmem>>
      %dma_start3A_2250 = arith.constant 0 : i32
      %dma_start3A_2251 = tpu.memref_slice %arg3[%dma_start3A_2250, %multiple_of3A_2237] : memref<64x1000000xf32, #tpu.memory_space<hbm>> -> memref<64x128xf32, #tpu.memory_space<hbm>>
      tpu.enqueue_dma source(%dma_start3A_2251 : memref<64x128xf32, #tpu.memory_space<hbm>>) target(%dma_start3A_2249 : memref<64x128xf32, #tpu.memory_space<vmem>>) target_semaphore(%arg12 : memref<!tpu.dma_semaphore, #tpu.memory_space<semaphore_mem>>)
      %slice3A_2252 = vector.extract_strided_slice %get3A_24 {offsets = [15], sizes = [1], strides = [1]} : vector<16xi32> to vector<1xi32>
      %squeeze3A_2253 = vector.extract %slice3A_2252[0] : i32 from vector<1xi32>
      %shift_right_arithmetic3A_2254 = arith.constant 7 : i32
      %shift_right_arithmetic3A_2255 = arith.shrsi %squeeze3A_2253, %shift_right_arithmetic3A_2254 : i32
      %shift_left3A_2256 = arith.constant 7 : i32
      %shift_left3A_2257 = arith.shli %shift_right_arithmetic3A_2255, %shift_left3A_2256 : i32
      %multiple_of3A_2258 = tpu.assume_multiple %shift_left3A_2257, 128 : i32
      %dma_start3A_2259 = arith.constant 3 : i32
      %dma_start3A_2260 = arith.constant 1 : i32
      %dma_start3A_2261 = arith.constant 0 : i32
      %dma_start3A_2262 = arith.constant 0 : i32
      %dma_start3A_2263 = tpu.memref_slice %arg7[%dma_start3A_2259, %dma_start3A_2260, %dma_start3A_2261, %dma_start3A_2262] : memref<4x2x64x128xf32, #tpu.memory_space<vmem>> -> memref<1x1x64x128xf32, #tpu.memory_space<vmem>>
      %dma_start3A_2264 = tpu.memref_squeeze %dma_start3A_2263 : memref<1x1x64x128xf32, #tpu.memory_space<vmem>> -> memref<64x128xf32, #tpu.memory_space<vmem>>
      %dma_start3A_2265 = arith.constant 0 : i32
      %dma_start3A_2266 = tpu.memref_slice %arg3[%dma_start3A_2265, %multiple_of3A_2258] : memref<64x1000000xf32, #tpu.memory_space<hbm>> -> memref<64x128xf32, #tpu.memory_space<hbm>>
      %dma_start3A_2267 = arith.constant 0 : i32
      %dma_start3A_2268 = arith.constant 0 : i32
      %dma_start3A_2269 = tpu.memref_slice %arg7[%dma_start3A_2259, %dma_start3A_2260, %dma_start3A_2267, %dma_start3A_2268] : memref<4x2x64x128xf32, #tpu.memory_space<vmem>> -> memref<1x1x64x128xf32, #tpu.memory_space<vmem>>
      %dma_start3A_2270 = tpu.memref_squeeze %dma_start3A_2269 : memref<1x1x64x128xf32, #tpu.memory_space<vmem>> -> memref<64x128xf32, #tpu.memory_space<vmem>>
      %dma_start3A_2271 = arith.constant 0 : i32
      %dma_start3A_2272 = tpu.memref_slice %arg3[%dma_start3A_2271, %multiple_of3A_2258] : memref<64x1000000xf32, #tpu.memory_space<hbm>> -> memref<64x128xf32, #tpu.memory_space<hbm>>
      tpu.enqueue_dma source(%dma_start3A_2272 : memref<64x128xf32, #tpu.memory_space<hbm>>) target(%dma_start3A_2270 : memref<64x128xf32, #tpu.memory_space<vmem>>) target_semaphore(%arg12 : memref<!tpu.dma_semaphore, #tpu.memory_space<semaphore_mem>>)
      %dma_wait3A_2273 = arith.constant 0 : i32
      %dma_wait3A_2274 = arith.constant 0 : i32
      %dma_wait3A_2275 = arith.constant 0 : i32
      %dma_wait3A_2276 = arith.constant 0 : i32
      %dma_wait3A_2277 = tpu.memref_slice %arg7[%dma_wait3A_2273, %dma_wait3A_2274, %dma_wait3A_2275, %dma_wait3A_2276] : memref<4x2x64x128xf32, #tpu.memory_space<vmem>> -> memref<1x1x64x128xf32, #tpu.memory_space<vmem>>
      %dma_wait3A_2278 = tpu.memref_squeeze %dma_wait3A_2277 : memref<1x1x64x128xf32, #tpu.memory_space<vmem>> -> memref<64x128xf32, #tpu.memory_space<vmem>>
      %dma_wait3A_2279 = arith.constant 0 : i32
      %dma_wait3A_2280 = tpu.memref_slice %arg3[%dma_wait3A_2279, %multiple_of3A_1715] : memref<64x1000000xf32, #tpu.memory_space<hbm>> -> memref<64x128xf32, #tpu.memory_space<hbm>>
      %dma_wait3A_2281 = arith.constant 0 : i32
      %dma_wait3A_2282 = arith.constant 0 : i32
      %dma_wait3A_2283 = tpu.memref_slice %arg7[%dma_wait3A_2273, %dma_wait3A_2274, %dma_wait3A_2281, %dma_wait3A_2282] : memref<4x2x64x128xf32, #tpu.memory_space<vmem>> -> memref<1x1x64x128xf32, #tpu.memory_space<vmem>>
      %dma_wait3A_2284 = tpu.memref_squeeze %dma_wait3A_2283 : memref<1x1x64x128xf32, #tpu.memory_space<vmem>> -> memref<64x128xf32, #tpu.memory_space<vmem>>
      %dma_wait3A_2285 = arith.constant 0 : i32
      %dma_wait3A_2286 = tpu.memref_slice %arg3[%dma_wait3A_2285, %multiple_of3A_1715] : memref<64x1000000xf32, #tpu.memory_space<hbm>> -> memref<64x128xf32, #tpu.memory_space<hbm>>
      tpu.wait_dma2 semaphore(%arg9 : memref<!tpu.dma_semaphore, #tpu.memory_space<semaphore_mem>>) src(%dma_wait3A_2286 : memref<64x128xf32, #tpu.memory_space<hbm>>) dst(%dma_wait3A_2284 : memref<64x128xf32, #tpu.memory_space<vmem>>)
      %dma_wait3A_2287 = arith.constant 0 : i32
      %dma_wait3A_2288 = arith.constant 1 : i32
      %dma_wait3A_2289 = arith.constant 0 : i32
      %dma_wait3A_2290 = arith.constant 0 : i32
      %dma_wait3A_2291 = tpu.memref_slice %arg7[%dma_wait3A_2287, %dma_wait3A_2288, %dma_wait3A_2289, %dma_wait3A_2290] : memref<4x2x64x128xf32, #tpu.memory_space<vmem>> -> memref<1x1x64x128xf32, #tpu.memory_space<vmem>>
      %dma_wait3A_2292 = tpu.memref_squeeze %dma_wait3A_2291 : memref<1x1x64x128xf32, #tpu.memory_space<vmem>> -> memref<64x128xf32, #tpu.memory_space<vmem>>
      %dma_wait3A_2293 = arith.constant 0 : i32
      %dma_wait3A_2294 = tpu.memref_slice %arg3[%dma_wait3A_2293, %multiple_of3A_1736] : memref<64x1000000xf32, #tpu.memory_space<hbm>> -> memref<64x128xf32, #tpu.memory_space<hbm>>
      %dma_wait3A_2295 = arith.constant 0 : i32
      %dma_wait3A_2296 = arith.constant 0 : i32
      %dma_wait3A_2297 = tpu.memref_slice %arg7[%dma_wait3A_2287, %dma_wait3A_2288, %dma_wait3A_2295, %dma_wait3A_2296] : memref<4x2x64x128xf32, #tpu.memory_space<vmem>> -> memref<1x1x64x128xf32, #tpu.memory_space<vmem>>
      %dma_wait3A_2298 = tpu.memref_squeeze %dma_wait3A_2297 : memref<1x1x64x128xf32, #tpu.memory_space<vmem>> -> memref<64x128xf32, #tpu.memory_space<vmem>>
      %dma_wait3A_2299 = arith.constant 0 : i32
      %dma_wait3A_2300 = tpu.memref_slice %arg3[%dma_wait3A_2299, %multiple_of3A_1736] : memref<64x1000000xf32, #tpu.memory_space<hbm>> -> memref<64x128xf32, #tpu.memory_space<hbm>>
      tpu.wait_dma2 semaphore(%arg9 : memref<!tpu.dma_semaphore, #tpu.memory_space<semaphore_mem>>) src(%dma_wait3A_2300 : memref<64x128xf32, #tpu.memory_space<hbm>>) dst(%dma_wait3A_2298 : memref<64x128xf32, #tpu.memory_space<vmem>>)
      %slice3A_2301 = vector.extract_strided_slice %get3A_24 {offsets = [8], sizes = [1], strides = [1]} : vector<16xi32> to vector<1xi32>
      %squeeze3A_2302 = vector.extract %slice3A_2301[0] : i32 from vector<1xi32>
      %mul3A_2303 = arith.constant 32 : i32
      %mul3A_2304 = arith.muli %scan3A_13, %mul3A_2303 : i32
      %add3A_2305 = arith.constant 24 : i32
      %add3A_2306 = arith.addi %mul3A_2304, %add3A_2305 : i32
      %add3A_2307 = arith.constant 0 : i32
      %add3A_2308 = arith.addi %add3A_2306, %add3A_2307 : i32
      %and3A_2309 = arith.constant 127 : i32
      %and3A_2310 = arith.andi %squeeze3A_2302, %and3A_2309 : i32
      %broadcast_in_dim3A_2311 = vector.broadcast %and3A_2310 : i32 to vector<16xi32>
      %broadcast_in_dim3A_2312 = vector.broadcast %add3A_2308 : i32 to vector<16xi32>
      %add3A_2313 = arith.constant 0 : i32
      %add3A_2314 = vector.broadcast %add3A_2313 : i32 to vector<16xi32>
      %add3A_2315 = arith.addi %iota3A, %add3A_2314 : vector<16xi32>
      %gather3A_2316 = arith.constant 0 : i32
      %gather3A_2317 = arith.constant 0 : i32
      %gather3A_2318 = arith.constant 0 : i32
      %gather3A_2319 = arith.constant 0 : i32
      %gather3A_2320 = tpu.memref_slice %arg7[%gather3A_2316, %gather3A_2317, %gather3A_2318, %gather3A_2319] : memref<4x2x64x128xf32, #tpu.memory_space<vmem>> -> memref<1x1x64x128xf32, #tpu.memory_space<vmem>>
      %gather3A_2321 = tpu.memref_squeeze %gather3A_2320 : memref<1x1x64x128xf32, #tpu.memory_space<vmem>> -> memref<64x128xf32, #tpu.memory_space<vmem>>
      %gather3A_2322 = tpu.vector_load_idx %gather3A_2321[%add3A_2315, %broadcast_in_dim3A_2311] : memref<64x128xf32, #tpu.memory_space<vmem>>[vector<16xi32>, vector<16xi32>], vector<16xf32>,
      tpu.vector_store_idx %arg8[%add3A_2315, %broadcast_in_dim3A_2312], %gather3A_2322 {add = true} : memref<64x256xf32, #tpu.memory_space<vmem>>[vector<16xi32>, vector<16xi32>], vector<16xf32>,
      %add3A_2323 = arith.constant 16 : i32
      %add3A_2324 = vector.broadcast %add3A_2323 : i32 to vector<16xi32>
      %add3A_2325 = arith.addi %iota3A, %add3A_2324 : vector<16xi32>
      %gather3A_2326 = arith.constant 0 : i32
      %gather3A_2327 = arith.constant 0 : i32
      %gather3A_2328 = arith.constant 0 : i32
      %gather3A_2329 = arith.constant 0 : i32
      %gather3A_2330 = tpu.memref_slice %arg7[%gather3A_2326, %gather3A_2327, %gather3A_2328, %gather3A_2329] : memref<4x2x64x128xf32, #tpu.memory_space<vmem>> -> memref<1x1x64x128xf32, #tpu.memory_space<vmem>>
      %gather3A_2331 = tpu.memref_squeeze %gather3A_2330 : memref<1x1x64x128xf32, #tpu.memory_space<vmem>> -> memref<64x128xf32, #tpu.memory_space<vmem>>
      %gather3A_2332 = tpu.vector_load_idx %gather3A_2331[%add3A_2325, %broadcast_in_dim3A_2311] : memref<64x128xf32, #tpu.memory_space<vmem>>[vector<16xi32>, vector<16xi32>], vector<16xf32>,
      tpu.vector_store_idx %arg8[%add3A_2325, %broadcast_in_dim3A_2312], %gather3A_2332 {add = true} : memref<64x256xf32, #tpu.memory_space<vmem>>[vector<16xi32>, vector<16xi32>], vector<16xf32>,
      %add3A_2333 = arith.constant 32 : i32
      %add3A_2334 = vector.broadcast %add3A_2333 : i32 to vector<16xi32>
      %add3A_2335 = arith.addi %iota3A, %add3A_2334 : vector<16xi32>
      %gather3A_2336 = arith.constant 0 : i32
      %gather3A_2337 = arith.constant 0 : i32
      %gather3A_2338 = arith.constant 0 : i32
      %gather3A_2339 = arith.constant 0 : i32
      %gather3A_2340 = tpu.memref_slice %arg7[%gather3A_2336, %gather3A_2337, %gather3A_2338, %gather3A_2339] : memref<4x2x64x128xf32, #tpu.memory_space<vmem>> -> memref<1x1x64x128xf32, #tpu.memory_space<vmem>>
      %gather3A_2341 = tpu.memref_squeeze %gather3A_2340 : memref<1x1x64x128xf32, #tpu.memory_space<vmem>> -> memref<64x128xf32, #tpu.memory_space<vmem>>
      %gather3A_2342 = tpu.vector_load_idx %gather3A_2341[%add3A_2335, %broadcast_in_dim3A_2311] : memref<64x128xf32, #tpu.memory_space<vmem>>[vector<16xi32>, vector<16xi32>], vector<16xf32>,
      tpu.vector_store_idx %arg8[%add3A_2335, %broadcast_in_dim3A_2312], %gather3A_2342 {add = true} : memref<64x256xf32, #tpu.memory_space<vmem>>[vector<16xi32>, vector<16xi32>], vector<16xf32>,
      %add3A_2343 = arith.constant 48 : i32
      %add3A_2344 = vector.broadcast %add3A_2343 : i32 to vector<16xi32>
      %add3A_2345 = arith.addi %iota3A, %add3A_2344 : vector<16xi32>
      %gather3A_2346 = arith.constant 0 : i32
      %gather3A_2347 = arith.constant 0 : i32
      %gather3A_2348 = arith.constant 0 : i32
      %gather3A_2349 = arith.constant 0 : i32
      %gather3A_2350 = tpu.memref_slice %arg7[%gather3A_2346, %gather3A_2347, %gather3A_2348, %gather3A_2349] : memref<4x2x64x128xf32, #tpu.memory_space<vmem>> -> memref<1x1x64x128xf32, #tpu.memory_space<vmem>>
      %gather3A_2351 = tpu.memref_squeeze %gather3A_2350 : memref<1x1x64x128xf32, #tpu.memory_space<vmem>> -> memref<64x128xf32, #tpu.memory_space<vmem>>
      %gather3A_2352 = tpu.vector_load_idx %gather3A_2351[%add3A_2345, %broadcast_in_dim3A_2311] : memref<64x128xf32, #tpu.memory_space<vmem>>[vector<16xi32>, vector<16xi32>], vector<16xf32>,
      tpu.vector_store_idx %arg8[%add3A_2345, %broadcast_in_dim3A_2312], %gather3A_2352 {add = true} : memref<64x256xf32, #tpu.memory_space<vmem>>[vector<16xi32>, vector<16xi32>], vector<16xf32>,
      %slice3A_2353 = vector.extract_strided_slice %get3A_24 {offsets = [9], sizes = [1], strides = [1]} : vector<16xi32> to vector<1xi32>
      %squeeze3A_2354 = vector.extract %slice3A_2353[0] : i32 from vector<1xi32>
      %mul3A_2355 = arith.constant 32 : i32
      %mul3A_2356 = arith.muli %scan3A_13, %mul3A_2355 : i32
      %add3A_2357 = arith.constant 24 : i32
      %add3A_2358 = arith.addi %mul3A_2356, %add3A_2357 : i32
      %add3A_2359 = arith.constant 1 : i32
      %add3A_2360 = arith.addi %add3A_2358, %add3A_2359 : i32
      %and3A_2361 = arith.constant 127 : i32
      %and3A_2362 = arith.andi %squeeze3A_2354, %and3A_2361 : i32
      %broadcast_in_dim3A_2363 = vector.broadcast %and3A_2362 : i32 to vector<16xi32>
      %broadcast_in_dim3A_2364 = vector.broadcast %add3A_2360 : i32 to vector<16xi32>
      %add3A_2365 = arith.constant 0 : i32
      %add3A_2366 = vector.broadcast %add3A_2365 : i32 to vector<16xi32>
      %add3A_2367 = arith.addi %iota3A, %add3A_2366 : vector<16xi32>
      %gather3A_2368 = arith.constant 0 : i32
      %gather3A_2369 = arith.constant 1 : i32
      %gather3A_2370 = arith.constant 0 : i32
      %gather3A_2371 = arith.constant 0 : i32
      %gather3A_2372 = tpu.memref_slice %arg7[%gather3A_2368, %gather3A_2369, %gather3A_2370, %gather3A_2371] : memref<4x2x64x128xf32, #tpu.memory_space<vmem>> -> memref<1x1x64x128xf32, #tpu.memory_space<vmem>>
      %gather3A_2373 = tpu.memref_squeeze %gather3A_2372 : memref<1x1x64x128xf32, #tpu.memory_space<vmem>> -> memref<64x128xf32, #tpu.memory_space<vmem>>
      %gather3A_2374 = tpu.vector_load_idx %gather3A_2373[%add3A_2367, %broadcast_in_dim3A_2363] : memref<64x128xf32, #tpu.memory_space<vmem>>[vector<16xi32>, vector<16xi32>], vector<16xf32>,
      tpu.vector_store_idx %arg8[%add3A_2367, %broadcast_in_dim3A_2364], %gather3A_2374 {add = true} : memref<64x256xf32, #tpu.memory_space<vmem>>[vector<16xi32>, vector<16xi32>], vector<16xf32>,
      %add3A_2375 = arith.constant 16 : i32
      %add3A_2376 = vector.broadcast %add3A_2375 : i32 to vector<16xi32>
      %add3A_2377 = arith.addi %iota3A, %add3A_2376 : vector<16xi32>
      %gather3A_2378 = arith.constant 0 : i32
      %gather3A_2379 = arith.constant 1 : i32
      %gather3A_2380 = arith.constant 0 : i32
      %gather3A_2381 = arith.constant 0 : i32
      %gather3A_2382 = tpu.memref_slice %arg7[%gather3A_2378, %gather3A_2379, %gather3A_2380, %gather3A_2381] : memref<4x2x64x128xf32, #tpu.memory_space<vmem>> -> memref<1x1x64x128xf32, #tpu.memory_space<vmem>>
      %gather3A_2383 = tpu.memref_squeeze %gather3A_2382 : memref<1x1x64x128xf32, #tpu.memory_space<vmem>> -> memref<64x128xf32, #tpu.memory_space<vmem>>
      %gather3A_2384 = tpu.vector_load_idx %gather3A_2383[%add3A_2377, %broadcast_in_dim3A_2363] : memref<64x128xf32, #tpu.memory_space<vmem>>[vector<16xi32>, vector<16xi32>], vector<16xf32>,
      tpu.vector_store_idx %arg8[%add3A_2377, %broadcast_in_dim3A_2364], %gather3A_2384 {add = true} : memref<64x256xf32, #tpu.memory_space<vmem>>[vector<16xi32>, vector<16xi32>], vector<16xf32>,
      %add3A_2385 = arith.constant 32 : i32
      %add3A_2386 = vector.broadcast %add3A_2385 : i32 to vector<16xi32>
      %add3A_2387 = arith.addi %iota3A, %add3A_2386 : vector<16xi32>
      %gather3A_2388 = arith.constant 0 : i32
      %gather3A_2389 = arith.constant 1 : i32
      %gather3A_2390 = arith.constant 0 : i32
      %gather3A_2391 = arith.constant 0 : i32
      %gather3A_2392 = tpu.memref_slice %arg7[%gather3A_2388, %gather3A_2389, %gather3A_2390, %gather3A_2391] : memref<4x2x64x128xf32, #tpu.memory_space<vmem>> -> memref<1x1x64x128xf32, #tpu.memory_space<vmem>>
      %gather3A_2393 = tpu.memref_squeeze %gather3A_2392 : memref<1x1x64x128xf32, #tpu.memory_space<vmem>> -> memref<64x128xf32, #tpu.memory_space<vmem>>
      %gather3A_2394 = tpu.vector_load_idx %gather3A_2393[%add3A_2387, %broadcast_in_dim3A_2363] : memref<64x128xf32, #tpu.memory_space<vmem>>[vector<16xi32>, vector<16xi32>], vector<16xf32>,
      tpu.vector_store_idx %arg8[%add3A_2387, %broadcast_in_dim3A_2364], %gather3A_2394 {add = true} : memref<64x256xf32, #tpu.memory_space<vmem>>[vector<16xi32>, vector<16xi32>], vector<16xf32>,
      %add3A_2395 = arith.constant 48 : i32
      %add3A_2396 = vector.broadcast %add3A_2395 : i32 to vector<16xi32>
      %add3A_2397 = arith.addi %iota3A, %add3A_2396 : vector<16xi32>
      %gather3A_2398 = arith.constant 0 : i32
      %gather3A_2399 = arith.constant 1 : i32
      %gather3A_2400 = arith.constant 0 : i32
      %gather3A_2401 = arith.constant 0 : i32
      %gather3A_2402 = tpu.memref_slice %arg7[%gather3A_2398, %gather3A_2399, %gather3A_2400, %gather3A_2401] : memref<4x2x64x128xf32, #tpu.memory_space<vmem>> -> memref<1x1x64x128xf32, #tpu.memory_space<vmem>>
      %gather3A_2403 = tpu.memref_squeeze %gather3A_2402 : memref<1x1x64x128xf32, #tpu.memory_space<vmem>> -> memref<64x128xf32, #tpu.memory_space<vmem>>
      %gather3A_2404 = tpu.vector_load_idx %gather3A_2403[%add3A_2397, %broadcast_in_dim3A_2363] : memref<64x128xf32, #tpu.memory_space<vmem>>[vector<16xi32>, vector<16xi32>], vector<16xf32>,
      tpu.vector_store_idx %arg8[%add3A_2397, %broadcast_in_dim3A_2364], %gather3A_2404 {add = true} : memref<64x256xf32, #tpu.memory_space<vmem>>[vector<16xi32>, vector<16xi32>], vector<16xf32>,
      %dma_wait3A_2405 = arith.constant 1 : i32
      %dma_wait3A_2406 = arith.constant 0 : i32
      %dma_wait3A_2407 = arith.constant 0 : i32
      %dma_wait3A_2408 = arith.constant 0 : i32
      %dma_wait3A_2409 = tpu.memref_slice %arg7[%dma_wait3A_2405, %dma_wait3A_2406, %dma_wait3A_2407, %dma_wait3A_2408] : memref<4x2x64x128xf32, #tpu.memory_space<vmem>> -> memref<1x1x64x128xf32, #tpu.memory_space<vmem>>
      %dma_wait3A_2410 = tpu.memref_squeeze %dma_wait3A_2409 : memref<1x1x64x128xf32, #tpu.memory_space<vmem>> -> memref<64x128xf32, #tpu.memory_space<vmem>>
      %dma_wait3A_2411 = arith.constant 0 : i32
      %dma_wait3A_2412 = tpu.memref_slice %arg3[%dma_wait3A_2411, %multiple_of3A_1889] : memref<64x1000000xf32, #tpu.memory_space<hbm>> -> memref<64x128xf32, #tpu.memory_space<hbm>>
      %dma_wait3A_2413 = arith.constant 0 : i32
      %dma_wait3A_2414 = arith.constant 0 : i32
      %dma_wait3A_2415 = tpu.memref_slice %arg7[%dma_wait3A_2405, %dma_wait3A_2406, %dma_wait3A_2413, %dma_wait3A_2414] : memref<4x2x64x128xf32, #tpu.memory_space<vmem>> -> memref<1x1x64x128xf32, #tpu.memory_space<vmem>>
      %dma_wait3A_2416 = tpu.memref_squeeze %dma_wait3A_2415 : memref<1x1x64x128xf32, #tpu.memory_space<vmem>> -> memref<64x128xf32, #tpu.memory_space<vmem>>
      %dma_wait3A_2417 = arith.constant 0 : i32
      %dma_wait3A_2418 = tpu.memref_slice %arg3[%dma_wait3A_2417, %multiple_of3A_1889] : memref<64x1000000xf32, #tpu.memory_space<hbm>> -> memref<64x128xf32, #tpu.memory_space<hbm>>
      tpu.wait_dma2 semaphore(%arg10 : memref<!tpu.dma_semaphore, #tpu.memory_space<semaphore_mem>>) src(%dma_wait3A_2418 : memref<64x128xf32, #tpu.memory_space<hbm>>) dst(%dma_wait3A_2416 : memref<64x128xf32, #tpu.memory_space<vmem>>)
      %dma_wait3A_2419 = arith.constant 1 : i32
      %dma_wait3A_2420 = arith.constant 1 : i32
      %dma_wait3A_2421 = arith.constant 0 : i32
      %dma_wait3A_2422 = arith.constant 0 : i32
      %dma_wait3A_2423 = tpu.memref_slice %arg7[%dma_wait3A_2419, %dma_wait3A_2420, %dma_wait3A_2421, %dma_wait3A_2422] : memref<4x2x64x128xf32, #tpu.memory_space<vmem>> -> memref<1x1x64x128xf32, #tpu.memory_space<vmem>>
      %dma_wait3A_2424 = tpu.memref_squeeze %dma_wait3A_2423 : memref<1x1x64x128xf32, #tpu.memory_space<vmem>> -> memref<64x128xf32, #tpu.memory_space<vmem>>
      %dma_wait3A_2425 = arith.constant 0 : i32
      %dma_wait3A_2426 = tpu.memref_slice %arg3[%dma_wait3A_2425, %multiple_of3A_1910] : memref<64x1000000xf32, #tpu.memory_space<hbm>> -> memref<64x128xf32, #tpu.memory_space<hbm>>
      %dma_wait3A_2427 = arith.constant 0 : i32
      %dma_wait3A_2428 = arith.constant 0 : i32
      %dma_wait3A_2429 = tpu.memref_slice %arg7[%dma_wait3A_2419, %dma_wait3A_2420, %dma_wait3A_2427, %dma_wait3A_2428] : memref<4x2x64x128xf32, #tpu.memory_space<vmem>> -> memref<1x1x64x128xf32, #tpu.memory_space<vmem>>
      %dma_wait3A_2430 = tpu.memref_squeeze %dma_wait3A_2429 : memref<1x1x64x128xf32, #tpu.memory_space<vmem>> -> memref<64x128xf32, #tpu.memory_space<vmem>>
      %dma_wait3A_2431 = arith.constant 0 : i32
      %dma_wait3A_2432 = tpu.memref_slice %arg3[%dma_wait3A_2431, %multiple_of3A_1910] : memref<64x1000000xf32, #tpu.memory_space<hbm>> -> memref<64x128xf32, #tpu.memory_space<hbm>>
      tpu.wait_dma2 semaphore(%arg10 : memref<!tpu.dma_semaphore, #tpu.memory_space<semaphore_mem>>) src(%dma_wait3A_2432 : memref<64x128xf32, #tpu.memory_space<hbm>>) dst(%dma_wait3A_2430 : memref<64x128xf32, #tpu.memory_space<vmem>>)
      %slice3A_2433 = vector.extract_strided_slice %get3A_24 {offsets = [10], sizes = [1], strides = [1]} : vector<16xi32> to vector<1xi32>
      %squeeze3A_2434 = vector.extract %slice3A_2433[0] : i32 from vector<1xi32>
      %mul3A_2435 = arith.constant 32 : i32
      %mul3A_2436 = arith.muli %scan3A_13, %mul3A_2435 : i32
      %add3A_2437 = arith.constant 26 : i32
      %add3A_2438 = arith.addi %mul3A_2436, %add3A_2437 : i32
      %add3A_2439 = arith.constant 0 : i32
      %add3A_2440 = arith.addi %add3A_2438, %add3A_2439 : i32
      %and3A_2441 = arith.constant 127 : i32
      %and3A_2442 = arith.andi %squeeze3A_2434, %and3A_2441 : i32
      %broadcast_in_dim3A_2443 = vector.broadcast %and3A_2442 : i32 to vector<16xi32>
      %broadcast_in_dim3A_2444 = vector.broadcast %add3A_2440 : i32 to vector<16xi32>
      %add3A_2445 = arith.constant 0 : i32
      %add3A_2446 = vector.broadcast %add3A_2445 : i32 to vector<16xi32>
      %add3A_2447 = arith.addi %iota3A, %add3A_2446 : vector<16xi32>
      %gather3A_2448 = arith.constant 1 : i32
      %gather3A_2449 = arith.constant 0 : i32
      %gather3A_2450 = arith.constant 0 : i32
      %gather3A_2451 = arith.constant 0 : i32
      %gather3A_2452 = tpu.memref_slice %arg7[%gather3A_2448, %gather3A_2449, %gather3A_2450, %gather3A_2451] : memref<4x2x64x128xf32, #tpu.memory_space<vmem>> -> memref<1x1x64x128xf32, #tpu.memory_space<vmem>>
      %gather3A_2453 = tpu.memref_squeeze %gather3A_2452 : memref<1x1x64x128xf32, #tpu.memory_space<vmem>> -> memref<64x128xf32, #tpu.memory_space<vmem>>
      %gather3A_2454 = tpu.vector_load_idx %gather3A_2453[%add3A_2447, %broadcast_in_dim3A_2443] : memref<64x128xf32, #tpu.memory_space<vmem>>[vector<16xi32>, vector<16xi32>], vector<16xf32>,
      tpu.vector_store_idx %arg8[%add3A_2447, %broadcast_in_dim3A_2444], %gather3A_2454 {add = true} : memref<64x256xf32, #tpu.memory_space<vmem>>[vector<16xi32>, vector<16xi32>], vector<16xf32>,
      %add3A_2455 = arith.constant 16 : i32
      %add3A_2456 = vector.broadcast %add3A_2455 : i32 to vector<16xi32>
      %add3A_2457 = arith.addi %iota3A, %add3A_2456 : vector<16xi32>
      %gather3A_2458 = arith.constant 1 : i32
      %gather3A_2459 = arith.constant 0 : i32
      %gather3A_2460 = arith.constant 0 : i32
      %gather3A_2461 = arith.constant 0 : i32
      %gather3A_2462 = tpu.memref_slice %arg7[%gather3A_2458, %gather3A_2459, %gather3A_2460, %gather3A_2461] : memref<4x2x64x128xf32, #tpu.memory_space<vmem>> -> memref<1x1x64x128xf32, #tpu.memory_space<vmem>>
      %gather3A_2463 = tpu.memref_squeeze %gather3A_2462 : memref<1x1x64x128xf32, #tpu.memory_space<vmem>> -> memref<64x128xf32, #tpu.memory_space<vmem>>
      %gather3A_2464 = tpu.vector_load_idx %gather3A_2463[%add3A_2457, %broadcast_in_dim3A_2443] : memref<64x128xf32, #tpu.memory_space<vmem>>[vector<16xi32>, vector<16xi32>], vector<16xf32>,
      tpu.vector_store_idx %arg8[%add3A_2457, %broadcast_in_dim3A_2444], %gather3A_2464 {add = true} : memref<64x256xf32, #tpu.memory_space<vmem>>[vector<16xi32>, vector<16xi32>], vector<16xf32>,
      %add3A_2465 = arith.constant 32 : i32
      %add3A_2466 = vector.broadcast %add3A_2465 : i32 to vector<16xi32>
      %add3A_2467 = arith.addi %iota3A, %add3A_2466 : vector<16xi32>
      %gather3A_2468 = arith.constant 1 : i32
      %gather3A_2469 = arith.constant 0 : i32
      %gather3A_2470 = arith.constant 0 : i32
      %gather3A_2471 = arith.constant 0 : i32
      %gather3A_2472 = tpu.memref_slice %arg7[%gather3A_2468, %gather3A_2469, %gather3A_2470, %gather3A_2471] : memref<4x2x64x128xf32, #tpu.memory_space<vmem>> -> memref<1x1x64x128xf32, #tpu.memory_space<vmem>>
      %gather3A_2473 = tpu.memref_squeeze %gather3A_2472 : memref<1x1x64x128xf32, #tpu.memory_space<vmem>> -> memref<64x128xf32, #tpu.memory_space<vmem>>
      %gather3A_2474 = tpu.vector_load_idx %gather3A_2473[%add3A_2467, %broadcast_in_dim3A_2443] : memref<64x128xf32, #tpu.memory_space<vmem>>[vector<16xi32>, vector<16xi32>], vector<16xf32>,
      tpu.vector_store_idx %arg8[%add3A_2467, %broadcast_in_dim3A_2444], %gather3A_2474 {add = true} : memref<64x256xf32, #tpu.memory_space<vmem>>[vector<16xi32>, vector<16xi32>], vector<16xf32>,
      %add3A_2475 = arith.constant 48 : i32
      %add3A_2476 = vector.broadcast %add3A_2475 : i32 to vector<16xi32>
      %add3A_2477 = arith.addi %iota3A, %add3A_2476 : vector<16xi32>
      %gather3A_2478 = arith.constant 1 : i32
      %gather3A_2479 = arith.constant 0 : i32
      %gather3A_2480 = arith.constant 0 : i32
      %gather3A_2481 = arith.constant 0 : i32
      %gather3A_2482 = tpu.memref_slice %arg7[%gather3A_2478, %gather3A_2479, %gather3A_2480, %gather3A_2481] : memref<4x2x64x128xf32, #tpu.memory_space<vmem>> -> memref<1x1x64x128xf32, #tpu.memory_space<vmem>>
      %gather3A_2483 = tpu.memref_squeeze %gather3A_2482 : memref<1x1x64x128xf32, #tpu.memory_space<vmem>> -> memref<64x128xf32, #tpu.memory_space<vmem>>
      %gather3A_2484 = tpu.vector_load_idx %gather3A_2483[%add3A_2477, %broadcast_in_dim3A_2443] : memref<64x128xf32, #tpu.memory_space<vmem>>[vector<16xi32>, vector<16xi32>], vector<16xf32>,
      tpu.vector_store_idx %arg8[%add3A_2477, %broadcast_in_dim3A_2444], %gather3A_2484 {add = true} : memref<64x256xf32, #tpu.memory_space<vmem>>[vector<16xi32>, vector<16xi32>], vector<16xf32>,
      %slice3A_2485 = vector.extract_strided_slice %get3A_24 {offsets = [11], sizes = [1], strides = [1]} : vector<16xi32> to vector<1xi32>
      %squeeze3A_2486 = vector.extract %slice3A_2485[0] : i32 from vector<1xi32>
      %mul3A_2487 = arith.constant 32 : i32
      %mul3A_2488 = arith.muli %scan3A_13, %mul3A_2487 : i32
      %add3A_2489 = arith.constant 26 : i32
      %add3A_2490 = arith.addi %mul3A_2488, %add3A_2489 : i32
      %add3A_2491 = arith.constant 1 : i32
      %add3A_2492 = arith.addi %add3A_2490, %add3A_2491 : i32
      %and3A_2493 = arith.constant 127 : i32
      %and3A_2494 = arith.andi %squeeze3A_2486, %and3A_2493 : i32
      %broadcast_in_dim3A_2495 = vector.broadcast %and3A_2494 : i32 to vector<16xi32>
      %broadcast_in_dim3A_2496 = vector.broadcast %add3A_2492 : i32 to vector<16xi32>
      %add3A_2497 = arith.constant 0 : i32
      %add3A_2498 = vector.broadcast %add3A_2497 : i32 to vector<16xi32>
      %add3A_2499 = arith.addi %iota3A, %add3A_2498 : vector<16xi32>
      %gather3A_2500 = arith.constant 1 : i32
      %gather3A_2501 = arith.constant 1 : i32
      %gather3A_2502 = arith.constant 0 : i32
      %gather3A_2503 = arith.constant 0 : i32
      %gather3A_2504 = tpu.memref_slice %arg7[%gather3A_2500, %gather3A_2501, %gather3A_2502, %gather3A_2503] : memref<4x2x64x128xf32, #tpu.memory_space<vmem>> -> memref<1x1x64x128xf32, #tpu.memory_space<vmem>>
      %gather3A_2505 = tpu.memref_squeeze %gather3A_2504 : memref<1x1x64x128xf32, #tpu.memory_space<vmem>> -> memref<64x128xf32, #tpu.memory_space<vmem>>
      %gather3A_2506 = tpu.vector_load_idx %gather3A_2505[%add3A_2499, %broadcast_in_dim3A_2495] : memref<64x128xf32, #tpu.memory_space<vmem>>[vector<16xi32>, vector<16xi32>], vector<16xf32>,
      tpu.vector_store_idx %arg8[%add3A_2499, %broadcast_in_dim3A_2496], %gather3A_2506 {add = true} : memref<64x256xf32, #tpu.memory_space<vmem>>[vector<16xi32>, vector<16xi32>], vector<16xf32>,
      %add3A_2507 = arith.constant 16 : i32
      %add3A_2508 = vector.broadcast %add3A_2507 : i32 to vector<16xi32>
      %add3A_2509 = arith.addi %iota3A, %add3A_2508 : vector<16xi32>
      %gather3A_2510 = arith.constant 1 : i32
      %gather3A_2511 = arith.constant 1 : i32
      %gather3A_2512 = arith.constant 0 : i32
      %gather3A_2513 = arith.constant 0 : i32
      %gather3A_2514 = tpu.memref_slice %arg7[%gather3A_2510, %gather3A_2511, %gather3A_2512, %gather3A_2513] : memref<4x2x64x128xf32, #tpu.memory_space<vmem>> -> memref<1x1x64x128xf32, #tpu.memory_space<vmem>>
      %gather3A_2515 = tpu.memref_squeeze %gather3A_2514 : memref<1x1x64x128xf32, #tpu.memory_space<vmem>> -> memref<64x128xf32, #tpu.memory_space<vmem>>
      %gather3A_2516 = tpu.vector_load_idx %gather3A_2515[%add3A_2509, %broadcast_in_dim3A_2495] : memref<64x128xf32, #tpu.memory_space<vmem>>[vector<16xi32>, vector<16xi32>], vector<16xf32>,
      tpu.vector_store_idx %arg8[%add3A_2509, %broadcast_in_dim3A_2496], %gather3A_2516 {add = true} : memref<64x256xf32, #tpu.memory_space<vmem>>[vector<16xi32>, vector<16xi32>], vector<16xf32>,
      %add3A_2517 = arith.constant 32 : i32
      %add3A_2518 = vector.broadcast %add3A_2517 : i32 to vector<16xi32>
      %add3A_2519 = arith.addi %iota3A, %add3A_2518 : vector<16xi32>
      %gather3A_2520 = arith.constant 1 : i32
      %gather3A_2521 = arith.constant 1 : i32
      %gather3A_2522 = arith.constant 0 : i32
      %gather3A_2523 = arith.constant 0 : i32
      %gather3A_2524 = tpu.memref_slice %arg7[%gather3A_2520, %gather3A_2521, %gather3A_2522, %gather3A_2523] : memref<4x2x64x128xf32, #tpu.memory_space<vmem>> -> memref<1x1x64x128xf32, #tpu.memory_space<vmem>>
      %gather3A_2525 = tpu.memref_squeeze %gather3A_2524 : memref<1x1x64x128xf32, #tpu.memory_space<vmem>> -> memref<64x128xf32, #tpu.memory_space<vmem>>
      %gather3A_2526 = tpu.vector_load_idx %gather3A_2525[%add3A_2519, %broadcast_in_dim3A_2495] : memref<64x128xf32, #tpu.memory_space<vmem>>[vector<16xi32>, vector<16xi32>], vector<16xf32>,
      tpu.vector_store_idx %arg8[%add3A_2519, %broadcast_in_dim3A_2496], %gather3A_2526 {add = true} : memref<64x256xf32, #tpu.memory_space<vmem>>[vector<16xi32>, vector<16xi32>], vector<16xf32>,
      %add3A_2527 = arith.constant 48 : i32
      %add3A_2528 = vector.broadcast %add3A_2527 : i32 to vector<16xi32>
      %add3A_2529 = arith.addi %iota3A, %add3A_2528 : vector<16xi32>
      %gather3A_2530 = arith.constant 1 : i32
      %gather3A_2531 = arith.constant 1 : i32
      %gather3A_2532 = arith.constant 0 : i32
      %gather3A_2533 = arith.constant 0 : i32
      %gather3A_2534 = tpu.memref_slice %arg7[%gather3A_2530, %gather3A_2531, %gather3A_2532, %gather3A_2533] : memref<4x2x64x128xf32, #tpu.memory_space<vmem>> -> memref<1x1x64x128xf32, #tpu.memory_space<vmem>>
      %gather3A_2535 = tpu.memref_squeeze %gather3A_2534 : memref<1x1x64x128xf32, #tpu.memory_space<vmem>> -> memref<64x128xf32, #tpu.memory_space<vmem>>
      %gather3A_2536 = tpu.vector_load_idx %gather3A_2535[%add3A_2529, %broadcast_in_dim3A_2495] : memref<64x128xf32, #tpu.memory_space<vmem>>[vector<16xi32>, vector<16xi32>], vector<16xf32>,
      tpu.vector_store_idx %arg8[%add3A_2529, %broadcast_in_dim3A_2496], %gather3A_2536 {add = true} : memref<64x256xf32, #tpu.memory_space<vmem>>[vector<16xi32>, vector<16xi32>], vector<16xf32>,
      %dma_wait3A_2537 = arith.constant 2 : i32
      %dma_wait3A_2538 = arith.constant 0 : i32
      %dma_wait3A_2539 = arith.constant 0 : i32
      %dma_wait3A_2540 = arith.constant 0 : i32
      %dma_wait3A_2541 = tpu.memref_slice %arg7[%dma_wait3A_2537, %dma_wait3A_2538, %dma_wait3A_2539, %dma_wait3A_2540] : memref<4x2x64x128xf32, #tpu.memory_space<vmem>> -> memref<1x1x64x128xf32, #tpu.memory_space<vmem>>
      %dma_wait3A_2542 = tpu.memref_squeeze %dma_wait3A_2541 : memref<1x1x64x128xf32, #tpu.memory_space<vmem>> -> memref<64x128xf32, #tpu.memory_space<vmem>>
      %dma_wait3A_2543 = arith.constant 0 : i32
      %dma_wait3A_2544 = tpu.memref_slice %arg3[%dma_wait3A_2543, %multiple_of3A_2063] : memref<64x1000000xf32, #tpu.memory_space<hbm>> -> memref<64x128xf32, #tpu.memory_space<hbm>>
      %dma_wait3A_2545 = arith.constant 0 : i32
      %dma_wait3A_2546 = arith.constant 0 : i32
      %dma_wait3A_2547 = tpu.memref_slice %arg7[%dma_wait3A_2537, %dma_wait3A_2538, %dma_wait3A_2545, %dma_wait3A_2546] : memref<4x2x64x128xf32, #tpu.memory_space<vmem>> -> memref<1x1x64x128xf32, #tpu.memory_space<vmem>>
      %dma_wait3A_2548 = tpu.memref_squeeze %dma_wait3A_2547 : memref<1x1x64x128xf32, #tpu.memory_space<vmem>> -> memref<64x128xf32, #tpu.memory_space<vmem>>
      %dma_wait3A_2549 = arith.constant 0 : i32
      %dma_wait3A_2550 = tpu.memref_slice %arg3[%dma_wait3A_2549, %multiple_of3A_2063] : memref<64x1000000xf32, #tpu.memory_space<hbm>> -> memref<64x128xf32, #tpu.memory_space<hbm>>
      tpu.wait_dma2 semaphore(%arg11 : memref<!tpu.dma_semaphore, #tpu.memory_space<semaphore_mem>>) src(%dma_wait3A_2550 : memref<64x128xf32, #tpu.memory_space<hbm>>) dst(%dma_wait3A_2548 : memref<64x128xf32, #tpu.memory_space<vmem>>)
      %dma_wait3A_2551 = arith.constant 2 : i32
      %dma_wait3A_2552 = arith.constant 1 : i32
      %dma_wait3A_2553 = arith.constant 0 : i32
      %dma_wait3A_2554 = arith.constant 0 : i32
      %dma_wait3A_2555 = tpu.memref_slice %arg7[%dma_wait3A_2551, %dma_wait3A_2552, %dma_wait3A_2553, %dma_wait3A_2554] : memref<4x2x64x128xf32, #tpu.memory_space<vmem>> -> memref<1x1x64x128xf32, #tpu.memory_space<vmem>>
      %dma_wait3A_2556 = tpu.memref_squeeze %dma_wait3A_2555 : memref<1x1x64x128xf32, #tpu.memory_space<vmem>> -> memref<64x128xf32, #tpu.memory_space<vmem>>
      %dma_wait3A_2557 = arith.constant 0 : i32
      %dma_wait3A_2558 = tpu.memref_slice %arg3[%dma_wait3A_2557, %multiple_of3A_2084] : memref<64x1000000xf32, #tpu.memory_space<hbm>> -> memref<64x128xf32, #tpu.memory_space<hbm>>
      %dma_wait3A_2559 = arith.constant 0 : i32
      %dma_wait3A_2560 = arith.constant 0 : i32
      %dma_wait3A_2561 = tpu.memref_slice %arg7[%dma_wait3A_2551, %dma_wait3A_2552, %dma_wait3A_2559, %dma_wait3A_2560] : memref<4x2x64x128xf32, #tpu.memory_space<vmem>> -> memref<1x1x64x128xf32, #tpu.memory_space<vmem>>
      %dma_wait3A_2562 = tpu.memref_squeeze %dma_wait3A_2561 : memref<1x1x64x128xf32, #tpu.memory_space<vmem>> -> memref<64x128xf32, #tpu.memory_space<vmem>>
      %dma_wait3A_2563 = arith.constant 0 : i32
      %dma_wait3A_2564 = tpu.memref_slice %arg3[%dma_wait3A_2563, %multiple_of3A_2084] : memref<64x1000000xf32, #tpu.memory_space<hbm>> -> memref<64x128xf32, #tpu.memory_space<hbm>>
      tpu.wait_dma2 semaphore(%arg11 : memref<!tpu.dma_semaphore, #tpu.memory_space<semaphore_mem>>) src(%dma_wait3A_2564 : memref<64x128xf32, #tpu.memory_space<hbm>>) dst(%dma_wait3A_2562 : memref<64x128xf32, #tpu.memory_space<vmem>>)
      %slice3A_2565 = vector.extract_strided_slice %get3A_24 {offsets = [12], sizes = [1], strides = [1]} : vector<16xi32> to vector<1xi32>
      %squeeze3A_2566 = vector.extract %slice3A_2565[0] : i32 from vector<1xi32>
      %mul3A_2567 = arith.constant 32 : i32
      %mul3A_2568 = arith.muli %scan3A_13, %mul3A_2567 : i32
      %add3A_2569 = arith.constant 28 : i32
      %add3A_2570 = arith.addi %mul3A_2568, %add3A_2569 : i32
      %add3A_2571 = arith.constant 0 : i32
      %add3A_2572 = arith.addi %add3A_2570, %add3A_2571 : i32
      %and3A_2573 = arith.constant 127 : i32
      %and3A_2574 = arith.andi %squeeze3A_2566, %and3A_2573 : i32
      %broadcast_in_dim3A_2575 = vector.broadcast %and3A_2574 : i32 to vector<16xi32>
      %broadcast_in_dim3A_2576 = vector.broadcast %add3A_2572 : i32 to vector<16xi32>
      %add3A_2577 = arith.constant 0 : i32
      %add3A_2578 = vector.broadcast %add3A_2577 : i32 to vector<16xi32>
      %add3A_2579 = arith.addi %iota3A, %add3A_2578 : vector<16xi32>
      %gather3A_2580 = arith.constant 2 : i32
      %gather3A_2581 = arith.constant 0 : i32
      %gather3A_2582 = arith.constant 0 : i32
      %gather3A_2583 = arith.constant 0 : i32
      %gather3A_2584 = tpu.memref_slice %arg7[%gather3A_2580, %gather3A_2581, %gather3A_2582, %gather3A_2583] : memref<4x2x64x128xf32, #tpu.memory_space<vmem>> -> memref<1x1x64x128xf32, #tpu.memory_space<vmem>>
      %gather3A_2585 = tpu.memref_squeeze %gather3A_2584 : memref<1x1x64x128xf32, #tpu.memory_space<vmem>> -> memref<64x128xf32, #tpu.memory_space<vmem>>
      %gather3A_2586 = tpu.vector_load_idx %gather3A_2585[%add3A_2579, %broadcast_in_dim3A_2575] : memref<64x128xf32, #tpu.memory_space<vmem>>[vector<16xi32>, vector<16xi32>], vector<16xf32>,
      tpu.vector_store_idx %arg8[%add3A_2579, %broadcast_in_dim3A_2576], %gather3A_2586 {add = true} : memref<64x256xf32, #tpu.memory_space<vmem>>[vector<16xi32>, vector<16xi32>], vector<16xf32>,
      %add3A_2587 = arith.constant 16 : i32
      %add3A_2588 = vector.broadcast %add3A_2587 : i32 to vector<16xi32>
      %add3A_2589 = arith.addi %iota3A, %add3A_2588 : vector<16xi32>
      %gather3A_2590 = arith.constant 2 : i32
      %gather3A_2591 = arith.constant 0 : i32
      %gather3A_2592 = arith.constant 0 : i32
      %gather3A_2593 = arith.constant 0 : i32
      %gather3A_2594 = tpu.memref_slice %arg7[%gather3A_2590, %gather3A_2591, %gather3A_2592, %gather3A_2593] : memref<4x2x64x128xf32, #tpu.memory_space<vmem>> -> memref<1x1x64x128xf32, #tpu.memory_space<vmem>>
      %gather3A_2595 = tpu.memref_squeeze %gather3A_2594 : memref<1x1x64x128xf32, #tpu.memory_space<vmem>> -> memref<64x128xf32, #tpu.memory_space<vmem>>
      %gather3A_2596 = tpu.vector_load_idx %gather3A_2595[%add3A_2589, %broadcast_in_dim3A_2575] : memref<64x128xf32, #tpu.memory_space<vmem>>[vector<16xi32>, vector<16xi32>], vector<16xf32>,
      tpu.vector_store_idx %arg8[%add3A_2589, %broadcast_in_dim3A_2576], %gather3A_2596 {add = true} : memref<64x256xf32, #tpu.memory_space<vmem>>[vector<16xi32>, vector<16xi32>], vector<16xf32>,
      %add3A_2597 = arith.constant 32 : i32
      %add3A_2598 = vector.broadcast %add3A_2597 : i32 to vector<16xi32>
      %add3A_2599 = arith.addi %iota3A, %add3A_2598 : vector<16xi32>
      %gather3A_2600 = arith.constant 2 : i32
      %gather3A_2601 = arith.constant 0 : i32
      %gather3A_2602 = arith.constant 0 : i32
      %gather3A_2603 = arith.constant 0 : i32
      %gather3A_2604 = tpu.memref_slice %arg7[%gather3A_2600, %gather3A_2601, %gather3A_2602, %gather3A_2603] : memref<4x2x64x128xf32, #tpu.memory_space<vmem>> -> memref<1x1x64x128xf32, #tpu.memory_space<vmem>>
      %gather3A_2605 = tpu.memref_squeeze %gather3A_2604 : memref<1x1x64x128xf32, #tpu.memory_space<vmem>> -> memref<64x128xf32, #tpu.memory_space<vmem>>
      %gather3A_2606 = tpu.vector_load_idx %gather3A_2605[%add3A_2599, %broadcast_in_dim3A_2575] : memref<64x128xf32, #tpu.memory_space<vmem>>[vector<16xi32>, vector<16xi32>], vector<16xf32>,
      tpu.vector_store_idx %arg8[%add3A_2599, %broadcast_in_dim3A_2576], %gather3A_2606 {add = true} : memref<64x256xf32, #tpu.memory_space<vmem>>[vector<16xi32>, vector<16xi32>], vector<16xf32>,
      %add3A_2607 = arith.constant 48 : i32
      %add3A_2608 = vector.broadcast %add3A_2607 : i32 to vector<16xi32>
      %add3A_2609 = arith.addi %iota3A, %add3A_2608 : vector<16xi32>
      %gather3A_2610 = arith.constant 2 : i32
      %gather3A_2611 = arith.constant 0 : i32
      %gather3A_2612 = arith.constant 0 : i32
      %gather3A_2613 = arith.constant 0 : i32
      %gather3A_2614 = tpu.memref_slice %arg7[%gather3A_2610, %gather3A_2611, %gather3A_2612, %gather3A_2613] : memref<4x2x64x128xf32, #tpu.memory_space<vmem>> -> memref<1x1x64x128xf32, #tpu.memory_space<vmem>>
      %gather3A_2615 = tpu.memref_squeeze %gather3A_2614 : memref<1x1x64x128xf32, #tpu.memory_space<vmem>> -> memref<64x128xf32, #tpu.memory_space<vmem>>
      %gather3A_2616 = tpu.vector_load_idx %gather3A_2615[%add3A_2609, %broadcast_in_dim3A_2575] : memref<64x128xf32, #tpu.memory_space<vmem>>[vector<16xi32>, vector<16xi32>], vector<16xf32>,
      tpu.vector_store_idx %arg8[%add3A_2609, %broadcast_in_dim3A_2576], %gather3A_2616 {add = true} : memref<64x256xf32, #tpu.memory_space<vmem>>[vector<16xi32>, vector<16xi32>], vector<16xf32>,
      %slice3A_2617 = vector.extract_strided_slice %get3A_24 {offsets = [13], sizes = [1], strides = [1]} : vector<16xi32> to vector<1xi32>
      %squeeze3A_2618 = vector.extract %slice3A_2617[0] : i32 from vector<1xi32>
      %mul3A_2619 = arith.constant 32 : i32
      %mul3A_2620 = arith.muli %scan3A_13, %mul3A_2619 : i32
      %add3A_2621 = arith.constant 28 : i32
      %add3A_2622 = arith.addi %mul3A_2620, %add3A_2621 : i32
      %add3A_2623 = arith.constant 1 : i32
      %add3A_2624 = arith.addi %add3A_2622, %add3A_2623 : i32
      %and3A_2625 = arith.constant 127 : i32
      %and3A_2626 = arith.andi %squeeze3A_2618, %and3A_2625 : i32
      %broadcast_in_dim3A_2627 = vector.broadcast %and3A_2626 : i32 to vector<16xi32>
      %broadcast_in_dim3A_2628 = vector.broadcast %add3A_2624 : i32 to vector<16xi32>
      %add3A_2629 = arith.constant 0 : i32
      %add3A_2630 = vector.broadcast %add3A_2629 : i32 to vector<16xi32>
      %add3A_2631 = arith.addi %iota3A, %add3A_2630 : vector<16xi32>
      %gather3A_2632 = arith.constant 2 : i32
      %gather3A_2633 = arith.constant 1 : i32
      %gather3A_2634 = arith.constant 0 : i32
      %gather3A_2635 = arith.constant 0 : i32
      %gather3A_2636 = tpu.memref_slice %arg7[%gather3A_2632, %gather3A_2633, %gather3A_2634, %gather3A_2635] : memref<4x2x64x128xf32, #tpu.memory_space<vmem>> -> memref<1x1x64x128xf32, #tpu.memory_space<vmem>>
      %gather3A_2637 = tpu.memref_squeeze %gather3A_2636 : memref<1x1x64x128xf32, #tpu.memory_space<vmem>> -> memref<64x128xf32, #tpu.memory_space<vmem>>
      %gather3A_2638 = tpu.vector_load_idx %gather3A_2637[%add3A_2631, %broadcast_in_dim3A_2627] : memref<64x128xf32, #tpu.memory_space<vmem>>[vector<16xi32>, vector<16xi32>], vector<16xf32>,
      tpu.vector_store_idx %arg8[%add3A_2631, %broadcast_in_dim3A_2628], %gather3A_2638 {add = true} : memref<64x256xf32, #tpu.memory_space<vmem>>[vector<16xi32>, vector<16xi32>], vector<16xf32>,
      %add3A_2639 = arith.constant 16 : i32
      %add3A_2640 = vector.broadcast %add3A_2639 : i32 to vector<16xi32>
      %add3A_2641 = arith.addi %iota3A, %add3A_2640 : vector<16xi32>
      %gather3A_2642 = arith.constant 2 : i32
      %gather3A_2643 = arith.constant 1 : i32
      %gather3A_2644 = arith.constant 0 : i32
      %gather3A_2645 = arith.constant 0 : i32
      %gather3A_2646 = tpu.memref_slice %arg7[%gather3A_2642, %gather3A_2643, %gather3A_2644, %gather3A_2645] : memref<4x2x64x128xf32, #tpu.memory_space<vmem>> -> memref<1x1x64x128xf32, #tpu.memory_space<vmem>>
      %gather3A_2647 = tpu.memref_squeeze %gather3A_2646 : memref<1x1x64x128xf32, #tpu.memory_space<vmem>> -> memref<64x128xf32, #tpu.memory_space<vmem>>
      %gather3A_2648 = tpu.vector_load_idx %gather3A_2647[%add3A_2641, %broadcast_in_dim3A_2627] : memref<64x128xf32, #tpu.memory_space<vmem>>[vector<16xi32>, vector<16xi32>], vector<16xf32>,
      tpu.vector_store_idx %arg8[%add3A_2641, %broadcast_in_dim3A_2628], %gather3A_2648 {add = true} : memref<64x256xf32, #tpu.memory_space<vmem>>[vector<16xi32>, vector<16xi32>], vector<16xf32>,
      %add3A_2649 = arith.constant 32 : i32
      %add3A_2650 = vector.broadcast %add3A_2649 : i32 to vector<16xi32>
      %add3A_2651 = arith.addi %iota3A, %add3A_2650 : vector<16xi32>
      %gather3A_2652 = arith.constant 2 : i32
      %gather3A_2653 = arith.constant 1 : i32
      %gather3A_2654 = arith.constant 0 : i32
      %gather3A_2655 = arith.constant 0 : i32
      %gather3A_2656 = tpu.memref_slice %arg7[%gather3A_2652, %gather3A_2653, %gather3A_2654, %gather3A_2655] : memref<4x2x64x128xf32, #tpu.memory_space<vmem>> -> memref<1x1x64x128xf32, #tpu.memory_space<vmem>>
      %gather3A_2657 = tpu.memref_squeeze %gather3A_2656 : memref<1x1x64x128xf32, #tpu.memory_space<vmem>> -> memref<64x128xf32, #tpu.memory_space<vmem>>
      %gather3A_2658 = tpu.vector_load_idx %gather3A_2657[%add3A_2651, %broadcast_in_dim3A_2627] : memref<64x128xf32, #tpu.memory_space<vmem>>[vector<16xi32>, vector<16xi32>], vector<16xf32>,
      tpu.vector_store_idx %arg8[%add3A_2651, %broadcast_in_dim3A_2628], %gather3A_2658 {add = true} : memref<64x256xf32, #tpu.memory_space<vmem>>[vector<16xi32>, vector<16xi32>], vector<16xf32>,
      %add3A_2659 = arith.constant 48 : i32
      %add3A_2660 = vector.broadcast %add3A_2659 : i32 to vector<16xi32>
      %add3A_2661 = arith.addi %iota3A, %add3A_2660 : vector<16xi32>
      %gather3A_2662 = arith.constant 2 : i32
      %gather3A_2663 = arith.constant 1 : i32
      %gather3A_2664 = arith.constant 0 : i32
      %gather3A_2665 = arith.constant 0 : i32
      %gather3A_2666 = tpu.memref_slice %arg7[%gather3A_2662, %gather3A_2663, %gather3A_2664, %gather3A_2665] : memref<4x2x64x128xf32, #tpu.memory_space<vmem>> -> memref<1x1x64x128xf32, #tpu.memory_space<vmem>>
      %gather3A_2667 = tpu.memref_squeeze %gather3A_2666 : memref<1x1x64x128xf32, #tpu.memory_space<vmem>> -> memref<64x128xf32, #tpu.memory_space<vmem>>
      %gather3A_2668 = tpu.vector_load_idx %gather3A_2667[%add3A_2661, %broadcast_in_dim3A_2627] : memref<64x128xf32, #tpu.memory_space<vmem>>[vector<16xi32>, vector<16xi32>], vector<16xf32>,
      tpu.vector_store_idx %arg8[%add3A_2661, %broadcast_in_dim3A_2628], %gather3A_2668 {add = true} : memref<64x256xf32, #tpu.memory_space<vmem>>[vector<16xi32>, vector<16xi32>], vector<16xf32>,
      %dma_wait3A_2669 = arith.constant 3 : i32
      %dma_wait3A_2670 = arith.constant 0 : i32
      %dma_wait3A_2671 = arith.constant 0 : i32
      %dma_wait3A_2672 = arith.constant 0 : i32
      %dma_wait3A_2673 = tpu.memref_slice %arg7[%dma_wait3A_2669, %dma_wait3A_2670, %dma_wait3A_2671, %dma_wait3A_2672] : memref<4x2x64x128xf32, #tpu.memory_space<vmem>> -> memref<1x1x64x128xf32, #tpu.memory_space<vmem>>
      %dma_wait3A_2674 = tpu.memref_squeeze %dma_wait3A_2673 : memref<1x1x64x128xf32, #tpu.memory_space<vmem>> -> memref<64x128xf32, #tpu.memory_space<vmem>>
      %dma_wait3A_2675 = arith.constant 0 : i32
      %dma_wait3A_2676 = tpu.memref_slice %arg3[%dma_wait3A_2675, %multiple_of3A_2237] : memref<64x1000000xf32, #tpu.memory_space<hbm>> -> memref<64x128xf32, #tpu.memory_space<hbm>>
      %dma_wait3A_2677 = arith.constant 0 : i32
      %dma_wait3A_2678 = arith.constant 0 : i32
      %dma_wait3A_2679 = tpu.memref_slice %arg7[%dma_wait3A_2669, %dma_wait3A_2670, %dma_wait3A_2677, %dma_wait3A_2678] : memref<4x2x64x128xf32, #tpu.memory_space<vmem>> -> memref<1x1x64x128xf32, #tpu.memory_space<vmem>>
      %dma_wait3A_2680 = tpu.memref_squeeze %dma_wait3A_2679 : memref<1x1x64x128xf32, #tpu.memory_space<vmem>> -> memref<64x128xf32, #tpu.memory_space<vmem>>
      %dma_wait3A_2681 = arith.constant 0 : i32
      %dma_wait3A_2682 = tpu.memref_slice %arg3[%dma_wait3A_2681, %multiple_of3A_2237] : memref<64x1000000xf32, #tpu.memory_space<hbm>> -> memref<64x128xf32, #tpu.memory_space<hbm>>
      tpu.wait_dma2 semaphore(%arg12 : memref<!tpu.dma_semaphore, #tpu.memory_space<semaphore_mem>>) src(%dma_wait3A_2682 : memref<64x128xf32, #tpu.memory_space<hbm>>) dst(%dma_wait3A_2680 : memref<64x128xf32, #tpu.memory_space<vmem>>)
      %dma_wait3A_2683 = arith.constant 3 : i32
      %dma_wait3A_2684 = arith.constant 1 : i32
      %dma_wait3A_2685 = arith.constant 0 : i32
      %dma_wait3A_2686 = arith.constant 0 : i32
      %dma_wait3A_2687 = tpu.memref_slice %arg7[%dma_wait3A_2683, %dma_wait3A_2684, %dma_wait3A_2685, %dma_wait3A_2686] : memref<4x2x64x128xf32, #tpu.memory_space<vmem>> -> memref<1x1x64x128xf32, #tpu.memory_space<vmem>>
      %dma_wait3A_2688 = tpu.memref_squeeze %dma_wait3A_2687 : memref<1x1x64x128xf32, #tpu.memory_space<vmem>> -> memref<64x128xf32, #tpu.memory_space<vmem>>
      %dma_wait3A_2689 = arith.constant 0 : i32
      %dma_wait3A_2690 = tpu.memref_slice %arg3[%dma_wait3A_2689, %multiple_of3A_2258] : memref<64x1000000xf32, #tpu.memory_space<hbm>> -> memref<64x128xf32, #tpu.memory_space<hbm>>
      %dma_wait3A_2691 = arith.constant 0 : i32
      %dma_wait3A_2692 = arith.constant 0 : i32
      %dma_wait3A_2693 = tpu.memref_slice %arg7[%dma_wait3A_2683, %dma_wait3A_2684, %dma_wait3A_2691, %dma_wait3A_2692] : memref<4x2x64x128xf32, #tpu.memory_space<vmem>> -> memref<1x1x64x128xf32, #tpu.memory_space<vmem>>
      %dma_wait3A_2694 = tpu.memref_squeeze %dma_wait3A_2693 : memref<1x1x64x128xf32, #tpu.memory_space<vmem>> -> memref<64x128xf32, #tpu.memory_space<vmem>>
      %dma_wait3A_2695 = arith.constant 0 : i32
      %dma_wait3A_2696 = tpu.memref_slice %arg3[%dma_wait3A_2695, %multiple_of3A_2258] : memref<64x1000000xf32, #tpu.memory_space<hbm>> -> memref<64x128xf32, #tpu.memory_space<hbm>>
      tpu.wait_dma2 semaphore(%arg12 : memref<!tpu.dma_semaphore, #tpu.memory_space<semaphore_mem>>) src(%dma_wait3A_2696 : memref<64x128xf32, #tpu.memory_space<hbm>>) dst(%dma_wait3A_2694 : memref<64x128xf32, #tpu.memory_space<vmem>>)
      %slice3A_2697 = vector.extract_strided_slice %get3A_24 {offsets = [14], sizes = [1], strides = [1]} : vector<16xi32> to vector<1xi32>
      %squeeze3A_2698 = vector.extract %slice3A_2697[0] : i32 from vector<1xi32>
      %mul3A_2699 = arith.constant 32 : i32
      %mul3A_2700 = arith.muli %scan3A_13, %mul3A_2699 : i32
      %add3A_2701 = arith.constant 30 : i32
      %add3A_2702 = arith.addi %mul3A_2700, %add3A_2701 : i32
      %add3A_2703 = arith.constant 0 : i32
      %add3A_2704 = arith.addi %add3A_2702, %add3A_2703 : i32
      %and3A_2705 = arith.constant 127 : i32
      %and3A_2706 = arith.andi %squeeze3A_2698, %and3A_2705 : i32
      %broadcast_in_dim3A_2707 = vector.broadcast %and3A_2706 : i32 to vector<16xi32>
      %broadcast_in_dim3A_2708 = vector.broadcast %add3A_2704 : i32 to vector<16xi32>
      %add3A_2709 = arith.constant 0 : i32
      %add3A_2710 = vector.broadcast %add3A_2709 : i32 to vector<16xi32>
      %add3A_2711 = arith.addi %iota3A, %add3A_2710 : vector<16xi32>
      %gather3A_2712 = arith.constant 3 : i32
      %gather3A_2713 = arith.constant 0 : i32
      %gather3A_2714 = arith.constant 0 : i32
      %gather3A_2715 = arith.constant 0 : i32
      %gather3A_2716 = tpu.memref_slice %arg7[%gather3A_2712, %gather3A_2713, %gather3A_2714, %gather3A_2715] : memref<4x2x64x128xf32, #tpu.memory_space<vmem>> -> memref<1x1x64x128xf32, #tpu.memory_space<vmem>>
      %gather3A_2717 = tpu.memref_squeeze %gather3A_2716 : memref<1x1x64x128xf32, #tpu.memory_space<vmem>> -> memref<64x128xf32, #tpu.memory_space<vmem>>
      %gather3A_2718 = tpu.vector_load_idx %gather3A_2717[%add3A_2711, %broadcast_in_dim3A_2707] : memref<64x128xf32, #tpu.memory_space<vmem>>[vector<16xi32>, vector<16xi32>], vector<16xf32>,
      tpu.vector_store_idx %arg8[%add3A_2711, %broadcast_in_dim3A_2708], %gather3A_2718 {add = true} : memref<64x256xf32, #tpu.memory_space<vmem>>[vector<16xi32>, vector<16xi32>], vector<16xf32>,
      %add3A_2719 = arith.constant 16 : i32
      %add3A_2720 = vector.broadcast %add3A_2719 : i32 to vector<16xi32>
      %add3A_2721 = arith.addi %iota3A, %add3A_2720 : vector<16xi32>
      %gather3A_2722 = arith.constant 3 : i32
      %gather3A_2723 = arith.constant 0 : i32
      %gather3A_2724 = arith.constant 0 : i32
      %gather3A_2725 = arith.constant 0 : i32
      %gather3A_2726 = tpu.memref_slice %arg7[%gather3A_2722, %gather3A_2723, %gather3A_2724, %gather3A_2725] : memref<4x2x64x128xf32, #tpu.memory_space<vmem>> -> memref<1x1x64x128xf32, #tpu.memory_space<vmem>>
      %gather3A_2727 = tpu.memref_squeeze %gather3A_2726 : memref<1x1x64x128xf32, #tpu.memory_space<vmem>> -> memref<64x128xf32, #tpu.memory_space<vmem>>
      %gather3A_2728 = tpu.vector_load_idx %gather3A_2727[%add3A_2721, %broadcast_in_dim3A_2707] : memref<64x128xf32, #tpu.memory_space<vmem>>[vector<16xi32>, vector<16xi32>], vector<16xf32>,
      tpu.vector_store_idx %arg8[%add3A_2721, %broadcast_in_dim3A_2708], %gather3A_2728 {add = true} : memref<64x256xf32, #tpu.memory_space<vmem>>[vector<16xi32>, vector<16xi32>], vector<16xf32>,
      %add3A_2729 = arith.constant 32 : i32
      %add3A_2730 = vector.broadcast %add3A_2729 : i32 to vector<16xi32>
      %add3A_2731 = arith.addi %iota3A, %add3A_2730 : vector<16xi32>
      %gather3A_2732 = arith.constant 3 : i32
      %gather3A_2733 = arith.constant 0 : i32
      %gather3A_2734 = arith.constant 0 : i32
      %gather3A_2735 = arith.constant 0 : i32
      %gather3A_2736 = tpu.memref_slice %arg7[%gather3A_2732, %gather3A_2733, %gather3A_2734, %gather3A_2735] : memref<4x2x64x128xf32, #tpu.memory_space<vmem>> -> memref<1x1x64x128xf32, #tpu.memory_space<vmem>>
      %gather3A_2737 = tpu.memref_squeeze %gather3A_2736 : memref<1x1x64x128xf32, #tpu.memory_space<vmem>> -> memref<64x128xf32, #tpu.memory_space<vmem>>
      %gather3A_2738 = tpu.vector_load_idx %gather3A_2737[%add3A_2731, %broadcast_in_dim3A_2707] : memref<64x128xf32, #tpu.memory_space<vmem>>[vector<16xi32>, vector<16xi32>], vector<16xf32>,
      tpu.vector_store_idx %arg8[%add3A_2731, %broadcast_in_dim3A_2708], %gather3A_2738 {add = true} : memref<64x256xf32, #tpu.memory_space<vmem>>[vector<16xi32>, vector<16xi32>], vector<16xf32>,
      %add3A_2739 = arith.constant 48 : i32
      %add3A_2740 = vector.broadcast %add3A_2739 : i32 to vector<16xi32>
      %add3A_2741 = arith.addi %iota3A, %add3A_2740 : vector<16xi32>
      %gather3A_2742 = arith.constant 3 : i32
      %gather3A_2743 = arith.constant 0 : i32
      %gather3A_2744 = arith.constant 0 : i32
      %gather3A_2745 = arith.constant 0 : i32
      %gather3A_2746 = tpu.memref_slice %arg7[%gather3A_2742, %gather3A_2743, %gather3A_2744, %gather3A_2745] : memref<4x2x64x128xf32, #tpu.memory_space<vmem>> -> memref<1x1x64x128xf32, #tpu.memory_space<vmem>>
      %gather3A_2747 = tpu.memref_squeeze %gather3A_2746 : memref<1x1x64x128xf32, #tpu.memory_space<vmem>> -> memref<64x128xf32, #tpu.memory_space<vmem>>
      %gather3A_2748 = tpu.vector_load_idx %gather3A_2747[%add3A_2741, %broadcast_in_dim3A_2707] : memref<64x128xf32, #tpu.memory_space<vmem>>[vector<16xi32>, vector<16xi32>], vector<16xf32>,
      tpu.vector_store_idx %arg8[%add3A_2741, %broadcast_in_dim3A_2708], %gather3A_2748 {add = true} : memref<64x256xf32, #tpu.memory_space<vmem>>[vector<16xi32>, vector<16xi32>], vector<16xf32>,
      %slice3A_2749 = vector.extract_strided_slice %get3A_24 {offsets = [15], sizes = [1], strides = [1]} : vector<16xi32> to vector<1xi32>
      %squeeze3A_2750 = vector.extract %slice3A_2749[0] : i32 from vector<1xi32>
      %mul3A_2751 = arith.constant 32 : i32
      %mul3A_2752 = arith.muli %scan3A_13, %mul3A_2751 : i32
      %add3A_2753 = arith.constant 30 : i32
      %add3A_2754 = arith.addi %mul3A_2752, %add3A_2753 : i32
      %add3A_2755 = arith.constant 1 : i32
      %add3A_2756 = arith.addi %add3A_2754, %add3A_2755 : i32
      %and3A_2757 = arith.constant 127 : i32
      %and3A_2758 = arith.andi %squeeze3A_2750, %and3A_2757 : i32
      %broadcast_in_dim3A_2759 = vector.broadcast %and3A_2758 : i32 to vector<16xi32>
      %broadcast_in_dim3A_2760 = vector.broadcast %add3A_2756 : i32 to vector<16xi32>
      %add3A_2761 = arith.constant 0 : i32
      %add3A_2762 = vector.broadcast %add3A_2761 : i32 to vector<16xi32>
      %add3A_2763 = arith.addi %iota3A, %add3A_2762 : vector<16xi32>
      %gather3A_2764 = arith.constant 3 : i32
      %gather3A_2765 = arith.constant 1 : i32
      %gather3A_2766 = arith.constant 0 : i32
      %gather3A_2767 = arith.constant 0 : i32
      %gather3A_2768 = tpu.memref_slice %arg7[%gather3A_2764, %gather3A_2765, %gather3A_2766, %gather3A_2767] : memref<4x2x64x128xf32, #tpu.memory_space<vmem>> -> memref<1x1x64x128xf32, #tpu.memory_space<vmem>>
      %gather3A_2769 = tpu.memref_squeeze %gather3A_2768 : memref<1x1x64x128xf32, #tpu.memory_space<vmem>> -> memref<64x128xf32, #tpu.memory_space<vmem>>
      %gather3A_2770 = tpu.vector_load_idx %gather3A_2769[%add3A_2763, %broadcast_in_dim3A_2759] : memref<64x128xf32, #tpu.memory_space<vmem>>[vector<16xi32>, vector<16xi32>], vector<16xf32>,
      tpu.vector_store_idx %arg8[%add3A_2763, %broadcast_in_dim3A_2760], %gather3A_2770 {add = true} : memref<64x256xf32, #tpu.memory_space<vmem>>[vector<16xi32>, vector<16xi32>], vector<16xf32>,
      %add3A_2771 = arith.constant 16 : i32
      %add3A_2772 = vector.broadcast %add3A_2771 : i32 to vector<16xi32>
      %add3A_2773 = arith.addi %iota3A, %add3A_2772 : vector<16xi32>
      %gather3A_2774 = arith.constant 3 : i32
      %gather3A_2775 = arith.constant 1 : i32
      %gather3A_2776 = arith.constant 0 : i32
      %gather3A_2777 = arith.constant 0 : i32
      %gather3A_2778 = tpu.memref_slice %arg7[%gather3A_2774, %gather3A_2775, %gather3A_2776, %gather3A_2777] : memref<4x2x64x128xf32, #tpu.memory_space<vmem>> -> memref<1x1x64x128xf32, #tpu.memory_space<vmem>>
      %gather3A_2779 = tpu.memref_squeeze %gather3A_2778 : memref<1x1x64x128xf32, #tpu.memory_space<vmem>> -> memref<64x128xf32, #tpu.memory_space<vmem>>
      %gather3A_2780 = tpu.vector_load_idx %gather3A_2779[%add3A_2773, %broadcast_in_dim3A_2759] : memref<64x128xf32, #tpu.memory_space<vmem>>[vector<16xi32>, vector<16xi32>], vector<16xf32>,
      tpu.vector_store_idx %arg8[%add3A_2773, %broadcast_in_dim3A_2760], %gather3A_2780 {add = true} : memref<64x256xf32, #tpu.memory_space<vmem>>[vector<16xi32>, vector<16xi32>], vector<16xf32>,
      %add3A_2781 = arith.constant 32 : i32
      %add3A_2782 = vector.broadcast %add3A_2781 : i32 to vector<16xi32>
      %add3A_2783 = arith.addi %iota3A, %add3A_2782 : vector<16xi32>
      %gather3A_2784 = arith.constant 3 : i32
      %gather3A_2785 = arith.constant 1 : i32
      %gather3A_2786 = arith.constant 0 : i32
      %gather3A_2787 = arith.constant 0 : i32
      %gather3A_2788 = tpu.memref_slice %arg7[%gather3A_2784, %gather3A_2785, %gather3A_2786, %gather3A_2787] : memref<4x2x64x128xf32, #tpu.memory_space<vmem>> -> memref<1x1x64x128xf32, #tpu.memory_space<vmem>>
      %gather3A_2789 = tpu.memref_squeeze %gather3A_2788 : memref<1x1x64x128xf32, #tpu.memory_space<vmem>> -> memref<64x128xf32, #tpu.memory_space<vmem>>
      %gather3A_2790 = tpu.vector_load_idx %gather3A_2789[%add3A_2783, %broadcast_in_dim3A_2759] : memref<64x128xf32, #tpu.memory_space<vmem>>[vector<16xi32>, vector<16xi32>], vector<16xf32>,
      tpu.vector_store_idx %arg8[%add3A_2783, %broadcast_in_dim3A_2760], %gather3A_2790 {add = true} : memref<64x256xf32, #tpu.memory_space<vmem>>[vector<16xi32>, vector<16xi32>], vector<16xf32>,
      %add3A_2791 = arith.constant 48 : i32
      %add3A_2792 = vector.broadcast %add3A_2791 : i32 to vector<16xi32>
      %add3A_2793 = arith.addi %iota3A, %add3A_2792 : vector<16xi32>
      %gather3A_2794 = arith.constant 3 : i32
      %gather3A_2795 = arith.constant 1 : i32
      %gather3A_2796 = arith.constant 0 : i32
      %gather3A_2797 = arith.constant 0 : i32
      %gather3A_2798 = tpu.memref_slice %arg7[%gather3A_2794, %gather3A_2795, %gather3A_2796, %gather3A_2797] : memref<4x2x64x128xf32, #tpu.memory_space<vmem>> -> memref<1x1x64x128xf32, #tpu.memory_space<vmem>>
      %gather3A_2799 = tpu.memref_squeeze %gather3A_2798 : memref<1x1x64x128xf32, #tpu.memory_space<vmem>> -> memref<64x128xf32, #tpu.memory_space<vmem>>
      %gather3A_2800 = tpu.vector_load_idx %gather3A_2799[%add3A_2793, %broadcast_in_dim3A_2759] : memref<64x128xf32, #tpu.memory_space<vmem>>[vector<16xi32>, vector<16xi32>], vector<16xf32>,
      tpu.vector_store_idx %arg8[%add3A_2793, %broadcast_in_dim3A_2760], %gather3A_2800 {add = true} : memref<64x256xf32, #tpu.memory_space<vmem>>[vector<16xi32>, vector<16xi32>], vector<16xf32>,
    }
    %scan3A_12 = arith.constant 8 : i32
    "tpu.region"() ({
      %run_scoped3A = tpu.sem_alloc : memref<!tpu.dma_semaphore, #tpu.memory_space<semaphore_mem>>
      %dma_start3A_13 = arith.constant 0 : i32
      %dma_start3A_14 = tpu.memref_slice %arg5[%dma_start3A_13, %mul3A_2] : memref<64x8192xf32, #tpu.memory_space<hbm>> -> memref<64x256xf32, #tpu.memory_space<hbm>>
      %dma_start3A_15 = arith.constant 0 : i32
      %dma_start3A_16 = tpu.memref_slice %arg5[%dma_start3A_15, %mul3A_2] : memref<64x8192xf32, #tpu.memory_space<hbm>> -> memref<64x256xf32, #tpu.memory_space<hbm>>
      tpu.enqueue_dma source(%arg8 : memref<64x256xf32, #tpu.memory_space<vmem>>) target(%dma_start3A_16 : memref<64x256xf32, #tpu.memory_space<hbm>>) target_semaphore(%run_scoped3A : memref<!tpu.dma_semaphore, #tpu.memory_space<semaphore_mem>>)
      %dma_wait3A_17 = arith.constant 0 : i32
      %dma_wait3A_18 = tpu.memref_slice %arg5[%dma_wait3A_17, %mul3A_2] : memref<64x8192xf32, #tpu.memory_space<hbm>> -> memref<64x256xf32, #tpu.memory_space<hbm>>
      %dma_wait3A_19 = arith.constant 0 : i32
      %dma_wait3A_20 = tpu.memref_slice %arg5[%dma_wait3A_19, %mul3A_2] : memref<64x8192xf32, #tpu.memory_space<hbm>> -> memref<64x256xf32, #tpu.memory_space<hbm>>
      tpu.wait_dma2 semaphore(%run_scoped3A : memref<!tpu.dma_semaphore, #tpu.memory_space<semaphore_mem>>) src(%arg8 : memref<64x256xf32, #tpu.memory_space<vmem>>) dst(%dma_wait3A_20 : memref<64x256xf32, #tpu.memory_space<hbm>>)
      tpu.yield
    }) : () -> ()
    return
  }
}

</mosaic_0001>

<sc_bundles>
// kernel: kernel.3.cloned.1.call-start
scs
__scs_entry_jumppad:
0x0: {  	(pc) =	sbr.rel $0x88, $3  }
0x1: {  	(tag) =	ssettag $0x0;
	lr =	simm.s32 $0x1  }
0x2: {  	[smem:$0x3F9E] =	sst lr;
	_ =	strace $0xD0000000  }
0x3: {  	_ = 	snop  }
0x4: {  	_ = 	snop  }
0x5: {  	_ = 	snop  }
0x6: {  	_ = 	snop  }
0x7: {  	_ = 	snop  }
__scs_overlays_trampoline_lowered:
0x8: {  	[smem:$0x3FAD] =	sst s0  }
0x9: {  	[smem:$0x3FAE] =	sst s1  }
0xa: {  	[smem:$0x3FAF] =	sst s2  }
0xb: {  	[smem:$0x3FB0] =	sst s3  }
0xc: {  	[smem:$0x3FB1] =	sst s4  }
0xd: {  	[smem:$0x3FB2] =	sst s5  }
0xe: {  	[smem:$0x3FB3] =	sst s6  }
0xf: {  	[smem:$0x3FB4] =	sst s7  }
0x10: {  	[smem:$0x3FB5] =	sst s8  }
0x11: {  	[smem:$0x3FB6] =	sst s9;
	s0 =	simm.s32 @!p0 $0x0  }
0x12: {  	s1 =	sld [smem:$0x3F9C];
	s0 =	simm.s32 @p0 $0x1  }
0x13: {  	[smem:$0x3FB7] =	sst s0;
	s0 =	simm.s32 @!p1 $0x0  }
0x14: {  	s2 =	sld [smem:$0x3F9B];
	s0 =	simm.s32 @p1 $0x1  }
0x15: {  	[smem:$0x3FB8] =	sst s0;
	s0 =	simm.s32 @!p2 $0x0  }
0x16: {  	s3 =	sld [smem:$0x3FDB];
	s0 =	simm.s32 @p2 $0x1  }
0x17: {  	s4 =	simm.s32 $0x1BF5;
	[smem:$0x3FBA] =	sst s0  }
0x18: {  	s0 =	sld [smem:$0x3F9D];
	_ =	swait.ge [sflag:s4], $0x0  }
0x19: {  	s7 =	sld [smem:$0x3F9E]  }
0x1a: {  	s8 =	sadd.s32 $0xFFFFE003, lr  }
0x1b: {  	s9 =	sadd.s32 $0xFFFFFEF7, lr;
	s5 =	simm.s32 $0xFFFFFFFF;
	p2 =	slt.u32 s8, $0xFFFFF086  }
0x1c: {  	p1 =	slt.u32 s9, $0xF7A;
	s5 =	simm.s32 @!p2 $0x0  }
0x1d: {  	s5 =	simm.s32 @p1 $0x1;
	p0 =	seq.s32 s7, s2  }
0x1e: {  	s7 =	smul.u32 @!p0 $0xF7A, s2;
	p2 =	seq.s32 @!p0 s5, $0x0  }
0x1f: {  	s9 =	smul.u32 $0xF7A, s1;
	s8 =	simm.s32 @!p0 $0x1BF5;
	p2 =	por !p2, p0  }
0x20: {  	[sflag:s8] =	ssyncset.s32 @!p0 $0xFFFFF086;
	s6 =	sadd.s32 @!p0 s3, s7;
	s7 =	simm.s32 @!p0 $0x108  }
0x21: {  	s3 =	sadd.s32 s3, s9;
	s6 =	sadd.s32 @!p0 $0x88, s6;
	s7 =	simm.s32 @p2 $0x1082  }
0x22: {  	[simem:s7], [sflag:s8] =	dma.local @!p0 [hbm:s6], $0xF7A  }
0x23: {  	s9 =	sor.u32 $0xD0000000, s2;
	s6 =	simm.s32 $0x108;
	_ =	swait.ge @!p0 [sflag:s8], $0x0  }
0x24: {  	s3 =	sadd.s32 $0x88, s3;
	s6 =	simm.s32 @!p1 $0x1082;
	[sflag:s4] =	ssyncset.s32 $0xFFFFF086  }
0x25: {  	[simem:s6], [sflag:s4] =	dma.local [hbm:s3], $0xF7A  }
0x26: {  	[smem:$0x3F9E] =	sst s1;
	(tag) =	ssettag s2;
	_ =	strace s9  }
0x27: {  	s1 =	sld [smem:$0x3FAE]  }
0x28: {  	s2 =	sld [smem:$0x3FAF]  }
0x29: {  	s4 =	sld [smem:$0x3FB1]  }
0x2a: {  	p0 =	seq.s32 s5, $0x0;
	s5 =	sld [smem:$0x3FB2]  }
0x2b: {  	s6 =	sld [smem:$0x3FB3]  }
0x2c: {  	s7 =	sld [smem:$0x3FB4]  }
0x2d: {  	s3 =	simm.s32 $0x108;
	s8 =	sld [smem:$0x3FB5]  }
0x2e: {  	s3 =	simm.s32 @!p0 $0x1082;
	s9 =	sld [smem:$0x3FB6]  }
0x2f: {  	lr =	sadd.s32 s0, s3;
	s0 =	sld [smem:$0x3FAD]  }
0x30: {  	s3 =	sld [smem:$0x3FB0]  }
0x31: {  	[smem:$0x3FB9] =	sst s10  }
0x32: {  	s10 =	sld [smem:$0x3FB7];
	_ =	sdelay $0x3  }
0x33: {  	p0 =	seq.s32 s10, $0x1;
	s10 =	sld [smem:$0x3FB9];
	_ =	sdelay $0x3  }
0x34: {  	[smem:$0x3FB9] =	sst s10  }
0x35: {  	s10 =	sld [smem:$0x3FB8];
	_ =	sdelay $0x3  }
0x36: {  	p1 =	seq.s32 s10, $0x1;
	s10 =	sld [smem:$0x3FB9];
	_ =	sdelay $0x3  }
0x37: {  	[smem:$0x3FB9] =	sst s10  }
0x38: {  	s10 =	sld [smem:$0x3FBA]  }
0x39: {  	_ = 	snop;
	(pc) =	sbr.ind lr, $3  }
0x3a: {  	_ = 	snop  }
0x3b: {  	_ = 	snop  }
0x3c: {  	p2 =	seq.s32 s10, $0x1;
	s10 =	sld [smem:$0x3FB9]  }
0x3d: {  	_ =	shalt  }
0x3e: {  	_ =	shalt  }
0x3f: {  	_ =	shalt  }
0x40: {  	_ =	shalt  }
0x41: {  	_ =	shalt  }
0x42: {  	_ =	shalt  }
0x43: {  	_ =	shalt  }
0x44: {  	_ =	shalt  }
0x45: {  	_ =	shalt  }
0x46: {  	_ =	shalt  }
0x47: {  	_ =	shalt  }
0x48: {  	_ =	shalt  }
0x49: {  	_ =	shalt  }
0x4a: {  	_ =	shalt  }
0x4b: {  	_ =	shalt  }
0x4c: {  	_ =	shalt  }
0x4d: {  	_ =	shalt  }
0x4e: {  	_ =	shalt  }
0x4f: {  	_ =	shalt  }
0x50: {  	_ =	shalt  }
0x51: {  	_ =	shalt  }
0x52: {  	_ =	shalt  }
0x53: {  	_ =	shalt  }
0x54: {  	_ =	shalt  }
0x55: {  	_ =	shalt  }
0x56: {  	_ =	shalt  }
0x57: {  	_ =	shalt  }
0x58: {  	_ =	shalt  }
0x59: {  	_ =	shalt  }
0x5a: {  	_ =	shalt  }
0x5b: {  	_ =	shalt  }
0x5c: {  	_ =	shalt  }
0x5d: {  	_ =	shalt  }
0x5e: {  	_ =	shalt  }
0x5f: {  	_ =	shalt  }
0x60: {  	_ =	shalt  }
0x61: {  	_ =	shalt  }
0x62: {  	_ =	shalt  }
0x63: {  	_ =	shalt  }
0x64: {  	_ =	shalt  }
0x65: {  	_ =	shalt  }
0x66: {  	_ =	shalt  }
0x67: {  	_ =	shalt  }
0x68: {  	_ =	shalt  }
0x69: {  	_ =	shalt  }
0x6a: {  	_ =	shalt  }
0x6b: {  	_ =	shalt  }
0x6c: {  	_ =	shalt  }
0x6d: {  	_ =	shalt  }
0x6e: {  	_ =	shalt  }
0x6f: {  	_ =	shalt  }
0x70: {  	_ =	shalt  }
0x71: {  	_ =	shalt  }
0x72: {  	_ =	shalt  }
0x73: {  	_ =	shalt  }
0x74: {  	_ =	shalt  }
0x75: {  	_ =	shalt  }
0x76: {  	_ =	shalt  }
0x77: {  	_ =	shalt  }
0x78: {  	_ =	shalt  }
0x79: {  	_ =	shalt  }
0x7a: {  	_ =	shalt  }
0x7b: {  	_ =	shalt  }
0x7c: {  	_ =	shalt  }
0x7d: {  	_ =	shalt  }
0x7e: {  	_ =	shalt  }
0x7f: {  	_ =	shalt  }
0x80: {  	_ =	shalt  }
0x81: {  	_ =	shalt  }
0x82: {  	_ =	shalt  }
0x83: {  	_ =	shalt  }
0x84: {  	_ =	shalt  }
0x85: {  	_ =	shalt  }
0x86: {  	_ =	shalt  }
0x87: {  	_ =	shalt  }
.Lfunc_end0:
.L_simem_size_0:
called_computation_lowered:
.L_overlay_start_0:
0x88: {  	s2 =	sld [smem:$0x3FD9]  }
0x89: {  	s3 =	sld [smem:$0x3FFE];
	_ =	sdelay $0x1  }
0x8a: {  	s1 =	srdreg.scid  }
0x8b: {  	s0 =	sand.u32 $0x1, s1  }
0x8c: {  	s18 =	sshll.u32 s0, $0xA;
	s2 =	sadd.s32 s3, s2  }
0x8d: {  	s2 =	sadd.s32 s2, s18  }
0x8e: {  	[smem:$0x3FC5] =	sst s2  }
0x8f: {  	_ = 	snop  }
0x90: {  	s2 =	sld [smem:$0x3FC9]  }
0x91: {  	s19 =	sld [smem:$0x3FC8]  }
0x92: {  	s4 =	sld [smem:$0x3FC7]  }
0x93: {  	s5 =	sld [smem:$0x3FD0];
	(tm) =	ssettm $0x1  }
0x94: {  	s6 =	sld [smem:$0x3FFB];
	_ =	sdelay $0x3  }
0x95: {  	_ =	strace s6  }
0x96: {  	s6 =	sld [smem:$0x3FFC];
	_ =	sdelay $0x3  }
0x97: {  	_ =	strace s6  }
0x98: {  	s6 =	sld [smem:$0x3FFD];
	_ =	sdelay $0x3  }
0x99: {  	_ =	strace s6  }
0x9a: {  	_ =	strace $0x8FFFFFFF  }
0x9b: {  	s20 =	sld [smem:$0x3FDB];
	_ =	sdelay $0x1  }
0x9c: {  	s7 =	simm.s32 $_scs_section_size  }
0x9d: {  	s8 =	simm.s32 $_size__tile_overlayer_lowered;
	s9 =	simm.s32 $_tile_overlayer_lowered  }
0x9e: {  	s23 =	simm.s32 $0x1BFF;
	s22 =	sshll.u32 s9, $0x1;
	s6 =	sadd.s32 s7, s20  }
0x9f: {  	s10 =	simm.s32 $0x0;
	s21 =	sshll.u32 s8, $0x1;
	s8 =	sadd.s32 s22, s6  }
0xa0: {  	[timem:s10], [sflag:s23] =	dma.local [hbm:s8], s21  }
0xa1: {  	_ =	swait.ge [sflag:s23], s21  }
0xa2: {  	s7 =	ssub.s32 $0x0, s21;
	[sflag:s23] =	ssyncset.done $0x0  }
0xa3: {  	[sflag:s23] =	ssyncadd.s32 s7;
	_ =	sdelay $0x1  }
0xa4: {  	s24 =	simm.s32 $0x1B8B  }
0xa5: {  	_ =	swait.ge [sflag:s24], $0x1  }
0xa6: {  	[sflag:s24] =	ssyncset.done $0x0  }
0xa7: {  	s25 =	simm.s32 $0x1B8E;
	[sflag:s24] =	ssyncadd.s32 $0xFFFFFFFF  }
0xa8: {  	s26 =	simm.s32 $execute0_lowered;
	[smem:$0x3FD2] =	sst s25  }
0xa9: {  	s7 =	sshll.u32 s26, $0x1;
	_ =	strace $0x80000046;
	[dreg:$0x1] =	wrdreg $0xFFFFFFFF  }
0xaa: {  	s28 =	simm.s32 $_size_execute0_lowered;
	s6 =	sadd.s32 s6, s7;
	[dreg:$0x0] =	wrdreg $0x0  }
0xab: {  	s7 =	sshll.u32 s28, $0x1;
	[dreg:$0x2] =	wrdreg s6  }
0xac: {  	[dreg:$0x3] =	wrdreg s7  }
0xad: {  	[dreg:$0x4] =	wrdreg $0xC0  }
0xae: {  	_ =	task [dreg:s10], $0x5FFFF  }
0xaf: {  	[dreg:$0x1] =	wrdreg $0xFFFFFFFF  }
0xb0: {  	[dreg:$0x0] =	wrdreg $0x60  }
0xb1: {  	[dreg:$0x2] =	wrdreg s2  }
0xb2: {  	[dreg:$0x3] =	wrdreg s19  }
0xb3: {  	[dreg:$0x4] =	wrdreg s4  }
0xb4: {  	[dreg:$0x5] =	wrdreg s5  }
0xb5: {  	[dreg:$0x6] =	wrdreg $0x9  }
0xb6: {  	_ =	task.clear_ibuf [dreg:s10], $0x7FFFF;
	_ =	strace $0x90000046  }
0xb7: {  	s29 =	simm.s32 $0x9;
	_ =	strace $0x80000048  }
0xb8: {  	_ =	swait.ge [sflag:s29], $0x1  }
0xb9: {  	[sflag:s29] =	ssyncadd.s32 $0xFFFFFFFF  }
0xba: {  	_ =	strace $0x90000048  }
0xbb: {  	_ =	sfence  }
0xbc: {  	s30 =	sld [smem:$0x0];
	_ =	sdelay $0x2  }
0xbd: {  	s31 =	sshll.u32 s1, $0xD;
	s1 =	sshrl.u32 s1, $0x2  }
0xbe: {  	s3 =	sand.u32 $0x4000, s31;
	s1 =	sadd.s32 s1, s30  }
0xbf: {  	s0 =	sor.u32 s3, s0;
	s1 =	sshll.u32 s1, $0x11  }
0xc0: {  	s0 =	sor.u32 s1, s0  }
0xc1: {  	s0 =	sadd.s32 $0x8F2B, s0  }
0xc2: {  	[sflag:s0] =	ssyncadd.remote.s32 $0x1  }
0xc3: {  	_ =	sfence.sel $0xFFFF  }
0xc4: {  	[dreg:$0x0] =	wrdreg $0xFFFFFFFF;
	(pc) =	sbr.abs _section_cstart, $3  }
0xc5: {  	[dreg:$0x1] =	wrdreg $0xFFFFFFFF  }
0xc6: {  	_ =	task.clear_ibuf [dreg:s10], $0x2FFFF;
	_ =	strace $0x9FFFFFFF  }
0xc7: {  	(tm) =	ssettm $0x7FFFFFFF  }
tec
execute0_lowered:
.L_overlay_start_1:
0x0: {  	(tag) =	ssettag $0x1  }
0x1: {  	v0 =	vimm.s32 $0xB80;
	vm14 =	vcmask $0x300;
	vm13 =	vcmask $0x704  }
0x2: {  	vm12 =	vcmask $0xB08;
	vm11 =	vcmask $0xF0C;
	vm10 =	vcmask $0x1310  }
0x3: {  	vm9 =	vcmask $0x1714;
	vm8 =	vcmask $0x1B18;
	vm7 =	vcmask $0x1F1C  }
0x4: {  	vm6 =	vcmask $0x2320;
	vm5 =	vcmask $0x2724;
	vm4 =	vcmask $0x2B28  }
0x5: {  	vm3 =	vcmask $0x2F2C;
	v1 =	vlaneseq.u32;
	vm2 =	vcmask $0x3330  }
0x6: {  	vm1 =	vcmask $0x3734;
	vm0 =	vcmask $0x3B38;
	v3 =	vimm.s32 $0x1B80  }
0x7: {  	v4 =	vimm.s32 $0x2B80;
	v5 =	vimm.s32 $0x3B80;
	v0 =	vsel vm14, $0x0, v0  }
0x8: {  	v3 =	vsel vm14, $0x1000, v3;
	v4 =	vsel vm14, $0x2000, v4;
	v5 =	vsel vm14, $0x3000, v5  }
0x9: {  	v0 =	vsel vm13, $0x80, v0;
	v3 =	vsel vm13, $0x1080, v3;
	v4 =	vsel vm13, $0x2080, v4  }
0xa: {  	v5 =	vsel vm13, $0x3080, v5;
	v0 =	vsel vm12, $0x100, v0;
	v3 =	vsel vm12, $0x1100, v3  }
0xb: {  	v4 =	vsel vm12, $0x2100, v4;
	v5 =	vsel vm12, $0x3100, v5;
	v0 =	vsel vm11, $0x180, v0  }
0xc: {  	s1 =	rddreg [dreg:$0x0];
	v3 =	vsel vm11, $0x1180, v3;
	v4 =	vsel vm11, $0x2180, v4;
	v5 =	vsel vm11, $0x3180, v5  }
0xd: {  	s0 =	rddreg [dreg:$0x1];
	v0 =	vsel vm10, $0x200, v0;
	v3 =	vsel vm10, $0x1200, v3;
	v4 =	vsel vm10, $0x2200, v4  }
0xe: {  	s2 =	rddreg [dreg:$0x2];
	v5 =	vsel vm10, $0x3200, v5;
	v0 =	vsel vm9, $0x280, v0;
	v3 =	vsel vm9, $0x1280, v3  }
0xf: {  	s3 =	rddreg [dreg:$0x3];
	s4 =	srdreg.scid;
	v4 =	vsel vm9, $0x2280, v4;
	v5 =	vsel vm9, $0x3280, v5;
	v0 =	vsel vm8, $0x300, v0  }
0x10: {  	s7 =	simm.s32 $0x0;
	s6 =	stileid.u32;
	s8 =	simm.s32 $0x6;
	v3 =	vsel vm8, $0x1300, v3;
	v4 =	vsel vm8, $0x2300, v4;
	v5 =	vsel vm8, $0x3300, v5  }
0x11: {  	s11 =	simm.s32 $0x10100;
	s12 =	simm.s32 $0x5;
	s13 =	simm.s32 $0x400;
	v0 =	vsel vm7, $0x380, v0;
	v3 =	vsel vm7, $0x1380, v3;
	v4 =	vsel vm7, $0x2380, v4  }
0x12: {  	s14 =	simm.s32 $0x7A1400;
	s15 =	simm.s32 $0x100;
	s16 =	simm.s32 $0x2100;
	v5 =	vsel vm7, $0x3380, v5;
	v0 =	vsel vm6, $0x800, v0;
	v3 =	vsel vm6, $0x1800, v3  }
0x13: {  	s17 =	simm.s32 $0x4100;
	s18 =	simm.s32 $0x6100;
	s19 =	simm.s32 $0x8100;
	v4 =	vsel vm6, $0x2800, v4;
	v5 =	vsel vm6, $0x3800, v5;
	v0 =	vsel vm5, $0x880, v0  }
0x14: {  	s20 =	simm.s32 $0xA100;
	s21 =	simm.s32 $0xC100;
	s22 =	simm.s32 $0xE100;
	v3 =	vsel vm5, $0x1880, v3;
	v4 =	vsel vm5, $0x2880, v4;
	v5 =	vsel vm5, $0x3880, v5  }
0x15: {  	s23 =	simm.s32 $0x1;
	s24 =	simm.s32 $0x2;
	s25 =	simm.s32 $0x3;
	v0 =	vsel vm4, $0x900, v0;
	v3 =	vsel vm4, $0x1900, v3;
	v4 =	vsel vm4, $0x2900, v4  }
0x16: {  	s26 =	simm.s32 $0x4;
	s28 =	simm.s32 $0x0;
	s4 =	sand.u32 $0x1, s4;
	v5 =	vsel vm4, $0x3900, v5;
	v2 =	vsel vm3, $0x980, v0;
	v0 =	vmul.u32 $0x80, v1  }
0x17: {  	s6 =	sshll.u32 s6, $0x9;
	s5 =	ssub.s32 $0x2, s4;
	s4 =	sshll.u32 s4, $0x8;
	v3 =	vsel vm3, $0x1980, v3;
	v4 =	vsel vm3, $0x2980, v4;
	v5 =	vsel vm3, $0x3980, v5  }
0x18: {  	[smem:$0x7FF] =	sst s7;
	s29 =	sshrl.u32 s5, $0x1;
	s4 =	sor.u32 s4, s6;
	v1 =	vsel vm2, $0xA00, v2;
	v3 =	vsel vm2, $0x1A00, v3;
	v6 =	vsel vm2, $0x2A00, v4  }
0x19: {  	_ =	strace $0x80000047;
	s5 =	ssub.s32 s5, s29;
	s30 =	sadd.s32 s2, s4;
	v5 =	vsel vm2, $0x3A00, v5;
	v1 =	vsel vm1, $0xA80, v1;
	v2 =	vor.u32 $0x800, v0  }
0x1a: {  	s6 =	sshrl.u32 s4, $0x3;
	s31 =	sadd.s32 s3, s4;
	[dreg:$0x6] =	wrdreg s30;
	v3 =	vsel vm1, $0x1A80, v3;
	v4 =	vor.u32 $0x1000, v0;
	v6 =	vsel vm1, $0x2A80, v6  }
0x1b: {  	s3 =	simm.s32 $0x800;
	s1 =	sadd.s32 s1, s6;
	[dreg:$0x7] =	wrdreg s31;
	v7 =	vsel vm1, $0x3A80, v5;
	v1 =	vsel vm0, $0xB00, v1;
	v3 =	vsel vm0, $0x1B00, v3  }
0x1c: {  	s4 =	simm.s32 $0x10000;
	s7 =	smax.u32 s5, $0x1;
	[dreg:$0x5] =	wrdreg s1;
	v5 =	vsel vm0, $0x2B00, v6;
	v6 =	vor.u32 $0x1800, v0;
	v7 =	vsel vm0, $0x3B00, v7  }
.LBB2_1:
0x1d: {  	s1 =	simm.s32 $0x0;
	s2 =	rddreg [dreg:$0x5]  }
0x1e: {  	[tilespmem:s1], [sflag:$0x6] =	stream.linear.gather [hbm4b:s2+s1], $0x100, $0x38;
	[tilespmem:$0x14100] =	vst v63  }
0x1f: {  	_ =	swait.ge [sflag:s8], $0x100  }
0x20: {  	[sflag:s8] =	ssyncset.done $0x0  }
0x21: {  	s31 =	rddreg [dreg:$0x6];
	[sflag:s8] =	ssyncadd.s32 $0xFFFFFF00  }
0x22: {  	[tilespmem:s11], [sflag:$0x5] =	stream.strided.gather [hbm4b:s31+s3], $0x4000, s4, s3, $0x38;
	[tilespmem:$0x14100] =	vst v63  }
0x23: {  	_ =	swait.ge [sflag:s12], $0x4000  }
0x24: {  	[sflag:s12] =	ssyncset.done $0x0  }
0x25: {  	s29 =	simm.s32 $0x1F;
	s30 =	simm.s32 $0x10;
	[sflag:s12] =	ssyncadd.s32 $0xFFFFC000  }
.LBB2_2:
0x26: {  	v9 =	vld [tilespmem:s30+$0xFFFFFFF0];
	_ =	sdelay $0x4  }
0x27: {  	(v2sf) =	vpush v9, $0x0;
	_ =	sdelay $0x2  }
0x28: {  	(v2sf) =	vpush v9, $0x1;
	_ =	sdelay $0x2  }
0x29: {  	(v2sf) =	vpush v9, $0x2;
	_ =	sdelay $0x1  }
0x2a: {  	(v2sf) =	vpush v9, $0x3  }
0x2b: {  	(v2sf) =	vpush v9, $0x4;
	_ =	sdelay $0x5  }
0x2c: {  	s1 =	spop (v2sf);
	(v2sf) =	vpush v9, $0x5;
	_ =	sdelay $0x2  }
0x2d: {  	s2 =	sand.u32 $0xFFFFF80, s1;
	s9 =	spop (v2sf)  }
0x2e: {  	(v2sf) =	vpush v9, $0x6;
	s2 =	sadd.s32 s0, s2;
	s4 =	sand.u32 $0xFFFFF80, s9  }
0x2f: {  	v8 =	vld [tilespmem:s30+$0x0];
	[tilespmem:s15], [sflag:$0x1] =	stream.strided.gather [hbm4b:s2+s13], $0x2000, s14, s13, $0x38  }
0x30: {  	s6 =	spop (v2sf);
	(v2sf) =	vpush v9, $0x7;
	s2 =	sadd.s32 s0, s4  }
0x31: {  	[tilespmem:s16], [sflag:$0x1] =	stream.strided.gather [hbm4b:s2+s13], $0x2000, s14, s13, $0x38;
	[tilespmem:$0x14100] =	vst v63  }
0x32: {  	s5 =	sand.u32 $0xFFFFF80, s6;
	s2 =	spop (v2sf)  }
0x33: {  	s3 =	sadd.s32 s0, s5;
	s10 =	sand.u32 $0xFFFFF80, s2;
	s4 =	spop (v2sf)  }
0x34: {  	[tilespmem:s17], [sflag:$0x2] =	stream.strided.gather [hbm4b:s3+s13], $0x2000, s14, s13, $0x38;
	[tilespmem:$0x14100] =	vst v63  }
0x35: {  	s3 =	sadd.s32 s0, s10;
	s5 =	sand.u32 $0xFFFFF80, s4  }
0x36: {  	[tilespmem:s18], [sflag:$0x2] =	stream.strided.gather [hbm4b:s3+s13], $0x2000, s14, s13, $0x38;
	[tilespmem:$0x14100] =	vst v63  }
0x37: {  	s5 =	sadd.s32 s0, s5  }
0x38: {  	[tilespmem:s19], [sflag:$0x3] =	stream.strided.gather [hbm4b:s5+s13], $0x2000, s14, s13, $0x38;
	[tilespmem:$0x14100] =	vst v63  }
0x39: {  	s3 =	spop (v2sf)  }
0x3a: {  	s31 =	sand.u32 $0xFFFFF80, s3  }
0x3b: {  	s5 =	sadd.s32 s0, s31  }
0x3c: {  	[tilespmem:s20], [sflag:$0x3] =	stream.strided.gather [hbm4b:s5+s13], $0x2000, s14, s13, $0x38;
	[tilespmem:$0x14100] =	vst v63  }
0x3d: {  	s5 =	spop (v2sf)  }
0x3e: {  	s10 =	sand.u32 $0xFFFFF80, s5  }
0x3f: {  	s31 =	spop (v2sf);
	s10 =	sadd.s32 s0, s10  }
0x40: {  	[tilespmem:s21], [sflag:$0x4] =	stream.strided.gather [hbm4b:s10+s13], $0x2000, s14, s13, $0x38;
	[tilespmem:$0x14100] =	vst v63  }
0x41: {  	s10 =	sand.u32 $0xFFFFF80, s31  }
0x42: {  	s10 =	sadd.s32 s0, s10  }
0x43: {  	[tilespmem:s22], [sflag:$0x4] =	stream.strided.gather [hbm4b:s10+s13], $0x2000, s14, s13, $0x38;
	[tilespmem:$0x14100] =	vst v63  }
0x44: {  	s1 =	sand.u32 $0x7F, s1;
	_ =	swait.ge [sflag:s23], $0x2000  }
0x45: {  	v10 =	vor.u32 s1, v0;
	s10 =	sadd.s32 $0xFFFFFFE1, s29;
	[sflag:s23] =	ssyncset.done $0x0  }
0x46: {  	v11 =	vmov s10;
	[sflag:s23] =	ssyncadd.s32 $0xFFFFE000  }
0x47: {  	v12 =	vshll.u32 v11, $0x3;
	_ =	swait.ge [sflag:s23], $0x2000  }
0x48: {  	v11 =	vand.u32 $0x60, v11;
	v12 =	vand.u32 $0x400, v12;
	[sflag:s23] =	ssyncset.done $0x0  }
0x49: {  	v11 =	vor.u32 v11, v12;
	[sflag:s23] =	ssyncadd.s32 $0xFFFFE000  }
0x4a: {  	v12 =	vor.u32 v1, v11;
	v10 =	vld.idx.msk [tilespmem:v10+s15+$0x0], $0xffff  }
0x4b: {  	v13 =	vor.u32 s1, v2;
	_ =	sdelay $0x3  }
0x4c: {  	[tilespmem:v12+s11+$0x0] =	vst.idx.add.f32.msk $0xffff, v10  }
0x4d: {  	v32 =	vor.u32 v3, v11;
	v10 =	vld.idx.msk [tilespmem:v13+s15+$0x0], $0xffff  }
0x4e: {  	v33 =	vor.u32 s1, v4;
	_ =	sdelay $0x3  }
0x4f: {  	[tilespmem:v32+s11+$0x0] =	vst.idx.add.f32.msk $0xffff, v10  }
0x50: {  	v34 =	vor.u32 v5, v11;
	v10 =	vld.idx.msk [tilespmem:v33+s15+$0x0], $0xffff  }
0x51: {  	v35 =	vor.u32 s1, v6;
	_ =	sdelay $0x3  }
0x52: {  	[tilespmem:v34+s11+$0x0] =	vst.idx.add.f32.msk $0xffff, v10  }
0x53: {  	s1 =	sand.u32 $0x7F, s9;
	v11 =	vor.u32 v7, v11;
	v10 =	vld.idx.msk [tilespmem:v35+s15+$0x0], $0xffff  }
0x54: {  	v36 =	vor.u32 s1, v0;
	s10 =	sadd.s32 $0xFFFFFFE2, s29  }
0x55: {  	v37 =	vmov s10  }
0x56: {  	v14 =	vshll.u32 v37, $0x3  }
0x57: {  	v14 =	vand.u32 $0x400, v14;
	v13 =	vand.u32 $0x61, v37  }
0x58: {  	v38 =	vor.u32 v13, v14;
	[tilespmem:v11+s11+$0x0] =	vst.idx.add.f32.msk $0xffff, v10  }
0x59: {  	v39 =	vor.u32 v1, v38;
	v11 =	vld.idx.msk [tilespmem:v36+s16+$0x0], $0xffff  }
0x5a: {  	v40 =	vor.u32 s1, v2;
	_ =	sdelay $0x3  }
0x5b: {  	[tilespmem:v39+s11+$0x0] =	vst.idx.add.f32.msk $0xffff, v11  }
0x5c: {  	(v2sf) =	vpush v9, $0x8;
	v41 =	vor.u32 v3, v38;
	v11 =	vld.idx.msk [tilespmem:v40+s16+$0x0], $0xffff  }
0x5d: {  	v42 =	vor.u32 s1, v4;
	_ =	sdelay $0x2  }
0x5e: {  	(v2sf) =	vpush v9, $0x9  }
0x5f: {  	[tilespmem:v41+s11+$0x0] =	vst.idx.add.f32.msk $0xffff, v11  }
0x60: {  	v43 =	vor.u32 v5, v38;
	v11 =	vld.idx.msk [tilespmem:v42+s16+$0x0], $0xffff  }
0x61: {  	v44 =	vor.u32 s1, v6;
	_ =	sdelay $0x3  }
0x62: {  	[tilespmem:v43+s11+$0x0] =	vst.idx.add.f32.msk $0xffff, v11  }
0x63: {  	v10 =	vor.u32 v7, v38;
	v11 =	vld.idx.msk [tilespmem:v44+s16+$0x0], $0xffff;
	_ =	sdelay $0x2  }
0x64: {  	s9 =	spop (v2sf)  }
0x65: {  	s10 =	sand.u32 $0xFFFFF80, s9  }
0x66: {  	s1 =	sadd.s32 s0, s10;
	[tilespmem:v10+s11+$0x0] =	vst.idx.add.f32.msk $0xffff, v11  }
0x67: {  	[tilespmem:s15], [sflag:$0x1] =	stream.strided.gather [hbm4b:s1+s13], $0x2000, s14, s13, $0x38;
	[tilespmem:$0x14100] =	vst v63  }
0x68: {  	s1 =	spop (v2sf)  }
0x69: {  	s10 =	sand.u32 $0xFFFFF80, s1  }
0x6a: {  	s10 =	sadd.s32 s0, s10  }
0x6b: {  	[tilespmem:s16], [sflag:$0x1] =	stream.strided.gather [hbm4b:s10+s13], $0x2000, s14, s13, $0x38;
	[tilespmem:$0x14100] =	vst v63  }
0x6c: {  	s6 =	sand.u32 $0x7F, s6;
	_ =	swait.ge [sflag:s24], $0x2000  }
0x6d: {  	v45 =	vor.u32 s6, v0;
	s10 =	sadd.s32 $0xFFFFFFE3, s29;
	[sflag:s24] =	ssyncset.done $0x0  }
0x6e: {  	v46 =	vmov s10;
	[sflag:s24] =	ssyncadd.s32 $0xFFFFE000  }
0x6f: {  	v47 =	vshll.u32 v46, $0x3;
	_ =	swait.ge [sflag:s24], $0x2000  }
0x70: {  	v11 =	vand.u32 $0x62, v46;
	v12 =	vand.u32 $0x400, v47;
	[sflag:s24] =	ssyncset.done $0x0  }
0x71: {  	v11 =	vor.u32 v11, v12;
	[sflag:s24] =	ssyncadd.s32 $0xFFFFE000  }
0x72: {  	v12 =	vor.u32 v1, v11;
	v10 =	vld.idx.msk [tilespmem:v45+s17+$0x0], $0xffff  }
0x73: {  	v48 =	vor.u32 s6, v2;
	_ =	sdelay $0x3  }
0x74: {  	[tilespmem:v12+s11+$0x0] =	vst.idx.add.f32.msk $0xffff, v10  }
0x75: {  	v49 =	vor.u32 v3, v11;
	v10 =	vld.idx.msk [tilespmem:v48+s17+$0x0], $0xffff  }
0x76: {  	v50 =	vor.u32 s6, v4;
	_ =	sdelay $0x3  }
0x77: {  	[tilespmem:v49+s11+$0x0] =	vst.idx.add.f32.msk $0xffff, v10  }
0x78: {  	v51 =	vor.u32 v5, v11;
	v10 =	vld.idx.msk [tilespmem:v50+s17+$0x0], $0xffff  }
0x79: {  	v52 =	vor.u32 s6, v6;
	_ =	sdelay $0x3  }
0x7a: {  	[tilespmem:v51+s11+$0x0] =	vst.idx.add.f32.msk $0xffff, v10  }
0x7b: {  	s2 =	sand.u32 $0x7F, s2;
	v11 =	vor.u32 v7, v11;
	v10 =	vld.idx.msk [tilespmem:v52+s17+$0x0], $0xffff  }
0x7c: {  	v53 =	vor.u32 s2, v0;
	s10 =	sadd.s32 $0xFFFFFFE4, s29  }
0x7d: {  	v54 =	vmov s10  }
0x7e: {  	v55 =	vshll.u32 v54, $0x3  }
0x7f: {  	v13 =	vand.u32 $0x63, v54;
	v14 =	vand.u32 $0x400, v55  }
0x80: {  	v56 =	vor.u32 v13, v14;
	[tilespmem:v11+s11+$0x0] =	vst.idx.add.f32.msk $0xffff, v10  }
0x81: {  	v57 =	vor.u32 v1, v56;
	v11 =	vld.idx.msk [tilespmem:v53+s18+$0x0], $0xffff  }
0x82: {  	v58 =	vor.u32 s2, v2;
	_ =	sdelay $0x3  }
0x83: {  	[tilespmem:v57+s11+$0x0] =	vst.idx.add.f32.msk $0xffff, v11  }
0x84: {  	(v2sf) =	vpush v9, $0xA;
	v59 =	vor.u32 v3, v56;
	v11 =	vld.idx.msk [tilespmem:v58+s18+$0x0], $0xffff  }
0x85: {  	v60 =	vor.u32 s2, v4;
	_ =	sdelay $0x2  }
0x86: {  	(v2sf) =	vpush v9, $0xB  }
0x87: {  	[tilespmem:v59+s11+$0x0] =	vst.idx.add.f32.msk $0xffff, v11  }
0x88: {  	v61 =	vor.u32 v5, v56;
	v11 =	vld.idx.msk [tilespmem:v60+s18+$0x0], $0xffff  }
0x89: {  	v62 =	vor.u32 s2, v6;
	_ =	sdelay $0x3  }
0x8a: {  	[tilespmem:v61+s11+$0x0] =	vst.idx.add.f32.msk $0xffff, v11  }
0x8b: {  	v10 =	vor.u32 v7, v56;
	v11 =	vld.idx.msk [tilespmem:v62+s18+$0x0], $0xffff;
	_ =	sdelay $0x2  }
0x8c: {  	s10 =	spop (v2sf)  }
0x8d: {  	s6 =	sand.u32 $0xFFFFF80, s10  }
0x8e: {  	s2 =	sadd.s32 s0, s6;
	[tilespmem:v10+s11+$0x0] =	vst.idx.add.f32.msk $0xffff, v11  }
0x8f: {  	[tilespmem:s17], [sflag:$0x2] =	stream.strided.gather [hbm4b:s2+s13], $0x2000, s14, s13, $0x38;
	[tilespmem:$0x14100] =	vst v63  }
0x90: {  	s2 =	spop (v2sf)  }
0x91: {  	s6 =	sand.u32 $0xFFFFF80, s2  }
0x92: {  	s6 =	sadd.s32 s0, s6  }
0x93: {  	[tilespmem:s18], [sflag:$0x2] =	stream.strided.gather [hbm4b:s6+s13], $0x2000, s14, s13, $0x38;
	[tilespmem:$0x14100] =	vst v63  }
0x94: {  	s4 =	sand.u32 $0x7F, s4;
	_ =	swait.ge [sflag:s25], $0x2000  }
0x95: {  	v63 =	vor.u32 s4, v0;
	s6 =	sadd.s32 $0xFFFFFFE5, s29;
	[sflag:s25] =	ssyncset.done $0x0  }
0x96: {  	v16 =	vmov s6;
	[sflag:s25] =	ssyncadd.s32 $0xFFFFE000  }
0x97: {  	v17 =	vshll.u32 v16, $0x3;
	_ =	swait.ge [sflag:s25], $0x2000  }
0x98: {  	v11 =	vand.u32 $0x64, v16;
	v12 =	vand.u32 $0x400, v17;
	[sflag:s25] =	ssyncset.done $0x0  }
0x99: {  	v11 =	vor.u32 v11, v12;
	[sflag:s25] =	ssyncadd.s32 $0xFFFFE000  }
0x9a: {  	v12 =	vor.u32 v1, v11;
	v10 =	vld.idx.msk [tilespmem:v63+s19+$0x0], $0xffff  }
0x9b: {  	v18 =	vor.u32 s4, v2;
	_ =	sdelay $0x3  }
0x9c: {  	[tilespmem:v12+s11+$0x0] =	vst.idx.add.f32.msk $0xffff, v10  }
0x9d: {  	v19 =	vor.u32 v3, v11;
	v10 =	vld.idx.msk [tilespmem:v18+s19+$0x0], $0xffff  }
0x9e: {  	v20 =	vor.u32 s4, v4;
	_ =	sdelay $0x3  }
0x9f: {  	[tilespmem:v19+s11+$0x0] =	vst.idx.add.f32.msk $0xffff, v10  }
0xa0: {  	v21 =	vor.u32 v5, v11;
	v10 =	vld.idx.msk [tilespmem:v20+s19+$0x0], $0xffff  }
0xa1: {  	v22 =	vor.u32 s4, v6;
	_ =	sdelay $0x3  }
0xa2: {  	[tilespmem:v21+s11+$0x0] =	vst.idx.add.f32.msk $0xffff, v10  }
0xa3: {  	s3 =	sand.u32 $0x7F, s3;
	v11 =	vor.u32 v7, v11;
	v10 =	vld.idx.msk [tilespmem:v22+s19+$0x0], $0xffff  }
0xa4: {  	v23 =	vor.u32 s3, v0;
	s6 =	sadd.s32 $0xFFFFFFE6, s29  }
0xa5: {  	v24 =	vmov s6  }
0xa6: {  	v25 =	vshll.u32 v24, $0x3  }
0xa7: {  	v13 =	vand.u32 $0x65, v24;
	v14 =	vand.u32 $0x400, v25  }
0xa8: {  	v26 =	vor.u32 v13, v14;
	[tilespmem:v11+s11+$0x0] =	vst.idx.add.f32.msk $0xffff, v10  }
0xa9: {  	v27 =	vor.u32 v1, v26;
	v11 =	vld.idx.msk [tilespmem:v23+s20+$0x0], $0xffff  }
0xaa: {  	v28 =	vor.u32 s3, v2;
	_ =	sdelay $0x3  }
0xab: {  	[tilespmem:v27+s11+$0x0] =	vst.idx.add.f32.msk $0xffff, v11  }
0xac: {  	(v2sf) =	vpush v9, $0xC;
	v29 =	vor.u32 v3, v26;
	v11 =	vld.idx.msk [tilespmem:v28+s20+$0x0], $0xffff  }
0xad: {  	v30 =	vor.u32 s3, v4;
	_ =	sdelay $0x2  }
0xae: {  	(v2sf) =	vpush v9, $0xD  }
0xaf: {  	[tilespmem:v29+s11+$0x0] =	vst.idx.add.f32.msk $0xffff, v11  }
0xb0: {  	v31 =	vor.u32 v5, v26;
	v11 =	vld.idx.msk [tilespmem:v30+s20+$0x0], $0xffff  }
0xb1: {  	v32 =	vor.u32 s3, v6;
	_ =	sdelay $0x3  }
0xb2: {  	[tilespmem:v31+s11+$0x0] =	vst.idx.add.f32.msk $0xffff, v11  }
0xb3: {  	v10 =	vor.u32 v7, v26;
	v11 =	vld.idx.msk [tilespmem:v32+s20+$0x0], $0xffff;
	_ =	sdelay $0x2  }
0xb4: {  	s4 =	spop (v2sf)  }
0xb5: {  	s6 =	sand.u32 $0xFFFFF80, s4  }
0xb6: {  	s3 =	sadd.s32 s0, s6;
	[tilespmem:v10+s11+$0x0] =	vst.idx.add.f32.msk $0xffff, v11  }
0xb7: {  	[tilespmem:s19], [sflag:$0x3] =	stream.strided.gather [hbm4b:s3+s13], $0x2000, s14, s13, $0x38;
	[tilespmem:$0x14100] =	vst v63  }
0xb8: {  	s3 =	spop (v2sf)  }
0xb9: {  	s6 =	sand.u32 $0xFFFFF80, s3  }
0xba: {  	s6 =	sadd.s32 s0, s6  }
0xbb: {  	[tilespmem:s20], [sflag:$0x3] =	stream.strided.gather [hbm4b:s6+s13], $0x2000, s14, s13, $0x38;
	[tilespmem:$0x14100] =	vst v63  }
0xbc: {  	s5 =	sand.u32 $0x7F, s5;
	_ =	swait.ge [sflag:s26], $0x2000  }
0xbd: {  	v33 =	vor.u32 s5, v0;
	s6 =	sadd.s32 $0xFFFFFFE7, s29;
	[sflag:s26] =	ssyncset.done $0x0  }
0xbe: {  	v34 =	vmov s6;
	[sflag:s26] =	ssyncadd.s32 $0xFFFFE000  }
0xbf: {  	v35 =	vshll.u32 v34, $0x3;
	_ =	swait.ge [sflag:s26], $0x2000  }
0xc0: {  	v11 =	vand.u32 $0x66, v34;
	v12 =	vand.u32 $0x400, v35;
	[sflag:s26] =	ssyncset.done $0x0  }
0xc1: {  	v11 =	vor.u32 v11, v12;
	[sflag:s26] =	ssyncadd.s32 $0xFFFFE000  }
0xc2: {  	v12 =	vor.u32 v1, v11;
	v10 =	vld.idx.msk [tilespmem:v33+s21+$0x0], $0xffff  }
0xc3: {  	v36 =	vor.u32 s5, v2;
	_ =	sdelay $0x3  }
0xc4: {  	[tilespmem:v12+s11+$0x0] =	vst.idx.add.f32.msk $0xffff, v10  }
0xc5: {  	v37 =	vor.u32 v3, v11;
	v10 =	vld.idx.msk [tilespmem:v36+s21+$0x0], $0xffff  }
0xc6: {  	v38 =	vor.u32 s5, v4;
	_ =	sdelay $0x3  }
0xc7: {  	[tilespmem:v37+s11+$0x0] =	vst.idx.add.f32.msk $0xffff, v10  }
0xc8: {  	v39 =	vor.u32 v5, v11;
	v10 =	vld.idx.msk [tilespmem:v38+s21+$0x0], $0xffff  }
0xc9: {  	v40 =	vor.u32 s5, v6;
	_ =	sdelay $0x3  }
0xca: {  	[tilespmem:v39+s11+$0x0] =	vst.idx.add.f32.msk $0xffff, v10  }
0xcb: {  	s5 =	sand.u32 $0x7F, s31;
	v11 =	vor.u32 v7, v11;
	v10 =	vld.idx.msk [tilespmem:v40+s21+$0x0], $0xffff  }
0xcc: {  	s31 =	sadd.s32 $0xFFFFFFE8, s29;
	v41 =	vor.u32 s5, v0  }
0xcd: {  	v42 =	vmov s31  }
0xce: {  	v43 =	vshll.u32 v42, $0x3  }
0xcf: {  	v13 =	vand.u32 $0x67, v42;
	v14 =	vand.u32 $0x400, v43  }
0xd0: {  	v44 =	vor.u32 v13, v14;
	[tilespmem:v11+s11+$0x0] =	vst.idx.add.f32.msk $0xffff, v10  }
0xd1: {  	v45 =	vor.u32 v1, v44;
	v11 =	vld.idx.msk [tilespmem:v41+s22+$0x0], $0xffff  }
0xd2: {  	v46 =	vor.u32 s5, v2;
	_ =	sdelay $0x3  }
0xd3: {  	[tilespmem:v45+s11+$0x0] =	vst.idx.add.f32.msk $0xffff, v11  }
0xd4: {  	v47 =	vor.u32 v3, v44;
	(v2sf) =	vpush v9, $0xE;
	v11 =	vld.idx.msk [tilespmem:v46+s22+$0x0], $0xffff  }
0xd5: {  	v48 =	vor.u32 s5, v4  }
0xd6: {  	(v2sf) =	vpush v9, $0xF;
	_ =	sdelay $0x2  }
0xd7: {  	[tilespmem:v47+s11+$0x0] =	vst.idx.add.f32.msk $0xffff, v11  }
0xd8: {  	v50 =	vor.u32 v5, v44;
	v49 =	vld.idx.msk [tilespmem:v48+s22+$0x0], $0xffff  }
0xd9: {  	v51 =	vor.u32 s5, v6;
	_ =	sdelay $0x3  }
0xda: {  	[tilespmem:v50+s11+$0x0] =	vst.idx.add.f32.msk $0xffff, v49  }
0xdb: {  	v10 =	vor.u32 v7, v44;
	v9 =	vld.idx.msk [tilespmem:v51+s22+$0x0], $0xffff;
	_ =	sdelay $0x2  }
0xdc: {  	s5 =	spop (v2sf)  }
0xdd: {  	s31 =	sand.u32 $0xFFFFF80, s5  }
0xde: {  	s6 =	sadd.s32 s0, s31;
	s31 =	spop (v2sf);
	[tilespmem:v10+s11+$0x0] =	vst.idx.add.f32.msk $0xffff, v9  }
0xdf: {  	[tilespmem:s21], [sflag:$0x4] =	stream.strided.gather [hbm4b:s6+s13], $0x2000, s14, s13, $0x38;
	[tilespmem:$0x14100] =	vst v63  }
0xe0: {  	s6 =	sand.u32 $0xFFFFF80, s31  }
0xe1: {  	s6 =	sadd.s32 s0, s6  }
0xe2: {  	[tilespmem:s22], [sflag:$0x4] =	stream.strided.gather [hbm4b:s6+s13], $0x2000, s14, s13, $0x38;
	[tilespmem:$0x14100] =	vst v63  }
0xe3: {  	s6 =	sand.u32 $0x7F, s9;
	_ =	swait.ge [sflag:s23], $0x2000  }
0xe4: {  	s9 =	sadd.s32 $0xFFFFFFE9, s29;
	v52 =	vor.u32 s6, v0;
	[sflag:s23] =	ssyncset.done $0x0  }
0xe5: {  	v53 =	vmov s9;
	[sflag:s23] =	ssyncadd.s32 $0xFFFFE000  }
0xe6: {  	v54 =	vshll.u32 v53, $0x3;
	_ =	swait.ge [sflag:s23], $0x2000  }
0xe7: {  	v10 =	vand.u32 $0x68, v53;
	v11 =	vand.u32 $0x400, v54;
	[sflag:s23] =	ssyncset.done $0x0  }
0xe8: {  	v10 =	vor.u32 v10, v11;
	[sflag:s23] =	ssyncadd.s32 $0xFFFFE000  }
0xe9: {  	v11 =	vor.u32 v1, v10;
	v9 =	vld.idx.msk [tilespmem:v52+s15+$0x0], $0xffff  }
0xea: {  	v55 =	vor.u32 s6, v2;
	_ =	sdelay $0x3  }
0xeb: {  	[tilespmem:v11+s11+$0x0] =	vst.idx.add.f32.msk $0xffff, v9  }
0xec: {  	v56 =	vor.u32 v3, v10;
	v9 =	vld.idx.msk [tilespmem:v55+s15+$0x0], $0xffff  }
0xed: {  	v57 =	vor.u32 s6, v4;
	_ =	sdelay $0x3  }
0xee: {  	[tilespmem:v56+s11+$0x0] =	vst.idx.add.f32.msk $0xffff, v9  }
0xef: {  	v58 =	vor.u32 v5, v10;
	v9 =	vld.idx.msk [tilespmem:v57+s15+$0x0], $0xffff  }
0xf0: {  	v59 =	vor.u32 s6, v6;
	_ =	sdelay $0x3  }
0xf1: {  	[tilespmem:v58+s11+$0x0] =	vst.idx.add.f32.msk $0xffff, v9  }
0xf2: {  	s1 =	sand.u32 $0x7F, s1;
	v10 =	vor.u32 v7, v10;
	v9 =	vld.idx.msk [tilespmem:v59+s15+$0x0], $0xffff  }
0xf3: {  	v60 =	vor.u32 s1, v0;
	s9 =	sadd.s32 $0xFFFFFFEA, s29  }
0xf4: {  	v61 =	vmov s9  }
0xf5: {  	v62 =	vshll.u32 v61, $0x3  }
0xf6: {  	v12 =	vand.u32 $0x69, v61;
	v13 =	vand.u32 $0x400, v62  }
0xf7: {  	v63 =	vor.u32 v12, v13;
	[tilespmem:v10+s11+$0x0] =	vst.idx.add.f32.msk $0xffff, v9  }
0xf8: {  	v16 =	vor.u32 v1, v63;
	v10 =	vld.idx.msk [tilespmem:v60+s16+$0x0], $0xffff  }
0xf9: {  	v17 =	vor.u32 s1, v2;
	_ =	sdelay $0x3  }
0xfa: {  	[tilespmem:v16+s11+$0x0] =	vst.idx.add.f32.msk $0xffff, v10  }
0xfb: {  	(v2sf) =	vpush v8, $0x0;
	v18 =	vor.u32 v3, v63;
	v10 =	vld.idx.msk [tilespmem:v17+s16+$0x0], $0xffff  }
0xfc: {  	v19 =	vor.u32 s1, v4;
	_ =	sdelay $0x2  }
0xfd: {  	(v2sf) =	vpush v8, $0x1  }
0xfe: {  	[tilespmem:v18+s11+$0x0] =	vst.idx.add.f32.msk $0xffff, v10  }
0xff: {  	v20 =	vor.u32 v5, v63;
	v10 =	vld.idx.msk [tilespmem:v19+s16+$0x0], $0xffff  }
0x100: {  	v21 =	vor.u32 s1, v6;
	_ =	sdelay $0x3  }
0x101: {  	[tilespmem:v20+s11+$0x0] =	vst.idx.add.f32.msk $0xffff, v10  }
0x102: {  	v9 =	vor.u32 v7, v63;
	v10 =	vld.idx.msk [tilespmem:v21+s16+$0x0], $0xffff;
	_ =	sdelay $0x2  }
0x103: {  	s9 =	spop (v2sf)  }
0x104: {  	s6 =	sand.u32 $0xFFFFF80, s9  }
0x105: {  	s1 =	sadd.s32 s0, s6;
	[tilespmem:v9+s11+$0x0] =	vst.idx.add.f32.msk $0xffff, v10  }
0x106: {  	[tilespmem:s15], [sflag:$0x1] =	stream.strided.gather [hbm4b:s1+s13], $0x2000, s14, s13, $0x38;
	[tilespmem:$0x14100] =	vst v63  }
0x107: {  	s1 =	spop (v2sf)  }
0x108: {  	s6 =	sand.u32 $0xFFFFF80, s1  }
0x109: {  	s6 =	sadd.s32 s0, s6  }
0x10a: {  	[tilespmem:s16], [sflag:$0x1] =	stream.strided.gather [hbm4b:s6+s13], $0x2000, s14, s13, $0x38;
	[tilespmem:$0x14100] =	vst v63  }
0x10b: {  	s6 =	sand.u32 $0x7F, s10;
	_ =	swait.ge [sflag:s24], $0x2000  }
0x10c: {  	s10 =	sadd.s32 $0xFFFFFFEB, s29;
	v22 =	vor.u32 s6, v0;
	[sflag:s24] =	ssyncset.done $0x0  }
0x10d: {  	v23 =	vmov s10;
	[sflag:s24] =	ssyncadd.s32 $0xFFFFE000  }
0x10e: {  	v24 =	vshll.u32 v23, $0x3;
	_ =	swait.ge [sflag:s24], $0x2000  }
0x10f: {  	v10 =	vand.u32 $0x6A, v23;
	v11 =	vand.u32 $0x400, v24;
	[sflag:s24] =	ssyncset.done $0x0  }
0x110: {  	v10 =	vor.u32 v10, v11;
	[sflag:s24] =	ssyncadd.s32 $0xFFFFE000  }
0x111: {  	v11 =	vor.u32 v1, v10;
	v9 =	vld.idx.msk [tilespmem:v22+s17+$0x0], $0xffff  }
0x112: {  	v25 =	vor.u32 s6, v2;
	_ =	sdelay $0x3  }
0x113: {  	[tilespmem:v11+s11+$0x0] =	vst.idx.add.f32.msk $0xffff, v9  }
0x114: {  	v26 =	vor.u32 v3, v10;
	v9 =	vld.idx.msk [tilespmem:v25+s17+$0x0], $0xffff  }
0x115: {  	v27 =	vor.u32 s6, v4;
	_ =	sdelay $0x3  }
0x116: {  	[tilespmem:v26+s11+$0x0] =	vst.idx.add.f32.msk $0xffff, v9  }
0x117: {  	v28 =	vor.u32 v5, v10;
	v9 =	vld.idx.msk [tilespmem:v27+s17+$0x0], $0xffff  }
0x118: {  	v29 =	vor.u32 s6, v6;
	_ =	sdelay $0x3  }
0x119: {  	[tilespmem:v28+s11+$0x0] =	vst.idx.add.f32.msk $0xffff, v9  }
0x11a: {  	s2 =	sand.u32 $0x7F, s2;
	v10 =	vor.u32 v7, v10;
	v9 =	vld.idx.msk [tilespmem:v29+s17+$0x0], $0xffff  }
0x11b: {  	v30 =	vor.u32 s2, v0;
	s10 =	sadd.s32 $0xFFFFFFEC, s29  }
0x11c: {  	v31 =	vmov s10  }
0x11d: {  	v32 =	vshll.u32 v31, $0x3  }
0x11e: {  	v12 =	vand.u32 $0x6B, v31;
	v13 =	vand.u32 $0x400, v32  }
0x11f: {  	v33 =	vor.u32 v12, v13;
	[tilespmem:v10+s11+$0x0] =	vst.idx.add.f32.msk $0xffff, v9  }
0x120: {  	v34 =	vor.u32 v1, v33;
	v10 =	vld.idx.msk [tilespmem:v30+s18+$0x0], $0xffff  }
0x121: {  	v35 =	vor.u32 s2, v2;
	_ =	sdelay $0x3  }
0x122: {  	[tilespmem:v34+s11+$0x0] =	vst.idx.add.f32.msk $0xffff, v10  }
0x123: {  	(v2sf) =	vpush v8, $0x2;
	v36 =	vor.u32 v3, v33;
	v10 =	vld.idx.msk [tilespmem:v35+s18+$0x0], $0xffff  }
0x124: {  	v37 =	vor.u32 s2, v4;
	_ =	sdelay $0x2  }
0x125: {  	(v2sf) =	vpush v8, $0x3  }
0x126: {  	[tilespmem:v36+s11+$0x0] =	vst.idx.add.f32.msk $0xffff, v10  }
0x127: {  	v38 =	vor.u32 v5, v33;
	v10 =	vld.idx.msk [tilespmem:v37+s18+$0x0], $0xffff  }
0x128: {  	v39 =	vor.u32 s2, v6;
	_ =	sdelay $0x3  }
0x129: {  	[tilespmem:v38+s11+$0x0] =	vst.idx.add.f32.msk $0xffff, v10  }
0x12a: {  	v9 =	vor.u32 v7, v33;
	v10 =	vld.idx.msk [tilespmem:v39+s18+$0x0], $0xffff;
	_ =	sdelay $0x2  }
0x12b: {  	s10 =	spop (v2sf)  }
0x12c: {  	s6 =	sand.u32 $0xFFFFF80, s10  }
0x12d: {  	s2 =	sadd.s32 s0, s6;
	[tilespmem:v9+s11+$0x0] =	vst.idx.add.f32.msk $0xffff, v10  }
0x12e: {  	[tilespmem:s17], [sflag:$0x2] =	stream.strided.gather [hbm4b:s2+s13], $0x2000, s14, s13, $0x38;
	[tilespmem:$0x14100] =	vst v63  }
0x12f: {  	s2 =	spop (v2sf)  }
0x130: {  	s6 =	sand.u32 $0xFFFFF80, s2  }
0x131: {  	s6 =	sadd.s32 s0, s6  }
0x132: {  	[tilespmem:s18], [sflag:$0x2] =	stream.strided.gather [hbm4b:s6+s13], $0x2000, s14, s13, $0x38;
	[tilespmem:$0x14100] =	vst v63  }
0x133: {  	s4 =	sand.u32 $0x7F, s4;
	_ =	swait.ge [sflag:s25], $0x2000  }
0x134: {  	v40 =	vor.u32 s4, v0;
	s6 =	sadd.s32 $0xFFFFFFED, s29;
	[sflag:s25] =	ssyncset.done $0x0  }
0x135: {  	v41 =	vmov s6;
	[sflag:s25] =	ssyncadd.s32 $0xFFFFE000  }
0x136: {  	v42 =	vshll.u32 v41, $0x3;
	_ =	swait.ge [sflag:s25], $0x2000  }
0x137: {  	v10 =	vand.u32 $0x6C, v41;
	v11 =	vand.u32 $0x400, v42;
	[sflag:s25] =	ssyncset.done $0x0  }
0x138: {  	v10 =	vor.u32 v10, v11;
	[sflag:s25] =	ssyncadd.s32 $0xFFFFE000  }
0x139: {  	v11 =	vor.u32 v1, v10;
	v9 =	vld.idx.msk [tilespmem:v40+s19+$0x0], $0xffff  }
0x13a: {  	v43 =	vor.u32 s4, v2;
	_ =	sdelay $0x3  }
0x13b: {  	[tilespmem:v11+s11+$0x0] =	vst.idx.add.f32.msk $0xffff, v9  }
0x13c: {  	v44 =	vor.u32 v3, v10;
	v9 =	vld.idx.msk [tilespmem:v43+s19+$0x0], $0xffff  }
0x13d: {  	v45 =	vor.u32 s4, v4;
	_ =	sdelay $0x3  }
0x13e: {  	[tilespmem:v44+s11+$0x0] =	vst.idx.add.f32.msk $0xffff, v9  }
0x13f: {  	v46 =	vor.u32 v5, v10;
	v9 =	vld.idx.msk [tilespmem:v45+s19+$0x0], $0xffff  }
0x140: {  	v47 =	vor.u32 s4, v6;
	_ =	sdelay $0x3  }
0x141: {  	[tilespmem:v46+s11+$0x0] =	vst.idx.add.f32.msk $0xffff, v9  }
0x142: {  	s3 =	sand.u32 $0x7F, s3;
	v10 =	vor.u32 v7, v10;
	v9 =	vld.idx.msk [tilespmem:v47+s19+$0x0], $0xffff  }
0x143: {  	v48 =	vor.u32 s3, v0;
	s6 =	sadd.s32 $0xFFFFFFEE, s29  }
0x144: {  	v49 =	vmov s6  }
0x145: {  	v50 =	vshll.u32 v49, $0x3  }
0x146: {  	v12 =	vand.u32 $0x6D, v49;
	v13 =	vand.u32 $0x400, v50  }
0x147: {  	v51 =	vor.u32 v12, v13;
	[tilespmem:v10+s11+$0x0] =	vst.idx.add.f32.msk $0xffff, v9  }
0x148: {  	v52 =	vor.u32 v1, v51;
	v10 =	vld.idx.msk [tilespmem:v48+s20+$0x0], $0xffff  }
0x149: {  	v53 =	vor.u32 s3, v2;
	_ =	sdelay $0x3  }
0x14a: {  	[tilespmem:v52+s11+$0x0] =	vst.idx.add.f32.msk $0xffff, v10  }
0x14b: {  	(v2sf) =	vpush v8, $0x4;
	v54 =	vor.u32 v3, v51;
	v10 =	vld.idx.msk [tilespmem:v53+s20+$0x0], $0xffff  }
0x14c: {  	v55 =	vor.u32 s3, v4;
	_ =	sdelay $0x2  }
0x14d: {  	(v2sf) =	vpush v8, $0x5  }
0x14e: {  	[tilespmem:v54+s11+$0x0] =	vst.idx.add.f32.msk $0xffff, v10  }
0x14f: {  	v56 =	vor.u32 v5, v51;
	v10 =	vld.idx.msk [tilespmem:v55+s20+$0x0], $0xffff  }
0x150: {  	v57 =	vor.u32 s3, v6;
	_ =	sdelay $0x3  }
0x151: {  	[tilespmem:v56+s11+$0x0] =	vst.idx.add.f32.msk $0xffff, v10  }
0x152: {  	v9 =	vor.u32 v7, v51;
	v10 =	vld.idx.msk [tilespmem:v57+s20+$0x0], $0xffff;
	_ =	sdelay $0x2  }
0x153: {  	s4 =	spop (v2sf)  }
0x154: {  	s6 =	sand.u32 $0xFFFFF80, s4  }
0x155: {  	s3 =	sadd.s32 s0, s6;
	[tilespmem:v9+s11+$0x0] =	vst.idx.add.f32.msk $0xffff, v10  }
0x156: {  	[tilespmem:s19], [sflag:$0x3] =	stream.strided.gather [hbm4b:s3+s13], $0x2000, s14, s13, $0x38;
	[tilespmem:$0x14100] =	vst v63  }
0x157: {  	s3 =	spop (v2sf)  }
0x158: {  	s6 =	sand.u32 $0xFFFFF80, s3  }
0x159: {  	s6 =	sadd.s32 s0, s6  }
0x15a: {  	[tilespmem:s20], [sflag:$0x3] =	stream.strided.gather [hbm4b:s6+s13], $0x2000, s14, s13, $0x38;
	[tilespmem:$0x14100] =	vst v63  }
0x15b: {  	s5 =	sand.u32 $0x7F, s5;
	_ =	swait.ge [sflag:s26], $0x2000  }
0x15c: {  	v58 =	vor.u32 s5, v0;
	s6 =	sadd.s32 $0xFFFFFFEF, s29;
	[sflag:s26] =	ssyncset.done $0x0  }
0x15d: {  	v59 =	vmov s6;
	[sflag:s26] =	ssyncadd.s32 $0xFFFFE000  }
0x15e: {  	v60 =	vshll.u32 v59, $0x3;
	_ =	swait.ge [sflag:s26], $0x2000  }
0x15f: {  	v10 =	vand.u32 $0x6E, v59;
	v11 =	vand.u32 $0x400, v60;
	[sflag:s26] =	ssyncset.done $0x0  }
0x160: {  	v10 =	vor.u32 v10, v11;
	[sflag:s26] =	ssyncadd.s32 $0xFFFFE000  }
0x161: {  	v11 =	vor.u32 v1, v10;
	v9 =	vld.idx.msk [tilespmem:v58+s21+$0x0], $0xffff  }
0x162: {  	v61 =	vor.u32 s5, v2;
	_ =	sdelay $0x3  }
0x163: {  	[tilespmem:v11+s11+$0x0] =	vst.idx.add.f32.msk $0xffff, v9  }
0x164: {  	v62 =	vor.u32 v3, v10;
	v9 =	vld.idx.msk [tilespmem:v61+s21+$0x0], $0xffff  }
0x165: {  	v63 =	vor.u32 s5, v4;
	_ =	sdelay $0x3  }
0x166: {  	[tilespmem:v62+s11+$0x0] =	vst.idx.add.f32.msk $0xffff, v9  }
0x167: {  	v16 =	vor.u32 v5, v10;
	v9 =	vld.idx.msk [tilespmem:v63+s21+$0x0], $0xffff  }
0x168: {  	v17 =	vor.u32 s5, v6;
	_ =	sdelay $0x3  }
0x169: {  	[tilespmem:v16+s11+$0x0] =	vst.idx.add.f32.msk $0xffff, v9  }
0x16a: {  	s5 =	sand.u32 $0x7F, s31;
	v10 =	vor.u32 v7, v10;
	v9 =	vld.idx.msk [tilespmem:v17+s21+$0x0], $0xffff  }
0x16b: {  	s31 =	sadd.s32 $0xFFFFFFF0, s29;
	v18 =	vor.u32 s5, v0  }
0x16c: {  	v19 =	vmov s31  }
0x16d: {  	v20 =	vshll.u32 v19, $0x3  }
0x16e: {  	v12 =	vand.u32 $0x6F, v19;
	v13 =	vand.u32 $0x400, v20  }
0x16f: {  	v21 =	vor.u32 v12, v13;
	[tilespmem:v10+s11+$0x0] =	vst.idx.add.f32.msk $0xffff, v9  }
0x170: {  	v22 =	vor.u32 v1, v21;
	v10 =	vld.idx.msk [tilespmem:v18+s22+$0x0], $0xffff  }
0x171: {  	v23 =	vor.u32 s5, v2;
	_ =	sdelay $0x3  }
0x172: {  	[tilespmem:v22+s11+$0x0] =	vst.idx.add.f32.msk $0xffff, v10  }
0x173: {  	v24 =	vor.u32 v3, v21;
	(v2sf) =	vpush v8, $0x6;
	v10 =	vld.idx.msk [tilespmem:v23+s22+$0x0], $0xffff  }
0x174: {  	v25 =	vor.u32 s5, v4  }
0x175: {  	(v2sf) =	vpush v8, $0x7;
	_ =	sdelay $0x2  }
0x176: {  	[tilespmem:v24+s11+$0x0] =	vst.idx.add.f32.msk $0xffff, v10  }
0x177: {  	v26 =	vor.u32 v5, v21;
	v10 =	vld.idx.msk [tilespmem:v25+s22+$0x0], $0xffff  }
0x178: {  	v27 =	vor.u32 s5, v6;
	_ =	sdelay $0x3  }
0x179: {  	[tilespmem:v26+s11+$0x0] =	vst.idx.add.f32.msk $0xffff, v10  }
0x17a: {  	v9 =	vor.u32 v7, v21;
	v10 =	vld.idx.msk [tilespmem:v27+s22+$0x0], $0xffff;
	_ =	sdelay $0x2  }
0x17b: {  	s5 =	spop (v2sf)  }
0x17c: {  	s31 =	sand.u32 $0xFFFFF80, s5  }
0x17d: {  	s6 =	sadd.s32 s0, s31;
	s31 =	spop (v2sf);
	[tilespmem:v9+s11+$0x0] =	vst.idx.add.f32.msk $0xffff, v10  }
0x17e: {  	[tilespmem:s21], [sflag:$0x4] =	stream.strided.gather [hbm4b:s6+s13], $0x2000, s14, s13, $0x38;
	[tilespmem:$0x14100] =	vst v63  }
0x17f: {  	s6 =	sand.u32 $0xFFFFF80, s31  }
0x180: {  	s6 =	sadd.s32 s0, s6  }
0x181: {  	[tilespmem:s22], [sflag:$0x4] =	stream.strided.gather [hbm4b:s6+s13], $0x2000, s14, s13, $0x38;
	[tilespmem:$0x14100] =	vst v63  }
0x182: {  	s6 =	sand.u32 $0x7F, s9;
	_ =	swait.ge [sflag:s23], $0x2000  }
0x183: {  	s9 =	sadd.s32 $0xFFFFFFF1, s29;
	v28 =	vor.u32 s6, v0;
	[sflag:s23] =	ssyncset.done $0x0  }
0x184: {  	v29 =	vmov s9;
	[sflag:s23] =	ssyncadd.s32 $0xFFFFE000  }
0x185: {  	v30 =	vshll.u32 v29, $0x3;
	_ =	swait.ge [sflag:s23], $0x2000  }
0x186: {  	v10 =	vand.u32 $0x70, v29;
	v11 =	vand.u32 $0x400, v30;
	[sflag:s23] =	ssyncset.done $0x0  }
0x187: {  	v10 =	vor.u32 v10, v11;
	[sflag:s23] =	ssyncadd.s32 $0xFFFFE000  }
0x188: {  	v11 =	vor.u32 v1, v10;
	v9 =	vld.idx.msk [tilespmem:v28+s15+$0x0], $0xffff  }
0x189: {  	v31 =	vor.u32 s6, v2;
	_ =	sdelay $0x3  }
0x18a: {  	[tilespmem:v11+s11+$0x0] =	vst.idx.add.f32.msk $0xffff, v9  }
0x18b: {  	v32 =	vor.u32 v3, v10;
	v9 =	vld.idx.msk [tilespmem:v31+s15+$0x0], $0xffff  }
0x18c: {  	v33 =	vor.u32 s6, v4;
	_ =	sdelay $0x3  }
0x18d: {  	[tilespmem:v32+s11+$0x0] =	vst.idx.add.f32.msk $0xffff, v9  }
0x18e: {  	v34 =	vor.u32 v5, v10;
	v9 =	vld.idx.msk [tilespmem:v33+s15+$0x0], $0xffff  }
0x18f: {  	v35 =	vor.u32 s6, v6;
	_ =	sdelay $0x3  }
0x190: {  	[tilespmem:v34+s11+$0x0] =	vst.idx.add.f32.msk $0xffff, v9  }
0x191: {  	s1 =	sand.u32 $0x7F, s1;
	v10 =	vor.u32 v7, v10;
	v9 =	vld.idx.msk [tilespmem:v35+s15+$0x0], $0xffff  }
0x192: {  	v36 =	vor.u32 s1, v0;
	s9 =	sadd.s32 $0xFFFFFFF2, s29  }
0x193: {  	v37 =	vmov s9  }
0x194: {  	v38 =	vshll.u32 v37, $0x3  }
0x195: {  	v12 =	vand.u32 $0x71, v37;
	v13 =	vand.u32 $0x400, v38  }
0x196: {  	v39 =	vor.u32 v12, v13;
	[tilespmem:v10+s11+$0x0] =	vst.idx.add.f32.msk $0xffff, v9  }
0x197: {  	v40 =	vor.u32 v1, v39;
	v10 =	vld.idx.msk [tilespmem:v36+s16+$0x0], $0xffff  }
0x198: {  	v41 =	vor.u32 s1, v2;
	_ =	sdelay $0x3  }
0x199: {  	[tilespmem:v40+s11+$0x0] =	vst.idx.add.f32.msk $0xffff, v10  }
0x19a: {  	(v2sf) =	vpush v8, $0x8;
	v42 =	vor.u32 v3, v39;
	v10 =	vld.idx.msk [tilespmem:v41+s16+$0x0], $0xffff  }
0x19b: {  	v43 =	vor.u32 s1, v4;
	_ =	sdelay $0x2  }
0x19c: {  	(v2sf) =	vpush v8, $0x9  }
0x19d: {  	[tilespmem:v42+s11+$0x0] =	vst.idx.add.f32.msk $0xffff, v10  }
0x19e: {  	v44 =	vor.u32 v5, v39;
	v10 =	vld.idx.msk [tilespmem:v43+s16+$0x0], $0xffff  }
0x19f: {  	v45 =	vor.u32 s1, v6;
	_ =	sdelay $0x3  }
0x1a0: {  	[tilespmem:v44+s11+$0x0] =	vst.idx.add.f32.msk $0xffff, v10  }
0x1a1: {  	v9 =	vor.u32 v7, v39;
	v10 =	vld.idx.msk [tilespmem:v45+s16+$0x0], $0xffff;
	_ =	sdelay $0x2  }
0x1a2: {  	s9 =	spop (v2sf)  }
0x1a3: {  	s6 =	sand.u32 $0xFFFFF80, s9  }
0x1a4: {  	s1 =	sadd.s32 s0, s6;
	[tilespmem:v9+s11+$0x0] =	vst.idx.add.f32.msk $0xffff, v10  }
0x1a5: {  	[tilespmem:s15], [sflag:$0x1] =	stream.strided.gather [hbm4b:s1+s13], $0x2000, s14, s13, $0x38;
	[tilespmem:$0x14100] =	vst v63  }
0x1a6: {  	s1 =	spop (v2sf)  }
0x1a7: {  	s6 =	sand.u32 $0xFFFFF80, s1  }
0x1a8: {  	s6 =	sadd.s32 s0, s6  }
0x1a9: {  	[tilespmem:s16], [sflag:$0x1] =	stream.strided.gather [hbm4b:s6+s13], $0x2000, s14, s13, $0x38;
	[tilespmem:$0x14100] =	vst v63  }
0x1aa: {  	s6 =	sand.u32 $0x7F, s10;
	_ =	swait.ge [sflag:s24], $0x2000  }
0x1ab: {  	s10 =	sadd.s32 $0xFFFFFFF3, s29;
	v46 =	vor.u32 s6, v0;
	[sflag:s24] =	ssyncset.done $0x0  }
0x1ac: {  	v47 =	vmov s10;
	[sflag:s24] =	ssyncadd.s32 $0xFFFFE000  }
0x1ad: {  	v48 =	vshll.u32 v47, $0x3;
	_ =	swait.ge [sflag:s24], $0x2000  }
0x1ae: {  	v10 =	vand.u32 $0x72, v47;
	v11 =	vand.u32 $0x400, v48;
	[sflag:s24] =	ssyncset.done $0x0  }
0x1af: {  	v10 =	vor.u32 v10, v11;
	[sflag:s24] =	ssyncadd.s32 $0xFFFFE000  }
0x1b0: {  	v11 =	vor.u32 v1, v10;
	v9 =	vld.idx.msk [tilespmem:v46+s17+$0x0], $0xffff  }
0x1b1: {  	v49 =	vor.u32 s6, v2;
	_ =	sdelay $0x3  }
0x1b2: {  	[tilespmem:v11+s11+$0x0] =	vst.idx.add.f32.msk $0xffff, v9  }
0x1b3: {  	v50 =	vor.u32 v3, v10;
	v9 =	vld.idx.msk [tilespmem:v49+s17+$0x0], $0xffff  }
0x1b4: {  	v51 =	vor.u32 s6, v4;
	_ =	sdelay $0x3  }
0x1b5: {  	[tilespmem:v50+s11+$0x0] =	vst.idx.add.f32.msk $0xffff, v9  }
0x1b6: {  	v52 =	vor.u32 v5, v10;
	v9 =	vld.idx.msk [tilespmem:v51+s17+$0x0], $0xffff  }
0x1b7: {  	v53 =	vor.u32 s6, v6;
	_ =	sdelay $0x3  }
0x1b8: {  	[tilespmem:v52+s11+$0x0] =	vst.idx.add.f32.msk $0xffff, v9  }
0x1b9: {  	s2 =	sand.u32 $0x7F, s2;
	v10 =	vor.u32 v7, v10;
	v9 =	vld.idx.msk [tilespmem:v53+s17+$0x0], $0xffff  }
0x1ba: {  	v54 =	vor.u32 s2, v0;
	s10 =	sadd.s32 $0xFFFFFFF4, s29  }
0x1bb: {  	v55 =	vmov s10  }
0x1bc: {  	v56 =	vshll.u32 v55, $0x3  }
0x1bd: {  	v12 =	vand.u32 $0x73, v55;
	v13 =	vand.u32 $0x400, v56  }
0x1be: {  	v57 =	vor.u32 v12, v13;
	[tilespmem:v10+s11+$0x0] =	vst.idx.add.f32.msk $0xffff, v9  }
0x1bf: {  	v58 =	vor.u32 v1, v57;
	v10 =	vld.idx.msk [tilespmem:v54+s18+$0x0], $0xffff  }
0x1c0: {  	v59 =	vor.u32 s2, v2;
	_ =	sdelay $0x3  }
0x1c1: {  	[tilespmem:v58+s11+$0x0] =	vst.idx.add.f32.msk $0xffff, v10  }
0x1c2: {  	(v2sf) =	vpush v8, $0xA;
	v60 =	vor.u32 v3, v57;
	v10 =	vld.idx.msk [tilespmem:v59+s18+$0x0], $0xffff  }
0x1c3: {  	v61 =	vor.u32 s2, v4;
	_ =	sdelay $0x2  }
0x1c4: {  	(v2sf) =	vpush v8, $0xB  }
0x1c5: {  	[tilespmem:v60+s11+$0x0] =	vst.idx.add.f32.msk $0xffff, v10  }
0x1c6: {  	v62 =	vor.u32 v5, v57;
	v10 =	vld.idx.msk [tilespmem:v61+s18+$0x0], $0xffff  }
0x1c7: {  	v63 =	vor.u32 s2, v6;
	_ =	sdelay $0x3  }
0x1c8: {  	[tilespmem:v62+s11+$0x0] =	vst.idx.add.f32.msk $0xffff, v10  }
0x1c9: {  	v9 =	vor.u32 v7, v57;
	v10 =	vld.idx.msk [tilespmem:v63+s18+$0x0], $0xffff;
	_ =	sdelay $0x2  }
0x1ca: {  	s10 =	spop (v2sf)  }
0x1cb: {  	s6 =	sand.u32 $0xFFFFF80, s10  }
0x1cc: {  	s2 =	sadd.s32 s0, s6;
	[tilespmem:v9+s11+$0x0] =	vst.idx.add.f32.msk $0xffff, v10  }
0x1cd: {  	[tilespmem:s17], [sflag:$0x2] =	stream.strided.gather [hbm4b:s2+s13], $0x2000, s14, s13, $0x38;
	[tilespmem:$0x14100] =	vst v63  }
0x1ce: {  	s2 =	spop (v2sf)  }
0x1cf: {  	s6 =	sand.u32 $0xFFFFF80, s2  }
0x1d0: {  	s6 =	sadd.s32 s0, s6  }
0x1d1: {  	[tilespmem:s18], [sflag:$0x2] =	stream.strided.gather [hbm4b:s6+s13], $0x2000, s14, s13, $0x38;
	[tilespmem:$0x14100] =	vst v63  }
0x1d2: {  	s4 =	sand.u32 $0x7F, s4;
	_ =	swait.ge [sflag:s25], $0x2000  }
0x1d3: {  	v16 =	vor.u32 s4, v0;
	s6 =	sadd.s32 $0xFFFFFFF5, s29;
	[sflag:s25] =	ssyncset.done $0x0  }
0x1d4: {  	v17 =	vmov s6;
	[sflag:s25] =	ssyncadd.s32 $0xFFFFE000  }
0x1d5: {  	v18 =	vshll.u32 v17, $0x3;
	_ =	swait.ge [sflag:s25], $0x2000  }
0x1d6: {  	v10 =	vand.u32 $0x74, v17;
	v11 =	vand.u32 $0x400, v18;
	[sflag:s25] =	ssyncset.done $0x0  }
0x1d7: {  	v10 =	vor.u32 v10, v11;
	[sflag:s25] =	ssyncadd.s32 $0xFFFFE000  }
0x1d8: {  	v11 =	vor.u32 v1, v10;
	v9 =	vld.idx.msk [tilespmem:v16+s19+$0x0], $0xffff  }
0x1d9: {  	v19 =	vor.u32 s4, v2;
	_ =	sdelay $0x3  }
0x1da: {  	[tilespmem:v11+s11+$0x0] =	vst.idx.add.f32.msk $0xffff, v9  }
0x1db: {  	v20 =	vor.u32 v3, v10;
	v9 =	vld.idx.msk [tilespmem:v19+s19+$0x0], $0xffff  }
0x1dc: {  	v21 =	vor.u32 s4, v4;
	_ =	sdelay $0x3  }
0x1dd: {  	[tilespmem:v20+s11+$0x0] =	vst.idx.add.f32.msk $0xffff, v9  }
0x1de: {  	v22 =	vor.u32 v5, v10;
	v9 =	vld.idx.msk [tilespmem:v21+s19+$0x0], $0xffff  }
0x1df: {  	v23 =	vor.u32 s4, v6;
	_ =	sdelay $0x3  }
0x1e0: {  	[tilespmem:v22+s11+$0x0] =	vst.idx.add.f32.msk $0xffff, v9  }
0x1e1: {  	s3 =	sand.u32 $0x7F, s3;
	v10 =	vor.u32 v7, v10;
	v9 =	vld.idx.msk [tilespmem:v23+s19+$0x0], $0xffff  }
0x1e2: {  	v24 =	vor.u32 s3, v0;
	s6 =	sadd.s32 $0xFFFFFFF6, s29  }
0x1e3: {  	v25 =	vmov s6  }
0x1e4: {  	v26 =	vshll.u32 v25, $0x3  }
0x1e5: {  	v12 =	vand.u32 $0x75, v25;
	v13 =	vand.u32 $0x400, v26  }
0x1e6: {  	v27 =	vor.u32 v12, v13;
	[tilespmem:v10+s11+$0x0] =	vst.idx.add.f32.msk $0xffff, v9  }
0x1e7: {  	v28 =	vor.u32 v1, v27;
	v10 =	vld.idx.msk [tilespmem:v24+s20+$0x0], $0xffff  }
0x1e8: {  	v29 =	vor.u32 s3, v2;
	_ =	sdelay $0x3  }
0x1e9: {  	[tilespmem:v28+s11+$0x0] =	vst.idx.add.f32.msk $0xffff, v10  }
0x1ea: {  	(v2sf) =	vpush v8, $0xC;
	v30 =	vor.u32 v3, v27;
	v10 =	vld.idx.msk [tilespmem:v29+s20+$0x0], $0xffff  }
0x1eb: {  	v31 =	vor.u32 s3, v4;
	_ =	sdelay $0x2  }
0x1ec: {  	(v2sf) =	vpush v8, $0xD  }
0x1ed: {  	[tilespmem:v30+s11+$0x0] =	vst.idx.add.f32.msk $0xffff, v10  }
0x1ee: {  	v32 =	vor.u32 v5, v27;
	v10 =	vld.idx.msk [tilespmem:v31+s20+$0x0], $0xffff  }
0x1ef: {  	v33 =	vor.u32 s3, v6;
	_ =	sdelay $0x3  }
0x1f0: {  	[tilespmem:v32+s11+$0x0] =	vst.idx.add.f32.msk $0xffff, v10  }
0x1f1: {  	v9 =	vor.u32 v7, v27;
	v10 =	vld.idx.msk [tilespmem:v33+s20+$0x0], $0xffff;
	_ =	sdelay $0x2  }
0x1f2: {  	s6 =	spop (v2sf)  }
0x1f3: {  	s4 =	sand.u32 $0xFFFFF80, s6  }
0x1f4: {  	s3 =	sadd.s32 s0, s4;
	[tilespmem:v9+s11+$0x0] =	vst.idx.add.f32.msk $0xffff, v10  }
0x1f5: {  	[tilespmem:s19], [sflag:$0x3] =	stream.strided.gather [hbm4b:s3+s13], $0x2000, s14, s13, $0x38;
	[tilespmem:$0x14100] =	vst v63  }
0x1f6: {  	s3 =	spop (v2sf)  }
0x1f7: {  	s4 =	sand.u32 $0xFFFFF80, s3  }
0x1f8: {  	s4 =	sadd.s32 s0, s4  }
0x1f9: {  	[tilespmem:s20], [sflag:$0x3] =	stream.strided.gather [hbm4b:s4+s13], $0x2000, s14, s13, $0x38;
	[tilespmem:$0x14100] =	vst v63  }
0x1fa: {  	s4 =	sand.u32 $0x7F, s5;
	_ =	swait.ge [sflag:s26], $0x2000  }
0x1fb: {  	s5 =	sadd.s32 $0xFFFFFFF7, s29;
	v34 =	vor.u32 s4, v0;
	[sflag:s26] =	ssyncset.done $0x0  }
0x1fc: {  	v35 =	vmov s5;
	[sflag:s26] =	ssyncadd.s32 $0xFFFFE000  }
0x1fd: {  	v36 =	vshll.u32 v35, $0x3;
	_ =	swait.ge [sflag:s26], $0x2000  }
0x1fe: {  	v10 =	vand.u32 $0x76, v35;
	v11 =	vand.u32 $0x400, v36;
	[sflag:s26] =	ssyncset.done $0x0  }
0x1ff: {  	v10 =	vor.u32 v10, v11;
	[sflag:s26] =	ssyncadd.s32 $0xFFFFE000  }
0x200: {  	v11 =	vor.u32 v1, v10;
	v9 =	vld.idx.msk [tilespmem:v34+s21+$0x0], $0xffff  }
0x201: {  	v37 =	vor.u32 s4, v2;
	_ =	sdelay $0x3  }
0x202: {  	[tilespmem:v11+s11+$0x0] =	vst.idx.add.f32.msk $0xffff, v9  }
0x203: {  	v38 =	vor.u32 v3, v10;
	v9 =	vld.idx.msk [tilespmem:v37+s21+$0x0], $0xffff  }
0x204: {  	v39 =	vor.u32 s4, v4;
	_ =	sdelay $0x3  }
0x205: {  	[tilespmem:v38+s11+$0x0] =	vst.idx.add.f32.msk $0xffff, v9  }
0x206: {  	v40 =	vor.u32 v5, v10;
	v9 =	vld.idx.msk [tilespmem:v39+s21+$0x0], $0xffff  }
0x207: {  	v41 =	vor.u32 s4, v6;
	_ =	sdelay $0x3  }
0x208: {  	[tilespmem:v40+s11+$0x0] =	vst.idx.add.f32.msk $0xffff, v9  }
0x209: {  	s4 =	sand.u32 $0x7F, s31;
	v10 =	vor.u32 v7, v10;
	v9 =	vld.idx.msk [tilespmem:v41+s21+$0x0], $0xffff  }
0x20a: {  	s31 =	sadd.s32 $0xFFFFFFF8, s29;
	v42 =	vor.u32 s4, v0  }
0x20b: {  	v43 =	vmov s31  }
0x20c: {  	v44 =	vshll.u32 v43, $0x3  }
0x20d: {  	v12 =	vand.u32 $0x77, v43;
	v13 =	vand.u32 $0x400, v44  }
0x20e: {  	v45 =	vor.u32 v12, v13;
	[tilespmem:v10+s11+$0x0] =	vst.idx.add.f32.msk $0xffff, v9  }
0x20f: {  	v46 =	vor.u32 v1, v45;
	v10 =	vld.idx.msk [tilespmem:v42+s22+$0x0], $0xffff  }
0x210: {  	v47 =	vor.u32 s4, v2;
	_ =	sdelay $0x3  }
0x211: {  	[tilespmem:v46+s11+$0x0] =	vst.idx.add.f32.msk $0xffff, v10  }
0x212: {  	(v2sf) =	vpush v8, $0xE;
	v48 =	vor.u32 v3, v45;
	v10 =	vld.idx.msk [tilespmem:v47+s22+$0x0], $0xffff  }
0x213: {  	v49 =	vor.u32 s4, v4;
	_ =	sdelay $0x2  }
0x214: {  	(v2sf) =	vpush v8, $0xF  }
0x215: {  	[tilespmem:v48+s11+$0x0] =	vst.idx.add.f32.msk $0xffff, v10  }
0x216: {  	v50 =	vor.u32 v5, v45;
	v8 =	vld.idx.msk [tilespmem:v49+s22+$0x0], $0xffff  }
0x217: {  	v51 =	vor.u32 s4, v6;
	_ =	sdelay $0x3  }
0x218: {  	[tilespmem:v50+s11+$0x0] =	vst.idx.add.f32.msk $0xffff, v8  }
0x219: {  	v9 =	vor.u32 v7, v45;
	v8 =	vld.idx.msk [tilespmem:v51+s22+$0x0], $0xffff;
	_ =	sdelay $0x2  }
0x21a: {  	s5 =	spop (v2sf)  }
0x21b: {  	s31 =	sand.u32 $0xFFFFF80, s5  }
0x21c: {  	s4 =	sadd.s32 s0, s31;
	[tilespmem:v9+s11+$0x0] =	vst.idx.add.f32.msk $0xffff, v8  }
0x21d: {  	[tilespmem:s21], [sflag:$0x4] =	stream.strided.gather [hbm4b:s4+s13], $0x2000, s14, s13, $0x38;
	[tilespmem:$0x14100] =	vst v63  }
0x21e: {  	s4 =	spop (v2sf)  }
0x21f: {  	s31 =	sand.u32 $0xFFFFF80, s4  }
0x220: {  	s31 =	sadd.s32 s0, s31  }
0x221: {  	[tilespmem:s22], [sflag:$0x4] =	stream.strided.gather [hbm4b:s31+s13], $0x2000, s14, s13, $0x38;
	[tilespmem:$0x14100] =	vst v63  }
0x222: {  	s9 =	sand.u32 $0x7F, s9;
	_ =	swait.ge [sflag:s23], $0x2000  }
0x223: {  	v8 =	vor.u32 s9, v0;
	s31 =	sadd.s32 $0xFFFFFFF9, s29;
	[sflag:s23] =	ssyncset.done $0x0  }
0x224: {  	v52 =	vmov s31;
	[sflag:s23] =	ssyncadd.s32 $0xFFFFE000  }
0x225: {  	v53 =	vshll.u32 v52, $0x3;
	_ =	swait.ge [sflag:s23], $0x2000  }
0x226: {  	v9 =	vand.u32 $0x78, v52;
	v10 =	vand.u32 $0x400, v53;
	[sflag:s23] =	ssyncset.done $0x0  }
0x227: {  	v9 =	vor.u32 v9, v10;
	[sflag:s23] =	ssyncadd.s32 $0xFFFFE000  }
0x228: {  	v10 =	vor.u32 v1, v9;
	v8 =	vld.idx.msk [tilespmem:v8+s15+$0x0], $0xffff  }
0x229: {  	v54 =	vor.u32 s9, v2;
	_ =	sdelay $0x3  }
0x22a: {  	[tilespmem:v10+s11+$0x0] =	vst.idx.add.f32.msk $0xffff, v8  }
0x22b: {  	v55 =	vor.u32 v3, v9;
	v8 =	vld.idx.msk [tilespmem:v54+s15+$0x0], $0xffff  }
0x22c: {  	v56 =	vor.u32 s9, v4;
	_ =	sdelay $0x3  }
0x22d: {  	[tilespmem:v55+s11+$0x0] =	vst.idx.add.f32.msk $0xffff, v8  }
0x22e: {  	v57 =	vor.u32 v5, v9;
	v8 =	vld.idx.msk [tilespmem:v56+s15+$0x0], $0xffff  }
0x22f: {  	v58 =	vor.u32 s9, v6;
	_ =	sdelay $0x3  }
0x230: {  	[tilespmem:v57+s11+$0x0] =	vst.idx.add.f32.msk $0xffff, v8  }
0x231: {  	s1 =	sand.u32 $0x7F, s1;
	v9 =	vor.u32 v7, v9;
	v8 =	vld.idx.msk [tilespmem:v58+s15+$0x0], $0xffff  }
0x232: {  	v59 =	vor.u32 s1, v0;
	s31 =	sadd.s32 $0xFFFFFFFA, s29  }
0x233: {  	v60 =	vmov s31  }
0x234: {  	v61 =	vshll.u32 v60, $0x3  }
0x235: {  	v11 =	vand.u32 $0x79, v60;
	v12 =	vand.u32 $0x400, v61  }
0x236: {  	[tilespmem:v9+s11+$0x0] =	vst.idx.add.f32.msk $0xffff, v8;
	v8 =	vor.u32 v11, v12  }
0x237: {  	v9 =	vld.idx.msk [tilespmem:v59+s16+$0x0], $0xffff;
	v62 =	vor.u32 v1, v8  }
0x238: {  	v63 =	vor.u32 s1, v2;
	_ =	sdelay $0x3  }
0x239: {  	[tilespmem:v62+s11+$0x0] =	vst.idx.add.f32.msk $0xffff, v9  }
0x23a: {  	v12 =	vor.u32 v3, v8;
	v9 =	vld.idx.msk [tilespmem:v63+s16+$0x0], $0xffff  }
0x23b: {  	v13 =	vor.u32 s1, v4;
	_ =	sdelay $0x3  }
0x23c: {  	[tilespmem:v12+s11+$0x0] =	vst.idx.add.f32.msk $0xffff, v9  }
0x23d: {  	v14 =	vor.u32 v5, v8;
	v9 =	vld.idx.msk [tilespmem:v13+s16+$0x0], $0xffff  }
0x23e: {  	v15 =	vor.u32 s1, v6;
	_ =	sdelay $0x3  }
0x23f: {  	[tilespmem:v14+s11+$0x0] =	vst.idx.add.f32.msk $0xffff, v9  }
0x240: {  	v8 =	vor.u32 v7, v8;
	v9 =	vld.idx.msk [tilespmem:v15+s16+$0x0], $0xffff;
	_ =	sdelay $0x4  }
0x241: {  	[tilespmem:v8+s11+$0x0] =	vst.idx.add.f32.msk $0xffff, v9  }
0x242: {  	s31 =	sand.u32 $0x7F, s10;
	_ =	swait.ge [sflag:s24], $0x2000  }
0x243: {  	s10 =	sadd.s32 $0xFFFFFFFB, s29;
	v8 =	vor.u32 s31, v0;
	[sflag:s24] =	ssyncset.done $0x0  }
0x244: {  	v16 =	vmov s10;
	[sflag:s24] =	ssyncadd.s32 $0xFFFFE000  }
0x245: {  	v17 =	vshll.u32 v16, $0x3;
	_ =	swait.ge [sflag:s24], $0x2000  }
0x246: {  	v10 =	vand.u32 $0x400, v17;
	v9 =	vand.u32 $0x7A, v16;
	[sflag:s24] =	ssyncset.done $0x0  }
0x247: {  	v9 =	vor.u32 v9, v10;
	[sflag:s24] =	ssyncadd.s32 $0xFFFFE000  }
0x248: {  	v10 =	vor.u32 v1, v9;
	v8 =	vld.idx.msk [tilespmem:v8+s17+$0x0], $0xffff  }
0x249: {  	v18 =	vor.u32 s31, v2;
	_ =	sdelay $0x3  }
0x24a: {  	[tilespmem:v10+s11+$0x0] =	vst.idx.add.f32.msk $0xffff, v8  }
0x24b: {  	v19 =	vor.u32 v3, v9;
	v8 =	vld.idx.msk [tilespmem:v18+s17+$0x0], $0xffff  }
0x24c: {  	v20 =	vor.u32 s31, v4;
	_ =	sdelay $0x3  }
0x24d: {  	[tilespmem:v19+s11+$0x0] =	vst.idx.add.f32.msk $0xffff, v8  }
0x24e: {  	v21 =	vor.u32 v5, v9;
	v8 =	vld.idx.msk [tilespmem:v20+s17+$0x0], $0xffff  }
0x24f: {  	v22 =	vor.u32 s31, v6;
	_ =	sdelay $0x3  }
0x250: {  	[tilespmem:v21+s11+$0x0] =	vst.idx.add.f32.msk $0xffff, v8  }
0x251: {  	s31 =	sand.u32 $0x7F, s2;
	v9 =	vor.u32 v7, v9;
	v8 =	vld.idx.msk [tilespmem:v22+s17+$0x0], $0xffff  }
0x252: {  	s9 =	sadd.s32 $0xFFFFFFFC, s29;
	v23 =	vor.u32 s31, v0  }
0x253: {  	v24 =	vmov s9  }
0x254: {  	v25 =	vshll.u32 v24, $0x3  }
0x255: {  	v11 =	vand.u32 $0x7B, v24;
	v12 =	vand.u32 $0x400, v25  }
0x256: {  	[tilespmem:v9+s11+$0x0] =	vst.idx.add.f32.msk $0xffff, v8;
	v8 =	vor.u32 v11, v12  }
0x257: {  	v9 =	vld.idx.msk [tilespmem:v23+s18+$0x0], $0xffff;
	v26 =	vor.u32 v1, v8  }
0x258: {  	v27 =	vor.u32 s31, v2;
	_ =	sdelay $0x3  }
0x259: {  	[tilespmem:v26+s11+$0x0] =	vst.idx.add.f32.msk $0xffff, v9  }
0x25a: {  	v28 =	vor.u32 v3, v8;
	v9 =	vld.idx.msk [tilespmem:v27+s18+$0x0], $0xffff  }
0x25b: {  	v29 =	vor.u32 s31, v4;
	_ =	sdelay $0x3  }
0x25c: {  	[tilespmem:v28+s11+$0x0] =	vst.idx.add.f32.msk $0xffff, v9  }
0x25d: {  	v30 =	vor.u32 v5, v8;
	v9 =	vld.idx.msk [tilespmem:v29+s18+$0x0], $0xffff  }
0x25e: {  	v31 =	vor.u32 s31, v6;
	_ =	sdelay $0x3  }
0x25f: {  	[tilespmem:v30+s11+$0x0] =	vst.idx.add.f32.msk $0xffff, v9  }
0x260: {  	v8 =	vor.u32 v7, v8;
	v9 =	vld.idx.msk [tilespmem:v31+s18+$0x0], $0xffff;
	_ =	sdelay $0x4  }
0x261: {  	[tilespmem:v8+s11+$0x0] =	vst.idx.add.f32.msk $0xffff, v9  }
0x262: {  	s10 =	sand.u32 $0x7F, s6;
	_ =	swait.ge [sflag:s25], $0x2000  }
0x263: {  	s31 =	sadd.s32 $0xFFFFFFFD, s29;
	v8 =	vor.u32 s10, v0;
	[sflag:s25] =	ssyncset.done $0x0  }
0x264: {  	v32 =	vmov s31;
	[sflag:s25] =	ssyncadd.s32 $0xFFFFE000  }
0x265: {  	v33 =	vshll.u32 v32, $0x3;
	_ =	swait.ge [sflag:s25], $0x2000  }
0x266: {  	v10 =	vand.u32 $0x400, v33;
	v9 =	vand.u32 $0x7C, v32;
	[sflag:s25] =	ssyncset.done $0x0  }
0x267: {  	v9 =	vor.u32 v9, v10;
	[sflag:s25] =	ssyncadd.s32 $0xFFFFE000  }
0x268: {  	v10 =	vor.u32 v1, v9;
	v8 =	vld.idx.msk [tilespmem:v8+s19+$0x0], $0xffff  }
0x269: {  	v34 =	vor.u32 s10, v2;
	_ =	sdelay $0x3  }
0x26a: {  	[tilespmem:v10+s11+$0x0] =	vst.idx.add.f32.msk $0xffff, v8  }
0x26b: {  	v35 =	vor.u32 v3, v9;
	v8 =	vld.idx.msk [tilespmem:v34+s19+$0x0], $0xffff  }
0x26c: {  	v36 =	vor.u32 s10, v4;
	_ =	sdelay $0x3  }
0x26d: {  	[tilespmem:v35+s11+$0x0] =	vst.idx.add.f32.msk $0xffff, v8  }
0x26e: {  	v37 =	vor.u32 v5, v9;
	v8 =	vld.idx.msk [tilespmem:v36+s19+$0x0], $0xffff  }
0x26f: {  	v38 =	vor.u32 s10, v6;
	_ =	sdelay $0x3  }
0x270: {  	[tilespmem:v37+s11+$0x0] =	vst.idx.add.f32.msk $0xffff, v8  }
0x271: {  	s3 =	sand.u32 $0x7F, s3;
	v9 =	vor.u32 v7, v9;
	v8 =	vld.idx.msk [tilespmem:v38+s19+$0x0], $0xffff  }
0x272: {  	v39 =	vor.u32 s3, v0;
	s6 =	sadd.s32 $0xFFFFFFFE, s29  }
0x273: {  	v40 =	vmov s6  }
0x274: {  	v41 =	vshll.u32 v40, $0x3  }
0x275: {  	v11 =	vand.u32 $0x7D, v40;
	v12 =	vand.u32 $0x400, v41  }
0x276: {  	[tilespmem:v9+s11+$0x0] =	vst.idx.add.f32.msk $0xffff, v8;
	v8 =	vor.u32 v11, v12  }
0x277: {  	v9 =	vld.idx.msk [tilespmem:v39+s20+$0x0], $0xffff;
	v42 =	vor.u32 v1, v8  }
0x278: {  	v43 =	vor.u32 s3, v2;
	_ =	sdelay $0x3  }
0x279: {  	[tilespmem:v42+s11+$0x0] =	vst.idx.add.f32.msk $0xffff, v9  }
0x27a: {  	v44 =	vor.u32 v3, v8;
	v9 =	vld.idx.msk [tilespmem:v43+s20+$0x0], $0xffff  }
0x27b: {  	v45 =	vor.u32 s3, v4;
	_ =	sdelay $0x3  }
0x27c: {  	[tilespmem:v44+s11+$0x0] =	vst.idx.add.f32.msk $0xffff, v9  }
0x27d: {  	v46 =	vor.u32 v5, v8;
	v9 =	vld.idx.msk [tilespmem:v45+s20+$0x0], $0xffff  }
0x27e: {  	v47 =	vor.u32 s3, v6;
	_ =	sdelay $0x3  }
0x27f: {  	[tilespmem:v46+s11+$0x0] =	vst.idx.add.f32.msk $0xffff, v9  }
0x280: {  	v8 =	vor.u32 v7, v8;
	v9 =	vld.idx.msk [tilespmem:v47+s20+$0x0], $0xffff;
	_ =	sdelay $0x4  }
0x281: {  	[tilespmem:v8+s11+$0x0] =	vst.idx.add.f32.msk $0xffff, v9  }
0x282: {  	s9 =	sand.u32 $0x7F, s5;
	_ =	swait.ge [sflag:s26], $0x2000  }
0x283: {  	s10 =	sadd.s32 $0xFFFFFFFF, s29;
	v8 =	vor.u32 s9, v0;
	[sflag:s26] =	ssyncset.done $0x0  }
0x284: {  	v48 =	vmov s10;
	[sflag:s26] =	ssyncadd.s32 $0xFFFFE000  }
0x285: {  	v49 =	vshll.u32 v48, $0x3;
	_ =	swait.ge [sflag:s26], $0x2000  }
0x286: {  	v10 =	vand.u32 $0x400, v49;
	v9 =	vand.u32 $0x7E, v48;
	[sflag:s26] =	ssyncset.done $0x0  }
0x287: {  	v9 =	vor.u32 v9, v10;
	[sflag:s26] =	ssyncadd.s32 $0xFFFFE000  }
0x288: {  	v10 =	vor.u32 v1, v9;
	v8 =	vld.idx.msk [tilespmem:v8+s21+$0x0], $0xffff  }
0x289: {  	v50 =	vor.u32 s9, v2;
	_ =	sdelay $0x3  }
0x28a: {  	[tilespmem:v10+s11+$0x0] =	vst.idx.add.f32.msk $0xffff, v8  }
0x28b: {  	v51 =	vor.u32 v3, v9;
	v8 =	vld.idx.msk [tilespmem:v50+s21+$0x0], $0xffff  }
0x28c: {  	v52 =	vor.u32 s9, v4;
	_ =	sdelay $0x3  }
0x28d: {  	[tilespmem:v51+s11+$0x0] =	vst.idx.add.f32.msk $0xffff, v8  }
0x28e: {  	v53 =	vor.u32 v5, v9;
	v8 =	vld.idx.msk [tilespmem:v52+s21+$0x0], $0xffff  }
0x28f: {  	v54 =	vor.u32 s9, v6;
	_ =	sdelay $0x3  }
0x290: {  	[tilespmem:v53+s11+$0x0] =	vst.idx.add.f32.msk $0xffff, v8  }
0x291: {  	s31 =	sand.u32 $0x7F, s4;
	v9 =	vor.u32 v7, v9;
	v8 =	vld.idx.msk [tilespmem:v54+s21+$0x0], $0xffff  }
0x292: {  	v55 =	vor.u32 s31, v0  }
0x293: {  	v56 =	vmov s29  }
0x294: {  	v57 =	vshll.u32 v56, $0x3  }
0x295: {  	v11 =	vand.u32 $0x7F, v56;
	v12 =	vand.u32 $0x400, v57  }
0x296: {  	[tilespmem:v9+s11+$0x0] =	vst.idx.add.f32.msk $0xffff, v8;
	v8 =	vor.u32 v11, v12  }
0x297: {  	v9 =	vld.idx.msk [tilespmem:v55+s22+$0x0], $0xffff;
	v58 =	vor.u32 v1, v8  }
0x298: {  	v59 =	vor.u32 s31, v2;
	_ =	sdelay $0x3  }
0x299: {  	[tilespmem:v58+s11+$0x0] =	vst.idx.add.f32.msk $0xffff, v9  }
0x29a: {  	v60 =	vor.u32 v3, v8;
	v9 =	vld.idx.msk [tilespmem:v59+s22+$0x0], $0xffff  }
0x29b: {  	v61 =	vor.u32 s31, v4;
	_ =	sdelay $0x3  }
0x29c: {  	[tilespmem:v60+s11+$0x0] =	vst.idx.add.f32.msk $0xffff, v9  }
0x29d: {  	v62 =	vor.u32 v5, v8;
	v9 =	vld.idx.msk [tilespmem:v61+s22+$0x0], $0xffff  }
0x29e: {  	v63 =	vor.u32 s31, v6;
	_ =	sdelay $0x3  }
0x29f: {  	[tilespmem:v62+s11+$0x0] =	vst.idx.add.f32.msk $0xffff, v9  }
0x2a0: {  	p0 =	sne.s32 s29, $0xFF;
	v8 =	vor.u32 v7, v8;
	v9 =	vld.idx.msk [tilespmem:v63+s22+$0x0], $0xffff  }
.Ltmp0:
0x2a1: {  	_ = 	snop;
	(pc) =	sbr.rel @p0 .LBB2_2-.Ltmp0, $2  }
0x2a2: {  	_ =	sdelay $0x2  }
0x2a3: {  	s30 =	sadd.s32 $0x20, s30;
	s29 =	sadd.s32 $0x20, s29;
	[tilespmem:v8+s11+$0x0] =	vst.idx.add.f32.msk $0xffff, v9  }
0x2a4: {  	s28 =	sadd.s32 $0x1, s28  }
0x2a5: {  	s1 =	rddreg [dreg:$0x7];
	p0 =	sne.s32 s28, s7  }
.Ltmp1:
0x2a6: {  	s3 =	simm.s32 $0x800;
	s4 =	simm.s32 $0x10000;
	(pc) =	sbr.rel @p0 .LBB2_1-.Ltmp1, $4  }
0x2a7: {  	[hbm4b:s1+s3] =	stream.strided.scatter [tilespmem:s11], [sflag:$0x6], $0x4000, s4, s3, $0x38;
	[tilespmem:$0x14100] =	vst v63  }
0x2a8: {  	_ =	swait.ge [sflag:s8], $0x4000  }
0x2a9: {  	[sflag:s8] =	ssyncset.done $0x0  }
0x2aa: {  	[sflag:s8] =	ssyncadd.s32 $0xFFFFC000  }
0x2ab: {  	_ =	sfence.sel $0x180000  }
0x2ac: {  	[bflag:$0x0] =	sbarrier.arrive $0xFFFF  }
0x2ad: {  	_ =	strace $0x90000047  }
0x2ae: {  	s0 =	stileid.u32;
	[bflag:$0x2] =	sbarrier.arrive $0xFFFF  }
0x2af: {  	p0 =	sne.s32 s0, $0x0;
	s0 =	rddreg [dreg:$0x4]  }
0x2b0: {  	s0 =	sadd.s32 @!p0 $0x100000, s0  }
0x2b1: {  	[sflag:s0] =	ssyncadd.tile.s32 @!p0 $0x1;
	_ =	shalt  }
.Lfunc_end2:
_tile_overlayer_lowered:
.L_overlay_start_2:
0x2b2: {  	(tag) =	ssettag $0x2  }
0x2b3: {  	s0 =	rddreg [dreg:$0x0];
	s2 =	stileid.u32  }
0x2b4: {  	s1 =	rddreg [dreg:$0x1];
	p0 =	sne.s32 s2, $0x0  }
0x2b5: {  	s3 =	rddreg [dreg:$0x2];
	[bflag:$0x3] =	sbarrier.arrive $0xFFFF;
	s2 =	simm.s32 @!p0 $0x1C06  }
0x2b6: {  	[timem:s3], [sflag:s2] =	dma.local @!p0 [hbm:s0], s1  }
0x2b7: {  	s0 =	simm.s32 @!p0 $0x6  }
0x2b8: {  	_ =	swait.ge @!p0 [sflag:s0], s1  }
0x2b9: {  	s1 =	ssub.s32 @!p0 $0x0, s1;
	[sflag:s0] =	ssyncset.done @!p0 $0x0  }
0x2ba: {  	[sflag:s0] =	ssyncadd.s32 @!p0 s1  }
0x2bb: {  	[bflag:$0x3] =	sbarrier.arrive $0xFFFF  }
0x2bc: {  	_ =	shalt  }

</sc_bundles>
